<compile_context>
chip_gen: v7x
topology: tpu7x:2x2x1
jax: 0.10.2.dev20260603
libtpu: 0.0.44.dev20260713+nightly
codegen_flags: <defaults>
</compile_context>

<pallas_src>
import functools

import jax
import jax.numpy as jnp
from jax import lax
from jax.experimental import pallas as pl
from jax.experimental.pallas import tpu as pltpu
from jax.experimental.pallas import tpu_sc as plsc

NC = 2
NS = 16
L = 16
NW = NC * NS

NPW = 320
CH = 6400
RB = 256
SB = RB // L
U = 8
SHIFT = 14
MASKV = (1 << SHIFT) - 1


def _pack_body(ei_ref, pk_ref):
    src = ei_ref[0]
    dst = ei_ref[1]
    pk_ref[...] = dst * (1 << SHIFT) + src


def _mm_body(x_ref, w_ref, b_ref, a_ref, bm_ref):
    xb = x_ref[...]
    d = x_ref.shape[1]
    w1m2 = w_ref[:, :d] - w_ref[:, d:]
    w2 = w_ref[:, d:]
    dn = (((1,), (1,)), ((), ()))
    a_ref[...] = (
        lax.dot_general(xb, w1m2, dn, preferred_element_type=jnp.float32)
        + b_ref[...]
    )
    bm_ref[...] = lax.dot_general(xb, w2, dn, preferred_element_type=jnp.float32)


def _segmax_body(nchunks, bm_hbm, pk_hbm, out_hbm,
                 acc_v, pkc0, pkc1, mdl0, mdl1, msrc0, msrc1,
                 rows_v, gsem, csem0, csem1):
    cid = lax.axis_index("c")
    sid = lax.axis_index("s")
    wid = sid * NC + cid
    lo = wid * NPW
    hi = lo + NPW
    neg_inf = jnp.full((L,), -jnp.inf, dtype=jnp.float32)
    d = bm_hbm.shape[1]
    dv_per_row = d // L

    def _init(i, carry):
        r = i // dv_per_row
        v = i - r * dv_per_row
        acc_v[r, pl.ds(v * L, L)] = neg_inf
        return carry

    lax.fori_loop(0, (NPW + 1) * dv_per_row, _init, 0)

    def scan_chunk(pkc, mdl, msrc):
        def scan_body(k, m):
            base = k * (L * U)
            for u in range(U):
                pk = pkc[pl.ds(base + u * L, L)]
                dv = lax.shift_right_logical(pk, SHIFT)
                mask = (dv >= lo) & (dv < hi)
                plsc.store_compressed(mdl.at[pl.ds(m, L)], dv - lo, mask=mask)
                plsc.store_compressed(msrc.at[pl.ds(m, L)], pk & MASKV, mask=mask)
                m = m + plsc.all_reduce_population_count(mask)[0]
            return m

        m = lax.fori_loop(0, CH // (L * U), scan_body, jnp.int32(0))
        padidx = m + lax.iota(jnp.int32, L)
        plsc.store_scatter(mdl, [padidx], jnp.full((L,), NPW, jnp.int32))
        plsc.store_scatter(msrc, [padidx], jnp.zeros((L,), jnp.int32))
        return m

    def fire_gathers(msrc, j0, nj):
        def fire(jj, c2):
            pltpu.async_copy(
                bm_hbm.at[msrc.at[pl.ds((j0 + jj) * L, L)]],
                rows_v.at[pl.ds(jj * L, L)], gsem)
            return c2
        lax.fori_loop(0, nj, fire, 0)

    def drain_gathers(msrc, j0, nj):
        def drain(jj, c2):
            pltpu.make_async_copy(
                bm_hbm.at[msrc.at[pl.ds((j0 + jj) * L, L)]],
                rows_v.at[pl.ds(jj * L, L)], gsem).wait()
            return c2
        lax.fori_loop(0, nj, drain, 0)

    def accumulate(mdl, j0, nj):
        def edge_body(e, c2):
            dlv = mdl[pl.ds(j0 * L + e, L)]
            dl = dlv[0]
            for v in range(dv_per_row):
                sl = pl.ds(v * L, L)
                acc_v[dl, sl] = jnp.maximum(acc_v[dl, sl], rows_v[e, sl])
            return c2
        lax.fori_loop(0, nj * L, edge_body, 0)

    def process_matches(mdl, msrc, m, first_fired):
        jmax = (m + L - 1) // L

        def wave_body(wv, c2):
            j0 = wv * SB
            nj = jnp.minimum(jmax - j0, SB)
            if not first_fired:
                fire_gathers(msrc, j0, nj)
            else:
                @pl.when(wv > 0)
                def _():
                    fire_gathers(msrc, j0, nj)
            drain_gathers(msrc, j0, nj)
            accumulate(mdl, j0, nj)
            return c2

        nwaves = (jmax + SB - 1) // SB
        lax.fori_loop(0, nwaves, wave_body, 0)

    def load_chunk_start(g, pkc, csem):
        pltpu.async_copy(pk_hbm.at[pl.ds(g * CH, CH)], pkc, csem)

    def load_chunk_wait(g, pkc, csem):
        pltpu.make_async_copy(pk_hbm.at[pl.ds(g * CH, CH)], pkc, csem).wait()

    load_chunk_start(0, pkc0, csem0)
    load_chunk_start(1, pkc1, csem1)
    load_chunk_wait(0, pkc0, csem0)
    m0 = scan_chunk(pkc0, mdl0, msrc0)

    def pair_body(gg, mP):
        g = 2 * gg + 1
        nj0 = jnp.minimum((mP + L - 1) // L, SB)
        fire_gathers(msrc0, 0, nj0)
        load_chunk_wait(g, pkc1, csem1)

        @pl.when(g + 1 < nchunks)
        def _():
            load_chunk_start(g + 1, pkc0, csem0)

        m1 = scan_chunk(pkc1, mdl1, msrc1)
        process_matches(mdl0, msrc0, mP, first_fired=True)

        g2 = g + 1

        def do_even():
            nj1 = jnp.minimum((m1 + L - 1) // L, SB)
            fire_gathers(msrc1, 0, nj1)
            load_chunk_wait(g2, pkc0, csem0)

            @pl.when(g2 + 1 < nchunks)
            def _():
                load_chunk_start(g2 + 1, pkc1, csem1)

            m2 = scan_chunk(pkc0, mdl0, msrc0)
            process_matches(mdl1, msrc1, m1, first_fired=True)
            return m2

        return lax.cond(g2 < nchunks, do_even, lambda: m1)

    mF = lax.fori_loop(0, nchunks // 2, pair_body, m0)
    process_matches(mdl1, msrc1, mF, first_fired=False)

    pltpu.sync_copy(acc_v.at[pl.ds(0, NPW)], out_hbm.at[pl.ds(lo, NPW)])


def _combine_body(a_ref, seg_ref, h_ref, sum_ref, sumsq_ref):
    agg = a_ref[...] + seg_ref[...]
    agg = jnp.where(jnp.isfinite(agg), agg, 0.0)
    h = jnp.where(agg > 0, agg, jnp.exp(jnp.minimum(agg, 0.0)) - 1.0)
    h_ref[...] = h
    sum_ref[...] = jnp.sum(h, axis=0, keepdims=True)
    sumsq_ref[...] = jnp.sum(h * h, axis=0, keepdims=True)


def _norm_body(h_ref, sum_ref, sumsq_ref, gamma_ref, beta_ref, out_ref):
    n = h_ref.shape[0]
    mean = sum_ref[...] / n
    var = sumsq_ref[...] / n - mean * mean
    inv = lax.rsqrt(var + 1e-5)
    out_ref[...] = gamma_ref[...] * (h_ref[...] - mean) * inv + beta_ref[...]


def kernel(x, edge_index, W, b, gamma, beta):
    n, d = x.shape
    e = edge_index.shape[1]
    npad = NW * NPW
    assert e % CH == 0 and (e // CH) % 2 == 0 and CH % (L * U) == 0

    ei3 = edge_index.reshape(2, e // 128, 128)
    pk2d = pl.pallas_call(
        _pack_body,
        out_shape=jax.ShapeDtypeStruct((e // 128, 128), jnp.int32),
    )(ei3)
    pk = pk2d.reshape(e)

    a_mat, bm = pl.pallas_call(
        _mm_body,
        out_shape=[
            jax.ShapeDtypeStruct((n, d), jnp.float32),
            jax.ShapeDtypeStruct((n, d), jnp.float32),
        ],
    )(x, W, b.reshape(1, d))

    mesh = plsc.VectorSubcoreMesh(core_axis_name="c", subcore_axis_name="s")
    seg_full = pl.kernel(
        functools.partial(_segmax_body, e // CH),
        out_type=jax.ShapeDtypeStruct((npad, d), jnp.float32),
        mesh=mesh,
        scratch_types=[
            pltpu.VMEM((NPW + 1, d), jnp.float32),
            pltpu.VMEM((CH,), jnp.int32),
            pltpu.VMEM((CH,), jnp.int32),
            pltpu.VMEM((CH + 2 * L,), jnp.int32),
            pltpu.VMEM((CH + 2 * L,), jnp.int32),
            pltpu.VMEM((CH + 2 * L,), jnp.int32),
            pltpu.VMEM((CH + 2 * L,), jnp.int32),
            pltpu.VMEM((RB, d), jnp.float32),
            pltpu.SemaphoreType.DMA,
            pltpu.SemaphoreType.DMA,
            pltpu.SemaphoreType.DMA,
        ],
        compiler_params=pltpu.CompilerParams(needs_layout_passes=False),
    )(bm, pk)
    seg = seg_full[:n]

    h, s1, s2 = pl.pallas_call(
        _combine_body,
        out_shape=[
            jax.ShapeDtypeStruct((n, d), jnp.float32),
            jax.ShapeDtypeStruct((1, d), jnp.float32),
            jax.ShapeDtypeStruct((1, d), jnp.float32),
        ],
    )(a_mat, seg)
    out = pl.pallas_call(
        _norm_body,
        out_shape=jax.ShapeDtypeStruct((n, d), jnp.float32),
    )(h, s1, s2, gamma.reshape(1, d), beta.reshape(1, d))
    return out

# --- scband reference (transcript-rebuilt; emitter-appended) ---
"""Pipeline reference for scband-edge-block-45578192945250 (READ-ONLY COPY).

The authoritative reference and input builder live on the scoring server;
editing this copy changes nothing except your own understanding.
"""

import jax, jax.numpy as jnp
import numpy as np

N = 10000
E = 320000
D = 128


def setup_inputs(seed: int = 0) -> dict:
    key = jax.random.key(seed)
    k1, k2, k3, k4 = jax.random.split(key, 4)
    x = jax.random.normal(k1, (N, D), dtype=jnp.float32)
    edge_index = jax.random.randint(k2, (2, E), 0, N, dtype=jnp.int32)
    # Linear(in_channels*2, out_channels): W [D, 2D], b [D]
    W = (jax.random.normal(k3, (D, 2 * D), dtype=jnp.float32) * 0.05)
    b = jnp.zeros((D,), dtype=jnp.float32)
    # BatchNorm affine params
    gamma = jnp.ones((D,), dtype=jnp.float32)
    beta = jnp.zeros((D,), dtype=jnp.float32)
    return {"x": x, "edge_index": edge_index, "W": W, "b": b, "gamma": gamma, "beta": beta}


def reference(x, edge_index, W, b, gamma, beta):
    # EdgeConv (PyG): out_i = max_{j in N(i)} mlp(concat([x_i, x_j - x_i]))
    # edge_index[0] = source j, edge_index[1] = target i
    src = edge_index[0]
    dst = edge_index[1]
    x_i = jnp.take(x, dst, axis=0)  # target features, gather
    x_j = jnp.take(x, src, axis=0)  # source features, gather
    msg = jnp.concatenate([x_i, x_j - x_i], axis=-1) @ W.T + b  # [E, D]
    agg = jax.ops.segment_max(msg, dst, num_segments=N)  # scatter-max reduce
    # PyG fills segments with no incoming edges with 0
    agg = jnp.where(jnp.isfinite(agg), agg, 0.0)
    h = jax.nn.elu(agg)
    # BatchNorm1d over the node dimension (training mode, batch statistics)
    mean = jnp.mean(h, axis=0)
    var = jnp.var(h, axis=0)
    out = gamma * (h - mean) * jax.lax.rsqrt(var + 1e-5) + beta
    return out

if __name__ == "__main__":
    import jax
    _d = setup_inputs()
    print(jax.jit(kernel)(*tuple(_d.values())))

</pallas_src>

<mosaic_0001>
#map = affine_map<(d0, d1) -> (0, 0)>
#map1 = affine_map<(d0, d1) -> (0)>
module attributes {stable_mosaic.version = 14 : i64} {
  func.func @_segmax_body(%arg0: i32, %arg1: i32, %arg2: memref<10000x128xf32, #tpu.memory_space<hbm>>, %arg3: memref<320000xi32, #tpu.memory_space<hbm>>, %arg4: memref<10240x128xf32, #tpu.memory_space<hbm>>, %arg5: memref<321x128xf32, #tpu.memory_space<vmem>>, %arg6: memref<6400xi32, #tpu.memory_space<vmem>>, %arg7: memref<6400xi32, #tpu.memory_space<vmem>>, %arg8: memref<6432xi32, #tpu.memory_space<vmem>>, %arg9: memref<6432xi32, #tpu.memory_space<vmem>>, %arg10: memref<6432xi32, #tpu.memory_space<vmem>>, %arg11: memref<6432xi32, #tpu.memory_space<vmem>>, %arg12: memref<256x128xf32, #tpu.memory_space<vmem>>, %arg13: memref<!tpu.dma_semaphore, #tpu.memory_space<semaphore_mem>>, %arg14: memref<!tpu.dma_semaphore, #tpu.memory_space<semaphore_mem>>, %arg15: memref<!tpu.dma_semaphore, #tpu.memory_space<semaphore_mem>>) attributes {dimension_semantics = [#tpu.dimension_semantics<core_parallel>, #tpu.dimension_semantics<subcore_parallel>], iteration_bounds = array<i64: 2, 16>, scalar_prefetch = 0 : i64, scratch_operands = 11 : i64, tpu.core_type = #tpu.core_type<sc_vector_subcore>, window_params = [{transform_indices = #map}, {transform_indices = #map1}, {transform_indices = #map}]} {
    %mul3A = arith.constant 2 : i32
    %mul3A_0 = arith.muli %arg1, %mul3A : i32
    %add3A = arith.addi %mul3A_0, %arg0 : i32
    %mul3A_1 = arith.constant 320 : i32
    %mul3A_2 = arith.muli %add3A, %mul3A_1 : i32
    %add3A_3 = arith.constant 320 : i32
    %add3A_4 = arith.addi %mul3A_2, %add3A_3 : i32
    %broadcast_in_dim3A = arith.constant 0xFF800000 : f32
    %broadcast_in_dim3A_5 = vector.broadcast %broadcast_in_dim3A : f32 to vector<16xf32>
    %scan3A = arith.constant 0 : i32
    %scan3A_6 = arith.constant 0 : i32
    %scan3A_7 = arith.constant 2568 : i32
    %scan3A_8 = arith.addi %scan3A_6, %scan3A_7 : i32
    %scan3A_9 = arith.constant 1 : i32
    scf.for %scan3A_97 = %scan3A_6 to %scan3A_8 step %scan3A_9  : i32 {
      %jit3A_98 = arith.constant 8 : i32
      %div3A_99 = arith.divsi %scan3A_97, %jit3A_98 : i32
      %sign3A_100 = arith.constant 0 : i32
      %sign3A_101 = arith.cmpi sgt, %scan3A_97, %sign3A_100 : i32
      %sign3A_102 = arith.extui %sign3A_101 : i1 to i32
      %sign3A_103 = arith.constant 0 : i32
      %sign3A_104 = arith.cmpi slt, %scan3A_97, %sign3A_103 : i32
      %sign3A_105 = arith.extui %sign3A_104 : i1 to i32
      %sign3A_106 = arith.subi %sign3A_102, %sign3A_105 : i32
      %sign3A_107 = arith.constant 0 : i32
      %sign3A_108 = arith.cmpi sgt, %jit3A_98, %sign3A_107 : i32
      %sign3A_109 = arith.extui %sign3A_108 : i1 to i32
      %sign3A_110 = arith.constant 0 : i32
      %sign3A_111 = arith.cmpi slt, %jit3A_98, %sign3A_110 : i32
      %sign3A_112 = arith.extui %sign3A_111 : i1 to i32
      %sign3A_113 = arith.subi %sign3A_109, %sign3A_112 : i32
      %ne3A_114 = arith.cmpi ne, %sign3A_106, %sign3A_113 : i32
      %rem3A_115 = arith.remsi %scan3A_97, %jit3A_98 : i32
      %ne3A_116 = arith.constant 0 : i32
      %ne3A_117 = arith.cmpi ne, %rem3A_115, %ne3A_116 : i32
      %and3A_118 = arith.andi %ne3A_114, %ne3A_117 : i1
      %sub3A_119 = arith.constant 1 : i32
      %sub3A_120 = arith.subi %div3A_99, %sub3A_119 : i32
      %select_n3A_121 = arith.select %and3A_118, %sub3A_120, %div3A_99 : i32
      %mul3A_122 = arith.constant 8 : i32
      %mul3A_123 = arith.muli %select_n3A_121, %mul3A_122 : i32
      %sub3A_124 = arith.subi %scan3A_97, %mul3A_123 : i32
      %mul3A_125 = arith.constant 16 : i32
      %mul3A_126 = arith.muli %sub3A_124, %mul3A_125 : i32
      %swap3A = arith.index_cast %select_n3A_121 : i32 to index
      %swap3A_127 = arith.index_cast %mul3A_126 : i32 to index
      %swap3A_128 = tpu.vector_load %arg5[%swap3A, %swap3A_127] {strides = array<i32>} : memref<321x128xf32, #tpu.memory_space<vmem>>, vector<16xf32>,
      tpu.vector_store %arg5[%swap3A, %swap3A_127], %broadcast_in_dim3A_5 {strides = array<i32>} : memref<321x128xf32, #tpu.memory_space<vmem>>, vector<16xf32>,
    }
    %scan3A_10 = arith.constant 2568 : i32
    %dma_start3A = arith.constant 0 : i32
    %dma_start3A_11 = tpu.memref_slice %arg3[%dma_start3A] : memref<320000xi32, #tpu.memory_space<hbm>> -> memref<6400xi32, #tpu.memory_space<hbm>>
    %dma_start3A_12 = arith.constant 0 : i32
    %dma_start3A_13 = tpu.memref_slice %arg3[%dma_start3A_12] : memref<320000xi32, #tpu.memory_space<hbm>> -> memref<6400xi32, #tpu.memory_space<hbm>>
    tpu.enqueue_dma source(%dma_start3A_13 : memref<6400xi32, #tpu.memory_space<hbm>>) target(%arg6 : memref<6400xi32, #tpu.memory_space<vmem>>) target_semaphore(%arg14 : memref<!tpu.dma_semaphore, #tpu.memory_space<semaphore_mem>>)
    %dma_start3A_14 = arith.constant 6400 : i32
    %dma_start3A_15 = tpu.memref_slice %arg3[%dma_start3A_14] : memref<320000xi32, #tpu.memory_space<hbm>> -> memref<6400xi32, #tpu.memory_space<hbm>>
    %dma_start3A_16 = arith.constant 6400 : i32
    %dma_start3A_17 = tpu.memref_slice %arg3[%dma_start3A_16] : memref<320000xi32, #tpu.memory_space<hbm>> -> memref<6400xi32, #tpu.memory_space<hbm>>
    tpu.enqueue_dma source(%dma_start3A_17 : memref<6400xi32, #tpu.memory_space<hbm>>) target(%arg7 : memref<6400xi32, #tpu.memory_space<vmem>>) target_semaphore(%arg15 : memref<!tpu.dma_semaphore, #tpu.memory_space<semaphore_mem>>)
    %dma_wait3A = arith.constant 0 : i32
    %dma_wait3A_18 = tpu.memref_slice %arg3[%dma_wait3A] : memref<320000xi32, #tpu.memory_space<hbm>> -> memref<6400xi32, #tpu.memory_space<hbm>>
    %dma_wait3A_19 = arith.constant 0 : i32
    %dma_wait3A_20 = tpu.memref_slice %arg3[%dma_wait3A_19] : memref<320000xi32, #tpu.memory_space<hbm>> -> memref<6400xi32, #tpu.memory_space<hbm>>
    tpu.wait_dma2 semaphore(%arg14 : memref<!tpu.dma_semaphore, #tpu.memory_space<semaphore_mem>>) src(%dma_wait3A_20 : memref<6400xi32, #tpu.memory_space<hbm>>) dst(%arg6 : memref<6400xi32, #tpu.memory_space<vmem>>)
    %scan3A_21 = arith.constant 0 : i32
    %scan3A_22 = arith.constant 0 : i32
    %scan3A_23 = arith.constant 50 : i32
    %scan3A_24 = arith.addi %scan3A_22, %scan3A_23 : i32
    %scan3A_25 = arith.constant 1 : i32
    %scan3A_26 = scf.for %scan3A_97 = %scan3A_22 to %scan3A_24 step %scan3A_25 iter_args(%scan3A_98 = %scan3A_21) -> (i32)  : i32 {
      %mul3A_99 = arith.constant 128 : i32
      %mul3A_100 = arith.muli %scan3A_97, %mul3A_99 : i32
      %add3A_101 = arith.constant 0 : i32
      %add3A_102 = arith.addi %mul3A_100, %add3A_101 : i32
      %get3A = arith.index_cast %add3A_102 : i32 to index
      %get3A_103 = tpu.vector_load %arg6[%get3A] {strides = array<i32>} : memref<6400xi32, #tpu.memory_space<vmem>>, vector<16xi32>,
      %shift_right_logical3A = arith.constant 14 : i32
      %shift_right_logical3A_104 = vector.broadcast %shift_right_logical3A : i32 to vector<16xi32>
      %shift_right_logical3A_105 = arith.shrui %get3A_103, %shift_right_logical3A_104 : vector<16xi32>
      %ge3A = vector.broadcast %mul3A_2 : i32 to vector<16xi32>
      %ge3A_106 = arith.cmpi sge, %shift_right_logical3A_105, %ge3A : vector<16xi32>
      %lt3A = vector.broadcast %add3A_4 : i32 to vector<16xi32>
      %lt3A_107 = arith.cmpi slt, %shift_right_logical3A_105, %lt3A : vector<16xi32>
      %and3A_108 = arith.andi %ge3A_106, %lt3A_107 : vector<16xi1>
      %sub3A_109 = vector.broadcast %mul3A_2 : i32 to vector<16xi32>
      %sub3A_110 = arith.subi %shift_right_logical3A_105, %sub3A_109 : vector<16xi32>
      %swap3A = arith.index_cast %scan3A_98 : i32 to index
      %swap3A_111 = tpu.vector_load %arg8[%swap3A] masked %and3A_108 {strides = array<i32>} : memref<6432xi32, #tpu.memory_space<vmem>>, vector<16xi32>, vector<16xi1>
      tpu.vector_store %arg8[%swap3A], %sub3A_110 masked %and3A_108 {strides = array<i32>} : memref<6432xi32, #tpu.memory_space<vmem>>, vector<16xi32>, vector<16xi1>
      %and3A_112 = arith.constant 16383 : i32
      %and3A_113 = vector.broadcast %and3A_112 : i32 to vector<16xi32>
      %and3A_114 = arith.andi %get3A_103, %and3A_113 : vector<16xi32>
      %swap3A_115 = arith.index_cast %scan3A_98 : i32 to index
      %swap3A_116 = tpu.vector_load %arg10[%swap3A_115] masked %and3A_108 {strides = array<i32>} : memref<6432xi32, #tpu.memory_space<vmem>>, vector<16xi32>, vector<16xi1>
      tpu.vector_store %arg10[%swap3A_115], %and3A_114 masked %and3A_108 {strides = array<i32>} : memref<6432xi32, #tpu.memory_space<vmem>>, vector<16xi32>, vector<16xi1>
      %all_reduce_population_count3A = tpu.all_reduce %and3A_108 {dim = 0 : i64, kind = #tpu.reduction_kind<sum>} : vector<16xi1> -> vector<16xi32>
      %slice3A = vector.extract_strided_slice %all_reduce_population_count3A {offsets = [0], sizes = [1], strides = [1]} : vector<16xi32> to vector<1xi32>
      %squeeze3A = vector.extract %slice3A[0] : i32 from vector<1xi32>
      %add3A_117 = arith.addi %scan3A_98, %squeeze3A : i32
      %add3A_118 = arith.constant 16 : i32
      %add3A_119 = arith.addi %mul3A_100, %add3A_118 : i32
      %get3A_120 = arith.index_cast %add3A_119 : i32 to index
      %get3A_121 = tpu.vector_load %arg6[%get3A_120] {strides = array<i32>} : memref<6400xi32, #tpu.memory_space<vmem>>, vector<16xi32>,
      %shift_right_logical3A_122 = arith.constant 14 : i32
      %shift_right_logical3A_123 = vector.broadcast %shift_right_logical3A_122 : i32 to vector<16xi32>
      %shift_right_logical3A_124 = arith.shrui %get3A_121, %shift_right_logical3A_123 : vector<16xi32>
      %ge3A_125 = vector.broadcast %mul3A_2 : i32 to vector<16xi32>
      %ge3A_126 = arith.cmpi sge, %shift_right_logical3A_124, %ge3A_125 : vector<16xi32>
      %lt3A_127 = vector.broadcast %add3A_4 : i32 to vector<16xi32>
      %lt3A_128 = arith.cmpi slt, %shift_right_logical3A_124, %lt3A_127 : vector<16xi32>
      %and3A_129 = arith.andi %ge3A_126, %lt3A_128 : vector<16xi1>
      %sub3A_130 = vector.broadcast %mul3A_2 : i32 to vector<16xi32>
      %sub3A_131 = arith.subi %shift_right_logical3A_124, %sub3A_130 : vector<16xi32>
      %swap3A_132 = arith.index_cast %add3A_117 : i32 to index
      %swap3A_133 = tpu.vector_load %arg8[%swap3A_132] masked %and3A_129 {strides = array<i32>} : memref<6432xi32, #tpu.memory_space<vmem>>, vector<16xi32>, vector<16xi1>
      tpu.vector_store %arg8[%swap3A_132], %sub3A_131 masked %and3A_129 {strides = array<i32>} : memref<6432xi32, #tpu.memory_space<vmem>>, vector<16xi32>, vector<16xi1>
      %and3A_134 = arith.constant 16383 : i32
      %and3A_135 = vector.broadcast %and3A_134 : i32 to vector<16xi32>
      %and3A_136 = arith.andi %get3A_121, %and3A_135 : vector<16xi32>
      %swap3A_137 = arith.index_cast %add3A_117 : i32 to index
      %swap3A_138 = tpu.vector_load %arg10[%swap3A_137] masked %and3A_129 {strides = array<i32>} : memref<6432xi32, #tpu.memory_space<vmem>>, vector<16xi32>, vector<16xi1>
      tpu.vector_store %arg10[%swap3A_137], %and3A_136 masked %and3A_129 {strides = array<i32>} : memref<6432xi32, #tpu.memory_space<vmem>>, vector<16xi32>, vector<16xi1>
      %all_reduce_population_count3A_139 = tpu.all_reduce %and3A_129 {dim = 0 : i64, kind = #tpu.reduction_kind<sum>} : vector<16xi1> -> vector<16xi32>
      %slice3A_140 = vector.extract_strided_slice %all_reduce_population_count3A_139 {offsets = [0], sizes = [1], strides = [1]} : vector<16xi32> to vector<1xi32>
      %squeeze3A_141 = vector.extract %slice3A_140[0] : i32 from vector<1xi32>
      %add3A_142 = arith.addi %add3A_117, %squeeze3A_141 : i32
      %add3A_143 = arith.constant 32 : i32
      %add3A_144 = arith.addi %mul3A_100, %add3A_143 : i32
      %get3A_145 = arith.index_cast %add3A_144 : i32 to index
      %get3A_146 = tpu.vector_load %arg6[%get3A_145] {strides = array<i32>} : memref<6400xi32, #tpu.memory_space<vmem>>, vector<16xi32>,
      %shift_right_logical3A_147 = arith.constant 14 : i32
      %shift_right_logical3A_148 = vector.broadcast %shift_right_logical3A_147 : i32 to vector<16xi32>
      %shift_right_logical3A_149 = arith.shrui %get3A_146, %shift_right_logical3A_148 : vector<16xi32>
      %ge3A_150 = vector.broadcast %mul3A_2 : i32 to vector<16xi32>
      %ge3A_151 = arith.cmpi sge, %shift_right_logical3A_149, %ge3A_150 : vector<16xi32>
      %lt3A_152 = vector.broadcast %add3A_4 : i32 to vector<16xi32>
      %lt3A_153 = arith.cmpi slt, %shift_right_logical3A_149, %lt3A_152 : vector<16xi32>
      %and3A_154 = arith.andi %ge3A_151, %lt3A_153 : vector<16xi1>
      %sub3A_155 = vector.broadcast %mul3A_2 : i32 to vector<16xi32>
      %sub3A_156 = arith.subi %shift_right_logical3A_149, %sub3A_155 : vector<16xi32>
      %swap3A_157 = arith.index_cast %add3A_142 : i32 to index
      %swap3A_158 = tpu.vector_load %arg8[%swap3A_157] masked %and3A_154 {strides = array<i32>} : memref<6432xi32, #tpu.memory_space<vmem>>, vector<16xi32>, vector<16xi1>
      tpu.vector_store %arg8[%swap3A_157], %sub3A_156 masked %and3A_154 {strides = array<i32>} : memref<6432xi32, #tpu.memory_space<vmem>>, vector<16xi32>, vector<16xi1>
      %and3A_159 = arith.constant 16383 : i32
      %and3A_160 = vector.broadcast %and3A_159 : i32 to vector<16xi32>
      %and3A_161 = arith.andi %get3A_146, %and3A_160 : vector<16xi32>
      %swap3A_162 = arith.index_cast %add3A_142 : i32 to index
      %swap3A_163 = tpu.vector_load %arg10[%swap3A_162] masked %and3A_154 {strides = array<i32>} : memref<6432xi32, #tpu.memory_space<vmem>>, vector<16xi32>, vector<16xi1>
      tpu.vector_store %arg10[%swap3A_162], %and3A_161 masked %and3A_154 {strides = array<i32>} : memref<6432xi32, #tpu.memory_space<vmem>>, vector<16xi32>, vector<16xi1>
      %all_reduce_population_count3A_164 = tpu.all_reduce %and3A_154 {dim = 0 : i64, kind = #tpu.reduction_kind<sum>} : vector<16xi1> -> vector<16xi32>
      %slice3A_165 = vector.extract_strided_slice %all_reduce_population_count3A_164 {offsets = [0], sizes = [1], strides = [1]} : vector<16xi32> to vector<1xi32>
      %squeeze3A_166 = vector.extract %slice3A_165[0] : i32 from vector<1xi32>
      %add3A_167 = arith.addi %add3A_142, %squeeze3A_166 : i32
      %add3A_168 = arith.constant 48 : i32
      %add3A_169 = arith.addi %mul3A_100, %add3A_168 : i32
      %get3A_170 = arith.index_cast %add3A_169 : i32 to index
      %get3A_171 = tpu.vector_load %arg6[%get3A_170] {strides = array<i32>} : memref<6400xi32, #tpu.memory_space<vmem>>, vector<16xi32>,
      %shift_right_logical3A_172 = arith.constant 14 : i32
      %shift_right_logical3A_173 = vector.broadcast %shift_right_logical3A_172 : i32 to vector<16xi32>
      %shift_right_logical3A_174 = arith.shrui %get3A_171, %shift_right_logical3A_173 : vector<16xi32>
      %ge3A_175 = vector.broadcast %mul3A_2 : i32 to vector<16xi32>
      %ge3A_176 = arith.cmpi sge, %shift_right_logical3A_174, %ge3A_175 : vector<16xi32>
      %lt3A_177 = vector.broadcast %add3A_4 : i32 to vector<16xi32>
      %lt3A_178 = arith.cmpi slt, %shift_right_logical3A_174, %lt3A_177 : vector<16xi32>
      %and3A_179 = arith.andi %ge3A_176, %lt3A_178 : vector<16xi1>
      %sub3A_180 = vector.broadcast %mul3A_2 : i32 to vector<16xi32>
      %sub3A_181 = arith.subi %shift_right_logical3A_174, %sub3A_180 : vector<16xi32>
      %swap3A_182 = arith.index_cast %add3A_167 : i32 to index
      %swap3A_183 = tpu.vector_load %arg8[%swap3A_182] masked %and3A_179 {strides = array<i32>} : memref<6432xi32, #tpu.memory_space<vmem>>, vector<16xi32>, vector<16xi1>
      tpu.vector_store %arg8[%swap3A_182], %sub3A_181 masked %and3A_179 {strides = array<i32>} : memref<6432xi32, #tpu.memory_space<vmem>>, vector<16xi32>, vector<16xi1>
      %and3A_184 = arith.constant 16383 : i32
      %and3A_185 = vector.broadcast %and3A_184 : i32 to vector<16xi32>
      %and3A_186 = arith.andi %get3A_171, %and3A_185 : vector<16xi32>
      %swap3A_187 = arith.index_cast %add3A_167 : i32 to index
      %swap3A_188 = tpu.vector_load %arg10[%swap3A_187] masked %and3A_179 {strides = array<i32>} : memref<6432xi32, #tpu.memory_space<vmem>>, vector<16xi32>, vector<16xi1>
      tpu.vector_store %arg10[%swap3A_187], %and3A_186 masked %and3A_179 {strides = array<i32>} : memref<6432xi32, #tpu.memory_space<vmem>>, vector<16xi32>, vector<16xi1>
      %all_reduce_population_count3A_189 = tpu.all_reduce %and3A_179 {dim = 0 : i64, kind = #tpu.reduction_kind<sum>} : vector<16xi1> -> vector<16xi32>
      %slice3A_190 = vector.extract_strided_slice %all_reduce_population_count3A_189 {offsets = [0], sizes = [1], strides = [1]} : vector<16xi32> to vector<1xi32>
      %squeeze3A_191 = vector.extract %slice3A_190[0] : i32 from vector<1xi32>
      %add3A_192 = arith.addi %add3A_167, %squeeze3A_191 : i32
      %add3A_193 = arith.constant 64 : i32
      %add3A_194 = arith.addi %mul3A_100, %add3A_193 : i32
      %get3A_195 = arith.index_cast %add3A_194 : i32 to index
      %get3A_196 = tpu.vector_load %arg6[%get3A_195] {strides = array<i32>} : memref<6400xi32, #tpu.memory_space<vmem>>, vector<16xi32>,
      %shift_right_logical3A_197 = arith.constant 14 : i32
      %shift_right_logical3A_198 = vector.broadcast %shift_right_logical3A_197 : i32 to vector<16xi32>
      %shift_right_logical3A_199 = arith.shrui %get3A_196, %shift_right_logical3A_198 : vector<16xi32>
      %ge3A_200 = vector.broadcast %mul3A_2 : i32 to vector<16xi32>
      %ge3A_201 = arith.cmpi sge, %shift_right_logical3A_199, %ge3A_200 : vector<16xi32>
      %lt3A_202 = vector.broadcast %add3A_4 : i32 to vector<16xi32>
      %lt3A_203 = arith.cmpi slt, %shift_right_logical3A_199, %lt3A_202 : vector<16xi32>
      %and3A_204 = arith.andi %ge3A_201, %lt3A_203 : vector<16xi1>
      %sub3A_205 = vector.broadcast %mul3A_2 : i32 to vector<16xi32>
      %sub3A_206 = arith.subi %shift_right_logical3A_199, %sub3A_205 : vector<16xi32>
      %swap3A_207 = arith.index_cast %add3A_192 : i32 to index
      %swap3A_208 = tpu.vector_load %arg8[%swap3A_207] masked %and3A_204 {strides = array<i32>} : memref<6432xi32, #tpu.memory_space<vmem>>, vector<16xi32>, vector<16xi1>
      tpu.vector_store %arg8[%swap3A_207], %sub3A_206 masked %and3A_204 {strides = array<i32>} : memref<6432xi32, #tpu.memory_space<vmem>>, vector<16xi32>, vector<16xi1>
      %and3A_209 = arith.constant 16383 : i32
      %and3A_210 = vector.broadcast %and3A_209 : i32 to vector<16xi32>
      %and3A_211 = arith.andi %get3A_196, %and3A_210 : vector<16xi32>
      %swap3A_212 = arith.index_cast %add3A_192 : i32 to index
      %swap3A_213 = tpu.vector_load %arg10[%swap3A_212] masked %and3A_204 {strides = array<i32>} : memref<6432xi32, #tpu.memory_space<vmem>>, vector<16xi32>, vector<16xi1>
      tpu.vector_store %arg10[%swap3A_212], %and3A_211 masked %and3A_204 {strides = array<i32>} : memref<6432xi32, #tpu.memory_space<vmem>>, vector<16xi32>, vector<16xi1>
      %all_reduce_population_count3A_214 = tpu.all_reduce %and3A_204 {dim = 0 : i64, kind = #tpu.reduction_kind<sum>} : vector<16xi1> -> vector<16xi32>
      %slice3A_215 = vector.extract_strided_slice %all_reduce_population_count3A_214 {offsets = [0], sizes = [1], strides = [1]} : vector<16xi32> to vector<1xi32>
      %squeeze3A_216 = vector.extract %slice3A_215[0] : i32 from vector<1xi32>
      %add3A_217 = arith.addi %add3A_192, %squeeze3A_216 : i32
      %add3A_218 = arith.constant 80 : i32
      %add3A_219 = arith.addi %mul3A_100, %add3A_218 : i32
      %get3A_220 = arith.index_cast %add3A_219 : i32 to index
      %get3A_221 = tpu.vector_load %arg6[%get3A_220] {strides = array<i32>} : memref<6400xi32, #tpu.memory_space<vmem>>, vector<16xi32>,
      %shift_right_logical3A_222 = arith.constant 14 : i32
      %shift_right_logical3A_223 = vector.broadcast %shift_right_logical3A_222 : i32 to vector<16xi32>
      %shift_right_logical3A_224 = arith.shrui %get3A_221, %shift_right_logical3A_223 : vector<16xi32>
      %ge3A_225 = vector.broadcast %mul3A_2 : i32 to vector<16xi32>
      %ge3A_226 = arith.cmpi sge, %shift_right_logical3A_224, %ge3A_225 : vector<16xi32>
      %lt3A_227 = vector.broadcast %add3A_4 : i32 to vector<16xi32>
      %lt3A_228 = arith.cmpi slt, %shift_right_logical3A_224, %lt3A_227 : vector<16xi32>
      %and3A_229 = arith.andi %ge3A_226, %lt3A_228 : vector<16xi1>
      %sub3A_230 = vector.broadcast %mul3A_2 : i32 to vector<16xi32>
      %sub3A_231 = arith.subi %shift_right_logical3A_224, %sub3A_230 : vector<16xi32>
      %swap3A_232 = arith.index_cast %add3A_217 : i32 to index
      %swap3A_233 = tpu.vector_load %arg8[%swap3A_232] masked %and3A_229 {strides = array<i32>} : memref<6432xi32, #tpu.memory_space<vmem>>, vector<16xi32>, vector<16xi1>
      tpu.vector_store %arg8[%swap3A_232], %sub3A_231 masked %and3A_229 {strides = array<i32>} : memref<6432xi32, #tpu.memory_space<vmem>>, vector<16xi32>, vector<16xi1>
      %and3A_234 = arith.constant 16383 : i32
      %and3A_235 = vector.broadcast %and3A_234 : i32 to vector<16xi32>
      %and3A_236 = arith.andi %get3A_221, %and3A_235 : vector<16xi32>
      %swap3A_237 = arith.index_cast %add3A_217 : i32 to index
      %swap3A_238 = tpu.vector_load %arg10[%swap3A_237] masked %and3A_229 {strides = array<i32>} : memref<6432xi32, #tpu.memory_space<vmem>>, vector<16xi32>, vector<16xi1>
      tpu.vector_store %arg10[%swap3A_237], %and3A_236 masked %and3A_229 {strides = array<i32>} : memref<6432xi32, #tpu.memory_space<vmem>>, vector<16xi32>, vector<16xi1>
      %all_reduce_population_count3A_239 = tpu.all_reduce %and3A_229 {dim = 0 : i64, kind = #tpu.reduction_kind<sum>} : vector<16xi1> -> vector<16xi32>
      %slice3A_240 = vector.extract_strided_slice %all_reduce_population_count3A_239 {offsets = [0], sizes = [1], strides = [1]} : vector<16xi32> to vector<1xi32>
      %squeeze3A_241 = vector.extract %slice3A_240[0] : i32 from vector<1xi32>
      %add3A_242 = arith.addi %add3A_217, %squeeze3A_241 : i32
      %add3A_243 = arith.constant 96 : i32
      %add3A_244 = arith.addi %mul3A_100, %add3A_243 : i32
      %get3A_245 = arith.index_cast %add3A_244 : i32 to index
      %get3A_246 = tpu.vector_load %arg6[%get3A_245] {strides = array<i32>} : memref<6400xi32, #tpu.memory_space<vmem>>, vector<16xi32>,
      %shift_right_logical3A_247 = arith.constant 14 : i32
      %shift_right_logical3A_248 = vector.broadcast %shift_right_logical3A_247 : i32 to vector<16xi32>
      %shift_right_logical3A_249 = arith.shrui %get3A_246, %shift_right_logical3A_248 : vector<16xi32>
      %ge3A_250 = vector.broadcast %mul3A_2 : i32 to vector<16xi32>
      %ge3A_251 = arith.cmpi sge, %shift_right_logical3A_249, %ge3A_250 : vector<16xi32>
      %lt3A_252 = vector.broadcast %add3A_4 : i32 to vector<16xi32>
      %lt3A_253 = arith.cmpi slt, %shift_right_logical3A_249, %lt3A_252 : vector<16xi32>
      %and3A_254 = arith.andi %ge3A_251, %lt3A_253 : vector<16xi1>
      %sub3A_255 = vector.broadcast %mul3A_2 : i32 to vector<16xi32>
      %sub3A_256 = arith.subi %shift_right_logical3A_249, %sub3A_255 : vector<16xi32>
      %swap3A_257 = arith.index_cast %add3A_242 : i32 to index
      %swap3A_258 = tpu.vector_load %arg8[%swap3A_257] masked %and3A_254 {strides = array<i32>} : memref<6432xi32, #tpu.memory_space<vmem>>, vector<16xi32>, vector<16xi1>
      tpu.vector_store %arg8[%swap3A_257], %sub3A_256 masked %and3A_254 {strides = array<i32>} : memref<6432xi32, #tpu.memory_space<vmem>>, vector<16xi32>, vector<16xi1>
      %and3A_259 = arith.constant 16383 : i32
      %and3A_260 = vector.broadcast %and3A_259 : i32 to vector<16xi32>
      %and3A_261 = arith.andi %get3A_246, %and3A_260 : vector<16xi32>
      %swap3A_262 = arith.index_cast %add3A_242 : i32 to index
      %swap3A_263 = tpu.vector_load %arg10[%swap3A_262] masked %and3A_254 {strides = array<i32>} : memref<6432xi32, #tpu.memory_space<vmem>>, vector<16xi32>, vector<16xi1>
      tpu.vector_store %arg10[%swap3A_262], %and3A_261 masked %and3A_254 {strides = array<i32>} : memref<6432xi32, #tpu.memory_space<vmem>>, vector<16xi32>, vector<16xi1>
      %all_reduce_population_count3A_264 = tpu.all_reduce %and3A_254 {dim = 0 : i64, kind = #tpu.reduction_kind<sum>} : vector<16xi1> -> vector<16xi32>
      %slice3A_265 = vector.extract_strided_slice %all_reduce_population_count3A_264 {offsets = [0], sizes = [1], strides = [1]} : vector<16xi32> to vector<1xi32>
      %squeeze3A_266 = vector.extract %slice3A_265[0] : i32 from vector<1xi32>
      %add3A_267 = arith.addi %add3A_242, %squeeze3A_266 : i32
      %add3A_268 = arith.constant 112 : i32
      %add3A_269 = arith.addi %mul3A_100, %add3A_268 : i32
      %get3A_270 = arith.index_cast %add3A_269 : i32 to index
      %get3A_271 = tpu.vector_load %arg6[%get3A_270] {strides = array<i32>} : memref<6400xi32, #tpu.memory_space<vmem>>, vector<16xi32>,
      %shift_right_logical3A_272 = arith.constant 14 : i32
      %shift_right_logical3A_273 = vector.broadcast %shift_right_logical3A_272 : i32 to vector<16xi32>
      %shift_right_logical3A_274 = arith.shrui %get3A_271, %shift_right_logical3A_273 : vector<16xi32>
      %ge3A_275 = vector.broadcast %mul3A_2 : i32 to vector<16xi32>
      %ge3A_276 = arith.cmpi sge, %shift_right_logical3A_274, %ge3A_275 : vector<16xi32>
      %lt3A_277 = vector.broadcast %add3A_4 : i32 to vector<16xi32>
      %lt3A_278 = arith.cmpi slt, %shift_right_logical3A_274, %lt3A_277 : vector<16xi32>
      %and3A_279 = arith.andi %ge3A_276, %lt3A_278 : vector<16xi1>
      %sub3A_280 = vector.broadcast %mul3A_2 : i32 to vector<16xi32>
      %sub3A_281 = arith.subi %shift_right_logical3A_274, %sub3A_280 : vector<16xi32>
      %swap3A_282 = arith.index_cast %add3A_267 : i32 to index
      %swap3A_283 = tpu.vector_load %arg8[%swap3A_282] masked %and3A_279 {strides = array<i32>} : memref<6432xi32, #tpu.memory_space<vmem>>, vector<16xi32>, vector<16xi1>
      tpu.vector_store %arg8[%swap3A_282], %sub3A_281 masked %and3A_279 {strides = array<i32>} : memref<6432xi32, #tpu.memory_space<vmem>>, vector<16xi32>, vector<16xi1>
      %and3A_284 = arith.constant 16383 : i32
      %and3A_285 = vector.broadcast %and3A_284 : i32 to vector<16xi32>
      %and3A_286 = arith.andi %get3A_271, %and3A_285 : vector<16xi32>
      %swap3A_287 = arith.index_cast %add3A_267 : i32 to index
      %swap3A_288 = tpu.vector_load %arg10[%swap3A_287] masked %and3A_279 {strides = array<i32>} : memref<6432xi32, #tpu.memory_space<vmem>>, vector<16xi32>, vector<16xi1>
      tpu.vector_store %arg10[%swap3A_287], %and3A_286 masked %and3A_279 {strides = array<i32>} : memref<6432xi32, #tpu.memory_space<vmem>>, vector<16xi32>, vector<16xi1>
      %all_reduce_population_count3A_289 = tpu.all_reduce %and3A_279 {dim = 0 : i64, kind = #tpu.reduction_kind<sum>} : vector<16xi1> -> vector<16xi32>
      %slice3A_290 = vector.extract_strided_slice %all_reduce_population_count3A_289 {offsets = [0], sizes = [1], strides = [1]} : vector<16xi32> to vector<1xi32>
      %squeeze3A_291 = vector.extract %slice3A_290[0] : i32 from vector<1xi32>
      %add3A_292 = arith.addi %add3A_267, %squeeze3A_291 : i32
      scf.yield %add3A_292 : i32
    }
    %scan3A_27 = arith.constant 50 : i32
    %iota3A = tpu.iota {dimensions = array<i32: 0>} : vector<16xi32>
    %add3A_28 = vector.broadcast %scan3A_26 : i32 to vector<16xi32>
    %add3A_29 = arith.addi %add3A_28, %iota3A : vector<16xi32>
    %broadcast_in_dim3A_30 = arith.constant 320 : i32
    %broadcast_in_dim3A_31 = vector.broadcast %broadcast_in_dim3A_30 : i32 to vector<16xi32>
    tpu.vector_store_idx %arg8[%add3A_29], %broadcast_in_dim3A_31 : memref<6432xi32, #tpu.memory_space<vmem>>[vector<16xi32>], vector<16xi32>,
    %broadcast_in_dim3A_32 = arith.constant 0 : i32
    %broadcast_in_dim3A_33 = vector.broadcast %broadcast_in_dim3A_32 : i32 to vector<16xi32>
    tpu.vector_store_idx %arg10[%add3A_29], %broadcast_in_dim3A_33 : memref<6432xi32, #tpu.memory_space<vmem>>[vector<16xi32>], vector<16xi32>,
    %scan3A_34 = arith.constant 0 : i32
    %scan3A_35 = arith.constant 25 : i32
    %scan3A_36 = arith.addi %scan3A_34, %scan3A_35 : i32
    %scan3A_37 = arith.constant 1 : i32
    %scan3A_38 = scf.for %scan3A_97 = %scan3A_34 to %scan3A_36 step %scan3A_37 iter_args(%scan3A_98 = %scan3A_26) -> (i32)  : i32 {
      %mul3A_99 = arith.constant 2 : i32
      %mul3A_100 = arith.muli %mul3A_99, %scan3A_97 : i32
      %add3A_101 = arith.constant 1 : i32
      %add3A_102 = arith.addi %mul3A_100, %add3A_101 : i32
      %add3A_103 = arith.constant 16 : i32
      %add3A_104 = arith.addi %scan3A_98, %add3A_103 : i32
      %sub3A_105 = arith.constant 1 : i32
      %sub3A_106 = arith.subi %add3A_104, %sub3A_105 : i32
      %jit3A_107 = arith.constant 16 : i32
      %div3A_108 = arith.divsi %sub3A_106, %jit3A_107 : i32
      %sign3A_109 = arith.constant 0 : i32
      %sign3A_110 = arith.cmpi sgt, %sub3A_106, %sign3A_109 : i32
      %sign3A_111 = arith.extui %sign3A_110 : i1 to i32
      %sign3A_112 = arith.constant 0 : i32
      %sign3A_113 = arith.cmpi slt, %sub3A_106, %sign3A_112 : i32
      %sign3A_114 = arith.extui %sign3A_113 : i1 to i32
      %sign3A_115 = arith.subi %sign3A_111, %sign3A_114 : i32
      %sign3A_116 = arith.constant 0 : i32
      %sign3A_117 = arith.cmpi sgt, %jit3A_107, %sign3A_116 : i32
      %sign3A_118 = arith.extui %sign3A_117 : i1 to i32
      %sign3A_119 = arith.constant 0 : i32
      %sign3A_120 = arith.cmpi slt, %jit3A_107, %sign3A_119 : i32
      %sign3A_121 = arith.extui %sign3A_120 : i1 to i32
      %sign3A_122 = arith.subi %sign3A_118, %sign3A_121 : i32
      %ne3A_123 = arith.cmpi ne, %sign3A_115, %sign3A_122 : i32
      %rem3A_124 = arith.remsi %sub3A_106, %jit3A_107 : i32
      %ne3A_125 = arith.constant 0 : i32
      %ne3A_126 = arith.cmpi ne, %rem3A_124, %ne3A_125 : i32
      %and3A_127 = arith.andi %ne3A_123, %ne3A_126 : i1
      %sub3A_128 = arith.constant 1 : i32
      %sub3A_129 = arith.subi %div3A_108, %sub3A_128 : i32
      %select_n3A_130 = arith.select %and3A_127, %sub3A_129, %div3A_108 : i32
      %min3A = arith.constant 16 : i32
      %min3A_131 = arith.minsi %select_n3A_130, %min3A : i32
      %while3A_132 = arith.constant 0 : i32
      %while3A_133 = arith.constant 0 : i32
      %while3A_134 = arith.subi %min3A_131, %while3A_133 : i32
      %while3A_135 = arith.addi %while3A_133, %while3A_134 : i32
      %while3A_136 = arith.constant 1 : i32
      %while3A_137 = arith.divsi %while3A_134, %while3A_136 : i32
      %while3A_138 = arith.muli %while3A_137, %while3A_136 : i32
      %while3A_139 = arith.addi %while3A_133, %while3A_138 : i32
      %while3A_140 = arith.constant 1 : i32
      scf.for %while3A_238 = %while3A_133 to %while3A_139 step %while3A_140  : i32 {
        %add3A_239 = arith.constant 0 : i32
        %add3A_240 = arith.addi %add3A_239, %while3A_238 : i32
        %mul3A_241 = arith.constant 16 : i32
        %mul3A_242 = arith.muli %add3A_240, %mul3A_241 : i32
        %mul3A_243 = arith.constant 16 : i32
        %mul3A_244 = arith.muli %while3A_238, %mul3A_243 : i32
        %dma_start3A_245 = arith.constant 0 : i32
        %dma_start3A_246 = tpu.memref_slice %arg12[%mul3A_244, %dma_start3A_245] : memref<256x128xf32, #tpu.memory_space<vmem>> -> memref<16x128xf32, #tpu.memory_space<vmem>>
        %dma_start3A_247 = tpu.memref_slice %arg10[%mul3A_242] : memref<6432xi32, #tpu.memory_space<vmem>> -> memref<16xi32, #tpu.memory_space<vmem>>
        %dma_start3A_248 = arith.constant 0 : i32
        %dma_start3A_249 = arith.constant 0 : i32
        %dma_start3A_250 = tpu.memref_slice %arg2[%dma_start3A_248, %dma_start3A_249] : memref<10000x128xf32, #tpu.memory_space<hbm>> -> memref<10000x128xf32, #tpu.memory_space<hbm>>
        tpu.enqueue_indirect_dma source(%dma_start3A_250 : memref<10000x128xf32, #tpu.memory_space<hbm>>) target(%dma_start3A_246 : memref<16x128xf32, #tpu.memory_space<vmem>>) offsets(%dma_start3A_247 : memref<16xi32, #tpu.memory_space<vmem>>) semaphore(%arg13 : memref<!tpu.dma_semaphore, #tpu.memory_space<semaphore_mem>>)
      }
      %while3A_141 = arith.constant 1 : i32
      scf.for %while3A_238 = %while3A_139 to %while3A_135 step %while3A_141  : i32 {
        %add3A_239 = arith.constant 0 : i32
        %add3A_240 = arith.addi %add3A_239, %while3A_238 : i32
        %mul3A_241 = arith.constant 16 : i32
        %mul3A_242 = arith.muli %add3A_240, %mul3A_241 : i32
        %mul3A_243 = arith.constant 16 : i32
        %mul3A_244 = arith.muli %while3A_238, %mul3A_243 : i32
        %dma_start3A_245 = arith.constant 0 : i32
        %dma_start3A_246 = tpu.memref_slice %arg12[%mul3A_244, %dma_start3A_245] : memref<256x128xf32, #tpu.memory_space<vmem>> -> memref<16x128xf32, #tpu.memory_space<vmem>>
        %dma_start3A_247 = tpu.memref_slice %arg10[%mul3A_242] : memref<6432xi32, #tpu.memory_space<vmem>> -> memref<16xi32, #tpu.memory_space<vmem>>
        %dma_start3A_248 = arith.constant 0 : i32
        %dma_start3A_249 = arith.constant 0 : i32
        %dma_start3A_250 = tpu.memref_slice %arg2[%dma_start3A_248, %dma_start3A_249] : memref<10000x128xf32, #tpu.memory_space<hbm>> -> memref<10000x128xf32, #tpu.memory_space<hbm>>
        tpu.enqueue_indirect_dma source(%dma_start3A_250 : memref<10000x128xf32, #tpu.memory_space<hbm>>) target(%dma_start3A_246 : memref<16x128xf32, #tpu.memory_space<vmem>>) offsets(%dma_start3A_247 : memref<16xi32, #tpu.memory_space<vmem>>) semaphore(%arg13 : memref<!tpu.dma_semaphore, #tpu.memory_space<semaphore_mem>>)
      }
      %mul3A_142 = arith.constant 6400 : i32
      %mul3A_143 = arith.muli %add3A_102, %mul3A_142 : i32
      %dma_wait3A_144 = tpu.memref_slice %arg3[%mul3A_143] : memref<320000xi32, #tpu.memory_space<hbm>> -> memref<6400xi32, #tpu.memory_space<hbm>>
      %dma_wait3A_145 = tpu.memref_slice %arg3[%mul3A_143] : memref<320000xi32, #tpu.memory_space<hbm>> -> memref<6400xi32, #tpu.memory_space<hbm>>
      tpu.wait_dma2 semaphore(%arg15 : memref<!tpu.dma_semaphore, #tpu.memory_space<semaphore_mem>>) src(%dma_wait3A_145 : memref<6400xi32, #tpu.memory_space<hbm>>) dst(%arg7 : memref<6400xi32, #tpu.memory_space<vmem>>)
      %add3A_146 = arith.constant 1 : i32
      %add3A_147 = arith.addi %add3A_102, %add3A_146 : i32
      %lt3A = arith.constant 50 : i32
      %lt3A_148 = arith.cmpi slt, %add3A_147, %lt3A : i32
      %convert_element_type3A = arith.extui %lt3A_148 : i1 to i32
      %cond3A = arith.constant 0 : i32
      %cond3A_149 = arith.cmpi ne, %convert_element_type3A, %cond3A : i32
      scf.if %cond3A_149 {
        %add3A_238 = arith.constant 1 : i32
        %add3A_239 = arith.addi %add3A_102, %add3A_238 : i32
        %mul3A_240 = arith.constant 6400 : i32
        %mul3A_241 = arith.muli %add3A_239, %mul3A_240 : i32
        %dma_start3A_242 = tpu.memref_slice %arg3[%mul3A_241] : memref<320000xi32, #tpu.memory_space<hbm>> -> memref<6400xi32, #tpu.memory_space<hbm>>
        %dma_start3A_243 = tpu.memref_slice %arg3[%mul3A_241] : memref<320000xi32, #tpu.memory_space<hbm>> -> memref<6400xi32, #tpu.memory_space<hbm>>
        tpu.enqueue_dma source(%dma_start3A_243 : memref<6400xi32, #tpu.memory_space<hbm>>) target(%arg6 : memref<6400xi32, #tpu.memory_space<vmem>>) target_semaphore(%arg14 : memref<!tpu.dma_semaphore, #tpu.memory_space<semaphore_mem>>)
      } else {
      }
      %scan3A_150 = arith.constant 0 : i32
      %scan3A_151 = arith.constant 0 : i32
      %scan3A_152 = arith.constant 50 : i32
      %scan3A_153 = arith.addi %scan3A_151, %scan3A_152 : i32
      %scan3A_154 = arith.constant 1 : i32
      %scan3A_155 = scf.for %scan3A_238 = %scan3A_151 to %scan3A_153 step %scan3A_154 iter_args(%scan3A_239 = %scan3A_150) -> (i32)  : i32 {
        %mul3A_240 = arith.constant 128 : i32
        %mul3A_241 = arith.muli %scan3A_238, %mul3A_240 : i32
        %add3A_242 = arith.constant 0 : i32
        %add3A_243 = arith.addi %mul3A_241, %add3A_242 : i32
        %get3A = arith.index_cast %add3A_243 : i32 to index
        %get3A_244 = tpu.vector_load %arg7[%get3A] {strides = array<i32>} : memref<6400xi32, #tpu.memory_space<vmem>>, vector<16xi32>,
        %shift_right_logical3A = arith.constant 14 : i32
        %shift_right_logical3A_245 = vector.broadcast %shift_right_logical3A : i32 to vector<16xi32>
        %shift_right_logical3A_246 = arith.shrui %get3A_244, %shift_right_logical3A_245 : vector<16xi32>
        %ge3A = vector.broadcast %mul3A_2 : i32 to vector<16xi32>
        %ge3A_247 = arith.cmpi sge, %shift_right_logical3A_246, %ge3A : vector<16xi32>
        %lt3A_248 = vector.broadcast %add3A_4 : i32 to vector<16xi32>
        %lt3A_249 = arith.cmpi slt, %shift_right_logical3A_246, %lt3A_248 : vector<16xi32>
        %and3A_250 = arith.andi %ge3A_247, %lt3A_249 : vector<16xi1>
        %sub3A_251 = vector.broadcast %mul3A_2 : i32 to vector<16xi32>
        %sub3A_252 = arith.subi %shift_right_logical3A_246, %sub3A_251 : vector<16xi32>
        %swap3A = arith.index_cast %scan3A_239 : i32 to index
        %swap3A_253 = tpu.vector_load %arg9[%swap3A] masked %and3A_250 {strides = array<i32>} : memref<6432xi32, #tpu.memory_space<vmem>>, vector<16xi32>, vector<16xi1>
        tpu.vector_store %arg9[%swap3A], %sub3A_252 masked %and3A_250 {strides = array<i32>} : memref<6432xi32, #tpu.memory_space<vmem>>, vector<16xi32>, vector<16xi1>
        %and3A_254 = arith.constant 16383 : i32
        %and3A_255 = vector.broadcast %and3A_254 : i32 to vector<16xi32>
        %and3A_256 = arith.andi %get3A_244, %and3A_255 : vector<16xi32>
        %swap3A_257 = arith.index_cast %scan3A_239 : i32 to index
        %swap3A_258 = tpu.vector_load %arg11[%swap3A_257] masked %and3A_250 {strides = array<i32>} : memref<6432xi32, #tpu.memory_space<vmem>>, vector<16xi32>, vector<16xi1>
        tpu.vector_store %arg11[%swap3A_257], %and3A_256 masked %and3A_250 {strides = array<i32>} : memref<6432xi32, #tpu.memory_space<vmem>>, vector<16xi32>, vector<16xi1>
        %all_reduce_population_count3A = tpu.all_reduce %and3A_250 {dim = 0 : i64, kind = #tpu.reduction_kind<sum>} : vector<16xi1> -> vector<16xi32>
        %slice3A = vector.extract_strided_slice %all_reduce_population_count3A {offsets = [0], sizes = [1], strides = [1]} : vector<16xi32> to vector<1xi32>
        %squeeze3A = vector.extract %slice3A[0] : i32 from vector<1xi32>
        %add3A_259 = arith.addi %scan3A_239, %squeeze3A : i32
        %add3A_260 = arith.constant 16 : i32
        %add3A_261 = arith.addi %mul3A_241, %add3A_260 : i32
        %get3A_262 = arith.index_cast %add3A_261 : i32 to index
        %get3A_263 = tpu.vector_load %arg7[%get3A_262] {strides = array<i32>} : memref<6400xi32, #tpu.memory_space<vmem>>, vector<16xi32>,
        %shift_right_logical3A_264 = arith.constant 14 : i32
        %shift_right_logical3A_265 = vector.broadcast %shift_right_logical3A_264 : i32 to vector<16xi32>
        %shift_right_logical3A_266 = arith.shrui %get3A_263, %shift_right_logical3A_265 : vector<16xi32>
        %ge3A_267 = vector.broadcast %mul3A_2 : i32 to vector<16xi32>
        %ge3A_268 = arith.cmpi sge, %shift_right_logical3A_266, %ge3A_267 : vector<16xi32>
        %lt3A_269 = vector.broadcast %add3A_4 : i32 to vector<16xi32>
        %lt3A_270 = arith.cmpi slt, %shift_right_logical3A_266, %lt3A_269 : vector<16xi32>
        %and3A_271 = arith.andi %ge3A_268, %lt3A_270 : vector<16xi1>
        %sub3A_272 = vector.broadcast %mul3A_2 : i32 to vector<16xi32>
        %sub3A_273 = arith.subi %shift_right_logical3A_266, %sub3A_272 : vector<16xi32>
        %swap3A_274 = arith.index_cast %add3A_259 : i32 to index
        %swap3A_275 = tpu.vector_load %arg9[%swap3A_274] masked %and3A_271 {strides = array<i32>} : memref<6432xi32, #tpu.memory_space<vmem>>, vector<16xi32>, vector<16xi1>
        tpu.vector_store %arg9[%swap3A_274], %sub3A_273 masked %and3A_271 {strides = array<i32>} : memref<6432xi32, #tpu.memory_space<vmem>>, vector<16xi32>, vector<16xi1>
        %and3A_276 = arith.constant 16383 : i32
        %and3A_277 = vector.broadcast %and3A_276 : i32 to vector<16xi32>
        %and3A_278 = arith.andi %get3A_263, %and3A_277 : vector<16xi32>
        %swap3A_279 = arith.index_cast %add3A_259 : i32 to index
        %swap3A_280 = tpu.vector_load %arg11[%swap3A_279] masked %and3A_271 {strides = array<i32>} : memref<6432xi32, #tpu.memory_space<vmem>>, vector<16xi32>, vector<16xi1>
        tpu.vector_store %arg11[%swap3A_279], %and3A_278 masked %and3A_271 {strides = array<i32>} : memref<6432xi32, #tpu.memory_space<vmem>>, vector<16xi32>, vector<16xi1>
        %all_reduce_population_count3A_281 = tpu.all_reduce %and3A_271 {dim = 0 : i64, kind = #tpu.reduction_kind<sum>} : vector<16xi1> -> vector<16xi32>
        %slice3A_282 = vector.extract_strided_slice %all_reduce_population_count3A_281 {offsets = [0], sizes = [1], strides = [1]} : vector<16xi32> to vector<1xi32>
        %squeeze3A_283 = vector.extract %slice3A_282[0] : i32 from vector<1xi32>
        %add3A_284 = arith.addi %add3A_259, %squeeze3A_283 : i32
        %add3A_285 = arith.constant 32 : i32
        %add3A_286 = arith.addi %mul3A_241, %add3A_285 : i32
        %get3A_287 = arith.index_cast %add3A_286 : i32 to index
        %get3A_288 = tpu.vector_load %arg7[%get3A_287] {strides = array<i32>} : memref<6400xi32, #tpu.memory_space<vmem>>, vector<16xi32>,
        %shift_right_logical3A_289 = arith.constant 14 : i32
        %shift_right_logical3A_290 = vector.broadcast %shift_right_logical3A_289 : i32 to vector<16xi32>
        %shift_right_logical3A_291 = arith.shrui %get3A_288, %shift_right_logical3A_290 : vector<16xi32>
        %ge3A_292 = vector.broadcast %mul3A_2 : i32 to vector<16xi32>
        %ge3A_293 = arith.cmpi sge, %shift_right_logical3A_291, %ge3A_292 : vector<16xi32>
        %lt3A_294 = vector.broadcast %add3A_4 : i32 to vector<16xi32>
        %lt3A_295 = arith.cmpi slt, %shift_right_logical3A_291, %lt3A_294 : vector<16xi32>
        %and3A_296 = arith.andi %ge3A_293, %lt3A_295 : vector<16xi1>
        %sub3A_297 = vector.broadcast %mul3A_2 : i32 to vector<16xi32>
        %sub3A_298 = arith.subi %shift_right_logical3A_291, %sub3A_297 : vector<16xi32>
        %swap3A_299 = arith.index_cast %add3A_284 : i32 to index
        %swap3A_300 = tpu.vector_load %arg9[%swap3A_299] masked %and3A_296 {strides = array<i32>} : memref<6432xi32, #tpu.memory_space<vmem>>, vector<16xi32>, vector<16xi1>
        tpu.vector_store %arg9[%swap3A_299], %sub3A_298 masked %and3A_296 {strides = array<i32>} : memref<6432xi32, #tpu.memory_space<vmem>>, vector<16xi32>, vector<16xi1>
        %and3A_301 = arith.constant 16383 : i32
        %and3A_302 = vector.broadcast %and3A_301 : i32 to vector<16xi32>
        %and3A_303 = arith.andi %get3A_288, %and3A_302 : vector<16xi32>
        %swap3A_304 = arith.index_cast %add3A_284 : i32 to index
        %swap3A_305 = tpu.vector_load %arg11[%swap3A_304] masked %and3A_296 {strides = array<i32>} : memref<6432xi32, #tpu.memory_space<vmem>>, vector<16xi32>, vector<16xi1>
        tpu.vector_store %arg11[%swap3A_304], %and3A_303 masked %and3A_296 {strides = array<i32>} : memref<6432xi32, #tpu.memory_space<vmem>>, vector<16xi32>, vector<16xi1>
        %all_reduce_population_count3A_306 = tpu.all_reduce %and3A_296 {dim = 0 : i64, kind = #tpu.reduction_kind<sum>} : vector<16xi1> -> vector<16xi32>
        %slice3A_307 = vector.extract_strided_slice %all_reduce_population_count3A_306 {offsets = [0], sizes = [1], strides = [1]} : vector<16xi32> to vector<1xi32>
        %squeeze3A_308 = vector.extract %slice3A_307[0] : i32 from vector<1xi32>
        %add3A_309 = arith.addi %add3A_284, %squeeze3A_308 : i32
        %add3A_310 = arith.constant 48 : i32
        %add3A_311 = arith.addi %mul3A_241, %add3A_310 : i32
        %get3A_312 = arith.index_cast %add3A_311 : i32 to index
        %get3A_313 = tpu.vector_load %arg7[%get3A_312] {strides = array<i32>} : memref<6400xi32, #tpu.memory_space<vmem>>, vector<16xi32>,
        %shift_right_logical3A_314 = arith.constant 14 : i32
        %shift_right_logical3A_315 = vector.broadcast %shift_right_logical3A_314 : i32 to vector<16xi32>
        %shift_right_logical3A_316 = arith.shrui %get3A_313, %shift_right_logical3A_315 : vector<16xi32>
        %ge3A_317 = vector.broadcast %mul3A_2 : i32 to vector<16xi32>
        %ge3A_318 = arith.cmpi sge, %shift_right_logical3A_316, %ge3A_317 : vector<16xi32>
        %lt3A_319 = vector.broadcast %add3A_4 : i32 to vector<16xi32>
        %lt3A_320 = arith.cmpi slt, %shift_right_logical3A_316, %lt3A_319 : vector<16xi32>
        %and3A_321 = arith.andi %ge3A_318, %lt3A_320 : vector<16xi1>
        %sub3A_322 = vector.broadcast %mul3A_2 : i32 to vector<16xi32>
        %sub3A_323 = arith.subi %shift_right_logical3A_316, %sub3A_322 : vector<16xi32>
        %swap3A_324 = arith.index_cast %add3A_309 : i32 to index
        %swap3A_325 = tpu.vector_load %arg9[%swap3A_324] masked %and3A_321 {strides = array<i32>} : memref<6432xi32, #tpu.memory_space<vmem>>, vector<16xi32>, vector<16xi1>
        tpu.vector_store %arg9[%swap3A_324], %sub3A_323 masked %and3A_321 {strides = array<i32>} : memref<6432xi32, #tpu.memory_space<vmem>>, vector<16xi32>, vector<16xi1>
        %and3A_326 = arith.constant 16383 : i32
        %and3A_327 = vector.broadcast %and3A_326 : i32 to vector<16xi32>
        %and3A_328 = arith.andi %get3A_313, %and3A_327 : vector<16xi32>
        %swap3A_329 = arith.index_cast %add3A_309 : i32 to index
        %swap3A_330 = tpu.vector_load %arg11[%swap3A_329] masked %and3A_321 {strides = array<i32>} : memref<6432xi32, #tpu.memory_space<vmem>>, vector<16xi32>, vector<16xi1>
        tpu.vector_store %arg11[%swap3A_329], %and3A_328 masked %and3A_321 {strides = array<i32>} : memref<6432xi32, #tpu.memory_space<vmem>>, vector<16xi32>, vector<16xi1>
        %all_reduce_population_count3A_331 = tpu.all_reduce %and3A_321 {dim = 0 : i64, kind = #tpu.reduction_kind<sum>} : vector<16xi1> -> vector<16xi32>
        %slice3A_332 = vector.extract_strided_slice %all_reduce_population_count3A_331 {offsets = [0], sizes = [1], strides = [1]} : vector<16xi32> to vector<1xi32>
        %squeeze3A_333 = vector.extract %slice3A_332[0] : i32 from vector<1xi32>
        %add3A_334 = arith.addi %add3A_309, %squeeze3A_333 : i32
        %add3A_335 = arith.constant 64 : i32
        %add3A_336 = arith.addi %mul3A_241, %add3A_335 : i32
        %get3A_337 = arith.index_cast %add3A_336 : i32 to index
        %get3A_338 = tpu.vector_load %arg7[%get3A_337] {strides = array<i32>} : memref<6400xi32, #tpu.memory_space<vmem>>, vector<16xi32>,
        %shift_right_logical3A_339 = arith.constant 14 : i32
        %shift_right_logical3A_340 = vector.broadcast %shift_right_logical3A_339 : i32 to vector<16xi32>
        %shift_right_logical3A_341 = arith.shrui %get3A_338, %shift_right_logical3A_340 : vector<16xi32>
        %ge3A_342 = vector.broadcast %mul3A_2 : i32 to vector<16xi32>
        %ge3A_343 = arith.cmpi sge, %shift_right_logical3A_341, %ge3A_342 : vector<16xi32>
        %lt3A_344 = vector.broadcast %add3A_4 : i32 to vector<16xi32>
        %lt3A_345 = arith.cmpi slt, %shift_right_logical3A_341, %lt3A_344 : vector<16xi32>
        %and3A_346 = arith.andi %ge3A_343, %lt3A_345 : vector<16xi1>
        %sub3A_347 = vector.broadcast %mul3A_2 : i32 to vector<16xi32>
        %sub3A_348 = arith.subi %shift_right_logical3A_341, %sub3A_347 : vector<16xi32>
        %swap3A_349 = arith.index_cast %add3A_334 : i32 to index
        %swap3A_350 = tpu.vector_load %arg9[%swap3A_349] masked %and3A_346 {strides = array<i32>} : memref<6432xi32, #tpu.memory_space<vmem>>, vector<16xi32>, vector<16xi1>
        tpu.vector_store %arg9[%swap3A_349], %sub3A_348 masked %and3A_346 {strides = array<i32>} : memref<6432xi32, #tpu.memory_space<vmem>>, vector<16xi32>, vector<16xi1>
        %and3A_351 = arith.constant 16383 : i32
        %and3A_352 = vector.broadcast %and3A_351 : i32 to vector<16xi32>
        %and3A_353 = arith.andi %get3A_338, %and3A_352 : vector<16xi32>
        %swap3A_354 = arith.index_cast %add3A_334 : i32 to index
        %swap3A_355 = tpu.vector_load %arg11[%swap3A_354] masked %and3A_346 {strides = array<i32>} : memref<6432xi32, #tpu.memory_space<vmem>>, vector<16xi32>, vector<16xi1>
        tpu.vector_store %arg11[%swap3A_354], %and3A_353 masked %and3A_346 {strides = array<i32>} : memref<6432xi32, #tpu.memory_space<vmem>>, vector<16xi32>, vector<16xi1>
        %all_reduce_population_count3A_356 = tpu.all_reduce %and3A_346 {dim = 0 : i64, kind = #tpu.reduction_kind<sum>} : vector<16xi1> -> vector<16xi32>
        %slice3A_357 = vector.extract_strided_slice %all_reduce_population_count3A_356 {offsets = [0], sizes = [1], strides = [1]} : vector<16xi32> to vector<1xi32>
        %squeeze3A_358 = vector.extract %slice3A_357[0] : i32 from vector<1xi32>
        %add3A_359 = arith.addi %add3A_334, %squeeze3A_358 : i32
        %add3A_360 = arith.constant 80 : i32
        %add3A_361 = arith.addi %mul3A_241, %add3A_360 : i32
        %get3A_362 = arith.index_cast %add3A_361 : i32 to index
        %get3A_363 = tpu.vector_load %arg7[%get3A_362] {strides = array<i32>} : memref<6400xi32, #tpu.memory_space<vmem>>, vector<16xi32>,
        %shift_right_logical3A_364 = arith.constant 14 : i32
        %shift_right_logical3A_365 = vector.broadcast %shift_right_logical3A_364 : i32 to vector<16xi32>
        %shift_right_logical3A_366 = arith.shrui %get3A_363, %shift_right_logical3A_365 : vector<16xi32>
        %ge3A_367 = vector.broadcast %mul3A_2 : i32 to vector<16xi32>
        %ge3A_368 = arith.cmpi sge, %shift_right_logical3A_366, %ge3A_367 : vector<16xi32>
        %lt3A_369 = vector.broadcast %add3A_4 : i32 to vector<16xi32>
        %lt3A_370 = arith.cmpi slt, %shift_right_logical3A_366, %lt3A_369 : vector<16xi32>
        %and3A_371 = arith.andi %ge3A_368, %lt3A_370 : vector<16xi1>
        %sub3A_372 = vector.broadcast %mul3A_2 : i32 to vector<16xi32>
        %sub3A_373 = arith.subi %shift_right_logical3A_366, %sub3A_372 : vector<16xi32>
        %swap3A_374 = arith.index_cast %add3A_359 : i32 to index
        %swap3A_375 = tpu.vector_load %arg9[%swap3A_374] masked %and3A_371 {strides = array<i32>} : memref<6432xi32, #tpu.memory_space<vmem>>, vector<16xi32>, vector<16xi1>
        tpu.vector_store %arg9[%swap3A_374], %sub3A_373 masked %and3A_371 {strides = array<i32>} : memref<6432xi32, #tpu.memory_space<vmem>>, vector<16xi32>, vector<16xi1>
        %and3A_376 = arith.constant 16383 : i32
        %and3A_377 = vector.broadcast %and3A_376 : i32 to vector<16xi32>
        %and3A_378 = arith.andi %get3A_363, %and3A_377 : vector<16xi32>
        %swap3A_379 = arith.index_cast %add3A_359 : i32 to index
        %swap3A_380 = tpu.vector_load %arg11[%swap3A_379] masked %and3A_371 {strides = array<i32>} : memref<6432xi32, #tpu.memory_space<vmem>>, vector<16xi32>, vector<16xi1>
        tpu.vector_store %arg11[%swap3A_379], %and3A_378 masked %and3A_371 {strides = array<i32>} : memref<6432xi32, #tpu.memory_space<vmem>>, vector<16xi32>, vector<16xi1>
        %all_reduce_population_count3A_381 = tpu.all_reduce %and3A_371 {dim = 0 : i64, kind = #tpu.reduction_kind<sum>} : vector<16xi1> -> vector<16xi32>
        %slice3A_382 = vector.extract_strided_slice %all_reduce_population_count3A_381 {offsets = [0], sizes = [1], strides = [1]} : vector<16xi32> to vector<1xi32>
        %squeeze3A_383 = vector.extract %slice3A_382[0] : i32 from vector<1xi32>
        %add3A_384 = arith.addi %add3A_359, %squeeze3A_383 : i32
        %add3A_385 = arith.constant 96 : i32
        %add3A_386 = arith.addi %mul3A_241, %add3A_385 : i32
        %get3A_387 = arith.index_cast %add3A_386 : i32 to index
        %get3A_388 = tpu.vector_load %arg7[%get3A_387] {strides = array<i32>} : memref<6400xi32, #tpu.memory_space<vmem>>, vector<16xi32>,
        %shift_right_logical3A_389 = arith.constant 14 : i32
        %shift_right_logical3A_390 = vector.broadcast %shift_right_logical3A_389 : i32 to vector<16xi32>
        %shift_right_logical3A_391 = arith.shrui %get3A_388, %shift_right_logical3A_390 : vector<16xi32>
        %ge3A_392 = vector.broadcast %mul3A_2 : i32 to vector<16xi32>
        %ge3A_393 = arith.cmpi sge, %shift_right_logical3A_391, %ge3A_392 : vector<16xi32>
        %lt3A_394 = vector.broadcast %add3A_4 : i32 to vector<16xi32>
        %lt3A_395 = arith.cmpi slt, %shift_right_logical3A_391, %lt3A_394 : vector<16xi32>
        %and3A_396 = arith.andi %ge3A_393, %lt3A_395 : vector<16xi1>
        %sub3A_397 = vector.broadcast %mul3A_2 : i32 to vector<16xi32>
        %sub3A_398 = arith.subi %shift_right_logical3A_391, %sub3A_397 : vector<16xi32>
        %swap3A_399 = arith.index_cast %add3A_384 : i32 to index
        %swap3A_400 = tpu.vector_load %arg9[%swap3A_399] masked %and3A_396 {strides = array<i32>} : memref<6432xi32, #tpu.memory_space<vmem>>, vector<16xi32>, vector<16xi1>
        tpu.vector_store %arg9[%swap3A_399], %sub3A_398 masked %and3A_396 {strides = array<i32>} : memref<6432xi32, #tpu.memory_space<vmem>>, vector<16xi32>, vector<16xi1>
        %and3A_401 = arith.constant 16383 : i32
        %and3A_402 = vector.broadcast %and3A_401 : i32 to vector<16xi32>
        %and3A_403 = arith.andi %get3A_388, %and3A_402 : vector<16xi32>
        %swap3A_404 = arith.index_cast %add3A_384 : i32 to index
        %swap3A_405 = tpu.vector_load %arg11[%swap3A_404] masked %and3A_396 {strides = array<i32>} : memref<6432xi32, #tpu.memory_space<vmem>>, vector<16xi32>, vector<16xi1>
        tpu.vector_store %arg11[%swap3A_404], %and3A_403 masked %and3A_396 {strides = array<i32>} : memref<6432xi32, #tpu.memory_space<vmem>>, vector<16xi32>, vector<16xi1>
        %all_reduce_population_count3A_406 = tpu.all_reduce %and3A_396 {dim = 0 : i64, kind = #tpu.reduction_kind<sum>} : vector<16xi1> -> vector<16xi32>
        %slice3A_407 = vector.extract_strided_slice %all_reduce_population_count3A_406 {offsets = [0], sizes = [1], strides = [1]} : vector<16xi32> to vector<1xi32>
        %squeeze3A_408 = vector.extract %slice3A_407[0] : i32 from vector<1xi32>
        %add3A_409 = arith.addi %add3A_384, %squeeze3A_408 : i32
        %add3A_410 = arith.constant 112 : i32
        %add3A_411 = arith.addi %mul3A_241, %add3A_410 : i32
        %get3A_412 = arith.index_cast %add3A_411 : i32 to index
        %get3A_413 = tpu.vector_load %arg7[%get3A_412] {strides = array<i32>} : memref<6400xi32, #tpu.memory_space<vmem>>, vector<16xi32>,
        %shift_right_logical3A_414 = arith.constant 14 : i32
        %shift_right_logical3A_415 = vector.broadcast %shift_right_logical3A_414 : i32 to vector<16xi32>
        %shift_right_logical3A_416 = arith.shrui %get3A_413, %shift_right_logical3A_415 : vector<16xi32>
        %ge3A_417 = vector.broadcast %mul3A_2 : i32 to vector<16xi32>
        %ge3A_418 = arith.cmpi sge, %shift_right_logical3A_416, %ge3A_417 : vector<16xi32>
        %lt3A_419 = vector.broadcast %add3A_4 : i32 to vector<16xi32>
        %lt3A_420 = arith.cmpi slt, %shift_right_logical3A_416, %lt3A_419 : vector<16xi32>
        %and3A_421 = arith.andi %ge3A_418, %lt3A_420 : vector<16xi1>
        %sub3A_422 = vector.broadcast %mul3A_2 : i32 to vector<16xi32>
        %sub3A_423 = arith.subi %shift_right_logical3A_416, %sub3A_422 : vector<16xi32>
        %swap3A_424 = arith.index_cast %add3A_409 : i32 to index
        %swap3A_425 = tpu.vector_load %arg9[%swap3A_424] masked %and3A_421 {strides = array<i32>} : memref<6432xi32, #tpu.memory_space<vmem>>, vector<16xi32>, vector<16xi1>
        tpu.vector_store %arg9[%swap3A_424], %sub3A_423 masked %and3A_421 {strides = array<i32>} : memref<6432xi32, #tpu.memory_space<vmem>>, vector<16xi32>, vector<16xi1>
        %and3A_426 = arith.constant 16383 : i32
        %and3A_427 = vector.broadcast %and3A_426 : i32 to vector<16xi32>
        %and3A_428 = arith.andi %get3A_413, %and3A_427 : vector<16xi32>
        %swap3A_429 = arith.index_cast %add3A_409 : i32 to index
        %swap3A_430 = tpu.vector_load %arg11[%swap3A_429] masked %and3A_421 {strides = array<i32>} : memref<6432xi32, #tpu.memory_space<vmem>>, vector<16xi32>, vector<16xi1>
        tpu.vector_store %arg11[%swap3A_429], %and3A_428 masked %and3A_421 {strides = array<i32>} : memref<6432xi32, #tpu.memory_space<vmem>>, vector<16xi32>, vector<16xi1>
        %all_reduce_population_count3A_431 = tpu.all_reduce %and3A_421 {dim = 0 : i64, kind = #tpu.reduction_kind<sum>} : vector<16xi1> -> vector<16xi32>
        %slice3A_432 = vector.extract_strided_slice %all_reduce_population_count3A_431 {offsets = [0], sizes = [1], strides = [1]} : vector<16xi32> to vector<1xi32>
        %squeeze3A_433 = vector.extract %slice3A_432[0] : i32 from vector<1xi32>
        %add3A_434 = arith.addi %add3A_409, %squeeze3A_433 : i32
        scf.yield %add3A_434 : i32
      }
      %scan3A_156 = arith.constant 50 : i32
      %iota3A_157 = tpu.iota {dimensions = array<i32: 0>} : vector<16xi32>
      %add3A_158 = vector.broadcast %scan3A_155 : i32 to vector<16xi32>
      %add3A_159 = arith.addi %add3A_158, %iota3A_157 : vector<16xi32>
      %broadcast_in_dim3A_160 = arith.constant 320 : i32
      %broadcast_in_dim3A_161 = vector.broadcast %broadcast_in_dim3A_160 : i32 to vector<16xi32>
      tpu.vector_store_idx %arg9[%add3A_159], %broadcast_in_dim3A_161 : memref<6432xi32, #tpu.memory_space<vmem>>[vector<16xi32>], vector<16xi32>,
      %broadcast_in_dim3A_162 = arith.constant 0 : i32
      %broadcast_in_dim3A_163 = vector.broadcast %broadcast_in_dim3A_162 : i32 to vector<16xi32>
      tpu.vector_store_idx %arg11[%add3A_159], %broadcast_in_dim3A_163 : memref<6432xi32, #tpu.memory_space<vmem>>[vector<16xi32>], vector<16xi32>,
      %add3A_164 = arith.constant 16 : i32
      %add3A_165 = arith.addi %scan3A_98, %add3A_164 : i32
      %sub3A_166 = arith.constant 1 : i32
      %sub3A_167 = arith.subi %add3A_165, %sub3A_166 : i32
      %jit3A_168 = arith.constant 16 : i32
      %div3A_169 = arith.divsi %sub3A_167, %jit3A_168 : i32
      %sign3A_170 = arith.constant 0 : i32
      %sign3A_171 = arith.cmpi sgt, %sub3A_167, %sign3A_170 : i32
      %sign3A_172 = arith.extui %sign3A_171 : i1 to i32
      %sign3A_173 = arith.constant 0 : i32
      %sign3A_174 = arith.cmpi slt, %sub3A_167, %sign3A_173 : i32
      %sign3A_175 = arith.extui %sign3A_174 : i1 to i32
      %sign3A_176 = arith.subi %sign3A_172, %sign3A_175 : i32
      %sign3A_177 = arith.constant 0 : i32
      %sign3A_178 = arith.cmpi sgt, %jit3A_168, %sign3A_177 : i32
      %sign3A_179 = arith.extui %sign3A_178 : i1 to i32
      %sign3A_180 = arith.constant 0 : i32
      %sign3A_181 = arith.cmpi slt, %jit3A_168, %sign3A_180 : i32
      %sign3A_182 = arith.extui %sign3A_181 : i1 to i32
      %sign3A_183 = arith.subi %sign3A_179, %sign3A_182 : i32
      %ne3A_184 = arith.cmpi ne, %sign3A_176, %sign3A_183 : i32
      %rem3A_185 = arith.remsi %sub3A_167, %jit3A_168 : i32
      %ne3A_186 = arith.constant 0 : i32
      %ne3A_187 = arith.cmpi ne, %rem3A_185, %ne3A_186 : i32
      %and3A_188 = arith.andi %ne3A_184, %ne3A_187 : i1
      %sub3A_189 = arith.constant 1 : i32
      %sub3A_190 = arith.subi %div3A_169, %sub3A_189 : i32
      %select_n3A_191 = arith.select %and3A_188, %sub3A_190, %div3A_169 : i32
      %add3A_192 = arith.constant 16 : i32
      %add3A_193 = arith.addi %select_n3A_191, %add3A_192 : i32
      %sub3A_194 = arith.constant 1 : i32
      %sub3A_195 = arith.subi %add3A_193, %sub3A_194 : i32
      %jit3A_196 = arith.constant 16 : i32
      %div3A_197 = arith.divsi %sub3A_195, %jit3A_196 : i32
      %sign3A_198 = arith.constant 0 : i32
      %sign3A_199 = arith.cmpi sgt, %sub3A_195, %sign3A_198 : i32
      %sign3A_200 = arith.extui %sign3A_199 : i1 to i32
      %sign3A_201 = arith.constant 0 : i32
      %sign3A_202 = arith.cmpi slt, %sub3A_195, %sign3A_201 : i32
      %sign3A_203 = arith.extui %sign3A_202 : i1 to i32
      %sign3A_204 = arith.subi %sign3A_200, %sign3A_203 : i32
      %sign3A_205 = arith.constant 0 : i32
      %sign3A_206 = arith.cmpi sgt, %jit3A_196, %sign3A_205 : i32
      %sign3A_207 = arith.extui %sign3A_206 : i1 to i32
      %sign3A_208 = arith.constant 0 : i32
      %sign3A_209 = arith.cmpi slt, %jit3A_196, %sign3A_208 : i32
      %sign3A_210 = arith.extui %sign3A_209 : i1 to i32
      %sign3A_211 = arith.subi %sign3A_207, %sign3A_210 : i32
      %ne3A_212 = arith.cmpi ne, %sign3A_204, %sign3A_211 : i32
      %rem3A_213 = arith.remsi %sub3A_195, %jit3A_196 : i32
      %ne3A_214 = arith.constant 0 : i32
      %ne3A_215 = arith.cmpi ne, %rem3A_213, %ne3A_214 : i32
      %and3A_216 = arith.andi %ne3A_212, %ne3A_215 : i1
      %sub3A_217 = arith.constant 1 : i32
      %sub3A_218 = arith.subi %div3A_197, %sub3A_217 : i32
      %select_n3A_219 = arith.select %and3A_216, %sub3A_218, %div3A_197 : i32
      %while3A_220 = arith.constant 0 : i32
      %while3A_221 = arith.constant 0 : i32
      %while3A_222 = arith.subi %select_n3A_219, %while3A_221 : i32
      %while3A_223 = arith.addi %while3A_221, %while3A_222 : i32
      %while3A_224 = arith.constant 1 : i32
      %while3A_225 = arith.divsi %while3A_222, %while3A_224 : i32
      %while3A_226 = arith.muli %while3A_225, %while3A_224 : i32
      %while3A_227 = arith.addi %while3A_221, %while3A_226 : i32
      %while3A_228 = arith.constant 1 : i32
      scf.for %while3A_238 = %while3A_221 to %while3A_227 step %while3A_228  : i32 {
        %mul3A_239 = arith.constant 16 : i32
        %mul3A_240 = arith.muli %while3A_238, %mul3A_239 : i32
        %sub3A_241 = arith.subi %select_n3A_191, %mul3A_240 : i32
        %min3A_242 = arith.constant 16 : i32
        %min3A_243 = arith.minsi %sub3A_241, %min3A_242 : i32
        %gt3A = arith.constant 0 : i32
        %gt3A_244 = arith.cmpi sgt, %while3A_238, %gt3A : i32
        %convert_element_type3A_245 = arith.extui %gt3A_244 : i1 to i32
        %cond3A_246 = arith.constant 0 : i32
        %cond3A_247 = arith.cmpi ne, %convert_element_type3A_245, %cond3A_246 : i32
        scf.if %cond3A_247 {
          %while3A_270 = arith.constant 0 : i32
          %while3A_271 = arith.constant 0 : i32
          %while3A_272 = arith.subi %min3A_243, %while3A_271 : i32
          %while3A_273 = arith.addi %while3A_271, %while3A_272 : i32
          %while3A_274 = arith.constant 1 : i32
          %while3A_275 = arith.divsi %while3A_272, %while3A_274 : i32
          %while3A_276 = arith.muli %while3A_275, %while3A_274 : i32
          %while3A_277 = arith.addi %while3A_271, %while3A_276 : i32
          %while3A_278 = arith.constant 1 : i32
          scf.for %while3A_280 = %while3A_271 to %while3A_277 step %while3A_278  : i32 {
            %add3A_281 = arith.addi %mul3A_240, %while3A_280 : i32
            %mul3A_282 = arith.constant 16 : i32
            %mul3A_283 = arith.muli %add3A_281, %mul3A_282 : i32
            %mul3A_284 = arith.constant 16 : i32
            %mul3A_285 = arith.muli %while3A_280, %mul3A_284 : i32
            %dma_start3A_286 = arith.constant 0 : i32
            %dma_start3A_287 = tpu.memref_slice %arg12[%mul3A_285, %dma_start3A_286] : memref<256x128xf32, #tpu.memory_space<vmem>> -> memref<16x128xf32, #tpu.memory_space<vmem>>
            %dma_start3A_288 = tpu.memref_slice %arg10[%mul3A_283] : memref<6432xi32, #tpu.memory_space<vmem>> -> memref<16xi32, #tpu.memory_space<vmem>>
            %dma_start3A_289 = arith.constant 0 : i32
            %dma_start3A_290 = arith.constant 0 : i32
            %dma_start3A_291 = tpu.memref_slice %arg2[%dma_start3A_289, %dma_start3A_290] : memref<10000x128xf32, #tpu.memory_space<hbm>> -> memref<10000x128xf32, #tpu.memory_space<hbm>>
            tpu.enqueue_indirect_dma source(%dma_start3A_291 : memref<10000x128xf32, #tpu.memory_space<hbm>>) target(%dma_start3A_287 : memref<16x128xf32, #tpu.memory_space<vmem>>) offsets(%dma_start3A_288 : memref<16xi32, #tpu.memory_space<vmem>>) semaphore(%arg13 : memref<!tpu.dma_semaphore, #tpu.memory_space<semaphore_mem>>)
          }
          %while3A_279 = arith.constant 1 : i32
          scf.for %while3A_280 = %while3A_277 to %while3A_273 step %while3A_279  : i32 {
            %add3A_281 = arith.addi %mul3A_240, %while3A_280 : i32
            %mul3A_282 = arith.constant 16 : i32
            %mul3A_283 = arith.muli %add3A_281, %mul3A_282 : i32
            %mul3A_284 = arith.constant 16 : i32
            %mul3A_285 = arith.muli %while3A_280, %mul3A_284 : i32
            %dma_start3A_286 = arith.constant 0 : i32
            %dma_start3A_287 = tpu.memref_slice %arg12[%mul3A_285, %dma_start3A_286] : memref<256x128xf32, #tpu.memory_space<vmem>> -> memref<16x128xf32, #tpu.memory_space<vmem>>
            %dma_start3A_288 = tpu.memref_slice %arg10[%mul3A_283] : memref<6432xi32, #tpu.memory_space<vmem>> -> memref<16xi32, #tpu.memory_space<vmem>>
            %dma_start3A_289 = arith.constant 0 : i32
            %dma_start3A_290 = arith.constant 0 : i32
            %dma_start3A_291 = tpu.memref_slice %arg2[%dma_start3A_289, %dma_start3A_290] : memref<10000x128xf32, #tpu.memory_space<hbm>> -> memref<10000x128xf32, #tpu.memory_space<hbm>>
            tpu.enqueue_indirect_dma source(%dma_start3A_291 : memref<10000x128xf32, #tpu.memory_space<hbm>>) target(%dma_start3A_287 : memref<16x128xf32, #tpu.memory_space<vmem>>) offsets(%dma_start3A_288 : memref<16xi32, #tpu.memory_space<vmem>>) semaphore(%arg13 : memref<!tpu.dma_semaphore, #tpu.memory_space<semaphore_mem>>)
          }
        } else {
        }
        %while3A_248 = arith.constant 0 : i32
        %while3A_249 = arith.constant 0 : i32
        %while3A_250 = arith.subi %min3A_243, %while3A_249 : i32
        %while3A_251 = arith.addi %while3A_249, %while3A_250 : i32
        %while3A_252 = arith.constant 1 : i32
        %while3A_253 = arith.divsi %while3A_250, %while3A_252 : i32
        %while3A_254 = arith.muli %while3A_253, %while3A_252 : i32
        %while3A_255 = arith.addi %while3A_249, %while3A_254 : i32
        %while3A_256 = arith.constant 1 : i32
        scf.for %while3A_270 = %while3A_249 to %while3A_255 step %while3A_256  : i32 {
          %add3A_271 = arith.addi %mul3A_240, %while3A_270 : i32
          %mul3A_272 = arith.constant 16 : i32
          %mul3A_273 = arith.muli %add3A_271, %mul3A_272 : i32
          %mul3A_274 = arith.constant 16 : i32
          %mul3A_275 = arith.muli %while3A_270, %mul3A_274 : i32
          %dma_wait3A_276 = arith.constant 0 : i32
          %dma_wait3A_277 = tpu.memref_slice %arg12[%mul3A_275, %dma_wait3A_276] : memref<256x128xf32, #tpu.memory_space<vmem>> -> memref<16x128xf32, #tpu.memory_space<vmem>>
          %dma_wait3A_278 = tpu.memref_slice %arg10[%mul3A_273] : memref<6432xi32, #tpu.memory_space<vmem>> -> memref<16xi32, #tpu.memory_space<vmem>>
          %dma_wait3A_279 = arith.constant 0 : i32
          %dma_wait3A_280 = arith.constant 0 : i32
          %dma_wait3A_281 = tpu.memref_slice %arg2[%dma_wait3A_279, %dma_wait3A_280] : memref<10000x128xf32, #tpu.memory_space<hbm>> -> memref<10000x128xf32, #tpu.memory_space<hbm>>
          tpu.wait_indirect_dma semaphore(%arg13 : memref<!tpu.dma_semaphore, #tpu.memory_space<semaphore_mem>>) src(%dma_wait3A_281 : memref<10000x128xf32, #tpu.memory_space<hbm>>) dst(%dma_wait3A_277 : memref<16x128xf32, #tpu.memory_space<vmem>>)
        }
        %while3A_257 = arith.constant 1 : i32
        scf.for %while3A_270 = %while3A_255 to %while3A_251 step %while3A_257  : i32 {
          %add3A_271 = arith.addi %mul3A_240, %while3A_270 : i32
          %mul3A_272 = arith.constant 16 : i32
          %mul3A_273 = arith.muli %add3A_271, %mul3A_272 : i32
          %mul3A_274 = arith.constant 16 : i32
          %mul3A_275 = arith.muli %while3A_270, %mul3A_274 : i32
          %dma_wait3A_276 = arith.constant 0 : i32
          %dma_wait3A_277 = tpu.memref_slice %arg12[%mul3A_275, %dma_wait3A_276] : memref<256x128xf32, #tpu.memory_space<vmem>> -> memref<16x128xf32, #tpu.memory_space<vmem>>
          %dma_wait3A_278 = tpu.memref_slice %arg10[%mul3A_273] : memref<6432xi32, #tpu.memory_space<vmem>> -> memref<16xi32, #tpu.memory_space<vmem>>
          %dma_wait3A_279 = arith.constant 0 : i32
          %dma_wait3A_280 = arith.constant 0 : i32
          %dma_wait3A_281 = tpu.memref_slice %arg2[%dma_wait3A_279, %dma_wait3A_280] : memref<10000x128xf32, #tpu.memory_space<hbm>> -> memref<10000x128xf32, #tpu.memory_space<hbm>>
          tpu.wait_indirect_dma semaphore(%arg13 : memref<!tpu.dma_semaphore, #tpu.memory_space<semaphore_mem>>) src(%dma_wait3A_281 : memref<10000x128xf32, #tpu.memory_space<hbm>>) dst(%dma_wait3A_277 : memref<16x128xf32, #tpu.memory_space<vmem>>)
        }
        %mul3A_258 = arith.constant 16 : i32
        %mul3A_259 = arith.muli %min3A_243, %mul3A_258 : i32
        %while3A_260 = arith.constant 0 : i32
        %while3A_261 = arith.constant 0 : i32
        %while3A_262 = arith.subi %mul3A_259, %while3A_261 : i32
        %while3A_263 = arith.addi %while3A_261, %while3A_262 : i32
        %while3A_264 = arith.constant 1 : i32
        %while3A_265 = arith.divsi %while3A_262, %while3A_264 : i32
        %while3A_266 = arith.muli %while3A_265, %while3A_264 : i32
        %while3A_267 = arith.addi %while3A_261, %while3A_266 : i32
        %while3A_268 = arith.constant 1 : i32
        scf.for %while3A_270 = %while3A_261 to %while3A_267 step %while3A_268  : i32 {
          %mul3A_271 = arith.constant 16 : i32
          %mul3A_272 = arith.muli %mul3A_240, %mul3A_271 : i32
          %add3A_273 = arith.addi %mul3A_272, %while3A_270 : i32
          %get3A = arith.index_cast %add3A_273 : i32 to index
          %get3A_274 = tpu.vector_load %arg8[%get3A] {strides = array<i32>} : memref<6432xi32, #tpu.memory_space<vmem>>, vector<16xi32>,
          %slice3A = vector.extract_strided_slice %get3A_274 {offsets = [0], sizes = [1], strides = [1]} : vector<16xi32> to vector<1xi32>
          %squeeze3A = vector.extract %slice3A[0] : i32 from vector<1xi32>
          %get3A_275 = arith.index_cast %squeeze3A : i32 to index
          %get3A_276 = arith.constant 0 : index
          %get3A_277 = tpu.vector_load %arg5[%get3A_275, %get3A_276] {strides = array<i32>} : memref<321x128xf32, #tpu.memory_space<vmem>>, vector<16xf32>,
          %get3A_278 = arith.index_cast %while3A_270 : i32 to index
          %get3A_279 = arith.constant 0 : index
          %get3A_280 = tpu.vector_load %arg12[%get3A_278, %get3A_279] {strides = array<i32>} : memref<256x128xf32, #tpu.memory_space<vmem>>, vector<16xf32>,
          %max3A = arith.maximumf %get3A_277, %get3A_280 : vector<16xf32>
          %swap3A = arith.index_cast %squeeze3A : i32 to index
          %swap3A_281 = arith.constant 0 : index
          %swap3A_282 = tpu.vector_load %arg5[%swap3A, %swap3A_281] {strides = array<i32>} : memref<321x128xf32, #tpu.memory_space<vmem>>, vector<16xf32>,
          tpu.vector_store %arg5[%swap3A, %swap3A_281], %max3A {strides = array<i32>} : memref<321x128xf32, #tpu.memory_space<vmem>>, vector<16xf32>,
          %get3A_283 = arith.index_cast %squeeze3A : i32 to index
          %get3A_284 = arith.constant 16 : index
          %get3A_285 = tpu.vector_load %arg5[%get3A_283, %get3A_284] {strides = array<i32>} : memref<321x128xf32, #tpu.memory_space<vmem>>, vector<16xf32>,
          %get3A_286 = arith.index_cast %while3A_270 : i32 to index
          %get3A_287 = arith.constant 16 : index
          %get3A_288 = tpu.vector_load %arg12[%get3A_286, %get3A_287] {strides = array<i32>} : memref<256x128xf32, #tpu.memory_space<vmem>>, vector<16xf32>,
          %max3A_289 = arith.maximumf %get3A_285, %get3A_288 : vector<16xf32>
          %swap3A_290 = arith.index_cast %squeeze3A : i32 to index
          %swap3A_291 = arith.constant 16 : index
          %swap3A_292 = tpu.vector_load %arg5[%swap3A_290, %swap3A_291] {strides = array<i32>} : memref<321x128xf32, #tpu.memory_space<vmem>>, vector<16xf32>,
          tpu.vector_store %arg5[%swap3A_290, %swap3A_291], %max3A_289 {strides = array<i32>} : memref<321x128xf32, #tpu.memory_space<vmem>>, vector<16xf32>,
          %get3A_293 = arith.index_cast %squeeze3A : i32 to index
          %get3A_294 = arith.constant 32 : index
          %get3A_295 = tpu.vector_load %arg5[%get3A_293, %get3A_294] {strides = array<i32>} : memref<321x128xf32, #tpu.memory_space<vmem>>, vector<16xf32>,
          %get3A_296 = arith.index_cast %while3A_270 : i32 to index
          %get3A_297 = arith.constant 32 : index
          %get3A_298 = tpu.vector_load %arg12[%get3A_296, %get3A_297] {strides = array<i32>} : memref<256x128xf32, #tpu.memory_space<vmem>>, vector<16xf32>,
          %max3A_299 = arith.maximumf %get3A_295, %get3A_298 : vector<16xf32>
          %swap3A_300 = arith.index_cast %squeeze3A : i32 to index
          %swap3A_301 = arith.constant 32 : index
          %swap3A_302 = tpu.vector_load %arg5[%swap3A_300, %swap3A_301] {strides = array<i32>} : memref<321x128xf32, #tpu.memory_space<vmem>>, vector<16xf32>,
          tpu.vector_store %arg5[%swap3A_300, %swap3A_301], %max3A_299 {strides = array<i32>} : memref<321x128xf32, #tpu.memory_space<vmem>>, vector<16xf32>,
          %get3A_303 = arith.index_cast %squeeze3A : i32 to index
          %get3A_304 = arith.constant 48 : index
          %get3A_305 = tpu.vector_load %arg5[%get3A_303, %get3A_304] {strides = array<i32>} : memref<321x128xf32, #tpu.memory_space<vmem>>, vector<16xf32>,
          %get3A_306 = arith.index_cast %while3A_270 : i32 to index
          %get3A_307 = arith.constant 48 : index
          %get3A_308 = tpu.vector_load %arg12[%get3A_306, %get3A_307] {strides = array<i32>} : memref<256x128xf32, #tpu.memory_space<vmem>>, vector<16xf32>,
          %max3A_309 = arith.maximumf %get3A_305, %get3A_308 : vector<16xf32>
          %swap3A_310 = arith.index_cast %squeeze3A : i32 to index
          %swap3A_311 = arith.constant 48 : index
          %swap3A_312 = tpu.vector_load %arg5[%swap3A_310, %swap3A_311] {strides = array<i32>} : memref<321x128xf32, #tpu.memory_space<vmem>>, vector<16xf32>,
          tpu.vector_store %arg5[%swap3A_310, %swap3A_311], %max3A_309 {strides = array<i32>} : memref<321x128xf32, #tpu.memory_space<vmem>>, vector<16xf32>,
          %get3A_313 = arith.index_cast %squeeze3A : i32 to index
          %get3A_314 = arith.constant 64 : index
          %get3A_315 = tpu.vector_load %arg5[%get3A_313, %get3A_314] {strides = array<i32>} : memref<321x128xf32, #tpu.memory_space<vmem>>, vector<16xf32>,
          %get3A_316 = arith.index_cast %while3A_270 : i32 to index
          %get3A_317 = arith.constant 64 : index
          %get3A_318 = tpu.vector_load %arg12[%get3A_316, %get3A_317] {strides = array<i32>} : memref<256x128xf32, #tpu.memory_space<vmem>>, vector<16xf32>,
          %max3A_319 = arith.maximumf %get3A_315, %get3A_318 : vector<16xf32>
          %swap3A_320 = arith.index_cast %squeeze3A : i32 to index
          %swap3A_321 = arith.constant 64 : index
          %swap3A_322 = tpu.vector_load %arg5[%swap3A_320, %swap3A_321] {strides = array<i32>} : memref<321x128xf32, #tpu.memory_space<vmem>>, vector<16xf32>,
          tpu.vector_store %arg5[%swap3A_320, %swap3A_321], %max3A_319 {strides = array<i32>} : memref<321x128xf32, #tpu.memory_space<vmem>>, vector<16xf32>,
          %get3A_323 = arith.index_cast %squeeze3A : i32 to index
          %get3A_324 = arith.constant 80 : index
          %get3A_325 = tpu.vector_load %arg5[%get3A_323, %get3A_324] {strides = array<i32>} : memref<321x128xf32, #tpu.memory_space<vmem>>, vector<16xf32>,
          %get3A_326 = arith.index_cast %while3A_270 : i32 to index
          %get3A_327 = arith.constant 80 : index
          %get3A_328 = tpu.vector_load %arg12[%get3A_326, %get3A_327] {strides = array<i32>} : memref<256x128xf32, #tpu.memory_space<vmem>>, vector<16xf32>,
          %max3A_329 = arith.maximumf %get3A_325, %get3A_328 : vector<16xf32>
          %swap3A_330 = arith.index_cast %squeeze3A : i32 to index
          %swap3A_331 = arith.constant 80 : index
          %swap3A_332 = tpu.vector_load %arg5[%swap3A_330, %swap3A_331] {strides = array<i32>} : memref<321x128xf32, #tpu.memory_space<vmem>>, vector<16xf32>,
          tpu.vector_store %arg5[%swap3A_330, %swap3A_331], %max3A_329 {strides = array<i32>} : memref<321x128xf32, #tpu.memory_space<vmem>>, vector<16xf32>,
          %get3A_333 = arith.index_cast %squeeze3A : i32 to index
          %get3A_334 = arith.constant 96 : index
          %get3A_335 = tpu.vector_load %arg5[%get3A_333, %get3A_334] {strides = array<i32>} : memref<321x128xf32, #tpu.memory_space<vmem>>, vector<16xf32>,
          %get3A_336 = arith.index_cast %while3A_270 : i32 to index
          %get3A_337 = arith.constant 96 : index
          %get3A_338 = tpu.vector_load %arg12[%get3A_336, %get3A_337] {strides = array<i32>} : memref<256x128xf32, #tpu.memory_space<vmem>>, vector<16xf32>,
          %max3A_339 = arith.maximumf %get3A_335, %get3A_338 : vector<16xf32>
          %swap3A_340 = arith.index_cast %squeeze3A : i32 to index
          %swap3A_341 = arith.constant 96 : index
          %swap3A_342 = tpu.vector_load %arg5[%swap3A_340, %swap3A_341] {strides = array<i32>} : memref<321x128xf32, #tpu.memory_space<vmem>>, vector<16xf32>,
          tpu.vector_store %arg5[%swap3A_340, %swap3A_341], %max3A_339 {strides = array<i32>} : memref<321x128xf32, #tpu.memory_space<vmem>>, vector<16xf32>,
          %get3A_343 = arith.index_cast %squeeze3A : i32 to index
          %get3A_344 = arith.constant 112 : index
          %get3A_345 = tpu.vector_load %arg5[%get3A_343, %get3A_344] {strides = array<i32>} : memref<321x128xf32, #tpu.memory_space<vmem>>, vector<16xf32>,
          %get3A_346 = arith.index_cast %while3A_270 : i32 to index
          %get3A_347 = arith.constant 112 : index
          %get3A_348 = tpu.vector_load %arg12[%get3A_346, %get3A_347] {strides = array<i32>} : memref<256x128xf32, #tpu.memory_space<vmem>>, vector<16xf32>,
          %max3A_349 = arith.maximumf %get3A_345, %get3A_348 : vector<16xf32>
          %swap3A_350 = arith.index_cast %squeeze3A : i32 to index
          %swap3A_351 = arith.constant 112 : index
          %swap3A_352 = tpu.vector_load %arg5[%swap3A_350, %swap3A_351] {strides = array<i32>} : memref<321x128xf32, #tpu.memory_space<vmem>>, vector<16xf32>,
          tpu.vector_store %arg5[%swap3A_350, %swap3A_351], %max3A_349 {strides = array<i32>} : memref<321x128xf32, #tpu.memory_space<vmem>>, vector<16xf32>,
        }
        %while3A_269 = arith.constant 1 : i32
        scf.for %while3A_270 = %while3A_267 to %while3A_263 step %while3A_269  : i32 {
          %mul3A_271 = arith.constant 16 : i32
          %mul3A_272 = arith.muli %mul3A_240, %mul3A_271 : i32
          %add3A_273 = arith.addi %mul3A_272, %while3A_270 : i32
          %get3A = arith.index_cast %add3A_273 : i32 to index
          %get3A_274 = tpu.vector_load %arg8[%get3A] {strides = array<i32>} : memref<6432xi32, #tpu.memory_space<vmem>>, vector<16xi32>,
          %slice3A = vector.extract_strided_slice %get3A_274 {offsets = [0], sizes = [1], strides = [1]} : vector<16xi32> to vector<1xi32>
          %squeeze3A = vector.extract %slice3A[0] : i32 from vector<1xi32>
          %get3A_275 = arith.index_cast %squeeze3A : i32 to index
          %get3A_276 = arith.constant 0 : index
          %get3A_277 = tpu.vector_load %arg5[%get3A_275, %get3A_276] {strides = array<i32>} : memref<321x128xf32, #tpu.memory_space<vmem>>, vector<16xf32>,
          %get3A_278 = arith.index_cast %while3A_270 : i32 to index
          %get3A_279 = arith.constant 0 : index
          %get3A_280 = tpu.vector_load %arg12[%get3A_278, %get3A_279] {strides = array<i32>} : memref<256x128xf32, #tpu.memory_space<vmem>>, vector<16xf32>,
          %max3A = arith.maximumf %get3A_277, %get3A_280 : vector<16xf32>
          %swap3A = arith.index_cast %squeeze3A : i32 to index
          %swap3A_281 = arith.constant 0 : index
          %swap3A_282 = tpu.vector_load %arg5[%swap3A, %swap3A_281] {strides = array<i32>} : memref<321x128xf32, #tpu.memory_space<vmem>>, vector<16xf32>,
          tpu.vector_store %arg5[%swap3A, %swap3A_281], %max3A {strides = array<i32>} : memref<321x128xf32, #tpu.memory_space<vmem>>, vector<16xf32>,
          %get3A_283 = arith.index_cast %squeeze3A : i32 to index
          %get3A_284 = arith.constant 16 : index
          %get3A_285 = tpu.vector_load %arg5[%get3A_283, %get3A_284] {strides = array<i32>} : memref<321x128xf32, #tpu.memory_space<vmem>>, vector<16xf32>,
          %get3A_286 = arith.index_cast %while3A_270 : i32 to index
          %get3A_287 = arith.constant 16 : index
          %get3A_288 = tpu.vector_load %arg12[%get3A_286, %get3A_287] {strides = array<i32>} : memref<256x128xf32, #tpu.memory_space<vmem>>, vector<16xf32>,
          %max3A_289 = arith.maximumf %get3A_285, %get3A_288 : vector<16xf32>
          %swap3A_290 = arith.index_cast %squeeze3A : i32 to index
          %swap3A_291 = arith.constant 16 : index
          %swap3A_292 = tpu.vector_load %arg5[%swap3A_290, %swap3A_291] {strides = array<i32>} : memref<321x128xf32, #tpu.memory_space<vmem>>, vector<16xf32>,
          tpu.vector_store %arg5[%swap3A_290, %swap3A_291], %max3A_289 {strides = array<i32>} : memref<321x128xf32, #tpu.memory_space<vmem>>, vector<16xf32>,
          %get3A_293 = arith.index_cast %squeeze3A : i32 to index
          %get3A_294 = arith.constant 32 : index
          %get3A_295 = tpu.vector_load %arg5[%get3A_293, %get3A_294] {strides = array<i32>} : memref<321x128xf32, #tpu.memory_space<vmem>>, vector<16xf32>,
          %get3A_296 = arith.index_cast %while3A_270 : i32 to index
          %get3A_297 = arith.constant 32 : index
          %get3A_298 = tpu.vector_load %arg12[%get3A_296, %get3A_297] {strides = array<i32>} : memref<256x128xf32, #tpu.memory_space<vmem>>, vector<16xf32>,
          %max3A_299 = arith.maximumf %get3A_295, %get3A_298 : vector<16xf32>
          %swap3A_300 = arith.index_cast %squeeze3A : i32 to index
          %swap3A_301 = arith.constant 32 : index
          %swap3A_302 = tpu.vector_load %arg5[%swap3A_300, %swap3A_301] {strides = array<i32>} : memref<321x128xf32, #tpu.memory_space<vmem>>, vector<16xf32>,
          tpu.vector_store %arg5[%swap3A_300, %swap3A_301], %max3A_299 {strides = array<i32>} : memref<321x128xf32, #tpu.memory_space<vmem>>, vector<16xf32>,
          %get3A_303 = arith.index_cast %squeeze3A : i32 to index
          %get3A_304 = arith.constant 48 : index
          %get3A_305 = tpu.vector_load %arg5[%get3A_303, %get3A_304] {strides = array<i32>} : memref<321x128xf32, #tpu.memory_space<vmem>>, vector<16xf32>,
          %get3A_306 = arith.index_cast %while3A_270 : i32 to index
          %get3A_307 = arith.constant 48 : index
          %get3A_308 = tpu.vector_load %arg12[%get3A_306, %get3A_307] {strides = array<i32>} : memref<256x128xf32, #tpu.memory_space<vmem>>, vector<16xf32>,
          %max3A_309 = arith.maximumf %get3A_305, %get3A_308 : vector<16xf32>
          %swap3A_310 = arith.index_cast %squeeze3A : i32 to index
          %swap3A_311 = arith.constant 48 : index
          %swap3A_312 = tpu.vector_load %arg5[%swap3A_310, %swap3A_311] {strides = array<i32>} : memref<321x128xf32, #tpu.memory_space<vmem>>, vector<16xf32>,
          tpu.vector_store %arg5[%swap3A_310, %swap3A_311], %max3A_309 {strides = array<i32>} : memref<321x128xf32, #tpu.memory_space<vmem>>, vector<16xf32>,
          %get3A_313 = arith.index_cast %squeeze3A : i32 to index
          %get3A_314 = arith.constant 64 : index
          %get3A_315 = tpu.vector_load %arg5[%get3A_313, %get3A_314] {strides = array<i32>} : memref<321x128xf32, #tpu.memory_space<vmem>>, vector<16xf32>,
          %get3A_316 = arith.index_cast %while3A_270 : i32 to index
          %get3A_317 = arith.constant 64 : index
          %get3A_318 = tpu.vector_load %arg12[%get3A_316, %get3A_317] {strides = array<i32>} : memref<256x128xf32, #tpu.memory_space<vmem>>, vector<16xf32>,
          %max3A_319 = arith.maximumf %get3A_315, %get3A_318 : vector<16xf32>
          %swap3A_320 = arith.index_cast %squeeze3A : i32 to index
          %swap3A_321 = arith.constant 64 : index
          %swap3A_322 = tpu.vector_load %arg5[%swap3A_320, %swap3A_321] {strides = array<i32>} : memref<321x128xf32, #tpu.memory_space<vmem>>, vector<16xf32>,
          tpu.vector_store %arg5[%swap3A_320, %swap3A_321], %max3A_319 {strides = array<i32>} : memref<321x128xf32, #tpu.memory_space<vmem>>, vector<16xf32>,
          %get3A_323 = arith.index_cast %squeeze3A : i32 to index
          %get3A_324 = arith.constant 80 : index
          %get3A_325 = tpu.vector_load %arg5[%get3A_323, %get3A_324] {strides = array<i32>} : memref<321x128xf32, #tpu.memory_space<vmem>>, vector<16xf32>,
          %get3A_326 = arith.index_cast %while3A_270 : i32 to index
          %get3A_327 = arith.constant 80 : index
          %get3A_328 = tpu.vector_load %arg12[%get3A_326, %get3A_327] {strides = array<i32>} : memref<256x128xf32, #tpu.memory_space<vmem>>, vector<16xf32>,
          %max3A_329 = arith.maximumf %get3A_325, %get3A_328 : vector<16xf32>
          %swap3A_330 = arith.index_cast %squeeze3A : i32 to index
          %swap3A_331 = arith.constant 80 : index
          %swap3A_332 = tpu.vector_load %arg5[%swap3A_330, %swap3A_331] {strides = array<i32>} : memref<321x128xf32, #tpu.memory_space<vmem>>, vector<16xf32>,
          tpu.vector_store %arg5[%swap3A_330, %swap3A_331], %max3A_329 {strides = array<i32>} : memref<321x128xf32, #tpu.memory_space<vmem>>, vector<16xf32>,
          %get3A_333 = arith.index_cast %squeeze3A : i32 to index
          %get3A_334 = arith.constant 96 : index
          %get3A_335 = tpu.vector_load %arg5[%get3A_333, %get3A_334] {strides = array<i32>} : memref<321x128xf32, #tpu.memory_space<vmem>>, vector<16xf32>,
          %get3A_336 = arith.index_cast %while3A_270 : i32 to index
          %get3A_337 = arith.constant 96 : index
          %get3A_338 = tpu.vector_load %arg12[%get3A_336, %get3A_337] {strides = array<i32>} : memref<256x128xf32, #tpu.memory_space<vmem>>, vector<16xf32>,
          %max3A_339 = arith.maximumf %get3A_335, %get3A_338 : vector<16xf32>
          %swap3A_340 = arith.index_cast %squeeze3A : i32 to index
          %swap3A_341 = arith.constant 96 : index
          %swap3A_342 = tpu.vector_load %arg5[%swap3A_340, %swap3A_341] {strides = array<i32>} : memref<321x128xf32, #tpu.memory_space<vmem>>, vector<16xf32>,
          tpu.vector_store %arg5[%swap3A_340, %swap3A_341], %max3A_339 {strides = array<i32>} : memref<321x128xf32, #tpu.memory_space<vmem>>, vector<16xf32>,
          %get3A_343 = arith.index_cast %squeeze3A : i32 to index
          %get3A_344 = arith.constant 112 : index
          %get3A_345 = tpu.vector_load %arg5[%get3A_343, %get3A_344] {strides = array<i32>} : memref<321x128xf32, #tpu.memory_space<vmem>>, vector<16xf32>,
          %get3A_346 = arith.index_cast %while3A_270 : i32 to index
          %get3A_347 = arith.constant 112 : index
          %get3A_348 = tpu.vector_load %arg12[%get3A_346, %get3A_347] {strides = array<i32>} : memref<256x128xf32, #tpu.memory_space<vmem>>, vector<16xf32>,
          %max3A_349 = arith.maximumf %get3A_345, %get3A_348 : vector<16xf32>
          %swap3A_350 = arith.index_cast %squeeze3A : i32 to index
          %swap3A_351 = arith.constant 112 : index
          %swap3A_352 = tpu.vector_load %arg5[%swap3A_350, %swap3A_351] {strides = array<i32>} : memref<321x128xf32, #tpu.memory_space<vmem>>, vector<16xf32>,
          tpu.vector_store %arg5[%swap3A_350, %swap3A_351], %max3A_349 {strides = array<i32>} : memref<321x128xf32, #tpu.memory_space<vmem>>, vector<16xf32>,
        }
      }
      %while3A_229 = arith.constant 1 : i32
      scf.for %while3A_238 = %while3A_227 to %while3A_223 step %while3A_229  : i32 {
        %mul3A_239 = arith.constant 16 : i32
        %mul3A_240 = arith.muli %while3A_238, %mul3A_239 : i32
        %sub3A_241 = arith.subi %select_n3A_191, %mul3A_240 : i32
        %min3A_242 = arith.constant 16 : i32
        %min3A_243 = arith.minsi %sub3A_241, %min3A_242 : i32
        %gt3A = arith.constant 0 : i32
        %gt3A_244 = arith.cmpi sgt, %while3A_238, %gt3A : i32
        %convert_element_type3A_245 = arith.extui %gt3A_244 : i1 to i32
        %cond3A_246 = arith.constant 0 : i32
        %cond3A_247 = arith.cmpi ne, %convert_element_type3A_245, %cond3A_246 : i32
        scf.if %cond3A_247 {
          %while3A_270 = arith.constant 0 : i32
          %while3A_271 = arith.constant 0 : i32
          %while3A_272 = arith.subi %min3A_243, %while3A_271 : i32
          %while3A_273 = arith.addi %while3A_271, %while3A_272 : i32
          %while3A_274 = arith.constant 1 : i32
          %while3A_275 = arith.divsi %while3A_272, %while3A_274 : i32
          %while3A_276 = arith.muli %while3A_275, %while3A_274 : i32
          %while3A_277 = arith.addi %while3A_271, %while3A_276 : i32
          %while3A_278 = arith.constant 1 : i32
          scf.for %while3A_280 = %while3A_271 to %while3A_277 step %while3A_278  : i32 {
            %add3A_281 = arith.addi %mul3A_240, %while3A_280 : i32
            %mul3A_282 = arith.constant 16 : i32
            %mul3A_283 = arith.muli %add3A_281, %mul3A_282 : i32
            %mul3A_284 = arith.constant 16 : i32
            %mul3A_285 = arith.muli %while3A_280, %mul3A_284 : i32
            %dma_start3A_286 = arith.constant 0 : i32
            %dma_start3A_287 = tpu.memref_slice %arg12[%mul3A_285, %dma_start3A_286] : memref<256x128xf32, #tpu.memory_space<vmem>> -> memref<16x128xf32, #tpu.memory_space<vmem>>
            %dma_start3A_288 = tpu.memref_slice %arg10[%mul3A_283] : memref<6432xi32, #tpu.memory_space<vmem>> -> memref<16xi32, #tpu.memory_space<vmem>>
            %dma_start3A_289 = arith.constant 0 : i32
            %dma_start3A_290 = arith.constant 0 : i32
            %dma_start3A_291 = tpu.memref_slice %arg2[%dma_start3A_289, %dma_start3A_290] : memref<10000x128xf32, #tpu.memory_space<hbm>> -> memref<10000x128xf32, #tpu.memory_space<hbm>>
            tpu.enqueue_indirect_dma source(%dma_start3A_291 : memref<10000x128xf32, #tpu.memory_space<hbm>>) target(%dma_start3A_287 : memref<16x128xf32, #tpu.memory_space<vmem>>) offsets(%dma_start3A_288 : memref<16xi32, #tpu.memory_space<vmem>>) semaphore(%arg13 : memref<!tpu.dma_semaphore, #tpu.memory_space<semaphore_mem>>)
          }
          %while3A_279 = arith.constant 1 : i32
          scf.for %while3A_280 = %while3A_277 to %while3A_273 step %while3A_279  : i32 {
            %add3A_281 = arith.addi %mul3A_240, %while3A_280 : i32
            %mul3A_282 = arith.constant 16 : i32
            %mul3A_283 = arith.muli %add3A_281, %mul3A_282 : i32
            %mul3A_284 = arith.constant 16 : i32
            %mul3A_285 = arith.muli %while3A_280, %mul3A_284 : i32
            %dma_start3A_286 = arith.constant 0 : i32
            %dma_start3A_287 = tpu.memref_slice %arg12[%mul3A_285, %dma_start3A_286] : memref<256x128xf32, #tpu.memory_space<vmem>> -> memref<16x128xf32, #tpu.memory_space<vmem>>
            %dma_start3A_288 = tpu.memref_slice %arg10[%mul3A_283] : memref<6432xi32, #tpu.memory_space<vmem>> -> memref<16xi32, #tpu.memory_space<vmem>>
            %dma_start3A_289 = arith.constant 0 : i32
            %dma_start3A_290 = arith.constant 0 : i32
            %dma_start3A_291 = tpu.memref_slice %arg2[%dma_start3A_289, %dma_start3A_290] : memref<10000x128xf32, #tpu.memory_space<hbm>> -> memref<10000x128xf32, #tpu.memory_space<hbm>>
            tpu.enqueue_indirect_dma source(%dma_start3A_291 : memref<10000x128xf32, #tpu.memory_space<hbm>>) target(%dma_start3A_287 : memref<16x128xf32, #tpu.memory_space<vmem>>) offsets(%dma_start3A_288 : memref<16xi32, #tpu.memory_space<vmem>>) semaphore(%arg13 : memref<!tpu.dma_semaphore, #tpu.memory_space<semaphore_mem>>)
          }
        } else {
        }
        %while3A_248 = arith.constant 0 : i32
        %while3A_249 = arith.constant 0 : i32
        %while3A_250 = arith.subi %min3A_243, %while3A_249 : i32
        %while3A_251 = arith.addi %while3A_249, %while3A_250 : i32
        %while3A_252 = arith.constant 1 : i32
        %while3A_253 = arith.divsi %while3A_250, %while3A_252 : i32
        %while3A_254 = arith.muli %while3A_253, %while3A_252 : i32
        %while3A_255 = arith.addi %while3A_249, %while3A_254 : i32
        %while3A_256 = arith.constant 1 : i32
        scf.for %while3A_270 = %while3A_249 to %while3A_255 step %while3A_256  : i32 {
          %add3A_271 = arith.addi %mul3A_240, %while3A_270 : i32
          %mul3A_272 = arith.constant 16 : i32
          %mul3A_273 = arith.muli %add3A_271, %mul3A_272 : i32
          %mul3A_274 = arith.constant 16 : i32
          %mul3A_275 = arith.muli %while3A_270, %mul3A_274 : i32
          %dma_wait3A_276 = arith.constant 0 : i32
          %dma_wait3A_277 = tpu.memref_slice %arg12[%mul3A_275, %dma_wait3A_276] : memref<256x128xf32, #tpu.memory_space<vmem>> -> memref<16x128xf32, #tpu.memory_space<vmem>>
          %dma_wait3A_278 = tpu.memref_slice %arg10[%mul3A_273] : memref<6432xi32, #tpu.memory_space<vmem>> -> memref<16xi32, #tpu.memory_space<vmem>>
          %dma_wait3A_279 = arith.constant 0 : i32
          %dma_wait3A_280 = arith.constant 0 : i32
          %dma_wait3A_281 = tpu.memref_slice %arg2[%dma_wait3A_279, %dma_wait3A_280] : memref<10000x128xf32, #tpu.memory_space<hbm>> -> memref<10000x128xf32, #tpu.memory_space<hbm>>
          tpu.wait_indirect_dma semaphore(%arg13 : memref<!tpu.dma_semaphore, #tpu.memory_space<semaphore_mem>>) src(%dma_wait3A_281 : memref<10000x128xf32, #tpu.memory_space<hbm>>) dst(%dma_wait3A_277 : memref<16x128xf32, #tpu.memory_space<vmem>>)
        }
        %while3A_257 = arith.constant 1 : i32
        scf.for %while3A_270 = %while3A_255 to %while3A_251 step %while3A_257  : i32 {
          %add3A_271 = arith.addi %mul3A_240, %while3A_270 : i32
          %mul3A_272 = arith.constant 16 : i32
          %mul3A_273 = arith.muli %add3A_271, %mul3A_272 : i32
          %mul3A_274 = arith.constant 16 : i32
          %mul3A_275 = arith.muli %while3A_270, %mul3A_274 : i32
          %dma_wait3A_276 = arith.constant 0 : i32
          %dma_wait3A_277 = tpu.memref_slice %arg12[%mul3A_275, %dma_wait3A_276] : memref<256x128xf32, #tpu.memory_space<vmem>> -> memref<16x128xf32, #tpu.memory_space<vmem>>
          %dma_wait3A_278 = tpu.memref_slice %arg10[%mul3A_273] : memref<6432xi32, #tpu.memory_space<vmem>> -> memref<16xi32, #tpu.memory_space<vmem>>
          %dma_wait3A_279 = arith.constant 0 : i32
          %dma_wait3A_280 = arith.constant 0 : i32
          %dma_wait3A_281 = tpu.memref_slice %arg2[%dma_wait3A_279, %dma_wait3A_280] : memref<10000x128xf32, #tpu.memory_space<hbm>> -> memref<10000x128xf32, #tpu.memory_space<hbm>>
          tpu.wait_indirect_dma semaphore(%arg13 : memref<!tpu.dma_semaphore, #tpu.memory_space<semaphore_mem>>) src(%dma_wait3A_281 : memref<10000x128xf32, #tpu.memory_space<hbm>>) dst(%dma_wait3A_277 : memref<16x128xf32, #tpu.memory_space<vmem>>)
        }
        %mul3A_258 = arith.constant 16 : i32
        %mul3A_259 = arith.muli %min3A_243, %mul3A_258 : i32
        %while3A_260 = arith.constant 0 : i32
        %while3A_261 = arith.constant 0 : i32
        %while3A_262 = arith.subi %mul3A_259, %while3A_261 : i32
        %while3A_263 = arith.addi %while3A_261, %while3A_262 : i32
        %while3A_264 = arith.constant 1 : i32
        %while3A_265 = arith.divsi %while3A_262, %while3A_264 : i32
        %while3A_266 = arith.muli %while3A_265, %while3A_264 : i32
        %while3A_267 = arith.addi %while3A_261, %while3A_266 : i32
        %while3A_268 = arith.constant 1 : i32
        scf.for %while3A_270 = %while3A_261 to %while3A_267 step %while3A_268  : i32 {
          %mul3A_271 = arith.constant 16 : i32
          %mul3A_272 = arith.muli %mul3A_240, %mul3A_271 : i32
          %add3A_273 = arith.addi %mul3A_272, %while3A_270 : i32
          %get3A = arith.index_cast %add3A_273 : i32 to index
          %get3A_274 = tpu.vector_load %arg8[%get3A] {strides = array<i32>} : memref<6432xi32, #tpu.memory_space<vmem>>, vector<16xi32>,
          %slice3A = vector.extract_strided_slice %get3A_274 {offsets = [0], sizes = [1], strides = [1]} : vector<16xi32> to vector<1xi32>
          %squeeze3A = vector.extract %slice3A[0] : i32 from vector<1xi32>
          %get3A_275 = arith.index_cast %squeeze3A : i32 to index
          %get3A_276 = arith.constant 0 : index
          %get3A_277 = tpu.vector_load %arg5[%get3A_275, %get3A_276] {strides = array<i32>} : memref<321x128xf32, #tpu.memory_space<vmem>>, vector<16xf32>,
          %get3A_278 = arith.index_cast %while3A_270 : i32 to index
          %get3A_279 = arith.constant 0 : index
          %get3A_280 = tpu.vector_load %arg12[%get3A_278, %get3A_279] {strides = array<i32>} : memref<256x128xf32, #tpu.memory_space<vmem>>, vector<16xf32>,
          %max3A = arith.maximumf %get3A_277, %get3A_280 : vector<16xf32>
          %swap3A = arith.index_cast %squeeze3A : i32 to index
          %swap3A_281 = arith.constant 0 : index
          %swap3A_282 = tpu.vector_load %arg5[%swap3A, %swap3A_281] {strides = array<i32>} : memref<321x128xf32, #tpu.memory_space<vmem>>, vector<16xf32>,
          tpu.vector_store %arg5[%swap3A, %swap3A_281], %max3A {strides = array<i32>} : memref<321x128xf32, #tpu.memory_space<vmem>>, vector<16xf32>,
          %get3A_283 = arith.index_cast %squeeze3A : i32 to index
          %get3A_284 = arith.constant 16 : index
          %get3A_285 = tpu.vector_load %arg5[%get3A_283, %get3A_284] {strides = array<i32>} : memref<321x128xf32, #tpu.memory_space<vmem>>, vector<16xf32>,
          %get3A_286 = arith.index_cast %while3A_270 : i32 to index
          %get3A_287 = arith.constant 16 : index
          %get3A_288 = tpu.vector_load %arg12[%get3A_286, %get3A_287] {strides = array<i32>} : memref<256x128xf32, #tpu.memory_space<vmem>>, vector<16xf32>,
          %max3A_289 = arith.maximumf %get3A_285, %get3A_288 : vector<16xf32>
          %swap3A_290 = arith.index_cast %squeeze3A : i32 to index
          %swap3A_291 = arith.constant 16 : index
          %swap3A_292 = tpu.vector_load %arg5[%swap3A_290, %swap3A_291] {strides = array<i32>} : memref<321x128xf32, #tpu.memory_space<vmem>>, vector<16xf32>,
          tpu.vector_store %arg5[%swap3A_290, %swap3A_291], %max3A_289 {strides = array<i32>} : memref<321x128xf32, #tpu.memory_space<vmem>>, vector<16xf32>,
          %get3A_293 = arith.index_cast %squeeze3A : i32 to index
          %get3A_294 = arith.constant 32 : index
          %get3A_295 = tpu.vector_load %arg5[%get3A_293, %get3A_294] {strides = array<i32>} : memref<321x128xf32, #tpu.memory_space<vmem>>, vector<16xf32>,
          %get3A_296 = arith.index_cast %while3A_270 : i32 to index
          %get3A_297 = arith.constant 32 : index
          %get3A_298 = tpu.vector_load %arg12[%get3A_296, %get3A_297] {strides = array<i32>} : memref<256x128xf32, #tpu.memory_space<vmem>>, vector<16xf32>,
          %max3A_299 = arith.maximumf %get3A_295, %get3A_298 : vector<16xf32>
          %swap3A_300 = arith.index_cast %squeeze3A : i32 to index
          %swap3A_301 = arith.constant 32 : index
          %swap3A_302 = tpu.vector_load %arg5[%swap3A_300, %swap3A_301] {strides = array<i32>} : memref<321x128xf32, #tpu.memory_space<vmem>>, vector<16xf32>,
          tpu.vector_store %arg5[%swap3A_300, %swap3A_301], %max3A_299 {strides = array<i32>} : memref<321x128xf32, #tpu.memory_space<vmem>>, vector<16xf32>,
          %get3A_303 = arith.index_cast %squeeze3A : i32 to index
          %get3A_304 = arith.constant 48 : index
          %get3A_305 = tpu.vector_load %arg5[%get3A_303, %get3A_304] {strides = array<i32>} : memref<321x128xf32, #tpu.memory_space<vmem>>, vector<16xf32>,
          %get3A_306 = arith.index_cast %while3A_270 : i32 to index
          %get3A_307 = arith.constant 48 : index
          %get3A_308 = tpu.vector_load %arg12[%get3A_306, %get3A_307] {strides = array<i32>} : memref<256x128xf32, #tpu.memory_space<vmem>>, vector<16xf32>,
          %max3A_309 = arith.maximumf %get3A_305, %get3A_308 : vector<16xf32>
          %swap3A_310 = arith.index_cast %squeeze3A : i32 to index
          %swap3A_311 = arith.constant 48 : index
          %swap3A_312 = tpu.vector_load %arg5[%swap3A_310, %swap3A_311] {strides = array<i32>} : memref<321x128xf32, #tpu.memory_space<vmem>>, vector<16xf32>,
          tpu.vector_store %arg5[%swap3A_310, %swap3A_311], %max3A_309 {strides = array<i32>} : memref<321x128xf32, #tpu.memory_space<vmem>>, vector<16xf32>,
          %get3A_313 = arith.index_cast %squeeze3A : i32 to index
          %get3A_314 = arith.constant 64 : index
          %get3A_315 = tpu.vector_load %arg5[%get3A_313, %get3A_314] {strides = array<i32>} : memref<321x128xf32, #tpu.memory_space<vmem>>, vector<16xf32>,
          %get3A_316 = arith.index_cast %while3A_270 : i32 to index
          %get3A_317 = arith.constant 64 : index
          %get3A_318 = tpu.vector_load %arg12[%get3A_316, %get3A_317] {strides = array<i32>} : memref<256x128xf32, #tpu.memory_space<vmem>>, vector<16xf32>,
          %max3A_319 = arith.maximumf %get3A_315, %get3A_318 : vector<16xf32>
          %swap3A_320 = arith.index_cast %squeeze3A : i32 to index
          %swap3A_321 = arith.constant 64 : index
          %swap3A_322 = tpu.vector_load %arg5[%swap3A_320, %swap3A_321] {strides = array<i32>} : memref<321x128xf32, #tpu.memory_space<vmem>>, vector<16xf32>,
          tpu.vector_store %arg5[%swap3A_320, %swap3A_321], %max3A_319 {strides = array<i32>} : memref<321x128xf32, #tpu.memory_space<vmem>>, vector<16xf32>,
          %get3A_323 = arith.index_cast %squeeze3A : i32 to index
          %get3A_324 = arith.constant 80 : index
          %get3A_325 = tpu.vector_load %arg5[%get3A_323, %get3A_324] {strides = array<i32>} : memref<321x128xf32, #tpu.memory_space<vmem>>, vector<16xf32>,
          %get3A_326 = arith.index_cast %while3A_270 : i32 to index
          %get3A_327 = arith.constant 80 : index
          %get3A_328 = tpu.vector_load %arg12[%get3A_326, %get3A_327] {strides = array<i32>} : memref<256x128xf32, #tpu.memory_space<vmem>>, vector<16xf32>,
          %max3A_329 = arith.maximumf %get3A_325, %get3A_328 : vector<16xf32>
          %swap3A_330 = arith.index_cast %squeeze3A : i32 to index
          %swap3A_331 = arith.constant 80 : index
          %swap3A_332 = tpu.vector_load %arg5[%swap3A_330, %swap3A_331] {strides = array<i32>} : memref<321x128xf32, #tpu.memory_space<vmem>>, vector<16xf32>,
          tpu.vector_store %arg5[%swap3A_330, %swap3A_331], %max3A_329 {strides = array<i32>} : memref<321x128xf32, #tpu.memory_space<vmem>>, vector<16xf32>,
          %get3A_333 = arith.index_cast %squeeze3A : i32 to index
          %get3A_334 = arith.constant 96 : index
          %get3A_335 = tpu.vector_load %arg5[%get3A_333, %get3A_334] {strides = array<i32>} : memref<321x128xf32, #tpu.memory_space<vmem>>, vector<16xf32>,
          %get3A_336 = arith.index_cast %while3A_270 : i32 to index
          %get3A_337 = arith.constant 96 : index
          %get3A_338 = tpu.vector_load %arg12[%get3A_336, %get3A_337] {strides = array<i32>} : memref<256x128xf32, #tpu.memory_space<vmem>>, vector<16xf32>,
          %max3A_339 = arith.maximumf %get3A_335, %get3A_338 : vector<16xf32>
          %swap3A_340 = arith.index_cast %squeeze3A : i32 to index
          %swap3A_341 = arith.constant 96 : index
          %swap3A_342 = tpu.vector_load %arg5[%swap3A_340, %swap3A_341] {strides = array<i32>} : memref<321x128xf32, #tpu.memory_space<vmem>>, vector<16xf32>,
          tpu.vector_store %arg5[%swap3A_340, %swap3A_341], %max3A_339 {strides = array<i32>} : memref<321x128xf32, #tpu.memory_space<vmem>>, vector<16xf32>,
          %get3A_343 = arith.index_cast %squeeze3A : i32 to index
          %get3A_344 = arith.constant 112 : index
          %get3A_345 = tpu.vector_load %arg5[%get3A_343, %get3A_344] {strides = array<i32>} : memref<321x128xf32, #tpu.memory_space<vmem>>, vector<16xf32>,
          %get3A_346 = arith.index_cast %while3A_270 : i32 to index
          %get3A_347 = arith.constant 112 : index
          %get3A_348 = tpu.vector_load %arg12[%get3A_346, %get3A_347] {strides = array<i32>} : memref<256x128xf32, #tpu.memory_space<vmem>>, vector<16xf32>,
          %max3A_349 = arith.maximumf %get3A_345, %get3A_348 : vector<16xf32>
          %swap3A_350 = arith.index_cast %squeeze3A : i32 to index
          %swap3A_351 = arith.constant 112 : index
          %swap3A_352 = tpu.vector_load %arg5[%swap3A_350, %swap3A_351] {strides = array<i32>} : memref<321x128xf32, #tpu.memory_space<vmem>>, vector<16xf32>,
          tpu.vector_store %arg5[%swap3A_350, %swap3A_351], %max3A_349 {strides = array<i32>} : memref<321x128xf32, #tpu.memory_space<vmem>>, vector<16xf32>,
        }
        %while3A_269 = arith.constant 1 : i32
        scf.for %while3A_270 = %while3A_267 to %while3A_263 step %while3A_269  : i32 {
          %mul3A_271 = arith.constant 16 : i32
          %mul3A_272 = arith.muli %mul3A_240, %mul3A_271 : i32
          %add3A_273 = arith.addi %mul3A_272, %while3A_270 : i32
          %get3A = arith.index_cast %add3A_273 : i32 to index
          %get3A_274 = tpu.vector_load %arg8[%get3A] {strides = array<i32>} : memref<6432xi32, #tpu.memory_space<vmem>>, vector<16xi32>,
          %slice3A = vector.extract_strided_slice %get3A_274 {offsets = [0], sizes = [1], strides = [1]} : vector<16xi32> to vector<1xi32>
          %squeeze3A = vector.extract %slice3A[0] : i32 from vector<1xi32>
          %get3A_275 = arith.index_cast %squeeze3A : i32 to index
          %get3A_276 = arith.constant 0 : index
          %get3A_277 = tpu.vector_load %arg5[%get3A_275, %get3A_276] {strides = array<i32>} : memref<321x128xf32, #tpu.memory_space<vmem>>, vector<16xf32>,
          %get3A_278 = arith.index_cast %while3A_270 : i32 to index
          %get3A_279 = arith.constant 0 : index
          %get3A_280 = tpu.vector_load %arg12[%get3A_278, %get3A_279] {strides = array<i32>} : memref<256x128xf32, #tpu.memory_space<vmem>>, vector<16xf32>,
          %max3A = arith.maximumf %get3A_277, %get3A_280 : vector<16xf32>
          %swap3A = arith.index_cast %squeeze3A : i32 to index
          %swap3A_281 = arith.constant 0 : index
          %swap3A_282 = tpu.vector_load %arg5[%swap3A, %swap3A_281] {strides = array<i32>} : memref<321x128xf32, #tpu.memory_space<vmem>>, vector<16xf32>,
          tpu.vector_store %arg5[%swap3A, %swap3A_281], %max3A {strides = array<i32>} : memref<321x128xf32, #tpu.memory_space<vmem>>, vector<16xf32>,
          %get3A_283 = arith.index_cast %squeeze3A : i32 to index
          %get3A_284 = arith.constant 16 : index
          %get3A_285 = tpu.vector_load %arg5[%get3A_283, %get3A_284] {strides = array<i32>} : memref<321x128xf32, #tpu.memory_space<vmem>>, vector<16xf32>,
          %get3A_286 = arith.index_cast %while3A_270 : i32 to index
          %get3A_287 = arith.constant 16 : index
          %get3A_288 = tpu.vector_load %arg12[%get3A_286, %get3A_287] {strides = array<i32>} : memref<256x128xf32, #tpu.memory_space<vmem>>, vector<16xf32>,
          %max3A_289 = arith.maximumf %get3A_285, %get3A_288 : vector<16xf32>
          %swap3A_290 = arith.index_cast %squeeze3A : i32 to index
          %swap3A_291 = arith.constant 16 : index
          %swap3A_292 = tpu.vector_load %arg5[%swap3A_290, %swap3A_291] {strides = array<i32>} : memref<321x128xf32, #tpu.memory_space<vmem>>, vector<16xf32>,
          tpu.vector_store %arg5[%swap3A_290, %swap3A_291], %max3A_289 {strides = array<i32>} : memref<321x128xf32, #tpu.memory_space<vmem>>, vector<16xf32>,
          %get3A_293 = arith.index_cast %squeeze3A : i32 to index
          %get3A_294 = arith.constant 32 : index
          %get3A_295 = tpu.vector_load %arg5[%get3A_293, %get3A_294] {strides = array<i32>} : memref<321x128xf32, #tpu.memory_space<vmem>>, vector<16xf32>,
          %get3A_296 = arith.index_cast %while3A_270 : i32 to index
          %get3A_297 = arith.constant 32 : index
          %get3A_298 = tpu.vector_load %arg12[%get3A_296, %get3A_297] {strides = array<i32>} : memref<256x128xf32, #tpu.memory_space<vmem>>, vector<16xf32>,
          %max3A_299 = arith.maximumf %get3A_295, %get3A_298 : vector<16xf32>
          %swap3A_300 = arith.index_cast %squeeze3A : i32 to index
          %swap3A_301 = arith.constant 32 : index
          %swap3A_302 = tpu.vector_load %arg5[%swap3A_300, %swap3A_301] {strides = array<i32>} : memref<321x128xf32, #tpu.memory_space<vmem>>, vector<16xf32>,
          tpu.vector_store %arg5[%swap3A_300, %swap3A_301], %max3A_299 {strides = array<i32>} : memref<321x128xf32, #tpu.memory_space<vmem>>, vector<16xf32>,
          %get3A_303 = arith.index_cast %squeeze3A : i32 to index
          %get3A_304 = arith.constant 48 : index
          %get3A_305 = tpu.vector_load %arg5[%get3A_303, %get3A_304] {strides = array<i32>} : memref<321x128xf32, #tpu.memory_space<vmem>>, vector<16xf32>,
          %get3A_306 = arith.index_cast %while3A_270 : i32 to index
          %get3A_307 = arith.constant 48 : index
          %get3A_308 = tpu.vector_load %arg12[%get3A_306, %get3A_307] {strides = array<i32>} : memref<256x128xf32, #tpu.memory_space<vmem>>, vector<16xf32>,
          %max3A_309 = arith.maximumf %get3A_305, %get3A_308 : vector<16xf32>
          %swap3A_310 = arith.index_cast %squeeze3A : i32 to index
          %swap3A_311 = arith.constant 48 : index
          %swap3A_312 = tpu.vector_load %arg5[%swap3A_310, %swap3A_311] {strides = array<i32>} : memref<321x128xf32, #tpu.memory_space<vmem>>, vector<16xf32>,
          tpu.vector_store %arg5[%swap3A_310, %swap3A_311], %max3A_309 {strides = array<i32>} : memref<321x128xf32, #tpu.memory_space<vmem>>, vector<16xf32>,
          %get3A_313 = arith.index_cast %squeeze3A : i32 to index
          %get3A_314 = arith.constant 64 : index
          %get3A_315 = tpu.vector_load %arg5[%get3A_313, %get3A_314] {strides = array<i32>} : memref<321x128xf32, #tpu.memory_space<vmem>>, vector<16xf32>,
          %get3A_316 = arith.index_cast %while3A_270 : i32 to index
          %get3A_317 = arith.constant 64 : index
          %get3A_318 = tpu.vector_load %arg12[%get3A_316, %get3A_317] {strides = array<i32>} : memref<256x128xf32, #tpu.memory_space<vmem>>, vector<16xf32>,
          %max3A_319 = arith.maximumf %get3A_315, %get3A_318 : vector<16xf32>
          %swap3A_320 = arith.index_cast %squeeze3A : i32 to index
          %swap3A_321 = arith.constant 64 : index
          %swap3A_322 = tpu.vector_load %arg5[%swap3A_320, %swap3A_321] {strides = array<i32>} : memref<321x128xf32, #tpu.memory_space<vmem>>, vector<16xf32>,
          tpu.vector_store %arg5[%swap3A_320, %swap3A_321], %max3A_319 {strides = array<i32>} : memref<321x128xf32, #tpu.memory_space<vmem>>, vector<16xf32>,
          %get3A_323 = arith.index_cast %squeeze3A : i32 to index
          %get3A_324 = arith.constant 80 : index
          %get3A_325 = tpu.vector_load %arg5[%get3A_323, %get3A_324] {strides = array<i32>} : memref<321x128xf32, #tpu.memory_space<vmem>>, vector<16xf32>,
          %get3A_326 = arith.index_cast %while3A_270 : i32 to index
          %get3A_327 = arith.constant 80 : index
          %get3A_328 = tpu.vector_load %arg12[%get3A_326, %get3A_327] {strides = array<i32>} : memref<256x128xf32, #tpu.memory_space<vmem>>, vector<16xf32>,
          %max3A_329 = arith.maximumf %get3A_325, %get3A_328 : vector<16xf32>
          %swap3A_330 = arith.index_cast %squeeze3A : i32 to index
          %swap3A_331 = arith.constant 80 : index
          %swap3A_332 = tpu.vector_load %arg5[%swap3A_330, %swap3A_331] {strides = array<i32>} : memref<321x128xf32, #tpu.memory_space<vmem>>, vector<16xf32>,
          tpu.vector_store %arg5[%swap3A_330, %swap3A_331], %max3A_329 {strides = array<i32>} : memref<321x128xf32, #tpu.memory_space<vmem>>, vector<16xf32>,
          %get3A_333 = arith.index_cast %squeeze3A : i32 to index
          %get3A_334 = arith.constant 96 : index
          %get3A_335 = tpu.vector_load %arg5[%get3A_333, %get3A_334] {strides = array<i32>} : memref<321x128xf32, #tpu.memory_space<vmem>>, vector<16xf32>,
          %get3A_336 = arith.index_cast %while3A_270 : i32 to index
          %get3A_337 = arith.constant 96 : index
          %get3A_338 = tpu.vector_load %arg12[%get3A_336, %get3A_337] {strides = array<i32>} : memref<256x128xf32, #tpu.memory_space<vmem>>, vector<16xf32>,
          %max3A_339 = arith.maximumf %get3A_335, %get3A_338 : vector<16xf32>
          %swap3A_340 = arith.index_cast %squeeze3A : i32 to index
          %swap3A_341 = arith.constant 96 : index
          %swap3A_342 = tpu.vector_load %arg5[%swap3A_340, %swap3A_341] {strides = array<i32>} : memref<321x128xf32, #tpu.memory_space<vmem>>, vector<16xf32>,
          tpu.vector_store %arg5[%swap3A_340, %swap3A_341], %max3A_339 {strides = array<i32>} : memref<321x128xf32, #tpu.memory_space<vmem>>, vector<16xf32>,
          %get3A_343 = arith.index_cast %squeeze3A : i32 to index
          %get3A_344 = arith.constant 112 : index
          %get3A_345 = tpu.vector_load %arg5[%get3A_343, %get3A_344] {strides = array<i32>} : memref<321x128xf32, #tpu.memory_space<vmem>>, vector<16xf32>,
          %get3A_346 = arith.index_cast %while3A_270 : i32 to index
          %get3A_347 = arith.constant 112 : index
          %get3A_348 = tpu.vector_load %arg12[%get3A_346, %get3A_347] {strides = array<i32>} : memref<256x128xf32, #tpu.memory_space<vmem>>, vector<16xf32>,
          %max3A_349 = arith.maximumf %get3A_345, %get3A_348 : vector<16xf32>
          %swap3A_350 = arith.index_cast %squeeze3A : i32 to index
          %swap3A_351 = arith.constant 112 : index
          %swap3A_352 = tpu.vector_load %arg5[%swap3A_350, %swap3A_351] {strides = array<i32>} : memref<321x128xf32, #tpu.memory_space<vmem>>, vector<16xf32>,
          tpu.vector_store %arg5[%swap3A_350, %swap3A_351], %max3A_349 {strides = array<i32>} : memref<321x128xf32, #tpu.memory_space<vmem>>, vector<16xf32>,
        }
      }
      %add3A_230 = arith.constant 1 : i32
      %add3A_231 = arith.addi %add3A_102, %add3A_230 : i32
      %lt3A_232 = arith.constant 50 : i32
      %lt3A_233 = arith.cmpi slt, %add3A_231, %lt3A_232 : i32
      %convert_element_type3A_234 = arith.extui %lt3A_233 : i1 to i32
      %cond3A_235 = arith.constant 0 : i32
      %cond3A_236 = arith.cmpi ne, %convert_element_type3A_234, %cond3A_235 : i32
      %cond3A_237 = scf.if %cond3A_236 -> (i32) {
        %add3A_238 = arith.constant 16 : i32
        %add3A_239 = arith.addi %scan3A_155, %add3A_238 : i32
        %sub3A_240 = arith.constant 1 : i32
        %sub3A_241 = arith.subi %add3A_239, %sub3A_240 : i32
        %jit3A_242 = arith.constant 16 : i32
        %div3A_243 = arith.divsi %sub3A_241, %jit3A_242 : i32
        %sign3A_244 = arith.constant 0 : i32
        %sign3A_245 = arith.cmpi sgt, %sub3A_241, %sign3A_244 : i32
        %sign3A_246 = arith.extui %sign3A_245 : i1 to i32
        %sign3A_247 = arith.constant 0 : i32
        %sign3A_248 = arith.cmpi slt, %sub3A_241, %sign3A_247 : i32
        %sign3A_249 = arith.extui %sign3A_248 : i1 to i32
        %sign3A_250 = arith.subi %sign3A_246, %sign3A_249 : i32
        %sign3A_251 = arith.constant 0 : i32
        %sign3A_252 = arith.cmpi sgt, %jit3A_242, %sign3A_251 : i32
        %sign3A_253 = arith.extui %sign3A_252 : i1 to i32
        %sign3A_254 = arith.constant 0 : i32
        %sign3A_255 = arith.cmpi slt, %jit3A_242, %sign3A_254 : i32
        %sign3A_256 = arith.extui %sign3A_255 : i1 to i32
        %sign3A_257 = arith.subi %sign3A_253, %sign3A_256 : i32
        %ne3A_258 = arith.cmpi ne, %sign3A_250, %sign3A_257 : i32
        %rem3A_259 = arith.remsi %sub3A_241, %jit3A_242 : i32
        %ne3A_260 = arith.constant 0 : i32
        %ne3A_261 = arith.cmpi ne, %rem3A_259, %ne3A_260 : i32
        %and3A_262 = arith.andi %ne3A_258, %ne3A_261 : i1
        %sub3A_263 = arith.constant 1 : i32
        %sub3A_264 = arith.subi %div3A_243, %sub3A_263 : i32
        %select_n3A_265 = arith.select %and3A_262, %sub3A_264, %div3A_243 : i32
        %min3A_266 = arith.constant 16 : i32
        %min3A_267 = arith.minsi %select_n3A_265, %min3A_266 : i32
        %while3A_268 = arith.constant 0 : i32
        %while3A_269 = arith.constant 0 : i32
        %while3A_270 = arith.subi %min3A_267, %while3A_269 : i32
        %while3A_271 = arith.addi %while3A_269, %while3A_270 : i32
        %while3A_272 = arith.constant 1 : i32
        %while3A_273 = arith.divsi %while3A_270, %while3A_272 : i32
        %while3A_274 = arith.muli %while3A_273, %while3A_272 : i32
        %while3A_275 = arith.addi %while3A_269, %while3A_274 : i32
        %while3A_276 = arith.constant 1 : i32
        scf.for %while3A_369 = %while3A_269 to %while3A_275 step %while3A_276  : i32 {
          %add3A_370 = arith.constant 0 : i32
          %add3A_371 = arith.addi %add3A_370, %while3A_369 : i32
          %mul3A_372 = arith.constant 16 : i32
          %mul3A_373 = arith.muli %add3A_371, %mul3A_372 : i32
          %mul3A_374 = arith.constant 16 : i32
          %mul3A_375 = arith.muli %while3A_369, %mul3A_374 : i32
          %dma_start3A_376 = arith.constant 0 : i32
          %dma_start3A_377 = tpu.memref_slice %arg12[%mul3A_375, %dma_start3A_376] : memref<256x128xf32, #tpu.memory_space<vmem>> -> memref<16x128xf32, #tpu.memory_space<vmem>>
          %dma_start3A_378 = tpu.memref_slice %arg11[%mul3A_373] : memref<6432xi32, #tpu.memory_space<vmem>> -> memref<16xi32, #tpu.memory_space<vmem>>
          %dma_start3A_379 = arith.constant 0 : i32
          %dma_start3A_380 = arith.constant 0 : i32
          %dma_start3A_381 = tpu.memref_slice %arg2[%dma_start3A_379, %dma_start3A_380] : memref<10000x128xf32, #tpu.memory_space<hbm>> -> memref<10000x128xf32, #tpu.memory_space<hbm>>
          tpu.enqueue_indirect_dma source(%dma_start3A_381 : memref<10000x128xf32, #tpu.memory_space<hbm>>) target(%dma_start3A_377 : memref<16x128xf32, #tpu.memory_space<vmem>>) offsets(%dma_start3A_378 : memref<16xi32, #tpu.memory_space<vmem>>) semaphore(%arg13 : memref<!tpu.dma_semaphore, #tpu.memory_space<semaphore_mem>>)
        }
        %while3A_277 = arith.constant 1 : i32
        scf.for %while3A_369 = %while3A_275 to %while3A_271 step %while3A_277  : i32 {
          %add3A_370 = arith.constant 0 : i32
          %add3A_371 = arith.addi %add3A_370, %while3A_369 : i32
          %mul3A_372 = arith.constant 16 : i32
          %mul3A_373 = arith.muli %add3A_371, %mul3A_372 : i32
          %mul3A_374 = arith.constant 16 : i32
          %mul3A_375 = arith.muli %while3A_369, %mul3A_374 : i32
          %dma_start3A_376 = arith.constant 0 : i32
          %dma_start3A_377 = tpu.memref_slice %arg12[%mul3A_375, %dma_start3A_376] : memref<256x128xf32, #tpu.memory_space<vmem>> -> memref<16x128xf32, #tpu.memory_space<vmem>>
          %dma_start3A_378 = tpu.memref_slice %arg11[%mul3A_373] : memref<6432xi32, #tpu.memory_space<vmem>> -> memref<16xi32, #tpu.memory_space<vmem>>
          %dma_start3A_379 = arith.constant 0 : i32
          %dma_start3A_380 = arith.constant 0 : i32
          %dma_start3A_381 = tpu.memref_slice %arg2[%dma_start3A_379, %dma_start3A_380] : memref<10000x128xf32, #tpu.memory_space<hbm>> -> memref<10000x128xf32, #tpu.memory_space<hbm>>
          tpu.enqueue_indirect_dma source(%dma_start3A_381 : memref<10000x128xf32, #tpu.memory_space<hbm>>) target(%dma_start3A_377 : memref<16x128xf32, #tpu.memory_space<vmem>>) offsets(%dma_start3A_378 : memref<16xi32, #tpu.memory_space<vmem>>) semaphore(%arg13 : memref<!tpu.dma_semaphore, #tpu.memory_space<semaphore_mem>>)
        }
        %mul3A_278 = arith.constant 6400 : i32
        %mul3A_279 = arith.muli %add3A_231, %mul3A_278 : i32
        %dma_wait3A_280 = tpu.memref_slice %arg3[%mul3A_279] : memref<320000xi32, #tpu.memory_space<hbm>> -> memref<6400xi32, #tpu.memory_space<hbm>>
        %dma_wait3A_281 = tpu.memref_slice %arg3[%mul3A_279] : memref<320000xi32, #tpu.memory_space<hbm>> -> memref<6400xi32, #tpu.memory_space<hbm>>
        tpu.wait_dma2 semaphore(%arg14 : memref<!tpu.dma_semaphore, #tpu.memory_space<semaphore_mem>>) src(%dma_wait3A_281 : memref<6400xi32, #tpu.memory_space<hbm>>) dst(%arg6 : memref<6400xi32, #tpu.memory_space<vmem>>)
        %add3A_282 = arith.constant 1 : i32
        %add3A_283 = arith.addi %add3A_231, %add3A_282 : i32
        %lt3A_284 = arith.constant 50 : i32
        %lt3A_285 = arith.cmpi slt, %add3A_283, %lt3A_284 : i32
        %convert_element_type3A_286 = arith.extui %lt3A_285 : i1 to i32
        %cond3A_287 = arith.constant 0 : i32
        %cond3A_288 = arith.cmpi ne, %convert_element_type3A_286, %cond3A_287 : i32
        scf.if %cond3A_288 {
          %add3A_369 = arith.constant 1 : i32
          %add3A_370 = arith.addi %add3A_231, %add3A_369 : i32
          %mul3A_371 = arith.constant 6400 : i32
          %mul3A_372 = arith.muli %add3A_370, %mul3A_371 : i32
          %dma_start3A_373 = tpu.memref_slice %arg3[%mul3A_372] : memref<320000xi32, #tpu.memory_space<hbm>> -> memref<6400xi32, #tpu.memory_space<hbm>>
          %dma_start3A_374 = tpu.memref_slice %arg3[%mul3A_372] : memref<320000xi32, #tpu.memory_space<hbm>> -> memref<6400xi32, #tpu.memory_space<hbm>>
          tpu.enqueue_dma source(%dma_start3A_374 : memref<6400xi32, #tpu.memory_space<hbm>>) target(%arg7 : memref<6400xi32, #tpu.memory_space<vmem>>) target_semaphore(%arg15 : memref<!tpu.dma_semaphore, #tpu.memory_space<semaphore_mem>>)
        } else {
        }
        %scan3A_289 = arith.constant 0 : i32
        %scan3A_290 = arith.constant 0 : i32
        %scan3A_291 = arith.constant 50 : i32
        %scan3A_292 = arith.addi %scan3A_290, %scan3A_291 : i32
        %scan3A_293 = arith.constant 1 : i32
        %scan3A_294 = scf.for %scan3A_369 = %scan3A_290 to %scan3A_292 step %scan3A_293 iter_args(%scan3A_370 = %scan3A_289) -> (i32)  : i32 {
          %mul3A_371 = arith.constant 128 : i32
          %mul3A_372 = arith.muli %scan3A_369, %mul3A_371 : i32
          %add3A_373 = arith.constant 0 : i32
          %add3A_374 = arith.addi %mul3A_372, %add3A_373 : i32
          %get3A = arith.index_cast %add3A_374 : i32 to index
          %get3A_375 = tpu.vector_load %arg6[%get3A] {strides = array<i32>} : memref<6400xi32, #tpu.memory_space<vmem>>, vector<16xi32>,
          %shift_right_logical3A = arith.constant 14 : i32
          %shift_right_logical3A_376 = vector.broadcast %shift_right_logical3A : i32 to vector<16xi32>
          %shift_right_logical3A_377 = arith.shrui %get3A_375, %shift_right_logical3A_376 : vector<16xi32>
          %ge3A = vector.broadcast %mul3A_2 : i32 to vector<16xi32>
          %ge3A_378 = arith.cmpi sge, %shift_right_logical3A_377, %ge3A : vector<16xi32>
          %lt3A_379 = vector.broadcast %add3A_4 : i32 to vector<16xi32>
          %lt3A_380 = arith.cmpi slt, %shift_right_logical3A_377, %lt3A_379 : vector<16xi32>
          %and3A_381 = arith.andi %ge3A_378, %lt3A_380 : vector<16xi1>
          %sub3A_382 = vector.broadcast %mul3A_2 : i32 to vector<16xi32>
          %sub3A_383 = arith.subi %shift_right_logical3A_377, %sub3A_382 : vector<16xi32>
          %swap3A = arith.index_cast %scan3A_370 : i32 to index
          %swap3A_384 = tpu.vector_load %arg8[%swap3A] masked %and3A_381 {strides = array<i32>} : memref<6432xi32, #tpu.memory_space<vmem>>, vector<16xi32>, vector<16xi1>
          tpu.vector_store %arg8[%swap3A], %sub3A_383 masked %and3A_381 {strides = array<i32>} : memref<6432xi32, #tpu.memory_space<vmem>>, vector<16xi32>, vector<16xi1>
          %and3A_385 = arith.constant 16383 : i32
          %and3A_386 = vector.broadcast %and3A_385 : i32 to vector<16xi32>
          %and3A_387 = arith.andi %get3A_375, %and3A_386 : vector<16xi32>
          %swap3A_388 = arith.index_cast %scan3A_370 : i32 to index
          %swap3A_389 = tpu.vector_load %arg10[%swap3A_388] masked %and3A_381 {strides = array<i32>} : memref<6432xi32, #tpu.memory_space<vmem>>, vector<16xi32>, vector<16xi1>
          tpu.vector_store %arg10[%swap3A_388], %and3A_387 masked %and3A_381 {strides = array<i32>} : memref<6432xi32, #tpu.memory_space<vmem>>, vector<16xi32>, vector<16xi1>
          %all_reduce_population_count3A = tpu.all_reduce %and3A_381 {dim = 0 : i64, kind = #tpu.reduction_kind<sum>} : vector<16xi1> -> vector<16xi32>
          %slice3A = vector.extract_strided_slice %all_reduce_population_count3A {offsets = [0], sizes = [1], strides = [1]} : vector<16xi32> to vector<1xi32>
          %squeeze3A = vector.extract %slice3A[0] : i32 from vector<1xi32>
          %add3A_390 = arith.addi %scan3A_370, %squeeze3A : i32
          %add3A_391 = arith.constant 16 : i32
          %add3A_392 = arith.addi %mul3A_372, %add3A_391 : i32
          %get3A_393 = arith.index_cast %add3A_392 : i32 to index
          %get3A_394 = tpu.vector_load %arg6[%get3A_393] {strides = array<i32>} : memref<6400xi32, #tpu.memory_space<vmem>>, vector<16xi32>,
          %shift_right_logical3A_395 = arith.constant 14 : i32
          %shift_right_logical3A_396 = vector.broadcast %shift_right_logical3A_395 : i32 to vector<16xi32>
          %shift_right_logical3A_397 = arith.shrui %get3A_394, %shift_right_logical3A_396 : vector<16xi32>
          %ge3A_398 = vector.broadcast %mul3A_2 : i32 to vector<16xi32>
          %ge3A_399 = arith.cmpi sge, %shift_right_logical3A_397, %ge3A_398 : vector<16xi32>
          %lt3A_400 = vector.broadcast %add3A_4 : i32 to vector<16xi32>
          %lt3A_401 = arith.cmpi slt, %shift_right_logical3A_397, %lt3A_400 : vector<16xi32>
          %and3A_402 = arith.andi %ge3A_399, %lt3A_401 : vector<16xi1>
          %sub3A_403 = vector.broadcast %mul3A_2 : i32 to vector<16xi32>
          %sub3A_404 = arith.subi %shift_right_logical3A_397, %sub3A_403 : vector<16xi32>
          %swap3A_405 = arith.index_cast %add3A_390 : i32 to index
          %swap3A_406 = tpu.vector_load %arg8[%swap3A_405] masked %and3A_402 {strides = array<i32>} : memref<6432xi32, #tpu.memory_space<vmem>>, vector<16xi32>, vector<16xi1>
          tpu.vector_store %arg8[%swap3A_405], %sub3A_404 masked %and3A_402 {strides = array<i32>} : memref<6432xi32, #tpu.memory_space<vmem>>, vector<16xi32>, vector<16xi1>
          %and3A_407 = arith.constant 16383 : i32
          %and3A_408 = vector.broadcast %and3A_407 : i32 to vector<16xi32>
          %and3A_409 = arith.andi %get3A_394, %and3A_408 : vector<16xi32>
          %swap3A_410 = arith.index_cast %add3A_390 : i32 to index
          %swap3A_411 = tpu.vector_load %arg10[%swap3A_410] masked %and3A_402 {strides = array<i32>} : memref<6432xi32, #tpu.memory_space<vmem>>, vector<16xi32>, vector<16xi1>
          tpu.vector_store %arg10[%swap3A_410], %and3A_409 masked %and3A_402 {strides = array<i32>} : memref<6432xi32, #tpu.memory_space<vmem>>, vector<16xi32>, vector<16xi1>
          %all_reduce_population_count3A_412 = tpu.all_reduce %and3A_402 {dim = 0 : i64, kind = #tpu.reduction_kind<sum>} : vector<16xi1> -> vector<16xi32>
          %slice3A_413 = vector.extract_strided_slice %all_reduce_population_count3A_412 {offsets = [0], sizes = [1], strides = [1]} : vector<16xi32> to vector<1xi32>
          %squeeze3A_414 = vector.extract %slice3A_413[0] : i32 from vector<1xi32>
          %add3A_415 = arith.addi %add3A_390, %squeeze3A_414 : i32
          %add3A_416 = arith.constant 32 : i32
          %add3A_417 = arith.addi %mul3A_372, %add3A_416 : i32
          %get3A_418 = arith.index_cast %add3A_417 : i32 to index
          %get3A_419 = tpu.vector_load %arg6[%get3A_418] {strides = array<i32>} : memref<6400xi32, #tpu.memory_space<vmem>>, vector<16xi32>,
          %shift_right_logical3A_420 = arith.constant 14 : i32
          %shift_right_logical3A_421 = vector.broadcast %shift_right_logical3A_420 : i32 to vector<16xi32>
          %shift_right_logical3A_422 = arith.shrui %get3A_419, %shift_right_logical3A_421 : vector<16xi32>
          %ge3A_423 = vector.broadcast %mul3A_2 : i32 to vector<16xi32>
          %ge3A_424 = arith.cmpi sge, %shift_right_logical3A_422, %ge3A_423 : vector<16xi32>
          %lt3A_425 = vector.broadcast %add3A_4 : i32 to vector<16xi32>
          %lt3A_426 = arith.cmpi slt, %shift_right_logical3A_422, %lt3A_425 : vector<16xi32>
          %and3A_427 = arith.andi %ge3A_424, %lt3A_426 : vector<16xi1>
          %sub3A_428 = vector.broadcast %mul3A_2 : i32 to vector<16xi32>
          %sub3A_429 = arith.subi %shift_right_logical3A_422, %sub3A_428 : vector<16xi32>
          %swap3A_430 = arith.index_cast %add3A_415 : i32 to index
          %swap3A_431 = tpu.vector_load %arg8[%swap3A_430] masked %and3A_427 {strides = array<i32>} : memref<6432xi32, #tpu.memory_space<vmem>>, vector<16xi32>, vector<16xi1>
          tpu.vector_store %arg8[%swap3A_430], %sub3A_429 masked %and3A_427 {strides = array<i32>} : memref<6432xi32, #tpu.memory_space<vmem>>, vector<16xi32>, vector<16xi1>
          %and3A_432 = arith.constant 16383 : i32
          %and3A_433 = vector.broadcast %and3A_432 : i32 to vector<16xi32>
          %and3A_434 = arith.andi %get3A_419, %and3A_433 : vector<16xi32>
          %swap3A_435 = arith.index_cast %add3A_415 : i32 to index
          %swap3A_436 = tpu.vector_load %arg10[%swap3A_435] masked %and3A_427 {strides = array<i32>} : memref<6432xi32, #tpu.memory_space<vmem>>, vector<16xi32>, vector<16xi1>
          tpu.vector_store %arg10[%swap3A_435], %and3A_434 masked %and3A_427 {strides = array<i32>} : memref<6432xi32, #tpu.memory_space<vmem>>, vector<16xi32>, vector<16xi1>
          %all_reduce_population_count3A_437 = tpu.all_reduce %and3A_427 {dim = 0 : i64, kind = #tpu.reduction_kind<sum>} : vector<16xi1> -> vector<16xi32>
          %slice3A_438 = vector.extract_strided_slice %all_reduce_population_count3A_437 {offsets = [0], sizes = [1], strides = [1]} : vector<16xi32> to vector<1xi32>
          %squeeze3A_439 = vector.extract %slice3A_438[0] : i32 from vector<1xi32>
          %add3A_440 = arith.addi %add3A_415, %squeeze3A_439 : i32
          %add3A_441 = arith.constant 48 : i32
          %add3A_442 = arith.addi %mul3A_372, %add3A_441 : i32
          %get3A_443 = arith.index_cast %add3A_442 : i32 to index
          %get3A_444 = tpu.vector_load %arg6[%get3A_443] {strides = array<i32>} : memref<6400xi32, #tpu.memory_space<vmem>>, vector<16xi32>,
          %shift_right_logical3A_445 = arith.constant 14 : i32
          %shift_right_logical3A_446 = vector.broadcast %shift_right_logical3A_445 : i32 to vector<16xi32>
          %shift_right_logical3A_447 = arith.shrui %get3A_444, %shift_right_logical3A_446 : vector<16xi32>
          %ge3A_448 = vector.broadcast %mul3A_2 : i32 to vector<16xi32>
          %ge3A_449 = arith.cmpi sge, %shift_right_logical3A_447, %ge3A_448 : vector<16xi32>
          %lt3A_450 = vector.broadcast %add3A_4 : i32 to vector<16xi32>
          %lt3A_451 = arith.cmpi slt, %shift_right_logical3A_447, %lt3A_450 : vector<16xi32>
          %and3A_452 = arith.andi %ge3A_449, %lt3A_451 : vector<16xi1>
          %sub3A_453 = vector.broadcast %mul3A_2 : i32 to vector<16xi32>
          %sub3A_454 = arith.subi %shift_right_logical3A_447, %sub3A_453 : vector<16xi32>
          %swap3A_455 = arith.index_cast %add3A_440 : i32 to index
          %swap3A_456 = tpu.vector_load %arg8[%swap3A_455] masked %and3A_452 {strides = array<i32>} : memref<6432xi32, #tpu.memory_space<vmem>>, vector<16xi32>, vector<16xi1>
          tpu.vector_store %arg8[%swap3A_455], %sub3A_454 masked %and3A_452 {strides = array<i32>} : memref<6432xi32, #tpu.memory_space<vmem>>, vector<16xi32>, vector<16xi1>
          %and3A_457 = arith.constant 16383 : i32
          %and3A_458 = vector.broadcast %and3A_457 : i32 to vector<16xi32>
          %and3A_459 = arith.andi %get3A_444, %and3A_458 : vector<16xi32>
          %swap3A_460 = arith.index_cast %add3A_440 : i32 to index
          %swap3A_461 = tpu.vector_load %arg10[%swap3A_460] masked %and3A_452 {strides = array<i32>} : memref<6432xi32, #tpu.memory_space<vmem>>, vector<16xi32>, vector<16xi1>
          tpu.vector_store %arg10[%swap3A_460], %and3A_459 masked %and3A_452 {strides = array<i32>} : memref<6432xi32, #tpu.memory_space<vmem>>, vector<16xi32>, vector<16xi1>
          %all_reduce_population_count3A_462 = tpu.all_reduce %and3A_452 {dim = 0 : i64, kind = #tpu.reduction_kind<sum>} : vector<16xi1> -> vector<16xi32>
          %slice3A_463 = vector.extract_strided_slice %all_reduce_population_count3A_462 {offsets = [0], sizes = [1], strides = [1]} : vector<16xi32> to vector<1xi32>
          %squeeze3A_464 = vector.extract %slice3A_463[0] : i32 from vector<1xi32>
          %add3A_465 = arith.addi %add3A_440, %squeeze3A_464 : i32
          %add3A_466 = arith.constant 64 : i32
          %add3A_467 = arith.addi %mul3A_372, %add3A_466 : i32
          %get3A_468 = arith.index_cast %add3A_467 : i32 to index
          %get3A_469 = tpu.vector_load %arg6[%get3A_468] {strides = array<i32>} : memref<6400xi32, #tpu.memory_space<vmem>>, vector<16xi32>,
          %shift_right_logical3A_470 = arith.constant 14 : i32
          %shift_right_logical3A_471 = vector.broadcast %shift_right_logical3A_470 : i32 to vector<16xi32>
          %shift_right_logical3A_472 = arith.shrui %get3A_469, %shift_right_logical3A_471 : vector<16xi32>
          %ge3A_473 = vector.broadcast %mul3A_2 : i32 to vector<16xi32>
          %ge3A_474 = arith.cmpi sge, %shift_right_logical3A_472, %ge3A_473 : vector<16xi32>
          %lt3A_475 = vector.broadcast %add3A_4 : i32 to vector<16xi32>
          %lt3A_476 = arith.cmpi slt, %shift_right_logical3A_472, %lt3A_475 : vector<16xi32>
          %and3A_477 = arith.andi %ge3A_474, %lt3A_476 : vector<16xi1>
          %sub3A_478 = vector.broadcast %mul3A_2 : i32 to vector<16xi32>
          %sub3A_479 = arith.subi %shift_right_logical3A_472, %sub3A_478 : vector<16xi32>
          %swap3A_480 = arith.index_cast %add3A_465 : i32 to index
          %swap3A_481 = tpu.vector_load %arg8[%swap3A_480] masked %and3A_477 {strides = array<i32>} : memref<6432xi32, #tpu.memory_space<vmem>>, vector<16xi32>, vector<16xi1>
          tpu.vector_store %arg8[%swap3A_480], %sub3A_479 masked %and3A_477 {strides = array<i32>} : memref<6432xi32, #tpu.memory_space<vmem>>, vector<16xi32>, vector<16xi1>
          %and3A_482 = arith.constant 16383 : i32
          %and3A_483 = vector.broadcast %and3A_482 : i32 to vector<16xi32>
          %and3A_484 = arith.andi %get3A_469, %and3A_483 : vector<16xi32>
          %swap3A_485 = arith.index_cast %add3A_465 : i32 to index
          %swap3A_486 = tpu.vector_load %arg10[%swap3A_485] masked %and3A_477 {strides = array<i32>} : memref<6432xi32, #tpu.memory_space<vmem>>, vector<16xi32>, vector<16xi1>
          tpu.vector_store %arg10[%swap3A_485], %and3A_484 masked %and3A_477 {strides = array<i32>} : memref<6432xi32, #tpu.memory_space<vmem>>, vector<16xi32>, vector<16xi1>
          %all_reduce_population_count3A_487 = tpu.all_reduce %and3A_477 {dim = 0 : i64, kind = #tpu.reduction_kind<sum>} : vector<16xi1> -> vector<16xi32>
          %slice3A_488 = vector.extract_strided_slice %all_reduce_population_count3A_487 {offsets = [0], sizes = [1], strides = [1]} : vector<16xi32> to vector<1xi32>
          %squeeze3A_489 = vector.extract %slice3A_488[0] : i32 from vector<1xi32>
          %add3A_490 = arith.addi %add3A_465, %squeeze3A_489 : i32
          %add3A_491 = arith.constant 80 : i32
          %add3A_492 = arith.addi %mul3A_372, %add3A_491 : i32
          %get3A_493 = arith.index_cast %add3A_492 : i32 to index
          %get3A_494 = tpu.vector_load %arg6[%get3A_493] {strides = array<i32>} : memref<6400xi32, #tpu.memory_space<vmem>>, vector<16xi32>,
          %shift_right_logical3A_495 = arith.constant 14 : i32
          %shift_right_logical3A_496 = vector.broadcast %shift_right_logical3A_495 : i32 to vector<16xi32>
          %shift_right_logical3A_497 = arith.shrui %get3A_494, %shift_right_logical3A_496 : vector<16xi32>
          %ge3A_498 = vector.broadcast %mul3A_2 : i32 to vector<16xi32>
          %ge3A_499 = arith.cmpi sge, %shift_right_logical3A_497, %ge3A_498 : vector<16xi32>
          %lt3A_500 = vector.broadcast %add3A_4 : i32 to vector<16xi32>
          %lt3A_501 = arith.cmpi slt, %shift_right_logical3A_497, %lt3A_500 : vector<16xi32>
          %and3A_502 = arith.andi %ge3A_499, %lt3A_501 : vector<16xi1>
          %sub3A_503 = vector.broadcast %mul3A_2 : i32 to vector<16xi32>
          %sub3A_504 = arith.subi %shift_right_logical3A_497, %sub3A_503 : vector<16xi32>
          %swap3A_505 = arith.index_cast %add3A_490 : i32 to index
          %swap3A_506 = tpu.vector_load %arg8[%swap3A_505] masked %and3A_502 {strides = array<i32>} : memref<6432xi32, #tpu.memory_space<vmem>>, vector<16xi32>, vector<16xi1>
          tpu.vector_store %arg8[%swap3A_505], %sub3A_504 masked %and3A_502 {strides = array<i32>} : memref<6432xi32, #tpu.memory_space<vmem>>, vector<16xi32>, vector<16xi1>
          %and3A_507 = arith.constant 16383 : i32
          %and3A_508 = vector.broadcast %and3A_507 : i32 to vector<16xi32>
          %and3A_509 = arith.andi %get3A_494, %and3A_508 : vector<16xi32>
          %swap3A_510 = arith.index_cast %add3A_490 : i32 to index
          %swap3A_511 = tpu.vector_load %arg10[%swap3A_510] masked %and3A_502 {strides = array<i32>} : memref<6432xi32, #tpu.memory_space<vmem>>, vector<16xi32>, vector<16xi1>
          tpu.vector_store %arg10[%swap3A_510], %and3A_509 masked %and3A_502 {strides = array<i32>} : memref<6432xi32, #tpu.memory_space<vmem>>, vector<16xi32>, vector<16xi1>
          %all_reduce_population_count3A_512 = tpu.all_reduce %and3A_502 {dim = 0 : i64, kind = #tpu.reduction_kind<sum>} : vector<16xi1> -> vector<16xi32>
          %slice3A_513 = vector.extract_strided_slice %all_reduce_population_count3A_512 {offsets = [0], sizes = [1], strides = [1]} : vector<16xi32> to vector<1xi32>
          %squeeze3A_514 = vector.extract %slice3A_513[0] : i32 from vector<1xi32>
          %add3A_515 = arith.addi %add3A_490, %squeeze3A_514 : i32
          %add3A_516 = arith.constant 96 : i32
          %add3A_517 = arith.addi %mul3A_372, %add3A_516 : i32
          %get3A_518 = arith.index_cast %add3A_517 : i32 to index
          %get3A_519 = tpu.vector_load %arg6[%get3A_518] {strides = array<i32>} : memref<6400xi32, #tpu.memory_space<vmem>>, vector<16xi32>,
          %shift_right_logical3A_520 = arith.constant 14 : i32
          %shift_right_logical3A_521 = vector.broadcast %shift_right_logical3A_520 : i32 to vector<16xi32>
          %shift_right_logical3A_522 = arith.shrui %get3A_519, %shift_right_logical3A_521 : vector<16xi32>
          %ge3A_523 = vector.broadcast %mul3A_2 : i32 to vector<16xi32>
          %ge3A_524 = arith.cmpi sge, %shift_right_logical3A_522, %ge3A_523 : vector<16xi32>
          %lt3A_525 = vector.broadcast %add3A_4 : i32 to vector<16xi32>
          %lt3A_526 = arith.cmpi slt, %shift_right_logical3A_522, %lt3A_525 : vector<16xi32>
          %and3A_527 = arith.andi %ge3A_524, %lt3A_526 : vector<16xi1>
          %sub3A_528 = vector.broadcast %mul3A_2 : i32 to vector<16xi32>
          %sub3A_529 = arith.subi %shift_right_logical3A_522, %sub3A_528 : vector<16xi32>
          %swap3A_530 = arith.index_cast %add3A_515 : i32 to index
          %swap3A_531 = tpu.vector_load %arg8[%swap3A_530] masked %and3A_527 {strides = array<i32>} : memref<6432xi32, #tpu.memory_space<vmem>>, vector<16xi32>, vector<16xi1>
          tpu.vector_store %arg8[%swap3A_530], %sub3A_529 masked %and3A_527 {strides = array<i32>} : memref<6432xi32, #tpu.memory_space<vmem>>, vector<16xi32>, vector<16xi1>
          %and3A_532 = arith.constant 16383 : i32
          %and3A_533 = vector.broadcast %and3A_532 : i32 to vector<16xi32>
          %and3A_534 = arith.andi %get3A_519, %and3A_533 : vector<16xi32>
          %swap3A_535 = arith.index_cast %add3A_515 : i32 to index
          %swap3A_536 = tpu.vector_load %arg10[%swap3A_535] masked %and3A_527 {strides = array<i32>} : memref<6432xi32, #tpu.memory_space<vmem>>, vector<16xi32>, vector<16xi1>
          tpu.vector_store %arg10[%swap3A_535], %and3A_534 masked %and3A_527 {strides = array<i32>} : memref<6432xi32, #tpu.memory_space<vmem>>, vector<16xi32>, vector<16xi1>
          %all_reduce_population_count3A_537 = tpu.all_reduce %and3A_527 {dim = 0 : i64, kind = #tpu.reduction_kind<sum>} : vector<16xi1> -> vector<16xi32>
          %slice3A_538 = vector.extract_strided_slice %all_reduce_population_count3A_537 {offsets = [0], sizes = [1], strides = [1]} : vector<16xi32> to vector<1xi32>
          %squeeze3A_539 = vector.extract %slice3A_538[0] : i32 from vector<1xi32>
          %add3A_540 = arith.addi %add3A_515, %squeeze3A_539 : i32
          %add3A_541 = arith.constant 112 : i32
          %add3A_542 = arith.addi %mul3A_372, %add3A_541 : i32
          %get3A_543 = arith.index_cast %add3A_542 : i32 to index
          %get3A_544 = tpu.vector_load %arg6[%get3A_543] {strides = array<i32>} : memref<6400xi32, #tpu.memory_space<vmem>>, vector<16xi32>,
          %shift_right_logical3A_545 = arith.constant 14 : i32
          %shift_right_logical3A_546 = vector.broadcast %shift_right_logical3A_545 : i32 to vector<16xi32>
          %shift_right_logical3A_547 = arith.shrui %get3A_544, %shift_right_logical3A_546 : vector<16xi32>
          %ge3A_548 = vector.broadcast %mul3A_2 : i32 to vector<16xi32>
          %ge3A_549 = arith.cmpi sge, %shift_right_logical3A_547, %ge3A_548 : vector<16xi32>
          %lt3A_550 = vector.broadcast %add3A_4 : i32 to vector<16xi32>
          %lt3A_551 = arith.cmpi slt, %shift_right_logical3A_547, %lt3A_550 : vector<16xi32>
          %and3A_552 = arith.andi %ge3A_549, %lt3A_551 : vector<16xi1>
          %sub3A_553 = vector.broadcast %mul3A_2 : i32 to vector<16xi32>
          %sub3A_554 = arith.subi %shift_right_logical3A_547, %sub3A_553 : vector<16xi32>
          %swap3A_555 = arith.index_cast %add3A_540 : i32 to index
          %swap3A_556 = tpu.vector_load %arg8[%swap3A_555] masked %and3A_552 {strides = array<i32>} : memref<6432xi32, #tpu.memory_space<vmem>>, vector<16xi32>, vector<16xi1>
          tpu.vector_store %arg8[%swap3A_555], %sub3A_554 masked %and3A_552 {strides = array<i32>} : memref<6432xi32, #tpu.memory_space<vmem>>, vector<16xi32>, vector<16xi1>
          %and3A_557 = arith.constant 16383 : i32
          %and3A_558 = vector.broadcast %and3A_557 : i32 to vector<16xi32>
          %and3A_559 = arith.andi %get3A_544, %and3A_558 : vector<16xi32>
          %swap3A_560 = arith.index_cast %add3A_540 : i32 to index
          %swap3A_561 = tpu.vector_load %arg10[%swap3A_560] masked %and3A_552 {strides = array<i32>} : memref<6432xi32, #tpu.memory_space<vmem>>, vector<16xi32>, vector<16xi1>
          tpu.vector_store %arg10[%swap3A_560], %and3A_559 masked %and3A_552 {strides = array<i32>} : memref<6432xi32, #tpu.memory_space<vmem>>, vector<16xi32>, vector<16xi1>
          %all_reduce_population_count3A_562 = tpu.all_reduce %and3A_552 {dim = 0 : i64, kind = #tpu.reduction_kind<sum>} : vector<16xi1> -> vector<16xi32>
          %slice3A_563 = vector.extract_strided_slice %all_reduce_population_count3A_562 {offsets = [0], sizes = [1], strides = [1]} : vector<16xi32> to vector<1xi32>
          %squeeze3A_564 = vector.extract %slice3A_563[0] : i32 from vector<1xi32>
          %add3A_565 = arith.addi %add3A_540, %squeeze3A_564 : i32
          scf.yield %add3A_565 : i32
        }
        %scan3A_295 = arith.constant 50 : i32
        %iota3A_296 = tpu.iota {dimensions = array<i32: 0>} : vector<16xi32>
        %add3A_297 = vector.broadcast %scan3A_294 : i32 to vector<16xi32>
        %add3A_298 = arith.addi %add3A_297, %iota3A_296 : vector<16xi32>
        %broadcast_in_dim3A_299 = arith.constant 320 : i32
        %broadcast_in_dim3A_300 = vector.broadcast %broadcast_in_dim3A_299 : i32 to vector<16xi32>
        tpu.vector_store_idx %arg8[%add3A_298], %broadcast_in_dim3A_300 : memref<6432xi32, #tpu.memory_space<vmem>>[vector<16xi32>], vector<16xi32>,
        %broadcast_in_dim3A_301 = arith.constant 0 : i32
        %broadcast_in_dim3A_302 = vector.broadcast %broadcast_in_dim3A_301 : i32 to vector<16xi32>
        tpu.vector_store_idx %arg10[%add3A_298], %broadcast_in_dim3A_302 : memref<6432xi32, #tpu.memory_space<vmem>>[vector<16xi32>], vector<16xi32>,
        %add3A_303 = arith.constant 16 : i32
        %add3A_304 = arith.addi %scan3A_155, %add3A_303 : i32
        %sub3A_305 = arith.constant 1 : i32
        %sub3A_306 = arith.subi %add3A_304, %sub3A_305 : i32
        %jit3A_307 = arith.constant 16 : i32
        %div3A_308 = arith.divsi %sub3A_306, %jit3A_307 : i32
        %sign3A_309 = arith.constant 0 : i32
        %sign3A_310 = arith.cmpi sgt, %sub3A_306, %sign3A_309 : i32
        %sign3A_311 = arith.extui %sign3A_310 : i1 to i32
        %sign3A_312 = arith.constant 0 : i32
        %sign3A_313 = arith.cmpi slt, %sub3A_306, %sign3A_312 : i32
        %sign3A_314 = arith.extui %sign3A_313 : i1 to i32
        %sign3A_315 = arith.subi %sign3A_311, %sign3A_314 : i32
        %sign3A_316 = arith.constant 0 : i32
        %sign3A_317 = arith.cmpi sgt, %jit3A_307, %sign3A_316 : i32
        %sign3A_318 = arith.extui %sign3A_317 : i1 to i32
        %sign3A_319 = arith.constant 0 : i32
        %sign3A_320 = arith.cmpi slt, %jit3A_307, %sign3A_319 : i32
        %sign3A_321 = arith.extui %sign3A_320 : i1 to i32
        %sign3A_322 = arith.subi %sign3A_318, %sign3A_321 : i32
        %ne3A_323 = arith.cmpi ne, %sign3A_315, %sign3A_322 : i32
        %rem3A_324 = arith.remsi %sub3A_306, %jit3A_307 : i32
        %ne3A_325 = arith.constant 0 : i32
        %ne3A_326 = arith.cmpi ne, %rem3A_324, %ne3A_325 : i32
        %and3A_327 = arith.andi %ne3A_323, %ne3A_326 : i1
        %sub3A_328 = arith.constant 1 : i32
        %sub3A_329 = arith.subi %div3A_308, %sub3A_328 : i32
        %select_n3A_330 = arith.select %and3A_327, %sub3A_329, %div3A_308 : i32
        %add3A_331 = arith.constant 16 : i32
        %add3A_332 = arith.addi %select_n3A_330, %add3A_331 : i32
        %sub3A_333 = arith.constant 1 : i32
        %sub3A_334 = arith.subi %add3A_332, %sub3A_333 : i32
        %jit3A_335 = arith.constant 16 : i32
        %div3A_336 = arith.divsi %sub3A_334, %jit3A_335 : i32
        %sign3A_337 = arith.constant 0 : i32
        %sign3A_338 = arith.cmpi sgt, %sub3A_334, %sign3A_337 : i32
        %sign3A_339 = arith.extui %sign3A_338 : i1 to i32
        %sign3A_340 = arith.constant 0 : i32
        %sign3A_341 = arith.cmpi slt, %sub3A_334, %sign3A_340 : i32
        %sign3A_342 = arith.extui %sign3A_341 : i1 to i32
        %sign3A_343 = arith.subi %sign3A_339, %sign3A_342 : i32
        %sign3A_344 = arith.constant 0 : i32
        %sign3A_345 = arith.cmpi sgt, %jit3A_335, %sign3A_344 : i32
        %sign3A_346 = arith.extui %sign3A_345 : i1 to i32
        %sign3A_347 = arith.constant 0 : i32
        %sign3A_348 = arith.cmpi slt, %jit3A_335, %sign3A_347 : i32
        %sign3A_349 = arith.extui %sign3A_348 : i1 to i32
        %sign3A_350 = arith.subi %sign3A_346, %sign3A_349 : i32
        %ne3A_351 = arith.cmpi ne, %sign3A_343, %sign3A_350 : i32
        %rem3A_352 = arith.remsi %sub3A_334, %jit3A_335 : i32
        %ne3A_353 = arith.constant 0 : i32
        %ne3A_354 = arith.cmpi ne, %rem3A_352, %ne3A_353 : i32
        %and3A_355 = arith.andi %ne3A_351, %ne3A_354 : i1
        %sub3A_356 = arith.constant 1 : i32
        %sub3A_357 = arith.subi %div3A_336, %sub3A_356 : i32
        %select_n3A_358 = arith.select %and3A_355, %sub3A_357, %div3A_336 : i32
        %while3A_359 = arith.constant 0 : i32
        %while3A_360 = arith.constant 0 : i32
        %while3A_361 = arith.subi %select_n3A_358, %while3A_360 : i32
        %while3A_362 = arith.addi %while3A_360, %while3A_361 : i32
        %while3A_363 = arith.constant 1 : i32
        %while3A_364 = arith.divsi %while3A_361, %while3A_363 : i32
        %while3A_365 = arith.muli %while3A_364, %while3A_363 : i32
        %while3A_366 = arith.addi %while3A_360, %while3A_365 : i32
        %while3A_367 = arith.constant 1 : i32
        scf.for %while3A_369 = %while3A_360 to %while3A_366 step %while3A_367  : i32 {
          %mul3A_370 = arith.constant 16 : i32
          %mul3A_371 = arith.muli %while3A_369, %mul3A_370 : i32
          %sub3A_372 = arith.subi %select_n3A_330, %mul3A_371 : i32
          %min3A_373 = arith.constant 16 : i32
          %min3A_374 = arith.minsi %sub3A_372, %min3A_373 : i32
          %gt3A = arith.constant 0 : i32
          %gt3A_375 = arith.cmpi sgt, %while3A_369, %gt3A : i32
          %convert_element_type3A_376 = arith.extui %gt3A_375 : i1 to i32
          %cond3A_377 = arith.constant 0 : i32
          %cond3A_378 = arith.cmpi ne, %convert_element_type3A_376, %cond3A_377 : i32
          scf.if %cond3A_378 {
            %while3A_401 = arith.constant 0 : i32
            %while3A_402 = arith.constant 0 : i32
            %while3A_403 = arith.subi %min3A_374, %while3A_402 : i32
            %while3A_404 = arith.addi %while3A_402, %while3A_403 : i32
            %while3A_405 = arith.constant 1 : i32
            %while3A_406 = arith.divsi %while3A_403, %while3A_405 : i32
            %while3A_407 = arith.muli %while3A_406, %while3A_405 : i32
            %while3A_408 = arith.addi %while3A_402, %while3A_407 : i32
            %while3A_409 = arith.constant 1 : i32
            scf.for %while3A_411 = %while3A_402 to %while3A_408 step %while3A_409  : i32 {
              %add3A_412 = arith.addi %mul3A_371, %while3A_411 : i32
              %mul3A_413 = arith.constant 16 : i32
              %mul3A_414 = arith.muli %add3A_412, %mul3A_413 : i32
              %mul3A_415 = arith.constant 16 : i32
              %mul3A_416 = arith.muli %while3A_411, %mul3A_415 : i32
              %dma_start3A_417 = arith.constant 0 : i32
              %dma_start3A_418 = tpu.memref_slice %arg12[%mul3A_416, %dma_start3A_417] : memref<256x128xf32, #tpu.memory_space<vmem>> -> memref<16x128xf32, #tpu.memory_space<vmem>>
              %dma_start3A_419 = tpu.memref_slice %arg11[%mul3A_414] : memref<6432xi32, #tpu.memory_space<vmem>> -> memref<16xi32, #tpu.memory_space<vmem>>
              %dma_start3A_420 = arith.constant 0 : i32
              %dma_start3A_421 = arith.constant 0 : i32
              %dma_start3A_422 = tpu.memref_slice %arg2[%dma_start3A_420, %dma_start3A_421] : memref<10000x128xf32, #tpu.memory_space<hbm>> -> memref<10000x128xf32, #tpu.memory_space<hbm>>
              tpu.enqueue_indirect_dma source(%dma_start3A_422 : memref<10000x128xf32, #tpu.memory_space<hbm>>) target(%dma_start3A_418 : memref<16x128xf32, #tpu.memory_space<vmem>>) offsets(%dma_start3A_419 : memref<16xi32, #tpu.memory_space<vmem>>) semaphore(%arg13 : memref<!tpu.dma_semaphore, #tpu.memory_space<semaphore_mem>>)
            }
            %while3A_410 = arith.constant 1 : i32
            scf.for %while3A_411 = %while3A_408 to %while3A_404 step %while3A_410  : i32 {
              %add3A_412 = arith.addi %mul3A_371, %while3A_411 : i32
              %mul3A_413 = arith.constant 16 : i32
              %mul3A_414 = arith.muli %add3A_412, %mul3A_413 : i32
              %mul3A_415 = arith.constant 16 : i32
              %mul3A_416 = arith.muli %while3A_411, %mul3A_415 : i32
              %dma_start3A_417 = arith.constant 0 : i32
              %dma_start3A_418 = tpu.memref_slice %arg12[%mul3A_416, %dma_start3A_417] : memref<256x128xf32, #tpu.memory_space<vmem>> -> memref<16x128xf32, #tpu.memory_space<vmem>>
              %dma_start3A_419 = tpu.memref_slice %arg11[%mul3A_414] : memref<6432xi32, #tpu.memory_space<vmem>> -> memref<16xi32, #tpu.memory_space<vmem>>
              %dma_start3A_420 = arith.constant 0 : i32
              %dma_start3A_421 = arith.constant 0 : i32
              %dma_start3A_422 = tpu.memref_slice %arg2[%dma_start3A_420, %dma_start3A_421] : memref<10000x128xf32, #tpu.memory_space<hbm>> -> memref<10000x128xf32, #tpu.memory_space<hbm>>
              tpu.enqueue_indirect_dma source(%dma_start3A_422 : memref<10000x128xf32, #tpu.memory_space<hbm>>) target(%dma_start3A_418 : memref<16x128xf32, #tpu.memory_space<vmem>>) offsets(%dma_start3A_419 : memref<16xi32, #tpu.memory_space<vmem>>) semaphore(%arg13 : memref<!tpu.dma_semaphore, #tpu.memory_space<semaphore_mem>>)
            }
          } else {
          }
          %while3A_379 = arith.constant 0 : i32
          %while3A_380 = arith.constant 0 : i32
          %while3A_381 = arith.subi %min3A_374, %while3A_380 : i32
          %while3A_382 = arith.addi %while3A_380, %while3A_381 : i32
          %while3A_383 = arith.constant 1 : i32
          %while3A_384 = arith.divsi %while3A_381, %while3A_383 : i32
          %while3A_385 = arith.muli %while3A_384, %while3A_383 : i32
          %while3A_386 = arith.addi %while3A_380, %while3A_385 : i32
          %while3A_387 = arith.constant 1 : i32
          scf.for %while3A_401 = %while3A_380 to %while3A_386 step %while3A_387  : i32 {
            %add3A_402 = arith.addi %mul3A_371, %while3A_401 : i32
            %mul3A_403 = arith.constant 16 : i32
            %mul3A_404 = arith.muli %add3A_402, %mul3A_403 : i32
            %mul3A_405 = arith.constant 16 : i32
            %mul3A_406 = arith.muli %while3A_401, %mul3A_405 : i32
            %dma_wait3A_407 = arith.constant 0 : i32
            %dma_wait3A_408 = tpu.memref_slice %arg12[%mul3A_406, %dma_wait3A_407] : memref<256x128xf32, #tpu.memory_space<vmem>> -> memref<16x128xf32, #tpu.memory_space<vmem>>
            %dma_wait3A_409 = tpu.memref_slice %arg11[%mul3A_404] : memref<6432xi32, #tpu.memory_space<vmem>> -> memref<16xi32, #tpu.memory_space<vmem>>
            %dma_wait3A_410 = arith.constant 0 : i32
            %dma_wait3A_411 = arith.constant 0 : i32
            %dma_wait3A_412 = tpu.memref_slice %arg2[%dma_wait3A_410, %dma_wait3A_411] : memref<10000x128xf32, #tpu.memory_space<hbm>> -> memref<10000x128xf32, #tpu.memory_space<hbm>>
            tpu.wait_indirect_dma semaphore(%arg13 : memref<!tpu.dma_semaphore, #tpu.memory_space<semaphore_mem>>) src(%dma_wait3A_412 : memref<10000x128xf32, #tpu.memory_space<hbm>>) dst(%dma_wait3A_408 : memref<16x128xf32, #tpu.memory_space<vmem>>)
          }
          %while3A_388 = arith.constant 1 : i32
          scf.for %while3A_401 = %while3A_386 to %while3A_382 step %while3A_388  : i32 {
            %add3A_402 = arith.addi %mul3A_371, %while3A_401 : i32
            %mul3A_403 = arith.constant 16 : i32
            %mul3A_404 = arith.muli %add3A_402, %mul3A_403 : i32
            %mul3A_405 = arith.constant 16 : i32
            %mul3A_406 = arith.muli %while3A_401, %mul3A_405 : i32
            %dma_wait3A_407 = arith.constant 0 : i32
            %dma_wait3A_408 = tpu.memref_slice %arg12[%mul3A_406, %dma_wait3A_407] : memref<256x128xf32, #tpu.memory_space<vmem>> -> memref<16x128xf32, #tpu.memory_space<vmem>>
            %dma_wait3A_409 = tpu.memref_slice %arg11[%mul3A_404] : memref<6432xi32, #tpu.memory_space<vmem>> -> memref<16xi32, #tpu.memory_space<vmem>>
            %dma_wait3A_410 = arith.constant 0 : i32
            %dma_wait3A_411 = arith.constant 0 : i32
            %dma_wait3A_412 = tpu.memref_slice %arg2[%dma_wait3A_410, %dma_wait3A_411] : memref<10000x128xf32, #tpu.memory_space<hbm>> -> memref<10000x128xf32, #tpu.memory_space<hbm>>
            tpu.wait_indirect_dma semaphore(%arg13 : memref<!tpu.dma_semaphore, #tpu.memory_space<semaphore_mem>>) src(%dma_wait3A_412 : memref<10000x128xf32, #tpu.memory_space<hbm>>) dst(%dma_wait3A_408 : memref<16x128xf32, #tpu.memory_space<vmem>>)
          }
          %mul3A_389 = arith.constant 16 : i32
          %mul3A_390 = arith.muli %min3A_374, %mul3A_389 : i32
          %while3A_391 = arith.constant 0 : i32
          %while3A_392 = arith.constant 0 : i32
          %while3A_393 = arith.subi %mul3A_390, %while3A_392 : i32
          %while3A_394 = arith.addi %while3A_392, %while3A_393 : i32
          %while3A_395 = arith.constant 1 : i32
          %while3A_396 = arith.divsi %while3A_393, %while3A_395 : i32
          %while3A_397 = arith.muli %while3A_396, %while3A_395 : i32
          %while3A_398 = arith.addi %while3A_392, %while3A_397 : i32
          %while3A_399 = arith.constant 1 : i32
          scf.for %while3A_401 = %while3A_392 to %while3A_398 step %while3A_399  : i32 {
            %mul3A_402 = arith.constant 16 : i32
            %mul3A_403 = arith.muli %mul3A_371, %mul3A_402 : i32
            %add3A_404 = arith.addi %mul3A_403, %while3A_401 : i32
            %get3A = arith.index_cast %add3A_404 : i32 to index
            %get3A_405 = tpu.vector_load %arg9[%get3A] {strides = array<i32>} : memref<6432xi32, #tpu.memory_space<vmem>>, vector<16xi32>,
            %slice3A = vector.extract_strided_slice %get3A_405 {offsets = [0], sizes = [1], strides = [1]} : vector<16xi32> to vector<1xi32>
            %squeeze3A = vector.extract %slice3A[0] : i32 from vector<1xi32>
            %get3A_406 = arith.index_cast %squeeze3A : i32 to index
            %get3A_407 = arith.constant 0 : index
            %get3A_408 = tpu.vector_load %arg5[%get3A_406, %get3A_407] {strides = array<i32>} : memref<321x128xf32, #tpu.memory_space<vmem>>, vector<16xf32>,
            %get3A_409 = arith.index_cast %while3A_401 : i32 to index
            %get3A_410 = arith.constant 0 : index
            %get3A_411 = tpu.vector_load %arg12[%get3A_409, %get3A_410] {strides = array<i32>} : memref<256x128xf32, #tpu.memory_space<vmem>>, vector<16xf32>,
            %max3A = arith.maximumf %get3A_408, %get3A_411 : vector<16xf32>
            %swap3A = arith.index_cast %squeeze3A : i32 to index
            %swap3A_412 = arith.constant 0 : index
            %swap3A_413 = tpu.vector_load %arg5[%swap3A, %swap3A_412] {strides = array<i32>} : memref<321x128xf32, #tpu.memory_space<vmem>>, vector<16xf32>,
            tpu.vector_store %arg5[%swap3A, %swap3A_412], %max3A {strides = array<i32>} : memref<321x128xf32, #tpu.memory_space<vmem>>, vector<16xf32>,
            %get3A_414 = arith.index_cast %squeeze3A : i32 to index
            %get3A_415 = arith.constant 16 : index
            %get3A_416 = tpu.vector_load %arg5[%get3A_414, %get3A_415] {strides = array<i32>} : memref<321x128xf32, #tpu.memory_space<vmem>>, vector<16xf32>,
            %get3A_417 = arith.index_cast %while3A_401 : i32 to index
            %get3A_418 = arith.constant 16 : index
            %get3A_419 = tpu.vector_load %arg12[%get3A_417, %get3A_418] {strides = array<i32>} : memref<256x128xf32, #tpu.memory_space<vmem>>, vector<16xf32>,
            %max3A_420 = arith.maximumf %get3A_416, %get3A_419 : vector<16xf32>
            %swap3A_421 = arith.index_cast %squeeze3A : i32 to index
            %swap3A_422 = arith.constant 16 : index
            %swap3A_423 = tpu.vector_load %arg5[%swap3A_421, %swap3A_422] {strides = array<i32>} : memref<321x128xf32, #tpu.memory_space<vmem>>, vector<16xf32>,
            tpu.vector_store %arg5[%swap3A_421, %swap3A_422], %max3A_420 {strides = array<i32>} : memref<321x128xf32, #tpu.memory_space<vmem>>, vector<16xf32>,
            %get3A_424 = arith.index_cast %squeeze3A : i32 to index
            %get3A_425 = arith.constant 32 : index
            %get3A_426 = tpu.vector_load %arg5[%get3A_424, %get3A_425] {strides = array<i32>} : memref<321x128xf32, #tpu.memory_space<vmem>>, vector<16xf32>,
            %get3A_427 = arith.index_cast %while3A_401 : i32 to index
            %get3A_428 = arith.constant 32 : index
            %get3A_429 = tpu.vector_load %arg12[%get3A_427, %get3A_428] {strides = array<i32>} : memref<256x128xf32, #tpu.memory_space<vmem>>, vector<16xf32>,
            %max3A_430 = arith.maximumf %get3A_426, %get3A_429 : vector<16xf32>
            %swap3A_431 = arith.index_cast %squeeze3A : i32 to index
            %swap3A_432 = arith.constant 32 : index
            %swap3A_433 = tpu.vector_load %arg5[%swap3A_431, %swap3A_432] {strides = array<i32>} : memref<321x128xf32, #tpu.memory_space<vmem>>, vector<16xf32>,
            tpu.vector_store %arg5[%swap3A_431, %swap3A_432], %max3A_430 {strides = array<i32>} : memref<321x128xf32, #tpu.memory_space<vmem>>, vector<16xf32>,
            %get3A_434 = arith.index_cast %squeeze3A : i32 to index
            %get3A_435 = arith.constant 48 : index
            %get3A_436 = tpu.vector_load %arg5[%get3A_434, %get3A_435] {strides = array<i32>} : memref<321x128xf32, #tpu.memory_space<vmem>>, vector<16xf32>,
            %get3A_437 = arith.index_cast %while3A_401 : i32 to index
            %get3A_438 = arith.constant 48 : index
            %get3A_439 = tpu.vector_load %arg12[%get3A_437, %get3A_438] {strides = array<i32>} : memref<256x128xf32, #tpu.memory_space<vmem>>, vector<16xf32>,
            %max3A_440 = arith.maximumf %get3A_436, %get3A_439 : vector<16xf32>
            %swap3A_441 = arith.index_cast %squeeze3A : i32 to index
            %swap3A_442 = arith.constant 48 : index
            %swap3A_443 = tpu.vector_load %arg5[%swap3A_441, %swap3A_442] {strides = array<i32>} : memref<321x128xf32, #tpu.memory_space<vmem>>, vector<16xf32>,
            tpu.vector_store %arg5[%swap3A_441, %swap3A_442], %max3A_440 {strides = array<i32>} : memref<321x128xf32, #tpu.memory_space<vmem>>, vector<16xf32>,
            %get3A_444 = arith.index_cast %squeeze3A : i32 to index
            %get3A_445 = arith.constant 64 : index
            %get3A_446 = tpu.vector_load %arg5[%get3A_444, %get3A_445] {strides = array<i32>} : memref<321x128xf32, #tpu.memory_space<vmem>>, vector<16xf32>,
            %get3A_447 = arith.index_cast %while3A_401 : i32 to index
            %get3A_448 = arith.constant 64 : index
            %get3A_449 = tpu.vector_load %arg12[%get3A_447, %get3A_448] {strides = array<i32>} : memref<256x128xf32, #tpu.memory_space<vmem>>, vector<16xf32>,
            %max3A_450 = arith.maximumf %get3A_446, %get3A_449 : vector<16xf32>
            %swap3A_451 = arith.index_cast %squeeze3A : i32 to index
            %swap3A_452 = arith.constant 64 : index
            %swap3A_453 = tpu.vector_load %arg5[%swap3A_451, %swap3A_452] {strides = array<i32>} : memref<321x128xf32, #tpu.memory_space<vmem>>, vector<16xf32>,
            tpu.vector_store %arg5[%swap3A_451, %swap3A_452], %max3A_450 {strides = array<i32>} : memref<321x128xf32, #tpu.memory_space<vmem>>, vector<16xf32>,
            %get3A_454 = arith.index_cast %squeeze3A : i32 to index
            %get3A_455 = arith.constant 80 : index
            %get3A_456 = tpu.vector_load %arg5[%get3A_454, %get3A_455] {strides = array<i32>} : memref<321x128xf32, #tpu.memory_space<vmem>>, vector<16xf32>,
            %get3A_457 = arith.index_cast %while3A_401 : i32 to index
            %get3A_458 = arith.constant 80 : index
            %get3A_459 = tpu.vector_load %arg12[%get3A_457, %get3A_458] {strides = array<i32>} : memref<256x128xf32, #tpu.memory_space<vmem>>, vector<16xf32>,
            %max3A_460 = arith.maximumf %get3A_456, %get3A_459 : vector<16xf32>
            %swap3A_461 = arith.index_cast %squeeze3A : i32 to index
            %swap3A_462 = arith.constant 80 : index
            %swap3A_463 = tpu.vector_load %arg5[%swap3A_461, %swap3A_462] {strides = array<i32>} : memref<321x128xf32, #tpu.memory_space<vmem>>, vector<16xf32>,
            tpu.vector_store %arg5[%swap3A_461, %swap3A_462], %max3A_460 {strides = array<i32>} : memref<321x128xf32, #tpu.memory_space<vmem>>, vector<16xf32>,
            %get3A_464 = arith.index_cast %squeeze3A : i32 to index
            %get3A_465 = arith.constant 96 : index
            %get3A_466 = tpu.vector_load %arg5[%get3A_464, %get3A_465] {strides = array<i32>} : memref<321x128xf32, #tpu.memory_space<vmem>>, vector<16xf32>,
            %get3A_467 = arith.index_cast %while3A_401 : i32 to index
            %get3A_468 = arith.constant 96 : index
            %get3A_469 = tpu.vector_load %arg12[%get3A_467, %get3A_468] {strides = array<i32>} : memref<256x128xf32, #tpu.memory_space<vmem>>, vector<16xf32>,
            %max3A_470 = arith.maximumf %get3A_466, %get3A_469 : vector<16xf32>
            %swap3A_471 = arith.index_cast %squeeze3A : i32 to index
            %swap3A_472 = arith.constant 96 : index
            %swap3A_473 = tpu.vector_load %arg5[%swap3A_471, %swap3A_472] {strides = array<i32>} : memref<321x128xf32, #tpu.memory_space<vmem>>, vector<16xf32>,
            tpu.vector_store %arg5[%swap3A_471, %swap3A_472], %max3A_470 {strides = array<i32>} : memref<321x128xf32, #tpu.memory_space<vmem>>, vector<16xf32>,
            %get3A_474 = arith.index_cast %squeeze3A : i32 to index
            %get3A_475 = arith.constant 112 : index
            %get3A_476 = tpu.vector_load %arg5[%get3A_474, %get3A_475] {strides = array<i32>} : memref<321x128xf32, #tpu.memory_space<vmem>>, vector<16xf32>,
            %get3A_477 = arith.index_cast %while3A_401 : i32 to index
            %get3A_478 = arith.constant 112 : index
            %get3A_479 = tpu.vector_load %arg12[%get3A_477, %get3A_478] {strides = array<i32>} : memref<256x128xf32, #tpu.memory_space<vmem>>, vector<16xf32>,
            %max3A_480 = arith.maximumf %get3A_476, %get3A_479 : vector<16xf32>
            %swap3A_481 = arith.index_cast %squeeze3A : i32 to index
            %swap3A_482 = arith.constant 112 : index
            %swap3A_483 = tpu.vector_load %arg5[%swap3A_481, %swap3A_482] {strides = array<i32>} : memref<321x128xf32, #tpu.memory_space<vmem>>, vector<16xf32>,
            tpu.vector_store %arg5[%swap3A_481, %swap3A_482], %max3A_480 {strides = array<i32>} : memref<321x128xf32, #tpu.memory_space<vmem>>, vector<16xf32>,
          }
          %while3A_400 = arith.constant 1 : i32
          scf.for %while3A_401 = %while3A_398 to %while3A_394 step %while3A_400  : i32 {
            %mul3A_402 = arith.constant 16 : i32
            %mul3A_403 = arith.muli %mul3A_371, %mul3A_402 : i32
            %add3A_404 = arith.addi %mul3A_403, %while3A_401 : i32
            %get3A = arith.index_cast %add3A_404 : i32 to index
            %get3A_405 = tpu.vector_load %arg9[%get3A] {strides = array<i32>} : memref<6432xi32, #tpu.memory_space<vmem>>, vector<16xi32>,
            %slice3A = vector.extract_strided_slice %get3A_405 {offsets = [0], sizes = [1], strides = [1]} : vector<16xi32> to vector<1xi32>
            %squeeze3A = vector.extract %slice3A[0] : i32 from vector<1xi32>
            %get3A_406 = arith.index_cast %squeeze3A : i32 to index
            %get3A_407 = arith.constant 0 : index
            %get3A_408 = tpu.vector_load %arg5[%get3A_406, %get3A_407] {strides = array<i32>} : memref<321x128xf32, #tpu.memory_space<vmem>>, vector<16xf32>,
            %get3A_409 = arith.index_cast %while3A_401 : i32 to index
            %get3A_410 = arith.constant 0 : index
            %get3A_411 = tpu.vector_load %arg12[%get3A_409, %get3A_410] {strides = array<i32>} : memref<256x128xf32, #tpu.memory_space<vmem>>, vector<16xf32>,
            %max3A = arith.maximumf %get3A_408, %get3A_411 : vector<16xf32>
            %swap3A = arith.index_cast %squeeze3A : i32 to index
            %swap3A_412 = arith.constant 0 : index
            %swap3A_413 = tpu.vector_load %arg5[%swap3A, %swap3A_412] {strides = array<i32>} : memref<321x128xf32, #tpu.memory_space<vmem>>, vector<16xf32>,
            tpu.vector_store %arg5[%swap3A, %swap3A_412], %max3A {strides = array<i32>} : memref<321x128xf32, #tpu.memory_space<vmem>>, vector<16xf32>,
            %get3A_414 = arith.index_cast %squeeze3A : i32 to index
            %get3A_415 = arith.constant 16 : index
            %get3A_416 = tpu.vector_load %arg5[%get3A_414, %get3A_415] {strides = array<i32>} : memref<321x128xf32, #tpu.memory_space<vmem>>, vector<16xf32>,
            %get3A_417 = arith.index_cast %while3A_401 : i32 to index
            %get3A_418 = arith.constant 16 : index
            %get3A_419 = tpu.vector_load %arg12[%get3A_417, %get3A_418] {strides = array<i32>} : memref<256x128xf32, #tpu.memory_space<vmem>>, vector<16xf32>,
            %max3A_420 = arith.maximumf %get3A_416, %get3A_419 : vector<16xf32>
            %swap3A_421 = arith.index_cast %squeeze3A : i32 to index
            %swap3A_422 = arith.constant 16 : index
            %swap3A_423 = tpu.vector_load %arg5[%swap3A_421, %swap3A_422] {strides = array<i32>} : memref<321x128xf32, #tpu.memory_space<vmem>>, vector<16xf32>,
            tpu.vector_store %arg5[%swap3A_421, %swap3A_422], %max3A_420 {strides = array<i32>} : memref<321x128xf32, #tpu.memory_space<vmem>>, vector<16xf32>,
            %get3A_424 = arith.index_cast %squeeze3A : i32 to index
            %get3A_425 = arith.constant 32 : index
            %get3A_426 = tpu.vector_load %arg5[%get3A_424, %get3A_425] {strides = array<i32>} : memref<321x128xf32, #tpu.memory_space<vmem>>, vector<16xf32>,
            %get3A_427 = arith.index_cast %while3A_401 : i32 to index
            %get3A_428 = arith.constant 32 : index
            %get3A_429 = tpu.vector_load %arg12[%get3A_427, %get3A_428] {strides = array<i32>} : memref<256x128xf32, #tpu.memory_space<vmem>>, vector<16xf32>,
            %max3A_430 = arith.maximumf %get3A_426, %get3A_429 : vector<16xf32>
            %swap3A_431 = arith.index_cast %squeeze3A : i32 to index
            %swap3A_432 = arith.constant 32 : index
            %swap3A_433 = tpu.vector_load %arg5[%swap3A_431, %swap3A_432] {strides = array<i32>} : memref<321x128xf32, #tpu.memory_space<vmem>>, vector<16xf32>,
            tpu.vector_store %arg5[%swap3A_431, %swap3A_432], %max3A_430 {strides = array<i32>} : memref<321x128xf32, #tpu.memory_space<vmem>>, vector<16xf32>,
            %get3A_434 = arith.index_cast %squeeze3A : i32 to index
            %get3A_435 = arith.constant 48 : index
            %get3A_436 = tpu.vector_load %arg5[%get3A_434, %get3A_435] {strides = array<i32>} : memref<321x128xf32, #tpu.memory_space<vmem>>, vector<16xf32>,
            %get3A_437 = arith.index_cast %while3A_401 : i32 to index
            %get3A_438 = arith.constant 48 : index
            %get3A_439 = tpu.vector_load %arg12[%get3A_437, %get3A_438] {strides = array<i32>} : memref<256x128xf32, #tpu.memory_space<vmem>>, vector<16xf32>,
            %max3A_440 = arith.maximumf %get3A_436, %get3A_439 : vector<16xf32>
            %swap3A_441 = arith.index_cast %squeeze3A : i32 to index
            %swap3A_442 = arith.constant 48 : index
            %swap3A_443 = tpu.vector_load %arg5[%swap3A_441, %swap3A_442] {strides = array<i32>} : memref<321x128xf32, #tpu.memory_space<vmem>>, vector<16xf32>,
            tpu.vector_store %arg5[%swap3A_441, %swap3A_442], %max3A_440 {strides = array<i32>} : memref<321x128xf32, #tpu.memory_space<vmem>>, vector<16xf32>,
            %get3A_444 = arith.index_cast %squeeze3A : i32 to index
            %get3A_445 = arith.constant 64 : index
            %get3A_446 = tpu.vector_load %arg5[%get3A_444, %get3A_445] {strides = array<i32>} : memref<321x128xf32, #tpu.memory_space<vmem>>, vector<16xf32>,
            %get3A_447 = arith.index_cast %while3A_401 : i32 to index
            %get3A_448 = arith.constant 64 : index
            %get3A_449 = tpu.vector_load %arg12[%get3A_447, %get3A_448] {strides = array<i32>} : memref<256x128xf32, #tpu.memory_space<vmem>>, vector<16xf32>,
            %max3A_450 = arith.maximumf %get3A_446, %get3A_449 : vector<16xf32>
            %swap3A_451 = arith.index_cast %squeeze3A : i32 to index
            %swap3A_452 = arith.constant 64 : index
            %swap3A_453 = tpu.vector_load %arg5[%swap3A_451, %swap3A_452] {strides = array<i32>} : memref<321x128xf32, #tpu.memory_space<vmem>>, vector<16xf32>,
            tpu.vector_store %arg5[%swap3A_451, %swap3A_452], %max3A_450 {strides = array<i32>} : memref<321x128xf32, #tpu.memory_space<vmem>>, vector<16xf32>,
            %get3A_454 = arith.index_cast %squeeze3A : i32 to index
            %get3A_455 = arith.constant 80 : index
            %get3A_456 = tpu.vector_load %arg5[%get3A_454, %get3A_455] {strides = array<i32>} : memref<321x128xf32, #tpu.memory_space<vmem>>, vector<16xf32>,
            %get3A_457 = arith.index_cast %while3A_401 : i32 to index
            %get3A_458 = arith.constant 80 : index
            %get3A_459 = tpu.vector_load %arg12[%get3A_457, %get3A_458] {strides = array<i32>} : memref<256x128xf32, #tpu.memory_space<vmem>>, vector<16xf32>,
            %max3A_460 = arith.maximumf %get3A_456, %get3A_459 : vector<16xf32>
            %swap3A_461 = arith.index_cast %squeeze3A : i32 to index
            %swap3A_462 = arith.constant 80 : index
            %swap3A_463 = tpu.vector_load %arg5[%swap3A_461, %swap3A_462] {strides = array<i32>} : memref<321x128xf32, #tpu.memory_space<vmem>>, vector<16xf32>,
            tpu.vector_store %arg5[%swap3A_461, %swap3A_462], %max3A_460 {strides = array<i32>} : memref<321x128xf32, #tpu.memory_space<vmem>>, vector<16xf32>,
            %get3A_464 = arith.index_cast %squeeze3A : i32 to index
            %get3A_465 = arith.constant 96 : index
            %get3A_466 = tpu.vector_load %arg5[%get3A_464, %get3A_465] {strides = array<i32>} : memref<321x128xf32, #tpu.memory_space<vmem>>, vector<16xf32>,
            %get3A_467 = arith.index_cast %while3A_401 : i32 to index
            %get3A_468 = arith.constant 96 : index
            %get3A_469 = tpu.vector_load %arg12[%get3A_467, %get3A_468] {strides = array<i32>} : memref<256x128xf32, #tpu.memory_space<vmem>>, vector<16xf32>,
            %max3A_470 = arith.maximumf %get3A_466, %get3A_469 : vector<16xf32>
            %swap3A_471 = arith.index_cast %squeeze3A : i32 to index
            %swap3A_472 = arith.constant 96 : index
            %swap3A_473 = tpu.vector_load %arg5[%swap3A_471, %swap3A_472] {strides = array<i32>} : memref<321x128xf32, #tpu.memory_space<vmem>>, vector<16xf32>,
            tpu.vector_store %arg5[%swap3A_471, %swap3A_472], %max3A_470 {strides = array<i32>} : memref<321x128xf32, #tpu.memory_space<vmem>>, vector<16xf32>,
            %get3A_474 = arith.index_cast %squeeze3A : i32 to index
            %get3A_475 = arith.constant 112 : index
            %get3A_476 = tpu.vector_load %arg5[%get3A_474, %get3A_475] {strides = array<i32>} : memref<321x128xf32, #tpu.memory_space<vmem>>, vector<16xf32>,
            %get3A_477 = arith.index_cast %while3A_401 : i32 to index
            %get3A_478 = arith.constant 112 : index
            %get3A_479 = tpu.vector_load %arg12[%get3A_477, %get3A_478] {strides = array<i32>} : memref<256x128xf32, #tpu.memory_space<vmem>>, vector<16xf32>,
            %max3A_480 = arith.maximumf %get3A_476, %get3A_479 : vector<16xf32>
            %swap3A_481 = arith.index_cast %squeeze3A : i32 to index
            %swap3A_482 = arith.constant 112 : index
            %swap3A_483 = tpu.vector_load %arg5[%swap3A_481, %swap3A_482] {strides = array<i32>} : memref<321x128xf32, #tpu.memory_space<vmem>>, vector<16xf32>,
            tpu.vector_store %arg5[%swap3A_481, %swap3A_482], %max3A_480 {strides = array<i32>} : memref<321x128xf32, #tpu.memory_space<vmem>>, vector<16xf32>,
          }
        }
        %while3A_368 = arith.constant 1 : i32
        scf.for %while3A_369 = %while3A_366 to %while3A_362 step %while3A_368  : i32 {
          %mul3A_370 = arith.constant 16 : i32
          %mul3A_371 = arith.muli %while3A_369, %mul3A_370 : i32
          %sub3A_372 = arith.subi %select_n3A_330, %mul3A_371 : i32
          %min3A_373 = arith.constant 16 : i32
          %min3A_374 = arith.minsi %sub3A_372, %min3A_373 : i32
          %gt3A = arith.constant 0 : i32
          %gt3A_375 = arith.cmpi sgt, %while3A_369, %gt3A : i32
          %convert_element_type3A_376 = arith.extui %gt3A_375 : i1 to i32
          %cond3A_377 = arith.constant 0 : i32
          %cond3A_378 = arith.cmpi ne, %convert_element_type3A_376, %cond3A_377 : i32
          scf.if %cond3A_378 {
            %while3A_401 = arith.constant 0 : i32
            %while3A_402 = arith.constant 0 : i32
            %while3A_403 = arith.subi %min3A_374, %while3A_402 : i32
            %while3A_404 = arith.addi %while3A_402, %while3A_403 : i32
            %while3A_405 = arith.constant 1 : i32
            %while3A_406 = arith.divsi %while3A_403, %while3A_405 : i32
            %while3A_407 = arith.muli %while3A_406, %while3A_405 : i32
            %while3A_408 = arith.addi %while3A_402, %while3A_407 : i32
            %while3A_409 = arith.constant 1 : i32
            scf.for %while3A_411 = %while3A_402 to %while3A_408 step %while3A_409  : i32 {
              %add3A_412 = arith.addi %mul3A_371, %while3A_411 : i32
              %mul3A_413 = arith.constant 16 : i32
              %mul3A_414 = arith.muli %add3A_412, %mul3A_413 : i32
              %mul3A_415 = arith.constant 16 : i32
              %mul3A_416 = arith.muli %while3A_411, %mul3A_415 : i32
              %dma_start3A_417 = arith.constant 0 : i32
              %dma_start3A_418 = tpu.memref_slice %arg12[%mul3A_416, %dma_start3A_417] : memref<256x128xf32, #tpu.memory_space<vmem>> -> memref<16x128xf32, #tpu.memory_space<vmem>>
              %dma_start3A_419 = tpu.memref_slice %arg11[%mul3A_414] : memref<6432xi32, #tpu.memory_space<vmem>> -> memref<16xi32, #tpu.memory_space<vmem>>
              %dma_start3A_420 = arith.constant 0 : i32
              %dma_start3A_421 = arith.constant 0 : i32
              %dma_start3A_422 = tpu.memref_slice %arg2[%dma_start3A_420, %dma_start3A_421] : memref<10000x128xf32, #tpu.memory_space<hbm>> -> memref<10000x128xf32, #tpu.memory_space<hbm>>
              tpu.enqueue_indirect_dma source(%dma_start3A_422 : memref<10000x128xf32, #tpu.memory_space<hbm>>) target(%dma_start3A_418 : memref<16x128xf32, #tpu.memory_space<vmem>>) offsets(%dma_start3A_419 : memref<16xi32, #tpu.memory_space<vmem>>) semaphore(%arg13 : memref<!tpu.dma_semaphore, #tpu.memory_space<semaphore_mem>>)
            }
            %while3A_410 = arith.constant 1 : i32
            scf.for %while3A_411 = %while3A_408 to %while3A_404 step %while3A_410  : i32 {
              %add3A_412 = arith.addi %mul3A_371, %while3A_411 : i32
              %mul3A_413 = arith.constant 16 : i32
              %mul3A_414 = arith.muli %add3A_412, %mul3A_413 : i32
              %mul3A_415 = arith.constant 16 : i32
              %mul3A_416 = arith.muli %while3A_411, %mul3A_415 : i32
              %dma_start3A_417 = arith.constant 0 : i32
              %dma_start3A_418 = tpu.memref_slice %arg12[%mul3A_416, %dma_start3A_417] : memref<256x128xf32, #tpu.memory_space<vmem>> -> memref<16x128xf32, #tpu.memory_space<vmem>>
              %dma_start3A_419 = tpu.memref_slice %arg11[%mul3A_414] : memref<6432xi32, #tpu.memory_space<vmem>> -> memref<16xi32, #tpu.memory_space<vmem>>
              %dma_start3A_420 = arith.constant 0 : i32
              %dma_start3A_421 = arith.constant 0 : i32
              %dma_start3A_422 = tpu.memref_slice %arg2[%dma_start3A_420, %dma_start3A_421] : memref<10000x128xf32, #tpu.memory_space<hbm>> -> memref<10000x128xf32, #tpu.memory_space<hbm>>
              tpu.enqueue_indirect_dma source(%dma_start3A_422 : memref<10000x128xf32, #tpu.memory_space<hbm>>) target(%dma_start3A_418 : memref<16x128xf32, #tpu.memory_space<vmem>>) offsets(%dma_start3A_419 : memref<16xi32, #tpu.memory_space<vmem>>) semaphore(%arg13 : memref<!tpu.dma_semaphore, #tpu.memory_space<semaphore_mem>>)
            }
          } else {
          }
          %while3A_379 = arith.constant 0 : i32
          %while3A_380 = arith.constant 0 : i32
          %while3A_381 = arith.subi %min3A_374, %while3A_380 : i32
          %while3A_382 = arith.addi %while3A_380, %while3A_381 : i32
          %while3A_383 = arith.constant 1 : i32
          %while3A_384 = arith.divsi %while3A_381, %while3A_383 : i32
          %while3A_385 = arith.muli %while3A_384, %while3A_383 : i32
          %while3A_386 = arith.addi %while3A_380, %while3A_385 : i32
          %while3A_387 = arith.constant 1 : i32
          scf.for %while3A_401 = %while3A_380 to %while3A_386 step %while3A_387  : i32 {
            %add3A_402 = arith.addi %mul3A_371, %while3A_401 : i32
            %mul3A_403 = arith.constant 16 : i32
            %mul3A_404 = arith.muli %add3A_402, %mul3A_403 : i32
            %mul3A_405 = arith.constant 16 : i32
            %mul3A_406 = arith.muli %while3A_401, %mul3A_405 : i32
            %dma_wait3A_407 = arith.constant 0 : i32
            %dma_wait3A_408 = tpu.memref_slice %arg12[%mul3A_406, %dma_wait3A_407] : memref<256x128xf32, #tpu.memory_space<vmem>> -> memref<16x128xf32, #tpu.memory_space<vmem>>
            %dma_wait3A_409 = tpu.memref_slice %arg11[%mul3A_404] : memref<6432xi32, #tpu.memory_space<vmem>> -> memref<16xi32, #tpu.memory_space<vmem>>
            %dma_wait3A_410 = arith.constant 0 : i32
            %dma_wait3A_411 = arith.constant 0 : i32
            %dma_wait3A_412 = tpu.memref_slice %arg2[%dma_wait3A_410, %dma_wait3A_411] : memref<10000x128xf32, #tpu.memory_space<hbm>> -> memref<10000x128xf32, #tpu.memory_space<hbm>>
            tpu.wait_indirect_dma semaphore(%arg13 : memref<!tpu.dma_semaphore, #tpu.memory_space<semaphore_mem>>) src(%dma_wait3A_412 : memref<10000x128xf32, #tpu.memory_space<hbm>>) dst(%dma_wait3A_408 : memref<16x128xf32, #tpu.memory_space<vmem>>)
          }
          %while3A_388 = arith.constant 1 : i32
          scf.for %while3A_401 = %while3A_386 to %while3A_382 step %while3A_388  : i32 {
            %add3A_402 = arith.addi %mul3A_371, %while3A_401 : i32
            %mul3A_403 = arith.constant 16 : i32
            %mul3A_404 = arith.muli %add3A_402, %mul3A_403 : i32
            %mul3A_405 = arith.constant 16 : i32
            %mul3A_406 = arith.muli %while3A_401, %mul3A_405 : i32
            %dma_wait3A_407 = arith.constant 0 : i32
            %dma_wait3A_408 = tpu.memref_slice %arg12[%mul3A_406, %dma_wait3A_407] : memref<256x128xf32, #tpu.memory_space<vmem>> -> memref<16x128xf32, #tpu.memory_space<vmem>>
            %dma_wait3A_409 = tpu.memref_slice %arg11[%mul3A_404] : memref<6432xi32, #tpu.memory_space<vmem>> -> memref<16xi32, #tpu.memory_space<vmem>>
            %dma_wait3A_410 = arith.constant 0 : i32
            %dma_wait3A_411 = arith.constant 0 : i32
            %dma_wait3A_412 = tpu.memref_slice %arg2[%dma_wait3A_410, %dma_wait3A_411] : memref<10000x128xf32, #tpu.memory_space<hbm>> -> memref<10000x128xf32, #tpu.memory_space<hbm>>
            tpu.wait_indirect_dma semaphore(%arg13 : memref<!tpu.dma_semaphore, #tpu.memory_space<semaphore_mem>>) src(%dma_wait3A_412 : memref<10000x128xf32, #tpu.memory_space<hbm>>) dst(%dma_wait3A_408 : memref<16x128xf32, #tpu.memory_space<vmem>>)
          }
          %mul3A_389 = arith.constant 16 : i32
          %mul3A_390 = arith.muli %min3A_374, %mul3A_389 : i32
          %while3A_391 = arith.constant 0 : i32
          %while3A_392 = arith.constant 0 : i32
          %while3A_393 = arith.subi %mul3A_390, %while3A_392 : i32
          %while3A_394 = arith.addi %while3A_392, %while3A_393 : i32
          %while3A_395 = arith.constant 1 : i32
          %while3A_396 = arith.divsi %while3A_393, %while3A_395 : i32
          %while3A_397 = arith.muli %while3A_396, %while3A_395 : i32
          %while3A_398 = arith.addi %while3A_392, %while3A_397 : i32
          %while3A_399 = arith.constant 1 : i32
          scf.for %while3A_401 = %while3A_392 to %while3A_398 step %while3A_399  : i32 {
            %mul3A_402 = arith.constant 16 : i32
            %mul3A_403 = arith.muli %mul3A_371, %mul3A_402 : i32
            %add3A_404 = arith.addi %mul3A_403, %while3A_401 : i32
            %get3A = arith.index_cast %add3A_404 : i32 to index
            %get3A_405 = tpu.vector_load %arg9[%get3A] {strides = array<i32>} : memref<6432xi32, #tpu.memory_space<vmem>>, vector<16xi32>,
            %slice3A = vector.extract_strided_slice %get3A_405 {offsets = [0], sizes = [1], strides = [1]} : vector<16xi32> to vector<1xi32>
            %squeeze3A = vector.extract %slice3A[0] : i32 from vector<1xi32>
            %get3A_406 = arith.index_cast %squeeze3A : i32 to index
            %get3A_407 = arith.constant 0 : index
            %get3A_408 = tpu.vector_load %arg5[%get3A_406, %get3A_407] {strides = array<i32>} : memref<321x128xf32, #tpu.memory_space<vmem>>, vector<16xf32>,
            %get3A_409 = arith.index_cast %while3A_401 : i32 to index
            %get3A_410 = arith.constant 0 : index
            %get3A_411 = tpu.vector_load %arg12[%get3A_409, %get3A_410] {strides = array<i32>} : memref<256x128xf32, #tpu.memory_space<vmem>>, vector<16xf32>,
            %max3A = arith.maximumf %get3A_408, %get3A_411 : vector<16xf32>
            %swap3A = arith.index_cast %squeeze3A : i32 to index
            %swap3A_412 = arith.constant 0 : index
            %swap3A_413 = tpu.vector_load %arg5[%swap3A, %swap3A_412] {strides = array<i32>} : memref<321x128xf32, #tpu.memory_space<vmem>>, vector<16xf32>,
            tpu.vector_store %arg5[%swap3A, %swap3A_412], %max3A {strides = array<i32>} : memref<321x128xf32, #tpu.memory_space<vmem>>, vector<16xf32>,
            %get3A_414 = arith.index_cast %squeeze3A : i32 to index
            %get3A_415 = arith.constant 16 : index
            %get3A_416 = tpu.vector_load %arg5[%get3A_414, %get3A_415] {strides = array<i32>} : memref<321x128xf32, #tpu.memory_space<vmem>>, vector<16xf32>,
            %get3A_417 = arith.index_cast %while3A_401 : i32 to index
            %get3A_418 = arith.constant 16 : index
            %get3A_419 = tpu.vector_load %arg12[%get3A_417, %get3A_418] {strides = array<i32>} : memref<256x128xf32, #tpu.memory_space<vmem>>, vector<16xf32>,
            %max3A_420 = arith.maximumf %get3A_416, %get3A_419 : vector<16xf32>
            %swap3A_421 = arith.index_cast %squeeze3A : i32 to index
            %swap3A_422 = arith.constant 16 : index
            %swap3A_423 = tpu.vector_load %arg5[%swap3A_421, %swap3A_422] {strides = array<i32>} : memref<321x128xf32, #tpu.memory_space<vmem>>, vector<16xf32>,
            tpu.vector_store %arg5[%swap3A_421, %swap3A_422], %max3A_420 {strides = array<i32>} : memref<321x128xf32, #tpu.memory_space<vmem>>, vector<16xf32>,
            %get3A_424 = arith.index_cast %squeeze3A : i32 to index
            %get3A_425 = arith.constant 32 : index
            %get3A_426 = tpu.vector_load %arg5[%get3A_424, %get3A_425] {strides = array<i32>} : memref<321x128xf32, #tpu.memory_space<vmem>>, vector<16xf32>,
            %get3A_427 = arith.index_cast %while3A_401 : i32 to index
            %get3A_428 = arith.constant 32 : index
            %get3A_429 = tpu.vector_load %arg12[%get3A_427, %get3A_428] {strides = array<i32>} : memref<256x128xf32, #tpu.memory_space<vmem>>, vector<16xf32>,
            %max3A_430 = arith.maximumf %get3A_426, %get3A_429 : vector<16xf32>
            %swap3A_431 = arith.index_cast %squeeze3A : i32 to index
            %swap3A_432 = arith.constant 32 : index
            %swap3A_433 = tpu.vector_load %arg5[%swap3A_431, %swap3A_432] {strides = array<i32>} : memref<321x128xf32, #tpu.memory_space<vmem>>, vector<16xf32>,
            tpu.vector_store %arg5[%swap3A_431, %swap3A_432], %max3A_430 {strides = array<i32>} : memref<321x128xf32, #tpu.memory_space<vmem>>, vector<16xf32>,
            %get3A_434 = arith.index_cast %squeeze3A : i32 to index
            %get3A_435 = arith.constant 48 : index
            %get3A_436 = tpu.vector_load %arg5[%get3A_434, %get3A_435] {strides = array<i32>} : memref<321x128xf32, #tpu.memory_space<vmem>>, vector<16xf32>,
            %get3A_437 = arith.index_cast %while3A_401 : i32 to index
            %get3A_438 = arith.constant 48 : index
            %get3A_439 = tpu.vector_load %arg12[%get3A_437, %get3A_438] {strides = array<i32>} : memref<256x128xf32, #tpu.memory_space<vmem>>, vector<16xf32>,
            %max3A_440 = arith.maximumf %get3A_436, %get3A_439 : vector<16xf32>
            %swap3A_441 = arith.index_cast %squeeze3A : i32 to index
            %swap3A_442 = arith.constant 48 : index
            %swap3A_443 = tpu.vector_load %arg5[%swap3A_441, %swap3A_442] {strides = array<i32>} : memref<321x128xf32, #tpu.memory_space<vmem>>, vector<16xf32>,
            tpu.vector_store %arg5[%swap3A_441, %swap3A_442], %max3A_440 {strides = array<i32>} : memref<321x128xf32, #tpu.memory_space<vmem>>, vector<16xf32>,
            %get3A_444 = arith.index_cast %squeeze3A : i32 to index
            %get3A_445 = arith.constant 64 : index
            %get3A_446 = tpu.vector_load %arg5[%get3A_444, %get3A_445] {strides = array<i32>} : memref<321x128xf32, #tpu.memory_space<vmem>>, vector<16xf32>,
            %get3A_447 = arith.index_cast %while3A_401 : i32 to index
            %get3A_448 = arith.constant 64 : index
            %get3A_449 = tpu.vector_load %arg12[%get3A_447, %get3A_448] {strides = array<i32>} : memref<256x128xf32, #tpu.memory_space<vmem>>, vector<16xf32>,
            %max3A_450 = arith.maximumf %get3A_446, %get3A_449 : vector<16xf32>
            %swap3A_451 = arith.index_cast %squeeze3A : i32 to index
            %swap3A_452 = arith.constant 64 : index
            %swap3A_453 = tpu.vector_load %arg5[%swap3A_451, %swap3A_452] {strides = array<i32>} : memref<321x128xf32, #tpu.memory_space<vmem>>, vector<16xf32>,
            tpu.vector_store %arg5[%swap3A_451, %swap3A_452], %max3A_450 {strides = array<i32>} : memref<321x128xf32, #tpu.memory_space<vmem>>, vector<16xf32>,
            %get3A_454 = arith.index_cast %squeeze3A : i32 to index
            %get3A_455 = arith.constant 80 : index
            %get3A_456 = tpu.vector_load %arg5[%get3A_454, %get3A_455] {strides = array<i32>} : memref<321x128xf32, #tpu.memory_space<vmem>>, vector<16xf32>,
            %get3A_457 = arith.index_cast %while3A_401 : i32 to index
            %get3A_458 = arith.constant 80 : index
            %get3A_459 = tpu.vector_load %arg12[%get3A_457, %get3A_458] {strides = array<i32>} : memref<256x128xf32, #tpu.memory_space<vmem>>, vector<16xf32>,
            %max3A_460 = arith.maximumf %get3A_456, %get3A_459 : vector<16xf32>
            %swap3A_461 = arith.index_cast %squeeze3A : i32 to index
            %swap3A_462 = arith.constant 80 : index
            %swap3A_463 = tpu.vector_load %arg5[%swap3A_461, %swap3A_462] {strides = array<i32>} : memref<321x128xf32, #tpu.memory_space<vmem>>, vector<16xf32>,
            tpu.vector_store %arg5[%swap3A_461, %swap3A_462], %max3A_460 {strides = array<i32>} : memref<321x128xf32, #tpu.memory_space<vmem>>, vector<16xf32>,
            %get3A_464 = arith.index_cast %squeeze3A : i32 to index
            %get3A_465 = arith.constant 96 : index
            %get3A_466 = tpu.vector_load %arg5[%get3A_464, %get3A_465] {strides = array<i32>} : memref<321x128xf32, #tpu.memory_space<vmem>>, vector<16xf32>,
            %get3A_467 = arith.index_cast %while3A_401 : i32 to index
            %get3A_468 = arith.constant 96 : index
            %get3A_469 = tpu.vector_load %arg12[%get3A_467, %get3A_468] {strides = array<i32>} : memref<256x128xf32, #tpu.memory_space<vmem>>, vector<16xf32>,
            %max3A_470 = arith.maximumf %get3A_466, %get3A_469 : vector<16xf32>
            %swap3A_471 = arith.index_cast %squeeze3A : i32 to index
            %swap3A_472 = arith.constant 96 : index
            %swap3A_473 = tpu.vector_load %arg5[%swap3A_471, %swap3A_472] {strides = array<i32>} : memref<321x128xf32, #tpu.memory_space<vmem>>, vector<16xf32>,
            tpu.vector_store %arg5[%swap3A_471, %swap3A_472], %max3A_470 {strides = array<i32>} : memref<321x128xf32, #tpu.memory_space<vmem>>, vector<16xf32>,
            %get3A_474 = arith.index_cast %squeeze3A : i32 to index
            %get3A_475 = arith.constant 112 : index
            %get3A_476 = tpu.vector_load %arg5[%get3A_474, %get3A_475] {strides = array<i32>} : memref<321x128xf32, #tpu.memory_space<vmem>>, vector<16xf32>,
            %get3A_477 = arith.index_cast %while3A_401 : i32 to index
            %get3A_478 = arith.constant 112 : index
            %get3A_479 = tpu.vector_load %arg12[%get3A_477, %get3A_478] {strides = array<i32>} : memref<256x128xf32, #tpu.memory_space<vmem>>, vector<16xf32>,
            %max3A_480 = arith.maximumf %get3A_476, %get3A_479 : vector<16xf32>
            %swap3A_481 = arith.index_cast %squeeze3A : i32 to index
            %swap3A_482 = arith.constant 112 : index
            %swap3A_483 = tpu.vector_load %arg5[%swap3A_481, %swap3A_482] {strides = array<i32>} : memref<321x128xf32, #tpu.memory_space<vmem>>, vector<16xf32>,
            tpu.vector_store %arg5[%swap3A_481, %swap3A_482], %max3A_480 {strides = array<i32>} : memref<321x128xf32, #tpu.memory_space<vmem>>, vector<16xf32>,
          }
          %while3A_400 = arith.constant 1 : i32
          scf.for %while3A_401 = %while3A_398 to %while3A_394 step %while3A_400  : i32 {
            %mul3A_402 = arith.constant 16 : i32
            %mul3A_403 = arith.muli %mul3A_371, %mul3A_402 : i32
            %add3A_404 = arith.addi %mul3A_403, %while3A_401 : i32
            %get3A = arith.index_cast %add3A_404 : i32 to index
            %get3A_405 = tpu.vector_load %arg9[%get3A] {strides = array<i32>} : memref<6432xi32, #tpu.memory_space<vmem>>, vector<16xi32>,
            %slice3A = vector.extract_strided_slice %get3A_405 {offsets = [0], sizes = [1], strides = [1]} : vector<16xi32> to vector<1xi32>
            %squeeze3A = vector.extract %slice3A[0] : i32 from vector<1xi32>
            %get3A_406 = arith.index_cast %squeeze3A : i32 to index
            %get3A_407 = arith.constant 0 : index
            %get3A_408 = tpu.vector_load %arg5[%get3A_406, %get3A_407] {strides = array<i32>} : memref<321x128xf32, #tpu.memory_space<vmem>>, vector<16xf32>,
            %get3A_409 = arith.index_cast %while3A_401 : i32 to index
            %get3A_410 = arith.constant 0 : index
            %get3A_411 = tpu.vector_load %arg12[%get3A_409, %get3A_410] {strides = array<i32>} : memref<256x128xf32, #tpu.memory_space<vmem>>, vector<16xf32>,
            %max3A = arith.maximumf %get3A_408, %get3A_411 : vector<16xf32>
            %swap3A = arith.index_cast %squeeze3A : i32 to index
            %swap3A_412 = arith.constant 0 : index
            %swap3A_413 = tpu.vector_load %arg5[%swap3A, %swap3A_412] {strides = array<i32>} : memref<321x128xf32, #tpu.memory_space<vmem>>, vector<16xf32>,
            tpu.vector_store %arg5[%swap3A, %swap3A_412], %max3A {strides = array<i32>} : memref<321x128xf32, #tpu.memory_space<vmem>>, vector<16xf32>,
            %get3A_414 = arith.index_cast %squeeze3A : i32 to index
            %get3A_415 = arith.constant 16 : index
            %get3A_416 = tpu.vector_load %arg5[%get3A_414, %get3A_415] {strides = array<i32>} : memref<321x128xf32, #tpu.memory_space<vmem>>, vector<16xf32>,
            %get3A_417 = arith.index_cast %while3A_401 : i32 to index
            %get3A_418 = arith.constant 16 : index
            %get3A_419 = tpu.vector_load %arg12[%get3A_417, %get3A_418] {strides = array<i32>} : memref<256x128xf32, #tpu.memory_space<vmem>>, vector<16xf32>,
            %max3A_420 = arith.maximumf %get3A_416, %get3A_419 : vector<16xf32>
            %swap3A_421 = arith.index_cast %squeeze3A : i32 to index
            %swap3A_422 = arith.constant 16 : index
            %swap3A_423 = tpu.vector_load %arg5[%swap3A_421, %swap3A_422] {strides = array<i32>} : memref<321x128xf32, #tpu.memory_space<vmem>>, vector<16xf32>,
            tpu.vector_store %arg5[%swap3A_421, %swap3A_422], %max3A_420 {strides = array<i32>} : memref<321x128xf32, #tpu.memory_space<vmem>>, vector<16xf32>,
            %get3A_424 = arith.index_cast %squeeze3A : i32 to index
            %get3A_425 = arith.constant 32 : index
            %get3A_426 = tpu.vector_load %arg5[%get3A_424, %get3A_425] {strides = array<i32>} : memref<321x128xf32, #tpu.memory_space<vmem>>, vector<16xf32>,
            %get3A_427 = arith.index_cast %while3A_401 : i32 to index
            %get3A_428 = arith.constant 32 : index
            %get3A_429 = tpu.vector_load %arg12[%get3A_427, %get3A_428] {strides = array<i32>} : memref<256x128xf32, #tpu.memory_space<vmem>>, vector<16xf32>,
            %max3A_430 = arith.maximumf %get3A_426, %get3A_429 : vector<16xf32>
            %swap3A_431 = arith.index_cast %squeeze3A : i32 to index
            %swap3A_432 = arith.constant 32 : index
            %swap3A_433 = tpu.vector_load %arg5[%swap3A_431, %swap3A_432] {strides = array<i32>} : memref<321x128xf32, #tpu.memory_space<vmem>>, vector<16xf32>,
            tpu.vector_store %arg5[%swap3A_431, %swap3A_432], %max3A_430 {strides = array<i32>} : memref<321x128xf32, #tpu.memory_space<vmem>>, vector<16xf32>,
            %get3A_434 = arith.index_cast %squeeze3A : i32 to index
            %get3A_435 = arith.constant 48 : index
            %get3A_436 = tpu.vector_load %arg5[%get3A_434, %get3A_435] {strides = array<i32>} : memref<321x128xf32, #tpu.memory_space<vmem>>, vector<16xf32>,
            %get3A_437 = arith.index_cast %while3A_401 : i32 to index
            %get3A_438 = arith.constant 48 : index
            %get3A_439 = tpu.vector_load %arg12[%get3A_437, %get3A_438] {strides = array<i32>} : memref<256x128xf32, #tpu.memory_space<vmem>>, vector<16xf32>,
            %max3A_440 = arith.maximumf %get3A_436, %get3A_439 : vector<16xf32>
            %swap3A_441 = arith.index_cast %squeeze3A : i32 to index
            %swap3A_442 = arith.constant 48 : index
            %swap3A_443 = tpu.vector_load %arg5[%swap3A_441, %swap3A_442] {strides = array<i32>} : memref<321x128xf32, #tpu.memory_space<vmem>>, vector<16xf32>,
            tpu.vector_store %arg5[%swap3A_441, %swap3A_442], %max3A_440 {strides = array<i32>} : memref<321x128xf32, #tpu.memory_space<vmem>>, vector<16xf32>,
            %get3A_444 = arith.index_cast %squeeze3A : i32 to index
            %get3A_445 = arith.constant 64 : index
            %get3A_446 = tpu.vector_load %arg5[%get3A_444, %get3A_445] {strides = array<i32>} : memref<321x128xf32, #tpu.memory_space<vmem>>, vector<16xf32>,
            %get3A_447 = arith.index_cast %while3A_401 : i32 to index
            %get3A_448 = arith.constant 64 : index
            %get3A_449 = tpu.vector_load %arg12[%get3A_447, %get3A_448] {strides = array<i32>} : memref<256x128xf32, #tpu.memory_space<vmem>>, vector<16xf32>,
            %max3A_450 = arith.maximumf %get3A_446, %get3A_449 : vector<16xf32>
            %swap3A_451 = arith.index_cast %squeeze3A : i32 to index
            %swap3A_452 = arith.constant 64 : index
            %swap3A_453 = tpu.vector_load %arg5[%swap3A_451, %swap3A_452] {strides = array<i32>} : memref<321x128xf32, #tpu.memory_space<vmem>>, vector<16xf32>,
            tpu.vector_store %arg5[%swap3A_451, %swap3A_452], %max3A_450 {strides = array<i32>} : memref<321x128xf32, #tpu.memory_space<vmem>>, vector<16xf32>,
            %get3A_454 = arith.index_cast %squeeze3A : i32 to index
            %get3A_455 = arith.constant 80 : index
            %get3A_456 = tpu.vector_load %arg5[%get3A_454, %get3A_455] {strides = array<i32>} : memref<321x128xf32, #tpu.memory_space<vmem>>, vector<16xf32>,
            %get3A_457 = arith.index_cast %while3A_401 : i32 to index
            %get3A_458 = arith.constant 80 : index
            %get3A_459 = tpu.vector_load %arg12[%get3A_457, %get3A_458] {strides = array<i32>} : memref<256x128xf32, #tpu.memory_space<vmem>>, vector<16xf32>,
            %max3A_460 = arith.maximumf %get3A_456, %get3A_459 : vector<16xf32>
            %swap3A_461 = arith.index_cast %squeeze3A : i32 to index
            %swap3A_462 = arith.constant 80 : index
            %swap3A_463 = tpu.vector_load %arg5[%swap3A_461, %swap3A_462] {strides = array<i32>} : memref<321x128xf32, #tpu.memory_space<vmem>>, vector<16xf32>,
            tpu.vector_store %arg5[%swap3A_461, %swap3A_462], %max3A_460 {strides = array<i32>} : memref<321x128xf32, #tpu.memory_space<vmem>>, vector<16xf32>,
            %get3A_464 = arith.index_cast %squeeze3A : i32 to index
            %get3A_465 = arith.constant 96 : index
            %get3A_466 = tpu.vector_load %arg5[%get3A_464, %get3A_465] {strides = array<i32>} : memref<321x128xf32, #tpu.memory_space<vmem>>, vector<16xf32>,
            %get3A_467 = arith.index_cast %while3A_401 : i32 to index
            %get3A_468 = arith.constant 96 : index
            %get3A_469 = tpu.vector_load %arg12[%get3A_467, %get3A_468] {strides = array<i32>} : memref<256x128xf32, #tpu.memory_space<vmem>>, vector<16xf32>,
            %max3A_470 = arith.maximumf %get3A_466, %get3A_469 : vector<16xf32>
            %swap3A_471 = arith.index_cast %squeeze3A : i32 to index
            %swap3A_472 = arith.constant 96 : index
            %swap3A_473 = tpu.vector_load %arg5[%swap3A_471, %swap3A_472] {strides = array<i32>} : memref<321x128xf32, #tpu.memory_space<vmem>>, vector<16xf32>,
            tpu.vector_store %arg5[%swap3A_471, %swap3A_472], %max3A_470 {strides = array<i32>} : memref<321x128xf32, #tpu.memory_space<vmem>>, vector<16xf32>,
            %get3A_474 = arith.index_cast %squeeze3A : i32 to index
            %get3A_475 = arith.constant 112 : index
            %get3A_476 = tpu.vector_load %arg5[%get3A_474, %get3A_475] {strides = array<i32>} : memref<321x128xf32, #tpu.memory_space<vmem>>, vector<16xf32>,
            %get3A_477 = arith.index_cast %while3A_401 : i32 to index
            %get3A_478 = arith.constant 112 : index
            %get3A_479 = tpu.vector_load %arg12[%get3A_477, %get3A_478] {strides = array<i32>} : memref<256x128xf32, #tpu.memory_space<vmem>>, vector<16xf32>,
            %max3A_480 = arith.maximumf %get3A_476, %get3A_479 : vector<16xf32>
            %swap3A_481 = arith.index_cast %squeeze3A : i32 to index
            %swap3A_482 = arith.constant 112 : index
            %swap3A_483 = tpu.vector_load %arg5[%swap3A_481, %swap3A_482] {strides = array<i32>} : memref<321x128xf32, #tpu.memory_space<vmem>>, vector<16xf32>,
            tpu.vector_store %arg5[%swap3A_481, %swap3A_482], %max3A_480 {strides = array<i32>} : memref<321x128xf32, #tpu.memory_space<vmem>>, vector<16xf32>,
          }
        }
        scf.yield %scan3A_294 : i32
      } else {
        scf.yield %scan3A_155 : i32
      }
      scf.yield %cond3A_237 : i32
    }
    %scan3A_39 = arith.constant 25 : i32
    %add3A_40 = arith.constant 16 : i32
    %add3A_41 = arith.addi %scan3A_38, %add3A_40 : i32
    %sub3A = arith.constant 1 : i32
    %sub3A_42 = arith.subi %add3A_41, %sub3A : i32
    %jit3A = arith.constant 16 : i32
    %div3A = arith.divsi %sub3A_42, %jit3A : i32
    %sign3A = arith.constant 0 : i32
    %sign3A_43 = arith.cmpi sgt, %sub3A_42, %sign3A : i32
    %sign3A_44 = arith.extui %sign3A_43 : i1 to i32
    %sign3A_45 = arith.constant 0 : i32
    %sign3A_46 = arith.cmpi slt, %sub3A_42, %sign3A_45 : i32
    %sign3A_47 = arith.extui %sign3A_46 : i1 to i32
    %sign3A_48 = arith.subi %sign3A_44, %sign3A_47 : i32
    %sign3A_49 = arith.constant 0 : i32
    %sign3A_50 = arith.cmpi sgt, %jit3A, %sign3A_49 : i32
    %sign3A_51 = arith.extui %sign3A_50 : i1 to i32
    %sign3A_52 = arith.constant 0 : i32
    %sign3A_53 = arith.cmpi slt, %jit3A, %sign3A_52 : i32
    %sign3A_54 = arith.extui %sign3A_53 : i1 to i32
    %sign3A_55 = arith.subi %sign3A_51, %sign3A_54 : i32
    %ne3A = arith.cmpi ne, %sign3A_48, %sign3A_55 : i32
    %rem3A = arith.remsi %sub3A_42, %jit3A : i32
    %ne3A_56 = arith.constant 0 : i32
    %ne3A_57 = arith.cmpi ne, %rem3A, %ne3A_56 : i32
    %and3A = arith.andi %ne3A, %ne3A_57 : i1
    %sub3A_58 = arith.constant 1 : i32
    %sub3A_59 = arith.subi %div3A, %sub3A_58 : i32
    %select_n3A = arith.select %and3A, %sub3A_59, %div3A : i32
    %add3A_60 = arith.constant 16 : i32
    %add3A_61 = arith.addi %select_n3A, %add3A_60 : i32
    %sub3A_62 = arith.constant 1 : i32
    %sub3A_63 = arith.subi %add3A_61, %sub3A_62 : i32
    %jit3A_64 = arith.constant 16 : i32
    %div3A_65 = arith.divsi %sub3A_63, %jit3A_64 : i32
    %sign3A_66 = arith.constant 0 : i32
    %sign3A_67 = arith.cmpi sgt, %sub3A_63, %sign3A_66 : i32
    %sign3A_68 = arith.extui %sign3A_67 : i1 to i32
    %sign3A_69 = arith.constant 0 : i32
    %sign3A_70 = arith.cmpi slt, %sub3A_63, %sign3A_69 : i32
    %sign3A_71 = arith.extui %sign3A_70 : i1 to i32
    %sign3A_72 = arith.subi %sign3A_68, %sign3A_71 : i32
    %sign3A_73 = arith.constant 0 : i32
    %sign3A_74 = arith.cmpi sgt, %jit3A_64, %sign3A_73 : i32
    %sign3A_75 = arith.extui %sign3A_74 : i1 to i32
    %sign3A_76 = arith.constant 0 : i32
    %sign3A_77 = arith.cmpi slt, %jit3A_64, %sign3A_76 : i32
    %sign3A_78 = arith.extui %sign3A_77 : i1 to i32
    %sign3A_79 = arith.subi %sign3A_75, %sign3A_78 : i32
    %ne3A_80 = arith.cmpi ne, %sign3A_72, %sign3A_79 : i32
    %rem3A_81 = arith.remsi %sub3A_63, %jit3A_64 : i32
    %ne3A_82 = arith.constant 0 : i32
    %ne3A_83 = arith.cmpi ne, %rem3A_81, %ne3A_82 : i32
    %and3A_84 = arith.andi %ne3A_80, %ne3A_83 : i1
    %sub3A_85 = arith.constant 1 : i32
    %sub3A_86 = arith.subi %div3A_65, %sub3A_85 : i32
    %select_n3A_87 = arith.select %and3A_84, %sub3A_86, %div3A_65 : i32
    %while3A = arith.constant 0 : i32
    %while3A_88 = arith.constant 0 : i32
    %while3A_89 = arith.subi %select_n3A_87, %while3A_88 : i32
    %while3A_90 = arith.addi %while3A_88, %while3A_89 : i32
    %while3A_91 = arith.constant 1 : i32
    %while3A_92 = arith.divsi %while3A_89, %while3A_91 : i32
    %while3A_93 = arith.muli %while3A_92, %while3A_91 : i32
    %while3A_94 = arith.addi %while3A_88, %while3A_93 : i32
    %while3A_95 = arith.constant 1 : i32
    scf.for %while3A_97 = %while3A_88 to %while3A_94 step %while3A_95  : i32 {
      %mul3A_98 = arith.constant 16 : i32
      %mul3A_99 = arith.muli %while3A_97, %mul3A_98 : i32
      %sub3A_100 = arith.subi %select_n3A, %mul3A_99 : i32
      %min3A = arith.constant 16 : i32
      %min3A_101 = arith.minsi %sub3A_100, %min3A : i32
      %while3A_102 = arith.constant 0 : i32
      %while3A_103 = arith.constant 0 : i32
      %while3A_104 = arith.subi %min3A_101, %while3A_103 : i32
      %while3A_105 = arith.addi %while3A_103, %while3A_104 : i32
      %while3A_106 = arith.constant 1 : i32
      %while3A_107 = arith.divsi %while3A_104, %while3A_106 : i32
      %while3A_108 = arith.muli %while3A_107, %while3A_106 : i32
      %while3A_109 = arith.addi %while3A_103, %while3A_108 : i32
      %while3A_110 = arith.constant 1 : i32
      scf.for %while3A_134 = %while3A_103 to %while3A_109 step %while3A_110  : i32 {
        %add3A_135 = arith.addi %mul3A_99, %while3A_134 : i32
        %mul3A_136 = arith.constant 16 : i32
        %mul3A_137 = arith.muli %add3A_135, %mul3A_136 : i32
        %mul3A_138 = arith.constant 16 : i32
        %mul3A_139 = arith.muli %while3A_134, %mul3A_138 : i32
        %dma_start3A_140 = arith.constant 0 : i32
        %dma_start3A_141 = tpu.memref_slice %arg12[%mul3A_139, %dma_start3A_140] : memref<256x128xf32, #tpu.memory_space<vmem>> -> memref<16x128xf32, #tpu.memory_space<vmem>>
        %dma_start3A_142 = tpu.memref_slice %arg11[%mul3A_137] : memref<6432xi32, #tpu.memory_space<vmem>> -> memref<16xi32, #tpu.memory_space<vmem>>
        %dma_start3A_143 = arith.constant 0 : i32
        %dma_start3A_144 = arith.constant 0 : i32
        %dma_start3A_145 = tpu.memref_slice %arg2[%dma_start3A_143, %dma_start3A_144] : memref<10000x128xf32, #tpu.memory_space<hbm>> -> memref<10000x128xf32, #tpu.memory_space<hbm>>
        tpu.enqueue_indirect_dma source(%dma_start3A_145 : memref<10000x128xf32, #tpu.memory_space<hbm>>) target(%dma_start3A_141 : memref<16x128xf32, #tpu.memory_space<vmem>>) offsets(%dma_start3A_142 : memref<16xi32, #tpu.memory_space<vmem>>) semaphore(%arg13 : memref<!tpu.dma_semaphore, #tpu.memory_space<semaphore_mem>>)
      }
      %while3A_111 = arith.constant 1 : i32
      scf.for %while3A_134 = %while3A_109 to %while3A_105 step %while3A_111  : i32 {
        %add3A_135 = arith.addi %mul3A_99, %while3A_134 : i32
        %mul3A_136 = arith.constant 16 : i32
        %mul3A_137 = arith.muli %add3A_135, %mul3A_136 : i32
        %mul3A_138 = arith.constant 16 : i32
        %mul3A_139 = arith.muli %while3A_134, %mul3A_138 : i32
        %dma_start3A_140 = arith.constant 0 : i32
        %dma_start3A_141 = tpu.memref_slice %arg12[%mul3A_139, %dma_start3A_140] : memref<256x128xf32, #tpu.memory_space<vmem>> -> memref<16x128xf32, #tpu.memory_space<vmem>>
        %dma_start3A_142 = tpu.memref_slice %arg11[%mul3A_137] : memref<6432xi32, #tpu.memory_space<vmem>> -> memref<16xi32, #tpu.memory_space<vmem>>
        %dma_start3A_143 = arith.constant 0 : i32
        %dma_start3A_144 = arith.constant 0 : i32
        %dma_start3A_145 = tpu.memref_slice %arg2[%dma_start3A_143, %dma_start3A_144] : memref<10000x128xf32, #tpu.memory_space<hbm>> -> memref<10000x128xf32, #tpu.memory_space<hbm>>
        tpu.enqueue_indirect_dma source(%dma_start3A_145 : memref<10000x128xf32, #tpu.memory_space<hbm>>) target(%dma_start3A_141 : memref<16x128xf32, #tpu.memory_space<vmem>>) offsets(%dma_start3A_142 : memref<16xi32, #tpu.memory_space<vmem>>) semaphore(%arg13 : memref<!tpu.dma_semaphore, #tpu.memory_space<semaphore_mem>>)
      }
      %while3A_112 = arith.constant 0 : i32
      %while3A_113 = arith.constant 0 : i32
      %while3A_114 = arith.subi %min3A_101, %while3A_113 : i32
      %while3A_115 = arith.addi %while3A_113, %while3A_114 : i32
      %while3A_116 = arith.constant 1 : i32
      %while3A_117 = arith.divsi %while3A_114, %while3A_116 : i32
      %while3A_118 = arith.muli %while3A_117, %while3A_116 : i32
      %while3A_119 = arith.addi %while3A_113, %while3A_118 : i32
      %while3A_120 = arith.constant 1 : i32
      scf.for %while3A_134 = %while3A_113 to %while3A_119 step %while3A_120  : i32 {
        %add3A_135 = arith.addi %mul3A_99, %while3A_134 : i32
        %mul3A_136 = arith.constant 16 : i32
        %mul3A_137 = arith.muli %add3A_135, %mul3A_136 : i32
        %mul3A_138 = arith.constant 16 : i32
        %mul3A_139 = arith.muli %while3A_134, %mul3A_138 : i32
        %dma_wait3A_140 = arith.constant 0 : i32
        %dma_wait3A_141 = tpu.memref_slice %arg12[%mul3A_139, %dma_wait3A_140] : memref<256x128xf32, #tpu.memory_space<vmem>> -> memref<16x128xf32, #tpu.memory_space<vmem>>
        %dma_wait3A_142 = tpu.memref_slice %arg11[%mul3A_137] : memref<6432xi32, #tpu.memory_space<vmem>> -> memref<16xi32, #tpu.memory_space<vmem>>
        %dma_wait3A_143 = arith.constant 0 : i32
        %dma_wait3A_144 = arith.constant 0 : i32
        %dma_wait3A_145 = tpu.memref_slice %arg2[%dma_wait3A_143, %dma_wait3A_144] : memref<10000x128xf32, #tpu.memory_space<hbm>> -> memref<10000x128xf32, #tpu.memory_space<hbm>>
        tpu.wait_indirect_dma semaphore(%arg13 : memref<!tpu.dma_semaphore, #tpu.memory_space<semaphore_mem>>) src(%dma_wait3A_145 : memref<10000x128xf32, #tpu.memory_space<hbm>>) dst(%dma_wait3A_141 : memref<16x128xf32, #tpu.memory_space<vmem>>)
      }
      %while3A_121 = arith.constant 1 : i32
      scf.for %while3A_134 = %while3A_119 to %while3A_115 step %while3A_121  : i32 {
        %add3A_135 = arith.addi %mul3A_99, %while3A_134 : i32
        %mul3A_136 = arith.constant 16 : i32
        %mul3A_137 = arith.muli %add3A_135, %mul3A_136 : i32
        %mul3A_138 = arith.constant 16 : i32
        %mul3A_139 = arith.muli %while3A_134, %mul3A_138 : i32
        %dma_wait3A_140 = arith.constant 0 : i32
        %dma_wait3A_141 = tpu.memref_slice %arg12[%mul3A_139, %dma_wait3A_140] : memref<256x128xf32, #tpu.memory_space<vmem>> -> memref<16x128xf32, #tpu.memory_space<vmem>>
        %dma_wait3A_142 = tpu.memref_slice %arg11[%mul3A_137] : memref<6432xi32, #tpu.memory_space<vmem>> -> memref<16xi32, #tpu.memory_space<vmem>>
        %dma_wait3A_143 = arith.constant 0 : i32
        %dma_wait3A_144 = arith.constant 0 : i32
        %dma_wait3A_145 = tpu.memref_slice %arg2[%dma_wait3A_143, %dma_wait3A_144] : memref<10000x128xf32, #tpu.memory_space<hbm>> -> memref<10000x128xf32, #tpu.memory_space<hbm>>
        tpu.wait_indirect_dma semaphore(%arg13 : memref<!tpu.dma_semaphore, #tpu.memory_space<semaphore_mem>>) src(%dma_wait3A_145 : memref<10000x128xf32, #tpu.memory_space<hbm>>) dst(%dma_wait3A_141 : memref<16x128xf32, #tpu.memory_space<vmem>>)
      }
      %mul3A_122 = arith.constant 16 : i32
      %mul3A_123 = arith.muli %min3A_101, %mul3A_122 : i32
      %while3A_124 = arith.constant 0 : i32
      %while3A_125 = arith.constant 0 : i32
      %while3A_126 = arith.subi %mul3A_123, %while3A_125 : i32
      %while3A_127 = arith.addi %while3A_125, %while3A_126 : i32
      %while3A_128 = arith.constant 1 : i32
      %while3A_129 = arith.divsi %while3A_126, %while3A_128 : i32
      %while3A_130 = arith.muli %while3A_129, %while3A_128 : i32
      %while3A_131 = arith.addi %while3A_125, %while3A_130 : i32
      %while3A_132 = arith.constant 1 : i32
      scf.for %while3A_134 = %while3A_125 to %while3A_131 step %while3A_132  : i32 {
        %mul3A_135 = arith.constant 16 : i32
        %mul3A_136 = arith.muli %mul3A_99, %mul3A_135 : i32
        %add3A_137 = arith.addi %mul3A_136, %while3A_134 : i32
        %get3A = arith.index_cast %add3A_137 : i32 to index
        %get3A_138 = tpu.vector_load %arg9[%get3A] {strides = array<i32>} : memref<6432xi32, #tpu.memory_space<vmem>>, vector<16xi32>,
        %slice3A = vector.extract_strided_slice %get3A_138 {offsets = [0], sizes = [1], strides = [1]} : vector<16xi32> to vector<1xi32>
        %squeeze3A = vector.extract %slice3A[0] : i32 from vector<1xi32>
        %get3A_139 = arith.index_cast %squeeze3A : i32 to index
        %get3A_140 = arith.constant 0 : index
        %get3A_141 = tpu.vector_load %arg5[%get3A_139, %get3A_140] {strides = array<i32>} : memref<321x128xf32, #tpu.memory_space<vmem>>, vector<16xf32>,
        %get3A_142 = arith.index_cast %while3A_134 : i32 to index
        %get3A_143 = arith.constant 0 : index
        %get3A_144 = tpu.vector_load %arg12[%get3A_142, %get3A_143] {strides = array<i32>} : memref<256x128xf32, #tpu.memory_space<vmem>>, vector<16xf32>,
        %max3A = arith.maximumf %get3A_141, %get3A_144 : vector<16xf32>
        %swap3A = arith.index_cast %squeeze3A : i32 to index
        %swap3A_145 = arith.constant 0 : index
        %swap3A_146 = tpu.vector_load %arg5[%swap3A, %swap3A_145] {strides = array<i32>} : memref<321x128xf32, #tpu.memory_space<vmem>>, vector<16xf32>,
        tpu.vector_store %arg5[%swap3A, %swap3A_145], %max3A {strides = array<i32>} : memref<321x128xf32, #tpu.memory_space<vmem>>, vector<16xf32>,
        %get3A_147 = arith.index_cast %squeeze3A : i32 to index
        %get3A_148 = arith.constant 16 : index
        %get3A_149 = tpu.vector_load %arg5[%get3A_147, %get3A_148] {strides = array<i32>} : memref<321x128xf32, #tpu.memory_space<vmem>>, vector<16xf32>,
        %get3A_150 = arith.index_cast %while3A_134 : i32 to index
        %get3A_151 = arith.constant 16 : index
        %get3A_152 = tpu.vector_load %arg12[%get3A_150, %get3A_151] {strides = array<i32>} : memref<256x128xf32, #tpu.memory_space<vmem>>, vector<16xf32>,
        %max3A_153 = arith.maximumf %get3A_149, %get3A_152 : vector<16xf32>
        %swap3A_154 = arith.index_cast %squeeze3A : i32 to index
        %swap3A_155 = arith.constant 16 : index
        %swap3A_156 = tpu.vector_load %arg5[%swap3A_154, %swap3A_155] {strides = array<i32>} : memref<321x128xf32, #tpu.memory_space<vmem>>, vector<16xf32>,
        tpu.vector_store %arg5[%swap3A_154, %swap3A_155], %max3A_153 {strides = array<i32>} : memref<321x128xf32, #tpu.memory_space<vmem>>, vector<16xf32>,
        %get3A_157 = arith.index_cast %squeeze3A : i32 to index
        %get3A_158 = arith.constant 32 : index
        %get3A_159 = tpu.vector_load %arg5[%get3A_157, %get3A_158] {strides = array<i32>} : memref<321x128xf32, #tpu.memory_space<vmem>>, vector<16xf32>,
        %get3A_160 = arith.index_cast %while3A_134 : i32 to index
        %get3A_161 = arith.constant 32 : index
        %get3A_162 = tpu.vector_load %arg12[%get3A_160, %get3A_161] {strides = array<i32>} : memref<256x128xf32, #tpu.memory_space<vmem>>, vector<16xf32>,
        %max3A_163 = arith.maximumf %get3A_159, %get3A_162 : vector<16xf32>
        %swap3A_164 = arith.index_cast %squeeze3A : i32 to index
        %swap3A_165 = arith.constant 32 : index
        %swap3A_166 = tpu.vector_load %arg5[%swap3A_164, %swap3A_165] {strides = array<i32>} : memref<321x128xf32, #tpu.memory_space<vmem>>, vector<16xf32>,
        tpu.vector_store %arg5[%swap3A_164, %swap3A_165], %max3A_163 {strides = array<i32>} : memref<321x128xf32, #tpu.memory_space<vmem>>, vector<16xf32>,
        %get3A_167 = arith.index_cast %squeeze3A : i32 to index
        %get3A_168 = arith.constant 48 : index
        %get3A_169 = tpu.vector_load %arg5[%get3A_167, %get3A_168] {strides = array<i32>} : memref<321x128xf32, #tpu.memory_space<vmem>>, vector<16xf32>,
        %get3A_170 = arith.index_cast %while3A_134 : i32 to index
        %get3A_171 = arith.constant 48 : index
        %get3A_172 = tpu.vector_load %arg12[%get3A_170, %get3A_171] {strides = array<i32>} : memref<256x128xf32, #tpu.memory_space<vmem>>, vector<16xf32>,
        %max3A_173 = arith.maximumf %get3A_169, %get3A_172 : vector<16xf32>
        %swap3A_174 = arith.index_cast %squeeze3A : i32 to index
        %swap3A_175 = arith.constant 48 : index
        %swap3A_176 = tpu.vector_load %arg5[%swap3A_174, %swap3A_175] {strides = array<i32>} : memref<321x128xf32, #tpu.memory_space<vmem>>, vector<16xf32>,
        tpu.vector_store %arg5[%swap3A_174, %swap3A_175], %max3A_173 {strides = array<i32>} : memref<321x128xf32, #tpu.memory_space<vmem>>, vector<16xf32>,
        %get3A_177 = arith.index_cast %squeeze3A : i32 to index
        %get3A_178 = arith.constant 64 : index
        %get3A_179 = tpu.vector_load %arg5[%get3A_177, %get3A_178] {strides = array<i32>} : memref<321x128xf32, #tpu.memory_space<vmem>>, vector<16xf32>,
        %get3A_180 = arith.index_cast %while3A_134 : i32 to index
        %get3A_181 = arith.constant 64 : index
        %get3A_182 = tpu.vector_load %arg12[%get3A_180, %get3A_181] {strides = array<i32>} : memref<256x128xf32, #tpu.memory_space<vmem>>, vector<16xf32>,
        %max3A_183 = arith.maximumf %get3A_179, %get3A_182 : vector<16xf32>
        %swap3A_184 = arith.index_cast %squeeze3A : i32 to index
        %swap3A_185 = arith.constant 64 : index
        %swap3A_186 = tpu.vector_load %arg5[%swap3A_184, %swap3A_185] {strides = array<i32>} : memref<321x128xf32, #tpu.memory_space<vmem>>, vector<16xf32>,
        tpu.vector_store %arg5[%swap3A_184, %swap3A_185], %max3A_183 {strides = array<i32>} : memref<321x128xf32, #tpu.memory_space<vmem>>, vector<16xf32>,
        %get3A_187 = arith.index_cast %squeeze3A : i32 to index
        %get3A_188 = arith.constant 80 : index
        %get3A_189 = tpu.vector_load %arg5[%get3A_187, %get3A_188] {strides = array<i32>} : memref<321x128xf32, #tpu.memory_space<vmem>>, vector<16xf32>,
        %get3A_190 = arith.index_cast %while3A_134 : i32 to index
        %get3A_191 = arith.constant 80 : index
        %get3A_192 = tpu.vector_load %arg12[%get3A_190, %get3A_191] {strides = array<i32>} : memref<256x128xf32, #tpu.memory_space<vmem>>, vector<16xf32>,
        %max3A_193 = arith.maximumf %get3A_189, %get3A_192 : vector<16xf32>
        %swap3A_194 = arith.index_cast %squeeze3A : i32 to index
        %swap3A_195 = arith.constant 80 : index
        %swap3A_196 = tpu.vector_load %arg5[%swap3A_194, %swap3A_195] {strides = array<i32>} : memref<321x128xf32, #tpu.memory_space<vmem>>, vector<16xf32>,
        tpu.vector_store %arg5[%swap3A_194, %swap3A_195], %max3A_193 {strides = array<i32>} : memref<321x128xf32, #tpu.memory_space<vmem>>, vector<16xf32>,
        %get3A_197 = arith.index_cast %squeeze3A : i32 to index
        %get3A_198 = arith.constant 96 : index
        %get3A_199 = tpu.vector_load %arg5[%get3A_197, %get3A_198] {strides = array<i32>} : memref<321x128xf32, #tpu.memory_space<vmem>>, vector<16xf32>,
        %get3A_200 = arith.index_cast %while3A_134 : i32 to index
        %get3A_201 = arith.constant 96 : index
        %get3A_202 = tpu.vector_load %arg12[%get3A_200, %get3A_201] {strides = array<i32>} : memref<256x128xf32, #tpu.memory_space<vmem>>, vector<16xf32>,
        %max3A_203 = arith.maximumf %get3A_199, %get3A_202 : vector<16xf32>
        %swap3A_204 = arith.index_cast %squeeze3A : i32 to index
        %swap3A_205 = arith.constant 96 : index
        %swap3A_206 = tpu.vector_load %arg5[%swap3A_204, %swap3A_205] {strides = array<i32>} : memref<321x128xf32, #tpu.memory_space<vmem>>, vector<16xf32>,
        tpu.vector_store %arg5[%swap3A_204, %swap3A_205], %max3A_203 {strides = array<i32>} : memref<321x128xf32, #tpu.memory_space<vmem>>, vector<16xf32>,
        %get3A_207 = arith.index_cast %squeeze3A : i32 to index
        %get3A_208 = arith.constant 112 : index
        %get3A_209 = tpu.vector_load %arg5[%get3A_207, %get3A_208] {strides = array<i32>} : memref<321x128xf32, #tpu.memory_space<vmem>>, vector<16xf32>,
        %get3A_210 = arith.index_cast %while3A_134 : i32 to index
        %get3A_211 = arith.constant 112 : index
        %get3A_212 = tpu.vector_load %arg12[%get3A_210, %get3A_211] {strides = array<i32>} : memref<256x128xf32, #tpu.memory_space<vmem>>, vector<16xf32>,
        %max3A_213 = arith.maximumf %get3A_209, %get3A_212 : vector<16xf32>
        %swap3A_214 = arith.index_cast %squeeze3A : i32 to index
        %swap3A_215 = arith.constant 112 : index
        %swap3A_216 = tpu.vector_load %arg5[%swap3A_214, %swap3A_215] {strides = array<i32>} : memref<321x128xf32, #tpu.memory_space<vmem>>, vector<16xf32>,
        tpu.vector_store %arg5[%swap3A_214, %swap3A_215], %max3A_213 {strides = array<i32>} : memref<321x128xf32, #tpu.memory_space<vmem>>, vector<16xf32>,
      }
      %while3A_133 = arith.constant 1 : i32
      scf.for %while3A_134 = %while3A_131 to %while3A_127 step %while3A_133  : i32 {
        %mul3A_135 = arith.constant 16 : i32
        %mul3A_136 = arith.muli %mul3A_99, %mul3A_135 : i32
        %add3A_137 = arith.addi %mul3A_136, %while3A_134 : i32
        %get3A = arith.index_cast %add3A_137 : i32 to index
        %get3A_138 = tpu.vector_load %arg9[%get3A] {strides = array<i32>} : memref<6432xi32, #tpu.memory_space<vmem>>, vector<16xi32>,
        %slice3A = vector.extract_strided_slice %get3A_138 {offsets = [0], sizes = [1], strides = [1]} : vector<16xi32> to vector<1xi32>
        %squeeze3A = vector.extract %slice3A[0] : i32 from vector<1xi32>
        %get3A_139 = arith.index_cast %squeeze3A : i32 to index
        %get3A_140 = arith.constant 0 : index
        %get3A_141 = tpu.vector_load %arg5[%get3A_139, %get3A_140] {strides = array<i32>} : memref<321x128xf32, #tpu.memory_space<vmem>>, vector<16xf32>,
        %get3A_142 = arith.index_cast %while3A_134 : i32 to index
        %get3A_143 = arith.constant 0 : index
        %get3A_144 = tpu.vector_load %arg12[%get3A_142, %get3A_143] {strides = array<i32>} : memref<256x128xf32, #tpu.memory_space<vmem>>, vector<16xf32>,
        %max3A = arith.maximumf %get3A_141, %get3A_144 : vector<16xf32>
        %swap3A = arith.index_cast %squeeze3A : i32 to index
        %swap3A_145 = arith.constant 0 : index
        %swap3A_146 = tpu.vector_load %arg5[%swap3A, %swap3A_145] {strides = array<i32>} : memref<321x128xf32, #tpu.memory_space<vmem>>, vector<16xf32>,
        tpu.vector_store %arg5[%swap3A, %swap3A_145], %max3A {strides = array<i32>} : memref<321x128xf32, #tpu.memory_space<vmem>>, vector<16xf32>,
        %get3A_147 = arith.index_cast %squeeze3A : i32 to index
        %get3A_148 = arith.constant 16 : index
        %get3A_149 = tpu.vector_load %arg5[%get3A_147, %get3A_148] {strides = array<i32>} : memref<321x128xf32, #tpu.memory_space<vmem>>, vector<16xf32>,
        %get3A_150 = arith.index_cast %while3A_134 : i32 to index
        %get3A_151 = arith.constant 16 : index
        %get3A_152 = tpu.vector_load %arg12[%get3A_150, %get3A_151] {strides = array<i32>} : memref<256x128xf32, #tpu.memory_space<vmem>>, vector<16xf32>,
        %max3A_153 = arith.maximumf %get3A_149, %get3A_152 : vector<16xf32>
        %swap3A_154 = arith.index_cast %squeeze3A : i32 to index
        %swap3A_155 = arith.constant 16 : index
        %swap3A_156 = tpu.vector_load %arg5[%swap3A_154, %swap3A_155] {strides = array<i32>} : memref<321x128xf32, #tpu.memory_space<vmem>>, vector<16xf32>,
        tpu.vector_store %arg5[%swap3A_154, %swap3A_155], %max3A_153 {strides = array<i32>} : memref<321x128xf32, #tpu.memory_space<vmem>>, vector<16xf32>,
        %get3A_157 = arith.index_cast %squeeze3A : i32 to index
        %get3A_158 = arith.constant 32 : index
        %get3A_159 = tpu.vector_load %arg5[%get3A_157, %get3A_158] {strides = array<i32>} : memref<321x128xf32, #tpu.memory_space<vmem>>, vector<16xf32>,
        %get3A_160 = arith.index_cast %while3A_134 : i32 to index
        %get3A_161 = arith.constant 32 : index
        %get3A_162 = tpu.vector_load %arg12[%get3A_160, %get3A_161] {strides = array<i32>} : memref<256x128xf32, #tpu.memory_space<vmem>>, vector<16xf32>,
        %max3A_163 = arith.maximumf %get3A_159, %get3A_162 : vector<16xf32>
        %swap3A_164 = arith.index_cast %squeeze3A : i32 to index
        %swap3A_165 = arith.constant 32 : index
        %swap3A_166 = tpu.vector_load %arg5[%swap3A_164, %swap3A_165] {strides = array<i32>} : memref<321x128xf32, #tpu.memory_space<vmem>>, vector<16xf32>,
        tpu.vector_store %arg5[%swap3A_164, %swap3A_165], %max3A_163 {strides = array<i32>} : memref<321x128xf32, #tpu.memory_space<vmem>>, vector<16xf32>,
        %get3A_167 = arith.index_cast %squeeze3A : i32 to index
        %get3A_168 = arith.constant 48 : index
        %get3A_169 = tpu.vector_load %arg5[%get3A_167, %get3A_168] {strides = array<i32>} : memref<321x128xf32, #tpu.memory_space<vmem>>, vector<16xf32>,
        %get3A_170 = arith.index_cast %while3A_134 : i32 to index
        %get3A_171 = arith.constant 48 : index
        %get3A_172 = tpu.vector_load %arg12[%get3A_170, %get3A_171] {strides = array<i32>} : memref<256x128xf32, #tpu.memory_space<vmem>>, vector<16xf32>,
        %max3A_173 = arith.maximumf %get3A_169, %get3A_172 : vector<16xf32>
        %swap3A_174 = arith.index_cast %squeeze3A : i32 to index
        %swap3A_175 = arith.constant 48 : index
        %swap3A_176 = tpu.vector_load %arg5[%swap3A_174, %swap3A_175] {strides = array<i32>} : memref<321x128xf32, #tpu.memory_space<vmem>>, vector<16xf32>,
        tpu.vector_store %arg5[%swap3A_174, %swap3A_175], %max3A_173 {strides = array<i32>} : memref<321x128xf32, #tpu.memory_space<vmem>>, vector<16xf32>,
        %get3A_177 = arith.index_cast %squeeze3A : i32 to index
        %get3A_178 = arith.constant 64 : index
        %get3A_179 = tpu.vector_load %arg5[%get3A_177, %get3A_178] {strides = array<i32>} : memref<321x128xf32, #tpu.memory_space<vmem>>, vector<16xf32>,
        %get3A_180 = arith.index_cast %while3A_134 : i32 to index
        %get3A_181 = arith.constant 64 : index
        %get3A_182 = tpu.vector_load %arg12[%get3A_180, %get3A_181] {strides = array<i32>} : memref<256x128xf32, #tpu.memory_space<vmem>>, vector<16xf32>,
        %max3A_183 = arith.maximumf %get3A_179, %get3A_182 : vector<16xf32>
        %swap3A_184 = arith.index_cast %squeeze3A : i32 to index
        %swap3A_185 = arith.constant 64 : index
        %swap3A_186 = tpu.vector_load %arg5[%swap3A_184, %swap3A_185] {strides = array<i32>} : memref<321x128xf32, #tpu.memory_space<vmem>>, vector<16xf32>,
        tpu.vector_store %arg5[%swap3A_184, %swap3A_185], %max3A_183 {strides = array<i32>} : memref<321x128xf32, #tpu.memory_space<vmem>>, vector<16xf32>,
        %get3A_187 = arith.index_cast %squeeze3A : i32 to index
        %get3A_188 = arith.constant 80 : index
        %get3A_189 = tpu.vector_load %arg5[%get3A_187, %get3A_188] {strides = array<i32>} : memref<321x128xf32, #tpu.memory_space<vmem>>, vector<16xf32>,
        %get3A_190 = arith.index_cast %while3A_134 : i32 to index
        %get3A_191 = arith.constant 80 : index
        %get3A_192 = tpu.vector_load %arg12[%get3A_190, %get3A_191] {strides = array<i32>} : memref<256x128xf32, #tpu.memory_space<vmem>>, vector<16xf32>,
        %max3A_193 = arith.maximumf %get3A_189, %get3A_192 : vector<16xf32>
        %swap3A_194 = arith.index_cast %squeeze3A : i32 to index
        %swap3A_195 = arith.constant 80 : index
        %swap3A_196 = tpu.vector_load %arg5[%swap3A_194, %swap3A_195] {strides = array<i32>} : memref<321x128xf32, #tpu.memory_space<vmem>>, vector<16xf32>,
        tpu.vector_store %arg5[%swap3A_194, %swap3A_195], %max3A_193 {strides = array<i32>} : memref<321x128xf32, #tpu.memory_space<vmem>>, vector<16xf32>,
        %get3A_197 = arith.index_cast %squeeze3A : i32 to index
        %get3A_198 = arith.constant 96 : index
        %get3A_199 = tpu.vector_load %arg5[%get3A_197, %get3A_198] {strides = array<i32>} : memref<321x128xf32, #tpu.memory_space<vmem>>, vector<16xf32>,
        %get3A_200 = arith.index_cast %while3A_134 : i32 to index
        %get3A_201 = arith.constant 96 : index
        %get3A_202 = tpu.vector_load %arg12[%get3A_200, %get3A_201] {strides = array<i32>} : memref<256x128xf32, #tpu.memory_space<vmem>>, vector<16xf32>,
        %max3A_203 = arith.maximumf %get3A_199, %get3A_202 : vector<16xf32>
        %swap3A_204 = arith.index_cast %squeeze3A : i32 to index
        %swap3A_205 = arith.constant 96 : index
        %swap3A_206 = tpu.vector_load %arg5[%swap3A_204, %swap3A_205] {strides = array<i32>} : memref<321x128xf32, #tpu.memory_space<vmem>>, vector<16xf32>,
        tpu.vector_store %arg5[%swap3A_204, %swap3A_205], %max3A_203 {strides = array<i32>} : memref<321x128xf32, #tpu.memory_space<vmem>>, vector<16xf32>,
        %get3A_207 = arith.index_cast %squeeze3A : i32 to index
        %get3A_208 = arith.constant 112 : index
        %get3A_209 = tpu.vector_load %arg5[%get3A_207, %get3A_208] {strides = array<i32>} : memref<321x128xf32, #tpu.memory_space<vmem>>, vector<16xf32>,
        %get3A_210 = arith.index_cast %while3A_134 : i32 to index
        %get3A_211 = arith.constant 112 : index
        %get3A_212 = tpu.vector_load %arg12[%get3A_210, %get3A_211] {strides = array<i32>} : memref<256x128xf32, #tpu.memory_space<vmem>>, vector<16xf32>,
        %max3A_213 = arith.maximumf %get3A_209, %get3A_212 : vector<16xf32>
        %swap3A_214 = arith.index_cast %squeeze3A : i32 to index
        %swap3A_215 = arith.constant 112 : index
        %swap3A_216 = tpu.vector_load %arg5[%swap3A_214, %swap3A_215] {strides = array<i32>} : memref<321x128xf32, #tpu.memory_space<vmem>>, vector<16xf32>,
        tpu.vector_store %arg5[%swap3A_214, %swap3A_215], %max3A_213 {strides = array<i32>} : memref<321x128xf32, #tpu.memory_space<vmem>>, vector<16xf32>,
      }
    }
    %while3A_96 = arith.constant 1 : i32
    scf.for %while3A_97 = %while3A_94 to %while3A_90 step %while3A_96  : i32 {
      %mul3A_98 = arith.constant 16 : i32
      %mul3A_99 = arith.muli %while3A_97, %mul3A_98 : i32
      %sub3A_100 = arith.subi %select_n3A, %mul3A_99 : i32
      %min3A = arith.constant 16 : i32
      %min3A_101 = arith.minsi %sub3A_100, %min3A : i32
      %while3A_102 = arith.constant 0 : i32
      %while3A_103 = arith.constant 0 : i32
      %while3A_104 = arith.subi %min3A_101, %while3A_103 : i32
      %while3A_105 = arith.addi %while3A_103, %while3A_104 : i32
      %while3A_106 = arith.constant 1 : i32
      %while3A_107 = arith.divsi %while3A_104, %while3A_106 : i32
      %while3A_108 = arith.muli %while3A_107, %while3A_106 : i32
      %while3A_109 = arith.addi %while3A_103, %while3A_108 : i32
      %while3A_110 = arith.constant 1 : i32
      scf.for %while3A_134 = %while3A_103 to %while3A_109 step %while3A_110  : i32 {
        %add3A_135 = arith.addi %mul3A_99, %while3A_134 : i32
        %mul3A_136 = arith.constant 16 : i32
        %mul3A_137 = arith.muli %add3A_135, %mul3A_136 : i32
        %mul3A_138 = arith.constant 16 : i32
        %mul3A_139 = arith.muli %while3A_134, %mul3A_138 : i32
        %dma_start3A_140 = arith.constant 0 : i32
        %dma_start3A_141 = tpu.memref_slice %arg12[%mul3A_139, %dma_start3A_140] : memref<256x128xf32, #tpu.memory_space<vmem>> -> memref<16x128xf32, #tpu.memory_space<vmem>>
        %dma_start3A_142 = tpu.memref_slice %arg11[%mul3A_137] : memref<6432xi32, #tpu.memory_space<vmem>> -> memref<16xi32, #tpu.memory_space<vmem>>
        %dma_start3A_143 = arith.constant 0 : i32
        %dma_start3A_144 = arith.constant 0 : i32
        %dma_start3A_145 = tpu.memref_slice %arg2[%dma_start3A_143, %dma_start3A_144] : memref<10000x128xf32, #tpu.memory_space<hbm>> -> memref<10000x128xf32, #tpu.memory_space<hbm>>
        tpu.enqueue_indirect_dma source(%dma_start3A_145 : memref<10000x128xf32, #tpu.memory_space<hbm>>) target(%dma_start3A_141 : memref<16x128xf32, #tpu.memory_space<vmem>>) offsets(%dma_start3A_142 : memref<16xi32, #tpu.memory_space<vmem>>) semaphore(%arg13 : memref<!tpu.dma_semaphore, #tpu.memory_space<semaphore_mem>>)
      }
      %while3A_111 = arith.constant 1 : i32
      scf.for %while3A_134 = %while3A_109 to %while3A_105 step %while3A_111  : i32 {
        %add3A_135 = arith.addi %mul3A_99, %while3A_134 : i32
        %mul3A_136 = arith.constant 16 : i32
        %mul3A_137 = arith.muli %add3A_135, %mul3A_136 : i32
        %mul3A_138 = arith.constant 16 : i32
        %mul3A_139 = arith.muli %while3A_134, %mul3A_138 : i32
        %dma_start3A_140 = arith.constant 0 : i32
        %dma_start3A_141 = tpu.memref_slice %arg12[%mul3A_139, %dma_start3A_140] : memref<256x128xf32, #tpu.memory_space<vmem>> -> memref<16x128xf32, #tpu.memory_space<vmem>>
        %dma_start3A_142 = tpu.memref_slice %arg11[%mul3A_137] : memref<6432xi32, #tpu.memory_space<vmem>> -> memref<16xi32, #tpu.memory_space<vmem>>
        %dma_start3A_143 = arith.constant 0 : i32
        %dma_start3A_144 = arith.constant 0 : i32
        %dma_start3A_145 = tpu.memref_slice %arg2[%dma_start3A_143, %dma_start3A_144] : memref<10000x128xf32, #tpu.memory_space<hbm>> -> memref<10000x128xf32, #tpu.memory_space<hbm>>
        tpu.enqueue_indirect_dma source(%dma_start3A_145 : memref<10000x128xf32, #tpu.memory_space<hbm>>) target(%dma_start3A_141 : memref<16x128xf32, #tpu.memory_space<vmem>>) offsets(%dma_start3A_142 : memref<16xi32, #tpu.memory_space<vmem>>) semaphore(%arg13 : memref<!tpu.dma_semaphore, #tpu.memory_space<semaphore_mem>>)
      }
      %while3A_112 = arith.constant 0 : i32
      %while3A_113 = arith.constant 0 : i32
      %while3A_114 = arith.subi %min3A_101, %while3A_113 : i32
      %while3A_115 = arith.addi %while3A_113, %while3A_114 : i32
      %while3A_116 = arith.constant 1 : i32
      %while3A_117 = arith.divsi %while3A_114, %while3A_116 : i32
      %while3A_118 = arith.muli %while3A_117, %while3A_116 : i32
      %while3A_119 = arith.addi %while3A_113, %while3A_118 : i32
      %while3A_120 = arith.constant 1 : i32
      scf.for %while3A_134 = %while3A_113 to %while3A_119 step %while3A_120  : i32 {
        %add3A_135 = arith.addi %mul3A_99, %while3A_134 : i32
        %mul3A_136 = arith.constant 16 : i32
        %mul3A_137 = arith.muli %add3A_135, %mul3A_136 : i32
        %mul3A_138 = arith.constant 16 : i32
        %mul3A_139 = arith.muli %while3A_134, %mul3A_138 : i32
        %dma_wait3A_140 = arith.constant 0 : i32
        %dma_wait3A_141 = tpu.memref_slice %arg12[%mul3A_139, %dma_wait3A_140] : memref<256x128xf32, #tpu.memory_space<vmem>> -> memref<16x128xf32, #tpu.memory_space<vmem>>
        %dma_wait3A_142 = tpu.memref_slice %arg11[%mul3A_137] : memref<6432xi32, #tpu.memory_space<vmem>> -> memref<16xi32, #tpu.memory_space<vmem>>
        %dma_wait3A_143 = arith.constant 0 : i32
        %dma_wait3A_144 = arith.constant 0 : i32
        %dma_wait3A_145 = tpu.memref_slice %arg2[%dma_wait3A_143, %dma_wait3A_144] : memref<10000x128xf32, #tpu.memory_space<hbm>> -> memref<10000x128xf32, #tpu.memory_space<hbm>>
        tpu.wait_indirect_dma semaphore(%arg13 : memref<!tpu.dma_semaphore, #tpu.memory_space<semaphore_mem>>) src(%dma_wait3A_145 : memref<10000x128xf32, #tpu.memory_space<hbm>>) dst(%dma_wait3A_141 : memref<16x128xf32, #tpu.memory_space<vmem>>)
      }
      %while3A_121 = arith.constant 1 : i32
      scf.for %while3A_134 = %while3A_119 to %while3A_115 step %while3A_121  : i32 {
        %add3A_135 = arith.addi %mul3A_99, %while3A_134 : i32
        %mul3A_136 = arith.constant 16 : i32
        %mul3A_137 = arith.muli %add3A_135, %mul3A_136 : i32
        %mul3A_138 = arith.constant 16 : i32
        %mul3A_139 = arith.muli %while3A_134, %mul3A_138 : i32
        %dma_wait3A_140 = arith.constant 0 : i32
        %dma_wait3A_141 = tpu.memref_slice %arg12[%mul3A_139, %dma_wait3A_140] : memref<256x128xf32, #tpu.memory_space<vmem>> -> memref<16x128xf32, #tpu.memory_space<vmem>>
        %dma_wait3A_142 = tpu.memref_slice %arg11[%mul3A_137] : memref<6432xi32, #tpu.memory_space<vmem>> -> memref<16xi32, #tpu.memory_space<vmem>>
        %dma_wait3A_143 = arith.constant 0 : i32
        %dma_wait3A_144 = arith.constant 0 : i32
        %dma_wait3A_145 = tpu.memref_slice %arg2[%dma_wait3A_143, %dma_wait3A_144] : memref<10000x128xf32, #tpu.memory_space<hbm>> -> memref<10000x128xf32, #tpu.memory_space<hbm>>
        tpu.wait_indirect_dma semaphore(%arg13 : memref<!tpu.dma_semaphore, #tpu.memory_space<semaphore_mem>>) src(%dma_wait3A_145 : memref<10000x128xf32, #tpu.memory_space<hbm>>) dst(%dma_wait3A_141 : memref<16x128xf32, #tpu.memory_space<vmem>>)
      }
      %mul3A_122 = arith.constant 16 : i32
      %mul3A_123 = arith.muli %min3A_101, %mul3A_122 : i32
      %while3A_124 = arith.constant 0 : i32
      %while3A_125 = arith.constant 0 : i32
      %while3A_126 = arith.subi %mul3A_123, %while3A_125 : i32
      %while3A_127 = arith.addi %while3A_125, %while3A_126 : i32
      %while3A_128 = arith.constant 1 : i32
      %while3A_129 = arith.divsi %while3A_126, %while3A_128 : i32
      %while3A_130 = arith.muli %while3A_129, %while3A_128 : i32
      %while3A_131 = arith.addi %while3A_125, %while3A_130 : i32
      %while3A_132 = arith.constant 1 : i32
      scf.for %while3A_134 = %while3A_125 to %while3A_131 step %while3A_132  : i32 {
        %mul3A_135 = arith.constant 16 : i32
        %mul3A_136 = arith.muli %mul3A_99, %mul3A_135 : i32
        %add3A_137 = arith.addi %mul3A_136, %while3A_134 : i32
        %get3A = arith.index_cast %add3A_137 : i32 to index
        %get3A_138 = tpu.vector_load %arg9[%get3A] {strides = array<i32>} : memref<6432xi32, #tpu.memory_space<vmem>>, vector<16xi32>,
        %slice3A = vector.extract_strided_slice %get3A_138 {offsets = [0], sizes = [1], strides = [1]} : vector<16xi32> to vector<1xi32>
        %squeeze3A = vector.extract %slice3A[0] : i32 from vector<1xi32>
        %get3A_139 = arith.index_cast %squeeze3A : i32 to index
        %get3A_140 = arith.constant 0 : index
        %get3A_141 = tpu.vector_load %arg5[%get3A_139, %get3A_140] {strides = array<i32>} : memref<321x128xf32, #tpu.memory_space<vmem>>, vector<16xf32>,
        %get3A_142 = arith.index_cast %while3A_134 : i32 to index
        %get3A_143 = arith.constant 0 : index
        %get3A_144 = tpu.vector_load %arg12[%get3A_142, %get3A_143] {strides = array<i32>} : memref<256x128xf32, #tpu.memory_space<vmem>>, vector<16xf32>,
        %max3A = arith.maximumf %get3A_141, %get3A_144 : vector<16xf32>
        %swap3A = arith.index_cast %squeeze3A : i32 to index
        %swap3A_145 = arith.constant 0 : index
        %swap3A_146 = tpu.vector_load %arg5[%swap3A, %swap3A_145] {strides = array<i32>} : memref<321x128xf32, #tpu.memory_space<vmem>>, vector<16xf32>,
        tpu.vector_store %arg5[%swap3A, %swap3A_145], %max3A {strides = array<i32>} : memref<321x128xf32, #tpu.memory_space<vmem>>, vector<16xf32>,
        %get3A_147 = arith.index_cast %squeeze3A : i32 to index
        %get3A_148 = arith.constant 16 : index
        %get3A_149 = tpu.vector_load %arg5[%get3A_147, %get3A_148] {strides = array<i32>} : memref<321x128xf32, #tpu.memory_space<vmem>>, vector<16xf32>,
        %get3A_150 = arith.index_cast %while3A_134 : i32 to index
        %get3A_151 = arith.constant 16 : index
        %get3A_152 = tpu.vector_load %arg12[%get3A_150, %get3A_151] {strides = array<i32>} : memref<256x128xf32, #tpu.memory_space<vmem>>, vector<16xf32>,
        %max3A_153 = arith.maximumf %get3A_149, %get3A_152 : vector<16xf32>
        %swap3A_154 = arith.index_cast %squeeze3A : i32 to index
        %swap3A_155 = arith.constant 16 : index
        %swap3A_156 = tpu.vector_load %arg5[%swap3A_154, %swap3A_155] {strides = array<i32>} : memref<321x128xf32, #tpu.memory_space<vmem>>, vector<16xf32>,
        tpu.vector_store %arg5[%swap3A_154, %swap3A_155], %max3A_153 {strides = array<i32>} : memref<321x128xf32, #tpu.memory_space<vmem>>, vector<16xf32>,
        %get3A_157 = arith.index_cast %squeeze3A : i32 to index
        %get3A_158 = arith.constant 32 : index
        %get3A_159 = tpu.vector_load %arg5[%get3A_157, %get3A_158] {strides = array<i32>} : memref<321x128xf32, #tpu.memory_space<vmem>>, vector<16xf32>,
        %get3A_160 = arith.index_cast %while3A_134 : i32 to index
        %get3A_161 = arith.constant 32 : index
        %get3A_162 = tpu.vector_load %arg12[%get3A_160, %get3A_161] {strides = array<i32>} : memref<256x128xf32, #tpu.memory_space<vmem>>, vector<16xf32>,
        %max3A_163 = arith.maximumf %get3A_159, %get3A_162 : vector<16xf32>
        %swap3A_164 = arith.index_cast %squeeze3A : i32 to index
        %swap3A_165 = arith.constant 32 : index
        %swap3A_166 = tpu.vector_load %arg5[%swap3A_164, %swap3A_165] {strides = array<i32>} : memref<321x128xf32, #tpu.memory_space<vmem>>, vector<16xf32>,
        tpu.vector_store %arg5[%swap3A_164, %swap3A_165], %max3A_163 {strides = array<i32>} : memref<321x128xf32, #tpu.memory_space<vmem>>, vector<16xf32>,
        %get3A_167 = arith.index_cast %squeeze3A : i32 to index
        %get3A_168 = arith.constant 48 : index
        %get3A_169 = tpu.vector_load %arg5[%get3A_167, %get3A_168] {strides = array<i32>} : memref<321x128xf32, #tpu.memory_space<vmem>>, vector<16xf32>,
        %get3A_170 = arith.index_cast %while3A_134 : i32 to index
        %get3A_171 = arith.constant 48 : index
        %get3A_172 = tpu.vector_load %arg12[%get3A_170, %get3A_171] {strides = array<i32>} : memref<256x128xf32, #tpu.memory_space<vmem>>, vector<16xf32>,
        %max3A_173 = arith.maximumf %get3A_169, %get3A_172 : vector<16xf32>
        %swap3A_174 = arith.index_cast %squeeze3A : i32 to index
        %swap3A_175 = arith.constant 48 : index
        %swap3A_176 = tpu.vector_load %arg5[%swap3A_174, %swap3A_175] {strides = array<i32>} : memref<321x128xf32, #tpu.memory_space<vmem>>, vector<16xf32>,
        tpu.vector_store %arg5[%swap3A_174, %swap3A_175], %max3A_173 {strides = array<i32>} : memref<321x128xf32, #tpu.memory_space<vmem>>, vector<16xf32>,
        %get3A_177 = arith.index_cast %squeeze3A : i32 to index
        %get3A_178 = arith.constant 64 : index
        %get3A_179 = tpu.vector_load %arg5[%get3A_177, %get3A_178] {strides = array<i32>} : memref<321x128xf32, #tpu.memory_space<vmem>>, vector<16xf32>,
        %get3A_180 = arith.index_cast %while3A_134 : i32 to index
        %get3A_181 = arith.constant 64 : index
        %get3A_182 = tpu.vector_load %arg12[%get3A_180, %get3A_181] {strides = array<i32>} : memref<256x128xf32, #tpu.memory_space<vmem>>, vector<16xf32>,
        %max3A_183 = arith.maximumf %get3A_179, %get3A_182 : vector<16xf32>
        %swap3A_184 = arith.index_cast %squeeze3A : i32 to index
        %swap3A_185 = arith.constant 64 : index
        %swap3A_186 = tpu.vector_load %arg5[%swap3A_184, %swap3A_185] {strides = array<i32>} : memref<321x128xf32, #tpu.memory_space<vmem>>, vector<16xf32>,
        tpu.vector_store %arg5[%swap3A_184, %swap3A_185], %max3A_183 {strides = array<i32>} : memref<321x128xf32, #tpu.memory_space<vmem>>, vector<16xf32>,
        %get3A_187 = arith.index_cast %squeeze3A : i32 to index
        %get3A_188 = arith.constant 80 : index
        %get3A_189 = tpu.vector_load %arg5[%get3A_187, %get3A_188] {strides = array<i32>} : memref<321x128xf32, #tpu.memory_space<vmem>>, vector<16xf32>,
        %get3A_190 = arith.index_cast %while3A_134 : i32 to index
        %get3A_191 = arith.constant 80 : index
        %get3A_192 = tpu.vector_load %arg12[%get3A_190, %get3A_191] {strides = array<i32>} : memref<256x128xf32, #tpu.memory_space<vmem>>, vector<16xf32>,
        %max3A_193 = arith.maximumf %get3A_189, %get3A_192 : vector<16xf32>
        %swap3A_194 = arith.index_cast %squeeze3A : i32 to index
        %swap3A_195 = arith.constant 80 : index
        %swap3A_196 = tpu.vector_load %arg5[%swap3A_194, %swap3A_195] {strides = array<i32>} : memref<321x128xf32, #tpu.memory_space<vmem>>, vector<16xf32>,
        tpu.vector_store %arg5[%swap3A_194, %swap3A_195], %max3A_193 {strides = array<i32>} : memref<321x128xf32, #tpu.memory_space<vmem>>, vector<16xf32>,
        %get3A_197 = arith.index_cast %squeeze3A : i32 to index
        %get3A_198 = arith.constant 96 : index
        %get3A_199 = tpu.vector_load %arg5[%get3A_197, %get3A_198] {strides = array<i32>} : memref<321x128xf32, #tpu.memory_space<vmem>>, vector<16xf32>,
        %get3A_200 = arith.index_cast %while3A_134 : i32 to index
        %get3A_201 = arith.constant 96 : index
        %get3A_202 = tpu.vector_load %arg12[%get3A_200, %get3A_201] {strides = array<i32>} : memref<256x128xf32, #tpu.memory_space<vmem>>, vector<16xf32>,
        %max3A_203 = arith.maximumf %get3A_199, %get3A_202 : vector<16xf32>
        %swap3A_204 = arith.index_cast %squeeze3A : i32 to index
        %swap3A_205 = arith.constant 96 : index
        %swap3A_206 = tpu.vector_load %arg5[%swap3A_204, %swap3A_205] {strides = array<i32>} : memref<321x128xf32, #tpu.memory_space<vmem>>, vector<16xf32>,
        tpu.vector_store %arg5[%swap3A_204, %swap3A_205], %max3A_203 {strides = array<i32>} : memref<321x128xf32, #tpu.memory_space<vmem>>, vector<16xf32>,
        %get3A_207 = arith.index_cast %squeeze3A : i32 to index
        %get3A_208 = arith.constant 112 : index
        %get3A_209 = tpu.vector_load %arg5[%get3A_207, %get3A_208] {strides = array<i32>} : memref<321x128xf32, #tpu.memory_space<vmem>>, vector<16xf32>,
        %get3A_210 = arith.index_cast %while3A_134 : i32 to index
        %get3A_211 = arith.constant 112 : index
        %get3A_212 = tpu.vector_load %arg12[%get3A_210, %get3A_211] {strides = array<i32>} : memref<256x128xf32, #tpu.memory_space<vmem>>, vector<16xf32>,
        %max3A_213 = arith.maximumf %get3A_209, %get3A_212 : vector<16xf32>
        %swap3A_214 = arith.index_cast %squeeze3A : i32 to index
        %swap3A_215 = arith.constant 112 : index
        %swap3A_216 = tpu.vector_load %arg5[%swap3A_214, %swap3A_215] {strides = array<i32>} : memref<321x128xf32, #tpu.memory_space<vmem>>, vector<16xf32>,
        tpu.vector_store %arg5[%swap3A_214, %swap3A_215], %max3A_213 {strides = array<i32>} : memref<321x128xf32, #tpu.memory_space<vmem>>, vector<16xf32>,
      }
      %while3A_133 = arith.constant 1 : i32
      scf.for %while3A_134 = %while3A_131 to %while3A_127 step %while3A_133  : i32 {
        %mul3A_135 = arith.constant 16 : i32
        %mul3A_136 = arith.muli %mul3A_99, %mul3A_135 : i32
        %add3A_137 = arith.addi %mul3A_136, %while3A_134 : i32
        %get3A = arith.index_cast %add3A_137 : i32 to index
        %get3A_138 = tpu.vector_load %arg9[%get3A] {strides = array<i32>} : memref<6432xi32, #tpu.memory_space<vmem>>, vector<16xi32>,
        %slice3A = vector.extract_strided_slice %get3A_138 {offsets = [0], sizes = [1], strides = [1]} : vector<16xi32> to vector<1xi32>
        %squeeze3A = vector.extract %slice3A[0] : i32 from vector<1xi32>
        %get3A_139 = arith.index_cast %squeeze3A : i32 to index
        %get3A_140 = arith.constant 0 : index
        %get3A_141 = tpu.vector_load %arg5[%get3A_139, %get3A_140] {strides = array<i32>} : memref<321x128xf32, #tpu.memory_space<vmem>>, vector<16xf32>,
        %get3A_142 = arith.index_cast %while3A_134 : i32 to index
        %get3A_143 = arith.constant 0 : index
        %get3A_144 = tpu.vector_load %arg12[%get3A_142, %get3A_143] {strides = array<i32>} : memref<256x128xf32, #tpu.memory_space<vmem>>, vector<16xf32>,
        %max3A = arith.maximumf %get3A_141, %get3A_144 : vector<16xf32>
        %swap3A = arith.index_cast %squeeze3A : i32 to index
        %swap3A_145 = arith.constant 0 : index
        %swap3A_146 = tpu.vector_load %arg5[%swap3A, %swap3A_145] {strides = array<i32>} : memref<321x128xf32, #tpu.memory_space<vmem>>, vector<16xf32>,
        tpu.vector_store %arg5[%swap3A, %swap3A_145], %max3A {strides = array<i32>} : memref<321x128xf32, #tpu.memory_space<vmem>>, vector<16xf32>,
        %get3A_147 = arith.index_cast %squeeze3A : i32 to index
        %get3A_148 = arith.constant 16 : index
        %get3A_149 = tpu.vector_load %arg5[%get3A_147, %get3A_148] {strides = array<i32>} : memref<321x128xf32, #tpu.memory_space<vmem>>, vector<16xf32>,
        %get3A_150 = arith.index_cast %while3A_134 : i32 to index
        %get3A_151 = arith.constant 16 : index
        %get3A_152 = tpu.vector_load %arg12[%get3A_150, %get3A_151] {strides = array<i32>} : memref<256x128xf32, #tpu.memory_space<vmem>>, vector<16xf32>,
        %max3A_153 = arith.maximumf %get3A_149, %get3A_152 : vector<16xf32>
        %swap3A_154 = arith.index_cast %squeeze3A : i32 to index
        %swap3A_155 = arith.constant 16 : index
        %swap3A_156 = tpu.vector_load %arg5[%swap3A_154, %swap3A_155] {strides = array<i32>} : memref<321x128xf32, #tpu.memory_space<vmem>>, vector<16xf32>,
        tpu.vector_store %arg5[%swap3A_154, %swap3A_155], %max3A_153 {strides = array<i32>} : memref<321x128xf32, #tpu.memory_space<vmem>>, vector<16xf32>,
        %get3A_157 = arith.index_cast %squeeze3A : i32 to index
        %get3A_158 = arith.constant 32 : index
        %get3A_159 = tpu.vector_load %arg5[%get3A_157, %get3A_158] {strides = array<i32>} : memref<321x128xf32, #tpu.memory_space<vmem>>, vector<16xf32>,
        %get3A_160 = arith.index_cast %while3A_134 : i32 to index
        %get3A_161 = arith.constant 32 : index
        %get3A_162 = tpu.vector_load %arg12[%get3A_160, %get3A_161] {strides = array<i32>} : memref<256x128xf32, #tpu.memory_space<vmem>>, vector<16xf32>,
        %max3A_163 = arith.maximumf %get3A_159, %get3A_162 : vector<16xf32>
        %swap3A_164 = arith.index_cast %squeeze3A : i32 to index
        %swap3A_165 = arith.constant 32 : index
        %swap3A_166 = tpu.vector_load %arg5[%swap3A_164, %swap3A_165] {strides = array<i32>} : memref<321x128xf32, #tpu.memory_space<vmem>>, vector<16xf32>,
        tpu.vector_store %arg5[%swap3A_164, %swap3A_165], %max3A_163 {strides = array<i32>} : memref<321x128xf32, #tpu.memory_space<vmem>>, vector<16xf32>,
        %get3A_167 = arith.index_cast %squeeze3A : i32 to index
        %get3A_168 = arith.constant 48 : index
        %get3A_169 = tpu.vector_load %arg5[%get3A_167, %get3A_168] {strides = array<i32>} : memref<321x128xf32, #tpu.memory_space<vmem>>, vector<16xf32>,
        %get3A_170 = arith.index_cast %while3A_134 : i32 to index
        %get3A_171 = arith.constant 48 : index
        %get3A_172 = tpu.vector_load %arg12[%get3A_170, %get3A_171] {strides = array<i32>} : memref<256x128xf32, #tpu.memory_space<vmem>>, vector<16xf32>,
        %max3A_173 = arith.maximumf %get3A_169, %get3A_172 : vector<16xf32>
        %swap3A_174 = arith.index_cast %squeeze3A : i32 to index
        %swap3A_175 = arith.constant 48 : index
        %swap3A_176 = tpu.vector_load %arg5[%swap3A_174, %swap3A_175] {strides = array<i32>} : memref<321x128xf32, #tpu.memory_space<vmem>>, vector<16xf32>,
        tpu.vector_store %arg5[%swap3A_174, %swap3A_175], %max3A_173 {strides = array<i32>} : memref<321x128xf32, #tpu.memory_space<vmem>>, vector<16xf32>,
        %get3A_177 = arith.index_cast %squeeze3A : i32 to index
        %get3A_178 = arith.constant 64 : index
        %get3A_179 = tpu.vector_load %arg5[%get3A_177, %get3A_178] {strides = array<i32>} : memref<321x128xf32, #tpu.memory_space<vmem>>, vector<16xf32>,
        %get3A_180 = arith.index_cast %while3A_134 : i32 to index
        %get3A_181 = arith.constant 64 : index
        %get3A_182 = tpu.vector_load %arg12[%get3A_180, %get3A_181] {strides = array<i32>} : memref<256x128xf32, #tpu.memory_space<vmem>>, vector<16xf32>,
        %max3A_183 = arith.maximumf %get3A_179, %get3A_182 : vector<16xf32>
        %swap3A_184 = arith.index_cast %squeeze3A : i32 to index
        %swap3A_185 = arith.constant 64 : index
        %swap3A_186 = tpu.vector_load %arg5[%swap3A_184, %swap3A_185] {strides = array<i32>} : memref<321x128xf32, #tpu.memory_space<vmem>>, vector<16xf32>,
        tpu.vector_store %arg5[%swap3A_184, %swap3A_185], %max3A_183 {strides = array<i32>} : memref<321x128xf32, #tpu.memory_space<vmem>>, vector<16xf32>,
        %get3A_187 = arith.index_cast %squeeze3A : i32 to index
        %get3A_188 = arith.constant 80 : index
        %get3A_189 = tpu.vector_load %arg5[%get3A_187, %get3A_188] {strides = array<i32>} : memref<321x128xf32, #tpu.memory_space<vmem>>, vector<16xf32>,
        %get3A_190 = arith.index_cast %while3A_134 : i32 to index
        %get3A_191 = arith.constant 80 : index
        %get3A_192 = tpu.vector_load %arg12[%get3A_190, %get3A_191] {strides = array<i32>} : memref<256x128xf32, #tpu.memory_space<vmem>>, vector<16xf32>,
        %max3A_193 = arith.maximumf %get3A_189, %get3A_192 : vector<16xf32>
        %swap3A_194 = arith.index_cast %squeeze3A : i32 to index
        %swap3A_195 = arith.constant 80 : index
        %swap3A_196 = tpu.vector_load %arg5[%swap3A_194, %swap3A_195] {strides = array<i32>} : memref<321x128xf32, #tpu.memory_space<vmem>>, vector<16xf32>,
        tpu.vector_store %arg5[%swap3A_194, %swap3A_195], %max3A_193 {strides = array<i32>} : memref<321x128xf32, #tpu.memory_space<vmem>>, vector<16xf32>,
        %get3A_197 = arith.index_cast %squeeze3A : i32 to index
        %get3A_198 = arith.constant 96 : index
        %get3A_199 = tpu.vector_load %arg5[%get3A_197, %get3A_198] {strides = array<i32>} : memref<321x128xf32, #tpu.memory_space<vmem>>, vector<16xf32>,
        %get3A_200 = arith.index_cast %while3A_134 : i32 to index
        %get3A_201 = arith.constant 96 : index
        %get3A_202 = tpu.vector_load %arg12[%get3A_200, %get3A_201] {strides = array<i32>} : memref<256x128xf32, #tpu.memory_space<vmem>>, vector<16xf32>,
        %max3A_203 = arith.maximumf %get3A_199, %get3A_202 : vector<16xf32>
        %swap3A_204 = arith.index_cast %squeeze3A : i32 to index
        %swap3A_205 = arith.constant 96 : index
        %swap3A_206 = tpu.vector_load %arg5[%swap3A_204, %swap3A_205] {strides = array<i32>} : memref<321x128xf32, #tpu.memory_space<vmem>>, vector<16xf32>,
        tpu.vector_store %arg5[%swap3A_204, %swap3A_205], %max3A_203 {strides = array<i32>} : memref<321x128xf32, #tpu.memory_space<vmem>>, vector<16xf32>,
        %get3A_207 = arith.index_cast %squeeze3A : i32 to index
        %get3A_208 = arith.constant 112 : index
        %get3A_209 = tpu.vector_load %arg5[%get3A_207, %get3A_208] {strides = array<i32>} : memref<321x128xf32, #tpu.memory_space<vmem>>, vector<16xf32>,
        %get3A_210 = arith.index_cast %while3A_134 : i32 to index
        %get3A_211 = arith.constant 112 : index
        %get3A_212 = tpu.vector_load %arg12[%get3A_210, %get3A_211] {strides = array<i32>} : memref<256x128xf32, #tpu.memory_space<vmem>>, vector<16xf32>,
        %max3A_213 = arith.maximumf %get3A_209, %get3A_212 : vector<16xf32>
        %swap3A_214 = arith.index_cast %squeeze3A : i32 to index
        %swap3A_215 = arith.constant 112 : index
        %swap3A_216 = tpu.vector_load %arg5[%swap3A_214, %swap3A_215] {strides = array<i32>} : memref<321x128xf32, #tpu.memory_space<vmem>>, vector<16xf32>,
        tpu.vector_store %arg5[%swap3A_214, %swap3A_215], %max3A_213 {strides = array<i32>} : memref<321x128xf32, #tpu.memory_space<vmem>>, vector<16xf32>,
      }
    }
    "tpu.region"() ({
      %run_scoped3A = tpu.sem_alloc : memref<!tpu.dma_semaphore, #tpu.memory_space<semaphore_mem>>
      %dma_start3A_97 = arith.constant 0 : i32
      %dma_start3A_98 = arith.constant 0 : i32
      %dma_start3A_99 = tpu.memref_slice %arg5[%dma_start3A_97, %dma_start3A_98] : memref<321x128xf32, #tpu.memory_space<vmem>> -> memref<320x128xf32, #tpu.memory_space<vmem>>
      %dma_start3A_100 = arith.constant 0 : i32
      %dma_start3A_101 = tpu.memref_slice %arg4[%mul3A_2, %dma_start3A_100] : memref<10240x128xf32, #tpu.memory_space<hbm>> -> memref<320x128xf32, #tpu.memory_space<hbm>>
      %dma_start3A_102 = arith.constant 0 : i32
      %dma_start3A_103 = tpu.memref_slice %arg4[%mul3A_2, %dma_start3A_102] : memref<10240x128xf32, #tpu.memory_space<hbm>> -> memref<320x128xf32, #tpu.memory_space<hbm>>
      %dma_start3A_104 = arith.constant 0 : i32
      %dma_start3A_105 = arith.constant 0 : i32
      %dma_start3A_106 = tpu.memref_slice %arg5[%dma_start3A_104, %dma_start3A_105] : memref<321x128xf32, #tpu.memory_space<vmem>> -> memref<320x128xf32, #tpu.memory_space<vmem>>
      tpu.enqueue_dma source(%dma_start3A_106 : memref<320x128xf32, #tpu.memory_space<vmem>>) target(%dma_start3A_103 : memref<320x128xf32, #tpu.memory_space<hbm>>) target_semaphore(%run_scoped3A : memref<!tpu.dma_semaphore, #tpu.memory_space<semaphore_mem>>)
      %dma_wait3A_107 = arith.constant 0 : i32
      %dma_wait3A_108 = arith.constant 0 : i32
      %dma_wait3A_109 = tpu.memref_slice %arg5[%dma_wait3A_107, %dma_wait3A_108] : memref<321x128xf32, #tpu.memory_space<vmem>> -> memref<320x128xf32, #tpu.memory_space<vmem>>
      %dma_wait3A_110 = arith.constant 0 : i32
      %dma_wait3A_111 = tpu.memref_slice %arg4[%mul3A_2, %dma_wait3A_110] : memref<10240x128xf32, #tpu.memory_space<hbm>> -> memref<320x128xf32, #tpu.memory_space<hbm>>
      %dma_wait3A_112 = arith.constant 0 : i32
      %dma_wait3A_113 = tpu.memref_slice %arg4[%mul3A_2, %dma_wait3A_112] : memref<10240x128xf32, #tpu.memory_space<hbm>> -> memref<320x128xf32, #tpu.memory_space<hbm>>
      %dma_wait3A_114 = arith.constant 0 : i32
      %dma_wait3A_115 = arith.constant 0 : i32
      %dma_wait3A_116 = tpu.memref_slice %arg5[%dma_wait3A_114, %dma_wait3A_115] : memref<321x128xf32, #tpu.memory_space<vmem>> -> memref<320x128xf32, #tpu.memory_space<vmem>>
      tpu.wait_dma2 semaphore(%run_scoped3A : memref<!tpu.dma_semaphore, #tpu.memory_space<semaphore_mem>>) src(%dma_wait3A_116 : memref<320x128xf32, #tpu.memory_space<vmem>>) dst(%dma_wait3A_113 : memref<320x128xf32, #tpu.memory_space<hbm>>)
      tpu.yield
    }) : () -> ()
    return
  }
}

module attributes {stable_mosaic.version = 14 : i64} {
  func.func @_mm_body(%arg0: memref<10000x128xf32, #tpu.memory_space<vmem>>, %arg1: memref<128x256xf32, #tpu.memory_space<vmem>>, %arg2: memref<1x128xf32, #tpu.memory_space<vmem>>, %arg3: memref<10000x128xf32, #tpu.memory_space<vmem>>, %arg4: memref<10000x128xf32, #tpu.memory_space<vmem>>) attributes {dimension_semantics = [], scalar_prefetch = 0 : i64, scratch_operands = 0 : i64, tpu.core_type = #tpu.core_type<tc>} {
    %get3A = arith.constant 0 : index
    %get3A_0 = arith.constant 0 : index
    %get3A_1 = vector.load %arg0[%get3A, %get3A_0] : memref<10000x128xf32, #tpu.memory_space<vmem>>, vector<10000x128xf32>
    %get3A_2 = arith.constant 0 : index
    %get3A_3 = arith.constant 0 : index
    %get3A_4 = vector.load %arg1[%get3A_2, %get3A_3] : memref<128x256xf32, #tpu.memory_space<vmem>>, vector<128x128xf32>
    %get3A_5 = arith.constant 0 : index
    %get3A_6 = arith.constant 128 : index
    %get3A_7 = vector.load %arg1[%get3A_5, %get3A_6] : memref<128x256xf32, #tpu.memory_space<vmem>>, vector<128x128xf32>
    %sub3A = arith.subf %get3A_4, %get3A_7 : vector<128x128xf32>
    %get3A_8 = arith.constant 0 : index
    %get3A_9 = arith.constant 128 : index
    %get3A_10 = vector.load %arg1[%get3A_8, %get3A_9] : memref<128x256xf32, #tpu.memory_space<vmem>>, vector<128x128xf32>
    %dot_general3A = arith.constant dense<0.000000e+00> : vector<10000x128xf32>
    %dot_general3A_11 = tpu.matmul %get3A_1, %sub3A, %dot_general3A {dimension_numbers = #tpu.dot_dimension_numbers<[1], [1], [0], [0], [0, 0, 1, 0], [], []>, transpose_lhs_hint = false} : vector<10000x128xf32>, vector<128x128xf32>, vector<10000x128xf32> -> vector<10000x128xf32>
    %get3A_12 = arith.constant 0 : index
    %get3A_13 = arith.constant 0 : index
    %get3A_14 = vector.load %arg2[%get3A_12, %get3A_13] : memref<1x128xf32, #tpu.memory_space<vmem>>, vector<1x128xf32>
    %add3A = vector.broadcast %get3A_14 : vector<1x128xf32> to vector<10000x128xf32>
    %add3A_15 = arith.addf %dot_general3A_11, %add3A : vector<10000x128xf32>
    %swap3A = arith.constant 0 : index
    %swap3A_16 = arith.constant 0 : index
    %swap3A_17 = vector.load %arg3[%swap3A, %swap3A_16] : memref<10000x128xf32, #tpu.memory_space<vmem>>, vector<10000x128xf32>
    tpu.vector_store %arg3[%swap3A, %swap3A_16], %add3A_15 {strides = array<i32>} : memref<10000x128xf32, #tpu.memory_space<vmem>>, vector<10000x128xf32>,
    %dot_general3A_18 = arith.constant dense<0.000000e+00> : vector<10000x128xf32>
    %dot_general3A_19 = tpu.matmul %get3A_1, %get3A_10, %dot_general3A_18 {dimension_numbers = #tpu.dot_dimension_numbers<[1], [1], [0], [0], [0, 0, 1, 0], [], []>, transpose_lhs_hint = false} : vector<10000x128xf32>, vector<128x128xf32>, vector<10000x128xf32> -> vector<10000x128xf32>
    %swap3A_20 = arith.constant 0 : index
    %swap3A_21 = arith.constant 0 : index
    %swap3A_22 = vector.load %arg4[%swap3A_20, %swap3A_21] : memref<10000x128xf32, #tpu.memory_space<vmem>>, vector<10000x128xf32>
    tpu.vector_store %arg4[%swap3A_20, %swap3A_21], %dot_general3A_19 {strides = array<i32>} : memref<10000x128xf32, #tpu.memory_space<vmem>>, vector<10000x128xf32>,
    return
  }
}

module attributes {stable_mosaic.version = 14 : i64} {
  func.func @_pack_body(%arg0: memref<2x2500x128xi32, #tpu.memory_space<vmem>>, %arg1: memref<2500x128xi32, #tpu.memory_space<vmem>>) attributes {dimension_semantics = [], scalar_prefetch = 0 : i64, scratch_operands = 0 : i64, tpu.core_type = #tpu.core_type<tc>} {
    %get3A = arith.constant 0 : index
    %get3A_0 = arith.constant 0 : index
    %get3A_1 = arith.constant 0 : index
    %get3A_2 = vector.load %arg0[%get3A, %get3A_0, %get3A_1] : memref<2x2500x128xi32, #tpu.memory_space<vmem>>, vector<1x2500x128xi32>
    %get3A_3 = vector.shape_cast %get3A_2 : vector<1x2500x128xi32> to vector<2500x128xi32>
    %get3A_4 = arith.constant 1 : index
    %get3A_5 = arith.constant 0 : index
    %get3A_6 = arith.constant 0 : index
    %get3A_7 = vector.load %arg0[%get3A_4, %get3A_5, %get3A_6] : memref<2x2500x128xi32, #tpu.memory_space<vmem>>, vector<1x2500x128xi32>
    %get3A_8 = vector.shape_cast %get3A_7 : vector<1x2500x128xi32> to vector<2500x128xi32>
    %mul3A = arith.constant 16384 : i32
    %mul3A_9 = vector.broadcast %mul3A : i32 to vector<2500x128xi32>
    %mul3A_10 = arith.muli %get3A_8, %mul3A_9 : vector<2500x128xi32>
    %add3A = arith.addi %mul3A_10, %get3A_3 : vector<2500x128xi32>
    %swap3A = arith.constant 0 : index
    %swap3A_11 = arith.constant 0 : index
    %swap3A_12 = vector.load %arg1[%swap3A, %swap3A_11] : memref<2500x128xi32, #tpu.memory_space<vmem>>, vector<2500x128xi32>
    tpu.vector_store %arg1[%swap3A, %swap3A_11], %add3A {strides = array<i32>} : memref<2500x128xi32, #tpu.memory_space<vmem>>, vector<2500x128xi32>,
    return
  }
}

module attributes {stable_mosaic.version = 14 : i64} {
  func.func @_combine_body(%arg0: memref<10000x128xf32, #tpu.memory_space<vmem>>, %arg1: memref<10000x128xf32, #tpu.memory_space<vmem>>, %arg2: memref<10000x128xf32, #tpu.memory_space<vmem>>, %arg3: memref<1x128xf32, #tpu.memory_space<vmem>>, %arg4: memref<1x128xf32, #tpu.memory_space<vmem>>) attributes {dimension_semantics = [], scalar_prefetch = 0 : i64, scratch_operands = 0 : i64, tpu.core_type = #tpu.core_type<tc>} {
    %get3A = arith.constant 0 : index
    %get3A_0 = arith.constant 0 : index
    %get3A_1 = vector.load %arg0[%get3A, %get3A_0] : memref<10000x128xf32, #tpu.memory_space<vmem>>, vector<10000x128xf32>
    %get3A_2 = arith.constant 0 : index
    %get3A_3 = arith.constant 0 : index
    %get3A_4 = vector.load %arg1[%get3A_2, %get3A_3] : memref<10000x128xf32, #tpu.memory_space<vmem>>, vector<10000x128xf32>
    %add3A = arith.addf %get3A_1, %get3A_4 : vector<10000x128xf32>
    %is_finite3A = tpu.weird %add3A : vector<10000x128xf32> -> vector<10000x128xi1>
    %is_finite3A_5 = arith.constant dense<true> : vector<10000x128xi1>
    %is_finite3A_6 = arith.xori %is_finite3A, %is_finite3A_5 : vector<10000x128xi1>
    %jit3A = arith.constant 0.000000e+00 : f32
    %broadcast_in_dim3A = vector.broadcast %jit3A : f32 to vector<10000x128xf32>
    %select_n3A = arith.select %is_finite3A_6, %add3A, %broadcast_in_dim3A : vector<10000x128xi1>, vector<10000x128xf32>
    %gt3A = arith.constant 0.000000e+00 : f32
    %gt3A_7 = vector.broadcast %gt3A : f32 to vector<10000x128xf32>
    %gt3A_8 = arith.cmpf ogt, %select_n3A, %gt3A_7 : vector<10000x128xf32>
    %min3A = arith.constant 0.000000e+00 : f32
    %min3A_9 = vector.broadcast %min3A : f32 to vector<10000x128xf32>
    %min3A_10 = arith.minimumf %select_n3A, %min3A_9 : vector<10000x128xf32>
    %exp3A = math.exp %min3A_10 : vector<10000x128xf32>
    %sub3A = arith.constant 1.000000e+00 : f32
    %sub3A_11 = vector.broadcast %sub3A : f32 to vector<10000x128xf32>
    %sub3A_12 = arith.subf %exp3A, %sub3A_11 : vector<10000x128xf32>
    %select_n3A_13 = arith.select %gt3A_8, %select_n3A, %sub3A_12 : vector<10000x128xi1>, vector<10000x128xf32>
    %swap3A = arith.constant 0 : index
    %swap3A_14 = arith.constant 0 : index
    %swap3A_15 = vector.load %arg2[%swap3A, %swap3A_14] : memref<10000x128xf32, #tpu.memory_space<vmem>>, vector<10000x128xf32>
    tpu.vector_store %arg2[%swap3A, %swap3A_14], %select_n3A_13 {strides = array<i32>} : memref<10000x128xf32, #tpu.memory_space<vmem>>, vector<10000x128xf32>,
    %reduce_sum3A = arith.constant dense<0.000000e+00> : vector<128xf32>
    %reduce_sum3A_16 = vector.multi_reduction <add>, %select_n3A_13, %reduce_sum3A [0] : vector<10000x128xf32> to vector<128xf32>
    %broadcast_in_dim3A_17 = vector.shape_cast %reduce_sum3A_16 : vector<128xf32> to vector<1x128xf32>
    %swap3A_18 = arith.constant 0 : index
    %swap3A_19 = arith.constant 0 : index
    %swap3A_20 = vector.load %arg3[%swap3A_18, %swap3A_19] : memref<1x128xf32, #tpu.memory_space<vmem>>, vector<1x128xf32>
    tpu.vector_store %arg3[%swap3A_18, %swap3A_19], %broadcast_in_dim3A_17 {strides = array<i32>} : memref<1x128xf32, #tpu.memory_space<vmem>>, vector<1x128xf32>,
    %mul3A = arith.mulf %select_n3A_13, %select_n3A_13 : vector<10000x128xf32>
    %reduce_sum3A_21 = arith.constant dense<0.000000e+00> : vector<128xf32>
    %reduce_sum3A_22 = vector.multi_reduction <add>, %mul3A, %reduce_sum3A_21 [0] : vector<10000x128xf32> to vector<128xf32>
    %broadcast_in_dim3A_23 = vector.shape_cast %reduce_sum3A_22 : vector<128xf32> to vector<1x128xf32>
    %swap3A_24 = arith.constant 0 : index
    %swap3A_25 = arith.constant 0 : index
    %swap3A_26 = vector.load %arg4[%swap3A_24, %swap3A_25] : memref<1x128xf32, #tpu.memory_space<vmem>>, vector<1x128xf32>
    tpu.vector_store %arg4[%swap3A_24, %swap3A_25], %broadcast_in_dim3A_23 {strides = array<i32>} : memref<1x128xf32, #tpu.memory_space<vmem>>, vector<1x128xf32>,
    return
  }
}

module attributes {stable_mosaic.version = 14 : i64} {
  func.func @_norm_body(%arg0: memref<10000x128xf32, #tpu.memory_space<vmem>>, %arg1: memref<1x128xf32, #tpu.memory_space<vmem>>, %arg2: memref<1x128xf32, #tpu.memory_space<vmem>>, %arg3: memref<1x128xf32, #tpu.memory_space<vmem>>, %arg4: memref<1x128xf32, #tpu.memory_space<vmem>>, %arg5: memref<10000x128xf32, #tpu.memory_space<vmem>>) attributes {dimension_semantics = [], scalar_prefetch = 0 : i64, scratch_operands = 0 : i64, tpu.core_type = #tpu.core_type<tc>} {
    %get3A = arith.constant 0 : index
    %get3A_0 = arith.constant 0 : index
    %get3A_1 = vector.load %arg1[%get3A, %get3A_0] : memref<1x128xf32, #tpu.memory_space<vmem>>, vector<1x128xf32>
    %div3A = arith.constant 1.000000e+04 : f32
    %div3A_2 = vector.broadcast %div3A : f32 to vector<1x128xf32>
    %div3A_3 = arith.divf %get3A_1, %div3A_2 : vector<1x128xf32>
    %get3A_4 = arith.constant 0 : index
    %get3A_5 = arith.constant 0 : index
    %get3A_6 = vector.load %arg2[%get3A_4, %get3A_5] : memref<1x128xf32, #tpu.memory_space<vmem>>, vector<1x128xf32>
    %div3A_7 = arith.constant 1.000000e+04 : f32
    %div3A_8 = vector.broadcast %div3A_7 : f32 to vector<1x128xf32>
    %div3A_9 = arith.divf %get3A_6, %div3A_8 : vector<1x128xf32>
    %mul3A = arith.mulf %div3A_3, %div3A_3 : vector<1x128xf32>
    %sub3A = arith.subf %div3A_9, %mul3A : vector<1x128xf32>
    %add3A = arith.constant 9.99999974E-6 : f32
    %add3A_10 = vector.broadcast %add3A : f32 to vector<1x128xf32>
    %add3A_11 = arith.addf %sub3A, %add3A_10 : vector<1x128xf32>
    %rsqrt3A = math.rsqrt %add3A_11 : vector<1x128xf32>
    %get3A_12 = arith.constant 0 : index
    %get3A_13 = arith.constant 0 : index
    %get3A_14 = vector.load %arg3[%get3A_12, %get3A_13] : memref<1x128xf32, #tpu.memory_space<vmem>>, vector<1x128xf32>
    %get3A_15 = arith.constant 0 : index
    %get3A_16 = arith.constant 0 : index
    %get3A_17 = vector.load %arg0[%get3A_15, %get3A_16] : memref<10000x128xf32, #tpu.memory_space<vmem>>, vector<10000x128xf32>
    %sub3A_18 = vector.broadcast %div3A_3 : vector<1x128xf32> to vector<10000x128xf32>
    %sub3A_19 = arith.subf %get3A_17, %sub3A_18 : vector<10000x128xf32>
    %mul3A_20 = vector.broadcast %get3A_14 : vector<1x128xf32> to vector<10000x128xf32>
    %mul3A_21 = arith.mulf %mul3A_20, %sub3A_19 : vector<10000x128xf32>
    %mul3A_22 = vector.broadcast %rsqrt3A : vector<1x128xf32> to vector<10000x128xf32>
    %mul3A_23 = arith.mulf %mul3A_21, %mul3A_22 : vector<10000x128xf32>
    %get3A_24 = arith.constant 0 : index
    %get3A_25 = arith.constant 0 : index
    %get3A_26 = vector.load %arg4[%get3A_24, %get3A_25] : memref<1x128xf32, #tpu.memory_space<vmem>>, vector<1x128xf32>
    %add3A_27 = vector.broadcast %get3A_26 : vector<1x128xf32> to vector<10000x128xf32>
    %add3A_28 = arith.addf %mul3A_23, %add3A_27 : vector<10000x128xf32>
    %swap3A = arith.constant 0 : index
    %swap3A_29 = arith.constant 0 : index
    %swap3A_30 = vector.load %arg5[%swap3A, %swap3A_29] : memref<10000x128xf32, #tpu.memory_space<vmem>>, vector<10000x128xf32>
    tpu.vector_store %arg5[%swap3A, %swap3A_29], %add3A_28 {strides = array<i32>} : memref<10000x128xf32, #tpu.memory_space<vmem>>, vector<10000x128xf32>,
    return
  }
}

</mosaic_0001>

<sc_bundles>
// kernel: kernel.7.cloned.1.call-start
scs
__scs_entry_jumppad:
0x0: {  	(pc) =	sbr.rel $0x88, $3  }
0x1: {  	(tag) =	ssettag $0x0;
	lr =	simm.s32 $0x1  }
0x2: {  	[smem:$0x3F9B] =	sst lr;
	_ =	strace $0xD0000000  }
0x3: {  	_ = 	snop  }
0x4: {  	_ = 	snop  }
0x5: {  	_ = 	snop  }
0x6: {  	_ = 	snop  }
0x7: {  	_ = 	snop  }
__scs_overlays_trampoline_lowered:
0x8: {  	[smem:$0x3FAA] =	sst s0  }
0x9: {  	[smem:$0x3FAB] =	sst s1  }
0xa: {  	[smem:$0x3FAC] =	sst s2  }
0xb: {  	[smem:$0x3FAD] =	sst s3  }
0xc: {  	[smem:$0x3FAE] =	sst s4  }
0xd: {  	[smem:$0x3FAF] =	sst s5  }
0xe: {  	[smem:$0x3FB0] =	sst s6  }
0xf: {  	[smem:$0x3FB1] =	sst s7  }
0x10: {  	[smem:$0x3FB2] =	sst s8  }
0x11: {  	[smem:$0x3FB3] =	sst s9;
	s0 =	simm.s32 @!p0 $0x0  }
0x12: {  	s1 =	sld [smem:$0x3F99];
	s0 =	simm.s32 @p0 $0x1  }
0x13: {  	[smem:$0x3FB4] =	sst s0;
	s0 =	simm.s32 @!p1 $0x0  }
0x14: {  	s2 =	sld [smem:$0x3F98];
	s0 =	simm.s32 @p1 $0x1  }
0x15: {  	[smem:$0x3FB5] =	sst s0;
	s0 =	simm.s32 @!p2 $0x0  }
0x16: {  	s3 =	sld [smem:$0x3FDB];
	s0 =	simm.s32 @p2 $0x1  }
0x17: {  	s4 =	simm.s32 $0x1BF5;
	[smem:$0x3FB7] =	sst s0  }
0x18: {  	s0 =	sld [smem:$0x3F9A];
	_ =	swait.ge [sflag:s4], $0x0  }
0x19: {  	s7 =	sld [smem:$0x3F9B]  }
0x1a: {  	s8 =	sadd.s32 $0xFFFFE003, lr  }
0x1b: {  	s9 =	sadd.s32 $0xFFFFFEF7, lr;
	s5 =	simm.s32 $0xFFFFFFFF;
	p2 =	slt.u32 s8, $0xFFFFF086  }
0x1c: {  	p1 =	slt.u32 s9, $0xF7A;
	s5 =	simm.s32 @!p2 $0x0  }
0x1d: {  	s5 =	simm.s32 @p1 $0x1;
	p0 =	seq.s32 s7, s2  }
0x1e: {  	s7 =	smul.u32 @!p0 $0xF7A, s2;
	p2 =	seq.s32 @!p0 s5, $0x0  }
0x1f: {  	s9 =	smul.u32 $0xF7A, s1;
	s8 =	simm.s32 @!p0 $0x1BF5;
	p2 =	por !p2, p0  }
0x20: {  	[sflag:s8] =	ssyncset.s32 @!p0 $0xFFFFF086;
	s6 =	sadd.s32 @!p0 s3, s7;
	s7 =	simm.s32 @!p0 $0x108  }
0x21: {  	s3 =	sadd.s32 s3, s9;
	s6 =	sadd.s32 @!p0 $0x88, s6;
	s7 =	simm.s32 @p2 $0x1082  }
0x22: {  	[simem:s7], [sflag:s8] =	dma.local @!p0 [hbm:s6], $0xF7A  }
0x23: {  	s9 =	sor.u32 $0xD0000000, s2;
	s6 =	simm.s32 $0x108;
	_ =	swait.ge @!p0 [sflag:s8], $0x0  }
0x24: {  	s3 =	sadd.s32 $0x88, s3;
	s6 =	simm.s32 @!p1 $0x1082;
	[sflag:s4] =	ssyncset.s32 $0xFFFFF086  }
0x25: {  	[simem:s6], [sflag:s4] =	dma.local [hbm:s3], $0xF7A  }
0x26: {  	[smem:$0x3F9B] =	sst s1;
	(tag) =	ssettag s2;
	_ =	strace s9  }
0x27: {  	s1 =	sld [smem:$0x3FAB]  }
0x28: {  	s2 =	sld [smem:$0x3FAC]  }
0x29: {  	s4 =	sld [smem:$0x3FAE]  }
0x2a: {  	p0 =	seq.s32 s5, $0x0;
	s5 =	sld [smem:$0x3FAF]  }
0x2b: {  	s6 =	sld [smem:$0x3FB0]  }
0x2c: {  	s7 =	sld [smem:$0x3FB1]  }
0x2d: {  	s3 =	simm.s32 $0x108;
	s8 =	sld [smem:$0x3FB2]  }
0x2e: {  	s3 =	simm.s32 @!p0 $0x1082;
	s9 =	sld [smem:$0x3FB3]  }
0x2f: {  	lr =	sadd.s32 s0, s3;
	s0 =	sld [smem:$0x3FAA]  }
0x30: {  	s3 =	sld [smem:$0x3FAD]  }
0x31: {  	[smem:$0x3FB6] =	sst s10  }
0x32: {  	s10 =	sld [smem:$0x3FB4];
	_ =	sdelay $0x3  }
0x33: {  	p0 =	seq.s32 s10, $0x1;
	s10 =	sld [smem:$0x3FB6];
	_ =	sdelay $0x3  }
0x34: {  	[smem:$0x3FB6] =	sst s10  }
0x35: {  	s10 =	sld [smem:$0x3FB5];
	_ =	sdelay $0x3  }
0x36: {  	p1 =	seq.s32 s10, $0x1;
	s10 =	sld [smem:$0x3FB6];
	_ =	sdelay $0x3  }
0x37: {  	[smem:$0x3FB6] =	sst s10  }
0x38: {  	s10 =	sld [smem:$0x3FB7]  }
0x39: {  	_ = 	snop;
	(pc) =	sbr.ind lr, $3  }
0x3a: {  	_ = 	snop  }
0x3b: {  	_ = 	snop  }
0x3c: {  	p2 =	seq.s32 s10, $0x1;
	s10 =	sld [smem:$0x3FB6]  }
0x3d: {  	_ =	shalt  }
0x3e: {  	_ =	shalt  }
0x3f: {  	_ =	shalt  }
0x40: {  	_ =	shalt  }
0x41: {  	_ =	shalt  }
0x42: {  	_ =	shalt  }
0x43: {  	_ =	shalt  }
0x44: {  	_ =	shalt  }
0x45: {  	_ =	shalt  }
0x46: {  	_ =	shalt  }
0x47: {  	_ =	shalt  }
0x48: {  	_ =	shalt  }
0x49: {  	_ =	shalt  }
0x4a: {  	_ =	shalt  }
0x4b: {  	_ =	shalt  }
0x4c: {  	_ =	shalt  }
0x4d: {  	_ =	shalt  }
0x4e: {  	_ =	shalt  }
0x4f: {  	_ =	shalt  }
0x50: {  	_ =	shalt  }
0x51: {  	_ =	shalt  }
0x52: {  	_ =	shalt  }
0x53: {  	_ =	shalt  }
0x54: {  	_ =	shalt  }
0x55: {  	_ =	shalt  }
0x56: {  	_ =	shalt  }
0x57: {  	_ =	shalt  }
0x58: {  	_ =	shalt  }
0x59: {  	_ =	shalt  }
0x5a: {  	_ =	shalt  }
0x5b: {  	_ =	shalt  }
0x5c: {  	_ =	shalt  }
0x5d: {  	_ =	shalt  }
0x5e: {  	_ =	shalt  }
0x5f: {  	_ =	shalt  }
0x60: {  	_ =	shalt  }
0x61: {  	_ =	shalt  }
0x62: {  	_ =	shalt  }
0x63: {  	_ =	shalt  }
0x64: {  	_ =	shalt  }
0x65: {  	_ =	shalt  }
0x66: {  	_ =	shalt  }
0x67: {  	_ =	shalt  }
0x68: {  	_ =	shalt  }
0x69: {  	_ =	shalt  }
0x6a: {  	_ =	shalt  }
0x6b: {  	_ =	shalt  }
0x6c: {  	_ =	shalt  }
0x6d: {  	_ =	shalt  }
0x6e: {  	_ =	shalt  }
0x6f: {  	_ =	shalt  }
0x70: {  	_ =	shalt  }
0x71: {  	_ =	shalt  }
0x72: {  	_ =	shalt  }
0x73: {  	_ =	shalt  }
0x74: {  	_ =	shalt  }
0x75: {  	_ =	shalt  }
0x76: {  	_ =	shalt  }
0x77: {  	_ =	shalt  }
0x78: {  	_ =	shalt  }
0x79: {  	_ =	shalt  }
0x7a: {  	_ =	shalt  }
0x7b: {  	_ =	shalt  }
0x7c: {  	_ =	shalt  }
0x7d: {  	_ =	shalt  }
0x7e: {  	_ =	shalt  }
0x7f: {  	_ =	shalt  }
0x80: {  	_ =	shalt  }
0x81: {  	_ =	shalt  }
0x82: {  	_ =	shalt  }
0x83: {  	_ =	shalt  }
0x84: {  	_ =	shalt  }
0x85: {  	_ =	shalt  }
0x86: {  	_ =	shalt  }
0x87: {  	_ =	shalt  }
.Lfunc_end0:
.L_simem_size_0:
called_computation_lowered:
.L_overlay_start_0:
0x88: {  	s2 =	sld [smem:$0x3FD9]  }
0x89: {  	s3 =	sld [smem:$0x3FFE];
	_ =	sdelay $0x1  }
0x8a: {  	s1 =	srdreg.scid  }
0x8b: {  	s0 =	sand.u32 $0x1, s1  }
0x8c: {  	s17 =	sshll.u32 s0, $0xA;
	s2 =	sadd.s32 s3, s2  }
0x8d: {  	s2 =	sadd.s32 s2, s17  }
0x8e: {  	[smem:$0x3FC2] =	sst s2  }
0x8f: {  	_ = 	snop  }
0x90: {  	s2 =	sld [smem:$0x3FD0];
	(tm) =	ssettm $0x1  }
0x91: {  	s18 =	sld [smem:$0x3FFB];
	_ =	sdelay $0x3  }
0x92: {  	_ =	strace s18  }
0x93: {  	s3 =	sld [smem:$0x3FFC];
	_ =	sdelay $0x3  }
0x94: {  	_ =	strace s3  }
0x95: {  	s3 =	sld [smem:$0x3FFD];
	_ =	sdelay $0x3  }
0x96: {  	_ =	strace s3  }
0x97: {  	_ =	strace $0x8FFFFFFF  }
0x98: {  	s19 =	sld [smem:$0x3FDB];
	_ =	sdelay $0x1  }
0x99: {  	s4 =	simm.s32 $_scs_section_size  }
0x9a: {  	s5 =	simm.s32 $_size__tile_overlayer_lowered;
	s6 =	simm.s32 $_tile_overlayer_lowered  }
0x9b: {  	s22 =	simm.s32 $0x1BFF;
	s21 =	sshll.u32 s6, $0x1;
	s3 =	sadd.s32 s4, s19  }
0x9c: {  	s7 =	simm.s32 $0x0;
	s20 =	sshll.u32 s5, $0x1;
	s5 =	sadd.s32 s21, s3  }
0x9d: {  	[timem:s7], [sflag:s22] =	dma.local [hbm:s5], s20  }
0x9e: {  	_ =	swait.ge [sflag:s22], s20  }
0x9f: {  	s4 =	ssub.s32 $0x0, s20;
	[sflag:s22] =	ssyncset.done $0x0  }
0xa0: {  	[sflag:s22] =	ssyncadd.s32 s4;
	_ =	sdelay $0x1  }
0xa1: {  	s23 =	simm.s32 $0x1B8B  }
0xa2: {  	_ =	swait.ge [sflag:s23], $0x1  }
0xa3: {  	[sflag:s23] =	ssyncset.done $0x0  }
0xa4: {  	s25 =	simm.s32 $0x1B8E;
	s24 =	sld [smem:$0x3FFE];
	[sflag:s23] =	ssyncadd.s32 $0xFFFFFFFF  }
0xa5: {  	s26 =	simm.s32 $execute0_lowered;
	[smem:$0x3FD2] =	sst s25  }
0xa6: {  	s5 =	sshll.u32 s26, $0x1;
	_ =	strace $0x80000046;
	[dreg:$0x1] =	wrdreg $0xFFFFFFFF  }
0xa7: {  	s28 =	simm.s32 $_size_execute0_lowered;
	s3 =	sadd.s32 s3, s5;
	[dreg:$0x0] =	wrdreg $0x0  }
0xa8: {  	s5 =	sshll.u32 s28, $0x1;
	[dreg:$0x2] =	wrdreg s3  }
0xa9: {  	[dreg:$0x3] =	wrdreg s5  }
0xaa: {  	[dreg:$0x4] =	wrdreg $0xC0  }
0xab: {  	_ =	task [dreg:s7], $0x5FFFF  }
0xac: {  	[dreg:$0x1] =	wrdreg $0xFFFFFFFF  }
0xad: {  	[dreg:$0x0] =	wrdreg $0x60  }
0xae: {  	[dreg:$0x2] =	wrdreg s2  }
0xaf: {  	[dreg:$0x3] =	wrdreg s24  }
0xb0: {  	[dreg:$0x4] =	wrdreg $0x9  }
0xb1: {  	_ =	task.clear_ibuf [dreg:s7], $0x5FFFF;
	_ =	strace $0x90000046  }
0xb2: {  	s29 =	simm.s32 $0x9;
	_ =	strace $0x80000048  }
0xb3: {  	_ =	swait.ge [sflag:s29], $0x1  }
0xb4: {  	[sflag:s29] =	ssyncadd.s32 $0xFFFFFFFF  }
0xb5: {  	_ =	strace $0x90000048  }
0xb6: {  	_ =	sfence  }
0xb7: {  	s30 =	sld [smem:$0x0];
	_ =	sdelay $0x2  }
0xb8: {  	s31 =	sshll.u32 s1, $0xD;
	s1 =	sshrl.u32 s1, $0x2  }
0xb9: {  	s3 =	sand.u32 $0x4000, s31;
	s1 =	sadd.s32 s1, s30  }
0xba: {  	s0 =	sor.u32 s3, s0;
	s1 =	sshll.u32 s1, $0x11  }
0xbb: {  	s0 =	sor.u32 s1, s0  }
0xbc: {  	s0 =	sadd.s32 $0x8F2B, s0  }
0xbd: {  	[sflag:s0] =	ssyncadd.remote.s32 $0x1  }
0xbe: {  	_ =	sfence.sel $0xFFFF  }
0xbf: {  	[dreg:$0x0] =	wrdreg $0xFFFFFFFF;
	(pc) =	sbr.abs _section_cstart, $3  }
0xc0: {  	[dreg:$0x1] =	wrdreg $0xFFFFFFFF  }
0xc1: {  	_ =	task.clear_ibuf [dreg:s7], $0x2FFFF;
	_ =	strace $0x9FFFFFFF  }
0xc2: {  	(tm) =	ssettm $0x7FFFFFFF  }
0xc3: {  	_ =	shalt  }
tec
execute0_lowered:
.L_overlay_start_1:
0x0: {  	(tag) =	ssettag $0x1  }
0x1: {  	s0 =	srdreg.scid  }
0x2: {  	s1 =	stileid.u32;
	s2 =	rddreg [dreg:$0x0]  }
0x3: {  	s5 =	rddreg [dreg:$0x1];
	s3 =	simm.s32 $0x0;
	s9 =	simm.s32 $0xBD00  }
0x4: {  	s10 =	simm.s32 $0x2;
	s11 =	simm.s32 $0xD600;
	s12 =	simm.s32 $0x10900  }
0x5: {  	s13 =	simm.s32 $0x1;
	s0 =	sand.u32 $0x1, s0;
	s1 =	sshll.u32 s1, $0x1  }
0x6: {  	s14 =	simm.s32 $0x10;
	s15 =	simm.s32 $0x3;
	s1 =	sor.u32 s0, s1  }
0x7: {  	s16 =	simm.s32 $0xEF80;
	s17 =	simm.s32 $0x12280;
	s6 =	smul.u32 $0x1400, s1  }
.Ltmp0:
0x8: {  	s18 =	simm.s32 $0x4;
	s19 =	simm.s32 $0x0;
	(pc) =	sbr.rel .LBB2_1-.Ltmp0, $4  }
0x9: {  	[smem:$0x7FF] =	sst s3;
	s0 =	ssub.s32 $0x2, s0;
	s1 =	smul.u32 $0x140, s1  }
0xa: {  	s4 =	sadd.s32 $0x1600, s5;
	_ =	strace $0x80000047;
	s7 =	sshrl.u32 s0, $0x1  }
0xb: {  	v2 =	vimm.f32 $-Inf;
	v3 =	vlaneseq.u32;
	v4 =	vimm.s32 $0x140;
	s0 =	ssub.s32 s0, s7;
	s6 =	sadd.s32 s6, s5;
	s8 =	sadd.s32 $0x140, s1  }
0xc: {  	v5 =	vimm.s32 $0x0;
	s5 =	sadd.s32 $0x1920, s5;
	s7 =	smax.u32 s0, $0x1;
	v0 =	vmov s1;
	s6 =	sadd.s32 $0xB400, s6;
	v1 =	vmov s8  }
.LBB2_59:
0xd: {  	s19 =	sadd.s32 $0x1, s19  }
0xe: {  	p0 =	sne.s32 s19, s7  }
.Ltmp1:
0xf: {  	_ = 	snop;
	(pc) =	sbr.rel @!p0 .LBB2_60-.Ltmp1, $4  }
0x10: {  	[hbm4b:s6+s3] =	stream.linear.scatter [tilespmem:s3], [sflag:$0x4], $0xA000, $0x38;
	[tilespmem:$0x1BC00] =	vst v63  }
0x11: {  	_ =	swait.ge [sflag:s18], $0xA000  }
0x12: {  	[sflag:s18] =	ssyncset.done $0x0  }
0x13: {  	[sflag:s18] =	ssyncadd.s32 $0xFFFF6000  }
.LBB2_1:
0x14: {  	s0 =	simm.s32 $0x0  }
0x15: {  	s1 =	sand.u32 $0xFFFFFF80, s0  }
0x16: {  	s1 =	ssub.s32 $0x0, s1  }
0x17: {  	s0 =	sand.u32 $0x3FFFFF80, s0;
	s1 =	sand.u32 $0xFFFFFF80, s1  }
0x18: {  	s8 =	sand.u32 $0x70, s3;
	s0 =	sadd.s32 s1, s0  }
0x19: {  	s20 =	simm.s32 $0x0;
	s1 =	simm.s32 $0x1;
	s0 =	sor.u32 s8, s0  }
.LBB2_2:
0x1a: {  	s8 =	sshll.u32 s1, $0x4;
	p0 =	sne.s32 s1, $0xA07;
	s1 =	sadd.s32 $0x1, s1;
	[tilespmem:s0+$0x0] =	vst v2  }
.Ltmp2:
0x1b: {  	s20 =	sadd.s32 $0x10, s20;
	s0 =	sand.u32 $0xFFFFFF80, s8;
	(pc) =	sbr.rel @p0 .LBB2_2-.Ltmp2, $4  }
0x1c: {  	s0 =	ssub.s32 s20, s0  }
0x1d: {  	s8 =	sand.u32 $0x3FFFFF80, s8;
	s0 =	sand.u32 $0xFFFFFF80, s0  }
0x1e: {  	s21 =	sand.u32 $0x70, s20;
	s0 =	sadd.s32 s0, s8  }
0x1f: {  	s0 =	sor.u32 s21, s0  }
0x20: {  	[tilespmem:s0+$0x0] =	vst v2;
	s23 =	simm.s32 $0x0;
	s1 =	simm.s32 $0xA400  }
0x21: {  	[tilespmem:s1], [sflag:$0x2] =	stream.linear.gather [hbm4b:s4+s23], $0x1900, $0x38;
	[tilespmem:$0x1BC00] =	vst v63  }
0x22: {  	_ = 	snop  }
0x23: {  	[tilespmem:s9], [sflag:$0x3] =	stream.linear.gather [hbm4b:s5+s23], $0x1900, $0x38;
	[tilespmem:$0x1BC00] =	vst v63  }
0x24: {  	_ =	swait.ge [sflag:s10], $0x1900  }
0x25: {  	[sflag:s10] =	ssyncset.done $0x0  }
0x26: {  	s24 =	simm.s32 $0x0;
	[sflag:s10] =	ssyncadd.s32 $0xFFFFE700  }
0x27: {  	v6 =	vld [tilespmem:s24+$0xA400];
	_ =	sdelay $0x4  }
0x28: {  	v7 =	vshrl.u32 v6, $0xE  }
0x29: {  	vm0 =	vge.u32 v7, v0;
	vm1 =	vlt.u32 v7, v1  }
0x2a: {  	v7 =	vsub.s32 v7, v0;
	vm0 =	vmand vm0, vm1  }
0x2b: {  	v6 =	vand.u32 $0x3FFF, v6;
	[tilespmem:s23+$0xD600] =	vst.msk vm0, v7;
	v7 =	vmpcnt.ones.xlane vm0  }
0x2c: {  	[tilespmem:s23+$0x10900] =	vst.msk vm0, v6  }
0x2d: {  	v6 =	vld [tilespmem:s24+$0xA410];
	(v2sf) =	vpush v7, $0x0;
	_ =	sdelay $0x4  }
0x2e: {  	v7 =	vshrl.u32 v6, $0xE  }
0x2f: {  	vm0 =	vge.u32 v7, v0;
	vm1 =	vlt.u32 v7, v1  }
0x30: {  	vm0 =	vmand vm0, vm1  }
0x31: {  	v8 =	vmpcnt.ones.xlane vm0;
	_ =	sdelay $0x1  }
0x32: {  	(v2sf) =	vpush v8, $0x0;
	_ =	sdelay $0x4  }
0x33: {  	s25 =	spop (v2sf)  }
0x34: {  	v7 =	vsub.s32 v7, v0;
	s0 =	sadd.s32 $0x0, s25  }
0x35: {  	v6 =	vand.u32 $0x3FFF, v6;
	[tilespmem:s0+$0xD600] =	vst.msk vm0, v7  }
0x36: {  	[tilespmem:s0+$0x10900] =	vst.msk vm0, v6  }
0x37: {  	v6 =	vld [tilespmem:s24+$0xA420];
	_ =	sdelay $0x4  }
0x38: {  	v7 =	vshrl.u32 v6, $0xE  }
0x39: {  	vm0 =	vge.u32 v7, v0;
	vm1 =	vlt.u32 v7, v1;
	s8 =	spop (v2sf)  }
0x3a: {  	v7 =	vsub.s32 v7, v0;
	s0 =	sadd.s32 s0, s8;
	vm0 =	vmand vm0, vm1  }
0x3b: {  	v6 =	vand.u32 $0x3FFF, v6;
	[tilespmem:s0+$0xD600] =	vst.msk vm0, v7;
	v7 =	vmpcnt.ones.xlane vm0  }
0x3c: {  	[tilespmem:s0+$0x10900] =	vst.msk vm0, v6  }
0x3d: {  	v6 =	vld [tilespmem:s24+$0xA430];
	(v2sf) =	vpush v7, $0x0;
	_ =	sdelay $0x4  }
0x3e: {  	v7 =	vshrl.u32 v6, $0xE  }
0x3f: {  	vm0 =	vge.u32 v7, v0;
	vm1 =	vlt.u32 v7, v1  }
0x40: {  	vm0 =	vmand vm0, vm1  }
0x41: {  	v8 =	vmpcnt.ones.xlane vm0;
	_ =	sdelay $0x1  }
0x42: {  	(v2sf) =	vpush v8, $0x0;
	_ =	sdelay $0x4  }
0x43: {  	s26 =	spop (v2sf)  }
0x44: {  	v7 =	vsub.s32 v7, v0;
	s0 =	sadd.s32 s0, s26  }
0x45: {  	v6 =	vand.u32 $0x3FFF, v6;
	[tilespmem:s0+$0xD600] =	vst.msk vm0, v7  }
0x46: {  	[tilespmem:s0+$0x10900] =	vst.msk vm0, v6  }
0x47: {  	v6 =	vld [tilespmem:s24+$0xA440];
	_ =	sdelay $0x4  }
0x48: {  	v7 =	vshrl.u32 v6, $0xE  }
0x49: {  	vm0 =	vge.u32 v7, v0;
	vm1 =	vlt.u32 v7, v1;
	s28 =	spop (v2sf)  }
0x4a: {  	v7 =	vsub.s32 v7, v0;
	s0 =	sadd.s32 s0, s28;
	vm0 =	vmand vm0, vm1  }
0x4b: {  	v6 =	vand.u32 $0x3FFF, v6;
	[tilespmem:s0+$0xD600] =	vst.msk vm0, v7;
	v7 =	vmpcnt.ones.xlane vm0  }
0x4c: {  	[tilespmem:s0+$0x10900] =	vst.msk vm0, v6  }
0x4d: {  	v6 =	vld [tilespmem:s24+$0xA450];
	(v2sf) =	vpush v7, $0x0;
	_ =	sdelay $0x4  }
0x4e: {  	v7 =	vshrl.u32 v6, $0xE  }
0x4f: {  	vm0 =	vge.u32 v7, v0;
	vm1 =	vlt.u32 v7, v1  }
0x50: {  	vm0 =	vmand vm0, vm1  }
0x51: {  	v8 =	vmpcnt.ones.xlane vm0;
	_ =	sdelay $0x1  }
0x52: {  	(v2sf) =	vpush v8, $0x0;
	_ =	sdelay $0x4  }
0x53: {  	s29 =	spop (v2sf)  }
0x54: {  	v7 =	vsub.s32 v7, v0;
	s0 =	sadd.s32 s0, s29  }
0x55: {  	v6 =	vand.u32 $0x3FFF, v6;
	[tilespmem:s0+$0xD600] =	vst.msk vm0, v7  }
0x56: {  	[tilespmem:s0+$0x10900] =	vst.msk vm0, v6  }
0x57: {  	v6 =	vld [tilespmem:s24+$0xA460];
	_ =	sdelay $0x4  }
0x58: {  	v7 =	vshrl.u32 v6, $0xE  }
0x59: {  	vm0 =	vge.u32 v7, v0;
	vm1 =	vlt.u32 v7, v1;
	s30 =	spop (v2sf)  }
0x5a: {  	v7 =	vsub.s32 v7, v0;
	s0 =	sadd.s32 s0, s30;
	vm0 =	vmand vm0, vm1  }
0x5b: {  	v6 =	vand.u32 $0x3FFF, v6;
	[tilespmem:s0+$0xD600] =	vst.msk vm0, v7;
	v7 =	vmpcnt.ones.xlane vm0  }
0x5c: {  	[tilespmem:s0+$0x10900] =	vst.msk vm0, v6  }
0x5d: {  	v6 =	vld [tilespmem:s24+$0xA470];
	(v2sf) =	vpush v7, $0x0;
	_ =	sdelay $0x4  }
0x5e: {  	v7 =	vshrl.u32 v6, $0xE  }
0x5f: {  	vm0 =	vge.u32 v7, v0;
	vm1 =	vlt.u32 v7, v1  }
0x60: {  	vm0 =	vmand vm0, vm1  }
0x61: {  	v8 =	vmpcnt.ones.xlane vm0;
	_ =	sdelay $0x1  }
0x62: {  	(v2sf) =	vpush v8, $0x0;
	_ =	sdelay $0x4  }
0x63: {  	s31 =	spop (v2sf)  }
0x64: {  	v7 =	vsub.s32 v7, v0;
	s1 =	sadd.s32 s0, s31  }
0x65: {  	v6 =	vand.u32 $0x3FFF, v6;
	[tilespmem:s1+$0xD600] =	vst.msk vm0, v7  }
0x66: {  	s20 =	simm.s32 $0x80;
	[tilespmem:s1+$0x10900] =	vst.msk vm0, v6  }
0x67: {  	v6 =	vld [tilespmem:s20+$0xA400];
	_ =	sdelay $0x4  }
0x68: {  	v7 =	vshrl.u32 v6, $0xE  }
0x69: {  	s21 =	simm.s32 $0x400;
	vm0 =	vge.u32 v7, v0;
	vm1 =	vlt.u32 v7, v1;
	v7 =	vsub.s32 v7, v0;
	s0 =	spop (v2sf)  }
.LBB2_4:
0x6a: {  	p0 =	sne.s32 s21, $0x6200  }
0x6b: {  	vm0 =	vmand vm0, vm1;
	s0 =	sadd.s32 s1, s0;
	s22 =	smov.u32 s21;
	s21 =	sadd.s32 $0x200, s21  }
0x6c: {  	v6 =	vand.u32 $0x3FFF, v6;
	[tilespmem:s0+$0xD600] =	vst.msk vm0, v7;
	v7 =	vmpcnt.ones.xlane vm0  }
0x6d: {  	[tilespmem:s0+$0x10900] =	vst.msk vm0, v6  }
0x6e: {  	v6 =	vld [tilespmem:s20+$0xA410];
	(v2sf) =	vpush v7, $0x0;
	_ =	sdelay $0x4  }
0x6f: {  	v7 =	vshrl.u32 v6, $0xE  }
0x70: {  	vm0 =	vge.u32 v7, v0;
	vm1 =	vlt.u32 v7, v1  }
0x71: {  	vm0 =	vmand vm0, vm1  }
0x72: {  	v8 =	vmpcnt.ones.xlane vm0;
	_ =	sdelay $0x1  }
0x73: {  	(v2sf) =	vpush v8, $0x0;
	_ =	sdelay $0x4  }
0x74: {  	s1 =	spop (v2sf)  }
0x75: {  	v7 =	vsub.s32 v7, v0;
	s0 =	sadd.s32 s0, s1  }
0x76: {  	v6 =	vand.u32 $0x3FFF, v6;
	[tilespmem:s0+$0xD600] =	vst.msk vm0, v7  }
0x77: {  	[tilespmem:s0+$0x10900] =	vst.msk vm0, v6  }
0x78: {  	v6 =	vld [tilespmem:s20+$0xA420];
	_ =	sdelay $0x4  }
0x79: {  	v7 =	vshrl.u32 v6, $0xE  }
0x7a: {  	vm0 =	vge.u32 v7, v0;
	vm1 =	vlt.u32 v7, v1;
	s1 =	spop (v2sf)  }
0x7b: {  	v7 =	vsub.s32 v7, v0;
	s0 =	sadd.s32 s0, s1;
	vm0 =	vmand vm0, vm1  }
0x7c: {  	v6 =	vand.u32 $0x3FFF, v6;
	[tilespmem:s0+$0xD600] =	vst.msk vm0, v7;
	v7 =	vmpcnt.ones.xlane vm0  }
0x7d: {  	[tilespmem:s0+$0x10900] =	vst.msk vm0, v6  }
0x7e: {  	v6 =	vld [tilespmem:s20+$0xA430];
	(v2sf) =	vpush v7, $0x0;
	_ =	sdelay $0x4  }
0x7f: {  	v7 =	vshrl.u32 v6, $0xE  }
0x80: {  	vm0 =	vge.u32 v7, v0;
	vm1 =	vlt.u32 v7, v1  }
0x81: {  	vm0 =	vmand vm0, vm1  }
0x82: {  	v8 =	vmpcnt.ones.xlane vm0;
	_ =	sdelay $0x1  }
0x83: {  	(v2sf) =	vpush v8, $0x0;
	_ =	sdelay $0x4  }
0x84: {  	s1 =	spop (v2sf)  }
0x85: {  	v7 =	vsub.s32 v7, v0;
	s0 =	sadd.s32 s0, s1  }
0x86: {  	v6 =	vand.u32 $0x3FFF, v6;
	[tilespmem:s0+$0xD600] =	vst.msk vm0, v7  }
0x87: {  	[tilespmem:s0+$0x10900] =	vst.msk vm0, v6  }
0x88: {  	v6 =	vld [tilespmem:s20+$0xA440];
	_ =	sdelay $0x4  }
0x89: {  	v7 =	vshrl.u32 v6, $0xE  }
0x8a: {  	vm0 =	vge.u32 v7, v0;
	vm1 =	vlt.u32 v7, v1;
	s1 =	spop (v2sf)  }
0x8b: {  	v7 =	vsub.s32 v7, v0;
	s0 =	sadd.s32 s0, s1;
	vm0 =	vmand vm0, vm1  }
0x8c: {  	v6 =	vand.u32 $0x3FFF, v6;
	[tilespmem:s0+$0xD600] =	vst.msk vm0, v7;
	v7 =	vmpcnt.ones.xlane vm0  }
0x8d: {  	[tilespmem:s0+$0x10900] =	vst.msk vm0, v6  }
0x8e: {  	v6 =	vld [tilespmem:s20+$0xA450];
	(v2sf) =	vpush v7, $0x0;
	_ =	sdelay $0x4  }
0x8f: {  	v7 =	vshrl.u32 v6, $0xE  }
0x90: {  	vm0 =	vge.u32 v7, v0;
	vm1 =	vlt.u32 v7, v1  }
0x91: {  	vm0 =	vmand vm0, vm1  }
0x92: {  	v8 =	vmpcnt.ones.xlane vm0;
	_ =	sdelay $0x1  }
0x93: {  	(v2sf) =	vpush v8, $0x0;
	_ =	sdelay $0x4  }
0x94: {  	s1 =	spop (v2sf)  }
0x95: {  	v7 =	vsub.s32 v7, v0;
	s0 =	sadd.s32 s0, s1  }
0x96: {  	v6 =	vand.u32 $0x3FFF, v6;
	[tilespmem:s0+$0xD600] =	vst.msk vm0, v7  }
0x97: {  	[tilespmem:s0+$0x10900] =	vst.msk vm0, v6  }
0x98: {  	v6 =	vld [tilespmem:s20+$0xA460];
	_ =	sdelay $0x4  }
0x99: {  	v7 =	vshrl.u32 v6, $0xE  }
0x9a: {  	vm0 =	vge.u32 v7, v0;
	vm1 =	vlt.u32 v7, v1;
	s1 =	spop (v2sf)  }
0x9b: {  	v7 =	vsub.s32 v7, v0;
	s0 =	sadd.s32 s0, s1;
	vm0 =	vmand vm0, vm1  }
0x9c: {  	v6 =	vand.u32 $0x3FFF, v6;
	[tilespmem:s0+$0xD600] =	vst.msk vm0, v7;
	v7 =	vmpcnt.ones.xlane vm0  }
0x9d: {  	[tilespmem:s0+$0x10900] =	vst.msk vm0, v6  }
0x9e: {  	v6 =	vld [tilespmem:s20+$0xA470];
	(v2sf) =	vpush v7, $0x0;
	_ =	sdelay $0x4  }
0x9f: {  	v7 =	vshrl.u32 v6, $0xE  }
0xa0: {  	vm0 =	vge.u32 v7, v0;
	vm1 =	vlt.u32 v7, v1  }
0xa1: {  	vm0 =	vmand vm0, vm1  }
0xa2: {  	v8 =	vmpcnt.ones.xlane vm0;
	_ =	sdelay $0x1  }
0xa3: {  	(v2sf) =	vpush v8, $0x0;
	_ =	sdelay $0x4  }
0xa4: {  	s1 =	spop (v2sf)  }
0xa5: {  	v7 =	vsub.s32 v7, v0;
	s1 =	sadd.s32 s0, s1  }
0xa6: {  	v6 =	vand.u32 $0x3FFF, v6;
	[tilespmem:s1+$0xD600] =	vst.msk vm0, v7  }
0xa7: {  	s20 =	sshra.s32 s22, $0x2;
	[tilespmem:s1+$0x10900] =	vst.msk vm0, v6  }
0xa8: {  	v6 =	vld [tilespmem:s20+$0xA400];
	_ =	sdelay $0x1  }
.Ltmp3:
0xa9: {  	(pc) =	sbr.rel @p0 .LBB2_4-.Ltmp3, $3  }
0xaa: {  	_ =	sdelay $0x1  }
0xab: {  	v7 =	vshrl.u32 v6, $0xE  }
0xac: {  	vm0 =	vge.u32 v7, v0;
	vm1 =	vlt.u32 v7, v1;
	v7 =	vsub.s32 v7, v0;
	s0 =	spop (v2sf)  }
0xad: {  	vm0 =	vmand vm0, vm1;
	s0 =	sadd.s32 s1, s0  }
0xae: {  	v6 =	vand.u32 $0x3FFF, v6;
	[tilespmem:s0+$0xD600] =	vst.msk vm0, v7;
	v7 =	vmpcnt.ones.xlane vm0  }
0xaf: {  	[tilespmem:s0+$0x10900] =	vst.msk vm0, v6  }
0xb0: {  	v6 =	vld [tilespmem:s20+$0xA410];
	(v2sf) =	vpush v7, $0x0;
	_ =	sdelay $0x4  }
0xb1: {  	v7 =	vshrl.u32 v6, $0xE  }
0xb2: {  	vm14 =	vge.u32 v7, v0;
	vm15 =	vlt.u32 v7, v1  }
0xb3: {  	vm0 =	vmand vm14, vm15  }
0xb4: {  	v8 =	vmpcnt.ones.xlane vm0;
	_ =	sdelay $0x1  }
0xb5: {  	(v2sf) =	vpush v8, $0x0;
	_ =	sdelay $0x4  }
0xb6: {  	s23 =	spop (v2sf)  }
0xb7: {  	v7 =	vsub.s32 v7, v0;
	s0 =	sadd.s32 s0, s23  }
0xb8: {  	v6 =	vand.u32 $0x3FFF, v6;
	[tilespmem:s0+$0xD600] =	vst.msk vm0, v7  }
0xb9: {  	[tilespmem:s0+$0x10900] =	vst.msk vm0, v6  }
0xba: {  	v6 =	vld [tilespmem:s20+$0xA420];
	_ =	sdelay $0x4  }
0xbb: {  	v7 =	vshrl.u32 v6, $0xE  }
0xbc: {  	vm4 =	vge.u32 v7, v0;
	vm5 =	vlt.u32 v7, v1;
	s24 =	spop (v2sf)  }
0xbd: {  	v7 =	vsub.s32 v7, v0;
	s0 =	sadd.s32 s0, s24;
	vm0 =	vmand vm4, vm5  }
0xbe: {  	v6 =	vand.u32 $0x3FFF, v6;
	[tilespmem:s0+$0xD600] =	vst.msk vm0, v7;
	v7 =	vmpcnt.ones.xlane vm0  }
0xbf: {  	[tilespmem:s0+$0x10900] =	vst.msk vm0, v6  }
0xc0: {  	v6 =	vld [tilespmem:s20+$0xA430];
	(v2sf) =	vpush v7, $0x0;
	_ =	sdelay $0x4  }
0xc1: {  	v7 =	vshrl.u32 v6, $0xE  }
0xc2: {  	vm6 =	vge.u32 v7, v0;
	vm7 =	vlt.u32 v7, v1  }
0xc3: {  	vm0 =	vmand vm6, vm7  }
0xc4: {  	v60 =	vmpcnt.ones.xlane vm0;
	_ =	sdelay $0x1  }
0xc5: {  	(v2sf) =	vpush v60, $0x0;
	_ =	sdelay $0x4  }
0xc6: {  	s25 =	spop (v2sf)  }
0xc7: {  	v7 =	vsub.s32 v7, v0;
	s0 =	sadd.s32 s0, s25  }
0xc8: {  	v6 =	vand.u32 $0x3FFF, v6;
	[tilespmem:s0+$0xD600] =	vst.msk vm0, v7  }
0xc9: {  	[tilespmem:s0+$0x10900] =	vst.msk vm0, v6  }
0xca: {  	v6 =	vld [tilespmem:s20+$0xA440];
	_ =	sdelay $0x4  }
0xcb: {  	v7 =	vshrl.u32 v6, $0xE  }
0xcc: {  	vm8 =	vge.u32 v7, v0;
	vm9 =	vlt.u32 v7, v1;
	s26 =	spop (v2sf)  }
0xcd: {  	v7 =	vsub.s32 v7, v0;
	s0 =	sadd.s32 s0, s26;
	vm0 =	vmand vm8, vm9  }
0xce: {  	v6 =	vand.u32 $0x3FFF, v6;
	[tilespmem:s0+$0xD600] =	vst.msk vm0, v7;
	v7 =	vmpcnt.ones.xlane vm0  }
0xcf: {  	[tilespmem:s0+$0x10900] =	vst.msk vm0, v6  }
0xd0: {  	v6 =	vld [tilespmem:s20+$0xA450];
	(v2sf) =	vpush v7, $0x0;
	_ =	sdelay $0x4  }
0xd1: {  	v7 =	vshrl.u32 v6, $0xE  }
0xd2: {  	vm10 =	vge.u32 v7, v0;
	vm11 =	vlt.u32 v7, v1  }
0xd3: {  	vm0 =	vmand vm10, vm11  }
0xd4: {  	v61 =	vmpcnt.ones.xlane vm0;
	_ =	sdelay $0x1  }
0xd5: {  	(v2sf) =	vpush v61, $0x0;
	_ =	sdelay $0x4  }
0xd6: {  	s28 =	spop (v2sf)  }
0xd7: {  	v7 =	vsub.s32 v7, v0;
	s0 =	sadd.s32 s0, s28  }
0xd8: {  	v6 =	vand.u32 $0x3FFF, v6;
	[tilespmem:s0+$0xD600] =	vst.msk vm0, v7  }
0xd9: {  	[tilespmem:s0+$0x10900] =	vst.msk vm0, v6  }
0xda: {  	v6 =	vld [tilespmem:s20+$0xA460];
	_ =	sdelay $0x4  }
0xdb: {  	v7 =	vshrl.u32 v6, $0xE  }
0xdc: {  	vm12 =	vge.u32 v7, v0;
	vm13 =	vlt.u32 v7, v1;
	s29 =	spop (v2sf)  }
0xdd: {  	v7 =	vsub.s32 v7, v0;
	s0 =	sadd.s32 s0, s29;
	vm0 =	vmand vm12, vm13  }
0xde: {  	v6 =	vand.u32 $0x3FFF, v6;
	[tilespmem:s0+$0xD600] =	vst.msk vm0, v7  }
0xdf: {  	[tilespmem:s0+$0x10900] =	vst.msk vm0, v6  }
0xe0: {  	v6 =	vld [tilespmem:s20+$0xA470];
	_ =	sdelay $0x4  }
0xe1: {  	v7 =	vshrl.u32 v6, $0xE  }
0xe2: {  	vm14 =	vge.u32 v7, v0;
	vm2 =	vlt.u32 v7, v1  }
0xe3: {  	v62 =	vmpcnt.ones.xlane vm0;
	vm15 =	vmand vm14, vm2  }
0xe4: {  	v9 =	vmpcnt.ones.xlane vm15  }
0xe5: {  	(v2sf) =	vpush v62, $0x0  }
0xe6: {  	(v2sf) =	vpush v9, $0x0;
	_ =	sdelay $0xd  }
0xe7: {  	s30 =	spop (v2sf)  }
0xe8: {  	s0 =	sadd.s32 s0, s30;
	s31 =	spop (v2sf)  }
0xe9: {  	s22 =	sadd.s32 s0, s31  }
0xea: {  	v63 =	vadd.s32 s22, v3;
	_ =	sdelay $0x1  }
.Ltmp4:
0xeb: {  	v7 =	vsub.s32 v7, v0;
	(pc) =	sbr.rel .LBB2_6-.Ltmp4, $4  }
0xec: {  	v6 =	vand.u32 $0x3FFF, v6;
	[tilespmem:s0+$0xD600] =	vst.msk vm15, v7  }
0xed: {  	[tilespmem:s0+$0x10900] =	vst.msk vm15, v6  }
0xee: {  	[tilespmem:v63+s11+$0x0] =	vst.idx.msk $0xffff, v4  }
0xef: {  	s20 =	simm.s32 $0x0;
	[tilespmem:v63+s12+$0x0] =	vst.idx.msk $0xffff, v5  }
.LBB2_45:
0xf0: {  	s20 =	sadd.s32 $0x1, s20  }
0xf1: {  	p0 =	sne.s32 s20, $0x19  }
.Ltmp5:
0xf2: {  	_ = 	snop;
	(pc) =	sbr.rel @!p0 .LBB2_46-.Ltmp5, $1  }
0xf3: {  	_ =	sdelay $0x3  }
.LBB2_6:
0xf4: {  	s0 =	sadd.s32 $0xF, s22  }
0xf5: {  	s1 =	sand.u32 $0xF, s0  }
0xf6: {  	s8 =	sshra.s32 s0, $0x1F;
	p0 =	slt.s32 s0, $0x1;
	p1 =	sne.s32 s1, $0x0  }
0xf7: {  	s31 =	sshrl.u32 s8, $0x1C;
	p0 =	por !p0, !p1  }
0xf8: {  	s1 =	simm.s32 $0x1;
	s0 =	sadd.s32 s31, s0;
	p0 =	por !p0, !p0  }
0xf9: {  	s0 =	sshra.s32 s0, $0x4;
	s1 =	simm.s32 @!p0 $0x0  }
0xfa: {  	s21 =	ssub.s32 s0, s1  }
0xfb: {  	p0 =	slt.s32 s21, $0x1  }
.Ltmp6:
0xfc: {  	_ = 	snop;
	(pc) =	sbr.rel @p0 .LBB2_9-.Ltmp6, $1  }
0xfd: {  	_ =	sdelay $0x3  }
0xfe: {  	s0 =	smin.u32 s21, $0x10  }
0xff: {  	p0 =	sne.s32 s0, $0x1  }
.Ltmp7:
0x100: {  	_ = 	snop;
	(pc) =	sbr.rel @!p0 .LBB2_9-.Ltmp7, $4  }
0x101: {  	_ = 	snop  }
0x102: {  	s1 =	simm.s32 $0x10900;
	s22 =	simm.s32 $0x13C00  }
0x103: {  	[tilespmem:s22], [sflag:$0x1] =	stream.indirect.gather [hbm4b:s2+s14], $0x80, s1, s14, $0xb8;
	[tilespmem:$0x1BC00] =	vst v63  }
0x104: {  	s0 =	sadd.s32 $0xFFFFFFFF, s0  }
.LBB2_8:
0x105: {  	p0 =	sne.s32 s0, $0x1  }
.Ltmp8:
0x106: {  	_ = 	snop;
	(pc) =	sbr.rel @p0 .LBB2_8-.Ltmp8, $4  }
0x107: {  	_ = 	snop  }
0x108: {  	s1 =	sadd.s32 $0x10, s1;
	s22 =	sadd.s32 $0x800, s22  }
0x109: {  	s0 =	sadd.s32 $0xFFFFFFFF, s0  }
0x10a: {  	[tilespmem:s22], [sflag:$0x1] =	stream.indirect.gather [hbm4b:s2+s14], $0x80, s1, s14, $0xb8;
	[tilespmem:$0x1BC00] =	vst v63  }
.LBB2_9:
0x10b: {  	p0 =	seq.s32 s20, $0x18  }
0x10c: {  	s0 =	smul.u32 @!p0 $0x3200, s20;
	_ =	sdelay $0x1  }
0x10d: {  	_ =	swait.ge [sflag:s15], $0x1900;
	s22 =	simm.s32 $0x0;
	s0 =	sshrl.u32 @!p0 s0, $0x3  }
0x10e: {  	[sflag:s15] =	ssyncset.done $0x0;
	s1 =	simm.s32 @!p0 $0x0;
	s0 =	sadd.s32 @!p0 s4, s0  }
0x10f: {  	s8 =	simm.s32 @!p0 $0xA400;
	[sflag:s15] =	ssyncadd.s32 $0xFFFFE700;
	s0 =	sadd.s32 @!p0 $0x640, s0  }
0x110: {  	[tilespmem:s8], [sflag:$0x2] =	stream.linear.gather @!p0 [hbm4b:s0+s1], $0x1900, $0x38;
	[tilespmem:$0x1BC00] =	vst v63  }
0x111: {  	v6 =	vld [tilespmem:s22+$0xBD00];
	_ =	sdelay $0x4  }
0x112: {  	v7 =	vshrl.u32 v6, $0xE  }
0x113: {  	vm0 =	vge.u32 v7, v0;
	vm1 =	vlt.u32 v7, v1  }
0x114: {  	s23 =	simm.s32 $0x0;
	v7 =	vsub.s32 v7, v0;
	vm0 =	vmand vm0, vm1  }
0x115: {  	v6 =	vand.u32 $0x3FFF, v6;
	[tilespmem:s23+$0xEF80] =	vst.msk vm0, v7;
	v7 =	vmpcnt.ones.xlane vm0  }
0x116: {  	[tilespmem:s23+$0x12280] =	vst.msk vm0, v6  }
0x117: {  	v6 =	vld [tilespmem:s22+$0xBD10];
	(v2sf) =	vpush v7, $0x0;
	_ =	sdelay $0x4  }
0x118: {  	v7 =	vshrl.u32 v6, $0xE  }
0x119: {  	vm0 =	vge.u32 v7, v0;
	vm1 =	vlt.u32 v7, v1  }
0x11a: {  	vm0 =	vmand vm0, vm1  }
0x11b: {  	v8 =	vmpcnt.ones.xlane vm0;
	_ =	sdelay $0x1  }
0x11c: {  	(v2sf) =	vpush v8, $0x0;
	_ =	sdelay $0x4  }
0x11d: {  	s24 =	spop (v2sf)  }
0x11e: {  	v7 =	vsub.s32 v7, v0;
	s0 =	sadd.s32 $0x0, s24  }
0x11f: {  	v6 =	vand.u32 $0x3FFF, v6;
	[tilespmem:s0+$0xEF80] =	vst.msk vm0, v7  }
0x120: {  	[tilespmem:s0+$0x12280] =	vst.msk vm0, v6  }
0x121: {  	v6 =	vld [tilespmem:s22+$0xBD20];
	_ =	sdelay $0x4  }
0x122: {  	v7 =	vshrl.u32 v6, $0xE  }
0x123: {  	vm0 =	vge.u32 v7, v0;
	vm1 =	vlt.u32 v7, v1;
	s25 =	spop (v2sf)  }
0x124: {  	v7 =	vsub.s32 v7, v0;
	s0 =	sadd.s32 s0, s25;
	vm0 =	vmand vm0, vm1  }
0x125: {  	v6 =	vand.u32 $0x3FFF, v6;
	[tilespmem:s0+$0xEF80] =	vst.msk vm0, v7;
	v7 =	vmpcnt.ones.xlane vm0  }
0x126: {  	[tilespmem:s0+$0x12280] =	vst.msk vm0, v6  }
0x127: {  	v6 =	vld [tilespmem:s22+$0xBD30];
	(v2sf) =	vpush v7, $0x0;
	_ =	sdelay $0x4  }
0x128: {  	v7 =	vshrl.u32 v6, $0xE  }
0x129: {  	vm0 =	vge.u32 v7, v0;
	vm1 =	vlt.u32 v7, v1  }
0x12a: {  	vm0 =	vmand vm0, vm1  }
0x12b: {  	v8 =	vmpcnt.ones.xlane vm0;
	_ =	sdelay $0x1  }
0x12c: {  	(v2sf) =	vpush v8, $0x0;
	_ =	sdelay $0x4  }
0x12d: {  	s26 =	spop (v2sf)  }
0x12e: {  	v7 =	vsub.s32 v7, v0;
	s0 =	sadd.s32 s0, s26  }
0x12f: {  	v6 =	vand.u32 $0x3FFF, v6;
	[tilespmem:s0+$0xEF80] =	vst.msk vm0, v7  }
0x130: {  	[tilespmem:s0+$0x12280] =	vst.msk vm0, v6  }
0x131: {  	v6 =	vld [tilespmem:s22+$0xBD40];
	_ =	sdelay $0x4  }
0x132: {  	v7 =	vshrl.u32 v6, $0xE  }
0x133: {  	vm0 =	vge.u32 v7, v0;
	vm1 =	vlt.u32 v7, v1;
	s28 =	spop (v2sf)  }
0x134: {  	v7 =	vsub.s32 v7, v0;
	s0 =	sadd.s32 s0, s28;
	vm0 =	vmand vm0, vm1  }
0x135: {  	v6 =	vand.u32 $0x3FFF, v6;
	[tilespmem:s0+$0xEF80] =	vst.msk vm0, v7;
	v7 =	vmpcnt.ones.xlane vm0  }
0x136: {  	[tilespmem:s0+$0x12280] =	vst.msk vm0, v6  }
0x137: {  	v6 =	vld [tilespmem:s22+$0xBD50];
	(v2sf) =	vpush v7, $0x0;
	_ =	sdelay $0x4  }
0x138: {  	v7 =	vshrl.u32 v6, $0xE  }
0x139: {  	vm0 =	vge.u32 v7, v0;
	vm1 =	vlt.u32 v7, v1  }
0x13a: {  	vm0 =	vmand vm0, vm1  }
0x13b: {  	v8 =	vmpcnt.ones.xlane vm0;
	_ =	sdelay $0x1  }
0x13c: {  	(v2sf) =	vpush v8, $0x0;
	_ =	sdelay $0x4  }
0x13d: {  	s29 =	spop (v2sf)  }
0x13e: {  	v7 =	vsub.s32 v7, v0;
	s0 =	sadd.s32 s0, s29  }
0x13f: {  	v6 =	vand.u32 $0x3FFF, v6;
	[tilespmem:s0+$0xEF80] =	vst.msk vm0, v7  }
0x140: {  	[tilespmem:s0+$0x12280] =	vst.msk vm0, v6  }
0x141: {  	v6 =	vld [tilespmem:s22+$0xBD60];
	_ =	sdelay $0x4  }
0x142: {  	v7 =	vshrl.u32 v6, $0xE  }
0x143: {  	vm0 =	vge.u32 v7, v0;
	vm1 =	vlt.u32 v7, v1;
	s30 =	spop (v2sf)  }
0x144: {  	v7 =	vsub.s32 v7, v0;
	s0 =	sadd.s32 s0, s30;
	vm0 =	vmand vm0, vm1  }
0x145: {  	v6 =	vand.u32 $0x3FFF, v6;
	[tilespmem:s0+$0xEF80] =	vst.msk vm0, v7;
	v7 =	vmpcnt.ones.xlane vm0  }
0x146: {  	[tilespmem:s0+$0x12280] =	vst.msk vm0, v6  }
0x147: {  	v6 =	vld [tilespmem:s22+$0xBD70];
	(v2sf) =	vpush v7, $0x0;
	_ =	sdelay $0x4  }
0x148: {  	v7 =	vshrl.u32 v6, $0xE  }
0x149: {  	vm0 =	vge.u32 v7, v0;
	vm1 =	vlt.u32 v7, v1  }
0x14a: {  	vm0 =	vmand vm0, vm1  }
0x14b: {  	v8 =	vmpcnt.ones.xlane vm0;
	_ =	sdelay $0x1  }
0x14c: {  	(v2sf) =	vpush v8, $0x0;
	_ =	sdelay $0x4  }
0x14d: {  	s31 =	spop (v2sf)  }
0x14e: {  	v7 =	vsub.s32 v7, v0;
	s1 =	sadd.s32 s0, s31  }
0x14f: {  	v6 =	vand.u32 $0x3FFF, v6;
	[tilespmem:s1+$0xEF80] =	vst.msk vm0, v7  }
0x150: {  	s22 =	simm.s32 $0x80;
	[tilespmem:s1+$0x12280] =	vst.msk vm0, v6  }
0x151: {  	v6 =	vld [tilespmem:s22+$0xBD00];
	_ =	sdelay $0x4  }
0x152: {  	v7 =	vshrl.u32 v6, $0xE  }
0x153: {  	s23 =	simm.s32 $0x400;
	vm0 =	vge.u32 v7, v0;
	vm1 =	vlt.u32 v7, v1;
	v7 =	vsub.s32 v7, v0;
	s0 =	spop (v2sf)  }
.LBB2_10:
0x154: {  	p1 =	sne.s32 s23, $0x6200  }
0x155: {  	vm0 =	vmand vm0, vm1;
	s0 =	sadd.s32 s1, s0;
	s24 =	smov.u32 s23;
	s23 =	sadd.s32 $0x200, s23  }
0x156: {  	v6 =	vand.u32 $0x3FFF, v6;
	[tilespmem:s0+$0xEF80] =	vst.msk vm0, v7;
	v7 =	vmpcnt.ones.xlane vm0  }
0x157: {  	[tilespmem:s0+$0x12280] =	vst.msk vm0, v6  }
0x158: {  	v6 =	vld [tilespmem:s22+$0xBD10];
	(v2sf) =	vpush v7, $0x0;
	_ =	sdelay $0x4  }
0x159: {  	v7 =	vshrl.u32 v6, $0xE  }
0x15a: {  	vm0 =	vge.u32 v7, v0;
	vm1 =	vlt.u32 v7, v1  }
0x15b: {  	vm0 =	vmand vm0, vm1  }
0x15c: {  	v8 =	vmpcnt.ones.xlane vm0;
	_ =	sdelay $0x1  }
0x15d: {  	(v2sf) =	vpush v8, $0x0;
	_ =	sdelay $0x4  }
0x15e: {  	s1 =	spop (v2sf)  }
0x15f: {  	v7 =	vsub.s32 v7, v0;
	s0 =	sadd.s32 s0, s1  }
0x160: {  	v6 =	vand.u32 $0x3FFF, v6;
	[tilespmem:s0+$0xEF80] =	vst.msk vm0, v7  }
0x161: {  	[tilespmem:s0+$0x12280] =	vst.msk vm0, v6  }
0x162: {  	v6 =	vld [tilespmem:s22+$0xBD20];
	_ =	sdelay $0x4  }
0x163: {  	v7 =	vshrl.u32 v6, $0xE  }
0x164: {  	vm0 =	vge.u32 v7, v0;
	vm1 =	vlt.u32 v7, v1;
	s1 =	spop (v2sf)  }
0x165: {  	v7 =	vsub.s32 v7, v0;
	s0 =	sadd.s32 s0, s1;
	vm0 =	vmand vm0, vm1  }
0x166: {  	v6 =	vand.u32 $0x3FFF, v6;
	[tilespmem:s0+$0xEF80] =	vst.msk vm0, v7;
	v7 =	vmpcnt.ones.xlane vm0  }
0x167: {  	[tilespmem:s0+$0x12280] =	vst.msk vm0, v6  }
0x168: {  	v6 =	vld [tilespmem:s22+$0xBD30];
	(v2sf) =	vpush v7, $0x0;
	_ =	sdelay $0x4  }
0x169: {  	v7 =	vshrl.u32 v6, $0xE  }
0x16a: {  	vm0 =	vge.u32 v7, v0;
	vm1 =	vlt.u32 v7, v1  }
0x16b: {  	vm0 =	vmand vm0, vm1  }
0x16c: {  	v8 =	vmpcnt.ones.xlane vm0;
	_ =	sdelay $0x1  }
0x16d: {  	(v2sf) =	vpush v8, $0x0;
	_ =	sdelay $0x4  }
0x16e: {  	s1 =	spop (v2sf)  }
0x16f: {  	v7 =	vsub.s32 v7, v0;
	s0 =	sadd.s32 s0, s1  }
0x170: {  	v6 =	vand.u32 $0x3FFF, v6;
	[tilespmem:s0+$0xEF80] =	vst.msk vm0, v7  }
0x171: {  	[tilespmem:s0+$0x12280] =	vst.msk vm0, v6  }
0x172: {  	v6 =	vld [tilespmem:s22+$0xBD40];
	_ =	sdelay $0x4  }
0x173: {  	v7 =	vshrl.u32 v6, $0xE  }
0x174: {  	vm0 =	vge.u32 v7, v0;
	vm1 =	vlt.u32 v7, v1;
	s1 =	spop (v2sf)  }
0x175: {  	v7 =	vsub.s32 v7, v0;
	s0 =	sadd.s32 s0, s1;
	vm0 =	vmand vm0, vm1  }
0x176: {  	v6 =	vand.u32 $0x3FFF, v6;
	[tilespmem:s0+$0xEF80] =	vst.msk vm0, v7;
	v7 =	vmpcnt.ones.xlane vm0  }
0x177: {  	[tilespmem:s0+$0x12280] =	vst.msk vm0, v6  }
0x178: {  	v6 =	vld [tilespmem:s22+$0xBD50];
	(v2sf) =	vpush v7, $0x0;
	_ =	sdelay $0x4  }
0x179: {  	v7 =	vshrl.u32 v6, $0xE  }
0x17a: {  	vm0 =	vge.u32 v7, v0;
	vm1 =	vlt.u32 v7, v1  }
0x17b: {  	vm0 =	vmand vm0, vm1  }
0x17c: {  	v8 =	vmpcnt.ones.xlane vm0;
	_ =	sdelay $0x1  }
0x17d: {  	(v2sf) =	vpush v8, $0x0;
	_ =	sdelay $0x4  }
0x17e: {  	s1 =	spop (v2sf)  }
0x17f: {  	v7 =	vsub.s32 v7, v0;
	s0 =	sadd.s32 s0, s1  }
0x180: {  	v6 =	vand.u32 $0x3FFF, v6;
	[tilespmem:s0+$0xEF80] =	vst.msk vm0, v7  }
0x181: {  	[tilespmem:s0+$0x12280] =	vst.msk vm0, v6  }
0x182: {  	v6 =	vld [tilespmem:s22+$0xBD60];
	_ =	sdelay $0x4  }
0x183: {  	v7 =	vshrl.u32 v6, $0xE  }
0x184: {  	vm0 =	vge.u32 v7, v0;
	vm1 =	vlt.u32 v7, v1;
	s1 =	spop (v2sf)  }
0x185: {  	v7 =	vsub.s32 v7, v0;
	s0 =	sadd.s32 s0, s1;
	vm0 =	vmand vm0, vm1  }
0x186: {  	v6 =	vand.u32 $0x3FFF, v6;
	[tilespmem:s0+$0xEF80] =	vst.msk vm0, v7;
	v7 =	vmpcnt.ones.xlane vm0  }
0x187: {  	[tilespmem:s0+$0x12280] =	vst.msk vm0, v6  }
0x188: {  	v6 =	vld [tilespmem:s22+$0xBD70];
	(v2sf) =	vpush v7, $0x0;
	_ =	sdelay $0x4  }
0x189: {  	v7 =	vshrl.u32 v6, $0xE  }
0x18a: {  	vm0 =	vge.u32 v7, v0;
	vm1 =	vlt.u32 v7, v1  }
0x18b: {  	vm0 =	vmand vm0, vm1  }
0x18c: {  	v8 =	vmpcnt.ones.xlane vm0;
	_ =	sdelay $0x1  }
0x18d: {  	(v2sf) =	vpush v8, $0x0;
	_ =	sdelay $0x4  }
0x18e: {  	s1 =	spop (v2sf)  }
0x18f: {  	v7 =	vsub.s32 v7, v0;
	s1 =	sadd.s32 s0, s1  }
0x190: {  	v6 =	vand.u32 $0x3FFF, v6;
	[tilespmem:s1+$0xEF80] =	vst.msk vm0, v7  }
0x191: {  	s22 =	sshra.s32 s24, $0x2;
	[tilespmem:s1+$0x12280] =	vst.msk vm0, v6  }
0x192: {  	v6 =	vld [tilespmem:s22+$0xBD00];
	_ =	sdelay $0x1  }
.Ltmp9:
0x193: {  	(pc) =	sbr.rel @p1 .LBB2_10-.Ltmp9, $3  }
0x194: {  	_ =	sdelay $0x1  }
0x195: {  	v7 =	vshrl.u32 v6, $0xE  }
0x196: {  	vm0 =	vge.u32 v7, v0;
	vm1 =	vlt.u32 v7, v1;
	v7 =	vsub.s32 v7, v0;
	s0 =	spop (v2sf)  }
0x197: {  	vm0 =	vmand vm0, vm1;
	s0 =	sadd.s32 s1, s0  }
0x198: {  	v6 =	vand.u32 $0x3FFF, v6;
	[tilespmem:s0+$0xEF80] =	vst.msk vm0, v7;
	v7 =	vmpcnt.ones.xlane vm0  }
0x199: {  	[tilespmem:s0+$0x12280] =	vst.msk vm0, v6  }
0x19a: {  	v6 =	vld [tilespmem:s22+$0xBD10];
	(v2sf) =	vpush v7, $0x0;
	_ =	sdelay $0x4  }
0x19b: {  	v7 =	vshrl.u32 v6, $0xE  }
0x19c: {  	vm14 =	vge.u32 v7, v0;
	vm15 =	vlt.u32 v7, v1  }
0x19d: {  	vm0 =	vmand vm14, vm15  }
0x19e: {  	v8 =	vmpcnt.ones.xlane vm0;
	_ =	sdelay $0x1  }
0x19f: {  	(v2sf) =	vpush v8, $0x0;
	_ =	sdelay $0x4  }
0x1a0: {  	s31 =	spop (v2sf)  }
0x1a1: {  	v7 =	vsub.s32 v7, v0;
	s0 =	sadd.s32 s0, s31  }
0x1a2: {  	v6 =	vand.u32 $0x3FFF, v6;
	[tilespmem:s0+$0xEF80] =	vst.msk vm0, v7  }
0x1a3: {  	[tilespmem:s0+$0x12280] =	vst.msk vm0, v6  }
0x1a4: {  	v6 =	vld [tilespmem:s22+$0xBD20];
	_ =	sdelay $0x4  }
0x1a5: {  	v7 =	vshrl.u32 v6, $0xE  }
0x1a6: {  	vm4 =	vge.u32 v7, v0;
	vm5 =	vlt.u32 v7, v1;
	s8 =	spop (v2sf)  }
0x1a7: {  	v7 =	vsub.s32 v7, v0;
	s0 =	sadd.s32 s0, s8;
	vm0 =	vmand vm4, vm5  }
0x1a8: {  	v6 =	vand.u32 $0x3FFF, v6;
	[tilespmem:s0+$0xEF80] =	vst.msk vm0, v7;
	v7 =	vmpcnt.ones.xlane vm0  }
0x1a9: {  	[tilespmem:s0+$0x12280] =	vst.msk vm0, v6  }
0x1aa: {  	v6 =	vld [tilespmem:s22+$0xBD30];
	(v2sf) =	vpush v7, $0x0;
	_ =	sdelay $0x4  }
0x1ab: {  	v7 =	vshrl.u32 v6, $0xE  }
0x1ac: {  	vm6 =	vge.u32 v7, v0;
	vm7 =	vlt.u32 v7, v1  }
0x1ad: {  	vm0 =	vmand vm6, vm7  }
0x1ae: {  	v60 =	vmpcnt.ones.xlane vm0;
	_ =	sdelay $0x1  }
0x1af: {  	(v2sf) =	vpush v60, $0x0;
	_ =	sdelay $0x4  }
0x1b0: {  	s23 =	spop (v2sf)  }
0x1b1: {  	v7 =	vsub.s32 v7, v0;
	s0 =	sadd.s32 s0, s23  }
0x1b2: {  	v6 =	vand.u32 $0x3FFF, v6;
	[tilespmem:s0+$0xEF80] =	vst.msk vm0, v7  }
0x1b3: {  	[tilespmem:s0+$0x12280] =	vst.msk vm0, v6  }
0x1b4: {  	v6 =	vld [tilespmem:s22+$0xBD40];
	_ =	sdelay $0x4  }
0x1b5: {  	v7 =	vshrl.u32 v6, $0xE  }
0x1b6: {  	vm8 =	vge.u32 v7, v0;
	vm9 =	vlt.u32 v7, v1;
	s24 =	spop (v2sf)  }
0x1b7: {  	v7 =	vsub.s32 v7, v0;
	s0 =	sadd.s32 s0, s24;
	vm0 =	vmand vm8, vm9  }
0x1b8: {  	v6 =	vand.u32 $0x3FFF, v6;
	[tilespmem:s0+$0xEF80] =	vst.msk vm0, v7;
	v7 =	vmpcnt.ones.xlane vm0  }
0x1b9: {  	[tilespmem:s0+$0x12280] =	vst.msk vm0, v6  }
0x1ba: {  	v6 =	vld [tilespmem:s22+$0xBD50];
	(v2sf) =	vpush v7, $0x0;
	_ =	sdelay $0x4  }
0x1bb: {  	v7 =	vshrl.u32 v6, $0xE  }
0x1bc: {  	vm10 =	vge.u32 v7, v0;
	vm11 =	vlt.u32 v7, v1  }
0x1bd: {  	vm0 =	vmand vm10, vm11  }
0x1be: {  	v61 =	vmpcnt.ones.xlane vm0;
	_ =	sdelay $0x1  }
0x1bf: {  	(v2sf) =	vpush v61, $0x0;
	_ =	sdelay $0x4  }
0x1c0: {  	s25 =	spop (v2sf)  }
0x1c1: {  	v7 =	vsub.s32 v7, v0;
	s0 =	sadd.s32 s0, s25  }
0x1c2: {  	v6 =	vand.u32 $0x3FFF, v6;
	[tilespmem:s0+$0xEF80] =	vst.msk vm0, v7  }
0x1c3: {  	[tilespmem:s0+$0x12280] =	vst.msk vm0, v6  }
0x1c4: {  	v6 =	vld [tilespmem:s22+$0xBD60];
	_ =	sdelay $0x4  }
0x1c5: {  	v7 =	vshrl.u32 v6, $0xE  }
0x1c6: {  	vm12 =	vge.u32 v7, v0;
	vm13 =	vlt.u32 v7, v1;
	s26 =	spop (v2sf)  }
0x1c7: {  	v7 =	vsub.s32 v7, v0;
	s0 =	sadd.s32 s0, s26;
	vm0 =	vmand vm12, vm13  }
0x1c8: {  	v6 =	vand.u32 $0x3FFF, v6;
	[tilespmem:s0+$0xEF80] =	vst.msk vm0, v7  }
0x1c9: {  	[tilespmem:s0+$0x12280] =	vst.msk vm0, v6  }
0x1ca: {  	v6 =	vld [tilespmem:s22+$0xBD70];
	_ =	sdelay $0x4  }
0x1cb: {  	v7 =	vshrl.u32 v6, $0xE  }
0x1cc: {  	vm14 =	vge.u32 v7, v0;
	vm2 =	vlt.u32 v7, v1  }
0x1cd: {  	v62 =	vmpcnt.ones.xlane vm0;
	vm15 =	vmand vm14, vm2  }
0x1ce: {  	v9 =	vmpcnt.ones.xlane vm15  }
0x1cf: {  	(v2sf) =	vpush v62, $0x0  }
0x1d0: {  	(v2sf) =	vpush v9, $0x0;
	_ =	sdelay $0x9  }
0x1d1: {  	s8 =	sadd.s32 $0xF, s21  }
0x1d2: {  	s30 =	sand.u32 $0xF, s8  }
0x1d3: {  	p2 =	slt.s32 s21, $0xFFFFFFF2;
	s31 =	sshra.s32 s8, $0x1F;
	p1 =	sne.s32 s30, $0x0  }
0x1d4: {  	s1 =	sshrl.u32 s31, $0x1C;
	p1 =	por !p2, !p1  }
0x1d5: {  	s1 =	sadd.s32 s1, s8;
	s8 =	simm.s32 $0x1;
	s28 =	spop (v2sf)  }
0x1d6: {  	p1 =	por !p1, !p1;
	s0 =	sadd.s32 s0, s28;
	s29 =	spop (v2sf)  }
0x1d7: {  	s1 =	sshra.s32 s1, $0x4;
	s8 =	simm.s32 @!p1 $0x0;
	s22 =	sadd.s32 s0, s29  }
0x1d8: {  	s23 =	ssub.s32 s1, s8;
	v63 =	vadd.s32 s22, v3  }
0x1d9: {  	p1 =	slt.s32 s23, $0x1  }
.Ltmp10:
0x1da: {  	v7 =	vsub.s32 v7, v0;
	(pc) =	sbr.rel @p1 .LBB2_25-.Ltmp10, $4  }
0x1db: {  	v6 =	vand.u32 $0x3FFF, v6;
	[tilespmem:s0+$0xEF80] =	vst.msk vm15, v7  }
0x1dc: {  	[tilespmem:s0+$0x12280] =	vst.msk vm15, v6  }
0x1dd: {  	[tilespmem:v63+s16+$0x0] =	vst.idx.msk $0xffff, v4  }
0x1de: {  	[tilespmem:v63+s17+$0x0] =	vst.idx.msk $0xffff, v5  }
.Ltmp11:
0x1df: {  	(pc) =	sbr.rel .LBB2_13-.Ltmp11, $3  }
0x1e0: {  	_ =	sdelay $0x1  }
0x1e1: {  	s24 =	simm.s32 $0x0  }
0x1e2: {  	s8 =	simm.s32 $0x10900;
	s1 =	simm.s32 $0xD600;
	s28 =	smov.u32 s21  }
.LBB2_23:
0x1e3: {  	[tilespmem:s30+$0x70] =	vst v6  }
.LBB2_24:
0x1e4: {  	s24 =	sadd.s32 $0x1, s24  }
0x1e5: {  	p1 =	sne.s32 s24, s23  }
.Ltmp12:
0x1e6: {  	_ = 	snop;
	(pc) =	sbr.rel @!p1 .LBB2_25-.Ltmp12, $2  }
0x1e7: {  	_ =	sdelay $0x2  }
0x1e8: {  	s28 =	sadd.s32 $0xFFFFFFF0, s28;
	s8 =	sadd.s32 $0x100, s8;
	s1 =	sadd.s32 $0x100, s1  }
.LBB2_13:
0x1e9: {  	s0 =	sshll.u32 s24, $0x4;
	p1 =	slt.s32 s28, $0x10  }
0x1ea: {  	s26 =	smov.u32 s28;
	p2 =	seq.s32 s24, $0x0;
	s29 =	ssub.s32 s21, s0  }
0x1eb: {  	s26 =	simm.s32 @!p1 $0x10;
	p1 =	slt.s32 @!p2 s29, $0x1  }
0x1ec: {  	p1 =	por p2, p1  }
.Ltmp13:
0x1ed: {  	_ = 	snop;
	(pc) =	sbr.rel @p1 .LBB2_16-.Ltmp13, $3  }
0x1ee: {  	_ =	sdelay $0x1  }
0x1ef: {  	p3 =	sgt.s32 s26, $0x1;
	s30 =	smov.u32 s26  }
0x1f0: {  	s30 =	simm.s32 @!p3 $0x1  }
0x1f1: {  	s0 =	sshll.u32 s30, $0xD  }
0x1f2: {  	p1 =	seq.s32 s0, $0x2000  }
.Ltmp14:
0x1f3: {  	_ = 	snop;
	(pc) =	sbr.rel @p1 .LBB2_17-.Ltmp14, $4  }
0x1f4: {  	_ = 	snop  }
0x1f5: {  	s31 =	simm.s32 $0x13C00  }
0x1f6: {  	[tilespmem:s31], [sflag:$0x1] =	stream.indirect.gather [hbm4b:s2+s14], $0x80, s8, s14, $0xb8;
	[tilespmem:$0x1BC00] =	vst v63  }
0x1f7: {  	s25 =	smov.u32 s8;
	s0 =	sadd.s32 $0xFFFFE000, s0  }
.LBB2_15:
0x1f8: {  	p1 =	seq.s32 s0, $0x2000  }
.Ltmp15:
0x1f9: {  	_ = 	snop;
	(pc) =	sbr.rel @!p1 .LBB2_15-.Ltmp15, $4  }
0x1fa: {  	_ = 	snop  }
0x1fb: {  	s31 =	sadd.s32 $0x800, s31;
	s25 =	sadd.s32 $0x10, s25  }
0x1fc: {  	s0 =	sadd.s32 $0xFFFFE000, s0  }
0x1fd: {  	[tilespmem:s31], [sflag:$0x1] =	stream.indirect.gather [hbm4b:s2+s14], $0x80, s25, s14, $0xb8;
	[tilespmem:$0x1BC00] =	vst v63  }
.Ltmp16:
0x1fe: {  	_ = 	snop;
	(pc) =	sbr.rel .LBB2_17-.Ltmp16, $1  }
0x1ff: {  	_ =	sdelay $0x3  }
.LBB2_16:
0x200: {  	p1 =	slt.s32 s29, $0x1  }
.Ltmp17:
0x201: {  	_ = 	snop;
	(pc) =	sbr.rel @p1 .LBB2_20-.Ltmp17, $1  }
0x202: {  	_ =	sdelay $0x3  }
.LBB2_17:
0x203: {  	s0 =	ssub.s32 $0x0, s30  }
0x204: {  	s30 =	sadd.s32 $0x1, s0  }
0x205: {  	p1 =	seq.s32 s30, $0x0  }
.Ltmp18:
0x206: {  	_ = 	snop;
	(pc) =	sbr.rel @p1 .LBB2_19-.Ltmp18, $3  }
0x207: {  	_ =	sdelay $0x1  }
0x208: {  	_ =	swait.ge [sflag:s13], $0x800  }
0x209: {  	[sflag:s13] =	ssyncset.done $0x0  }
.LBB2_18:
0x20a: {  	s30 =	sadd.s32 $0x1, s30  }
0x20b: {  	[sflag:s13] =	ssyncadd.s32 $0xFFFFF800;
	p1 =	seq.s32 s30, $0x0  }
.Ltmp19:
0x20c: {  	(pc) =	sbr.rel @!p1 .LBB2_18-.Ltmp19, $3  }
0x20d: {  	_ =	sdelay $0x1  }
0x20e: {  	_ =	swait.ge [sflag:s13], $0x800  }
0x20f: {  	[sflag:s13] =	ssyncset.done $0x0  }
.LBB2_19:
0x210: {  	[sflag:s13] =	ssyncadd.s32 $0xFFFFF800  }
.LBB2_20:
0x211: {  	p1 =	slt.s32 s29, $0x10  }
0x212: {  	s29 =	simm.s32 @!p1 $0x10  }
0x213: {  	s0 =	sshll.u32 s29, $0x4  }
0x214: {  	p1 =	slt.s32 s0, $0x1  }
.Ltmp20:
0x215: {  	_ = 	snop;
	(pc) =	sbr.rel @p1 .LBB2_24-.Ltmp20, $1  }
0x216: {  	_ =	sdelay $0x3  }
0x217: {  	v6 =	vld [tilespmem:s1+$0x0];
	_ =	sdelay $0x4  }
0x218: {  	(v2sf) =	vpush v6, $0x0;
	_ =	sdelay $0xe  }
0x219: {  	s0 =	spop (v2sf)  }
0x21a: {  	s29 =	simm.s32 $0x13C40;
	s0 =	sshll.u32 s0, $0x9  }
0x21b: {  	v6 =	vld [tilespmem:s29+$0xFFFFFFC0];
	s30 =	sshra.s32 s0, $0x2  }
0x21c: {  	v7 =	vld [tilespmem:s30+$0x0];
	_ =	sdelay $0x4  }
0x21d: {  	v6 =	vmax.f32 v7, v6  }
0x21e: {  	[tilespmem:s30+$0x0] =	vst v6;
	v6 =	vld [tilespmem:s30+$0x10]  }
0x21f: {  	v7 =	vld [tilespmem:s29+$0xFFFFFFD0];
	_ =	sdelay $0x4  }
0x220: {  	v6 =	vmax.f32 v6, v7  }
0x221: {  	[tilespmem:s30+$0x10] =	vst v6;
	v6 =	vld [tilespmem:s30+$0x20]  }
0x222: {  	v7 =	vld [tilespmem:s29+$0xFFFFFFE0];
	_ =	sdelay $0x4  }
0x223: {  	v6 =	vmax.f32 v6, v7  }
0x224: {  	[tilespmem:s30+$0x20] =	vst v6;
	v6 =	vld [tilespmem:s30+$0x30]  }
0x225: {  	v7 =	vld [tilespmem:s29+$0xFFFFFFF0];
	_ =	sdelay $0x4  }
0x226: {  	v6 =	vmax.f32 v6, v7  }
0x227: {  	[tilespmem:s30+$0x30] =	vst v6;
	v6 =	vld [tilespmem:s30+$0x40]  }
0x228: {  	v7 =	vld [tilespmem:s29+$0x0];
	_ =	sdelay $0x4  }
0x229: {  	v6 =	vmax.f32 v6, v7  }
0x22a: {  	[tilespmem:s30+$0x40] =	vst v6;
	v6 =	vld [tilespmem:s30+$0x50]  }
0x22b: {  	v7 =	vld [tilespmem:s29+$0x10];
	_ =	sdelay $0x4  }
0x22c: {  	v6 =	vmax.f32 v6, v7  }
0x22d: {  	[tilespmem:s30+$0x50] =	vst v6;
	v6 =	vld [tilespmem:s30+$0x60]  }
0x22e: {  	v7 =	vld [tilespmem:s29+$0x20];
	_ =	sdelay $0x4  }
0x22f: {  	v6 =	vmax.f32 v6, v7  }
0x230: {  	s26 =	sshll.u32 s26, $0x4;
	[tilespmem:s30+$0x60] =	vst v6;
	v6 =	vld [tilespmem:s30+$0x70]  }
0x231: {  	p1 =	sne.s32 s26, $0x1;
	v7 =	vld [tilespmem:s29+$0x30]  }
.Ltmp21:
0x232: {  	_ = 	snop;
	(pc) =	sbr.rel @!p1 .LBB2_23-.Ltmp21, $2  }
0x233: {  	_ =	sdelay $0x2  }
0x234: {  	s31 =	sadd.s32 $0xFFFFFFFF, s26;
	s26 =	smov.u32 s1;
	v6 =	vmax.f32 v6, v7  }
.LBB2_22:
0x235: {  	p1 =	sne.s32 s31, $0x1;
	[tilespmem:s30+$0x70] =	vst v6;
	s26 =	sadd.s32 $0x1, s26;
	s29 =	sadd.s32 $0x80, s29  }
0x236: {  	s31 =	sadd.s32 $0xFFFFFFFF, s31;
	v6 =	vld [tilespmem:s26+$0x0];
	_ =	sdelay $0x4  }
0x237: {  	(v2sf) =	vpush v6, $0x0;
	_ =	sdelay $0xe  }
0x238: {  	s0 =	spop (v2sf)  }
0x239: {  	s0 =	sshll.u32 s0, $0x9  }
0x23a: {  	s30 =	sshra.s32 s0, $0x2;
	v6 =	vld [tilespmem:s29+$0xFFFFFFC0]  }
0x23b: {  	v7 =	vld [tilespmem:s30+$0x0];
	_ =	sdelay $0x4  }
0x23c: {  	v6 =	vmax.f32 v7, v6  }
0x23d: {  	[tilespmem:s30+$0x0] =	vst v6;
	v6 =	vld [tilespmem:s30+$0x10]  }
0x23e: {  	v7 =	vld [tilespmem:s29+$0xFFFFFFD0];
	_ =	sdelay $0x4  }
0x23f: {  	v6 =	vmax.f32 v6, v7  }
0x240: {  	[tilespmem:s30+$0x10] =	vst v6;
	v6 =	vld [tilespmem:s30+$0x20]  }
0x241: {  	v7 =	vld [tilespmem:s29+$0xFFFFFFE0];
	_ =	sdelay $0x4  }
0x242: {  	v6 =	vmax.f32 v6, v7  }
0x243: {  	[tilespmem:s30+$0x20] =	vst v6;
	v6 =	vld [tilespmem:s30+$0x30]  }
0x244: {  	v7 =	vld [tilespmem:s29+$0xFFFFFFF0];
	_ =	sdelay $0x4  }
0x245: {  	v6 =	vmax.f32 v6, v7  }
0x246: {  	[tilespmem:s30+$0x30] =	vst v6;
	v6 =	vld [tilespmem:s30+$0x40]  }
0x247: {  	v7 =	vld [tilespmem:s29+$0x0];
	_ =	sdelay $0x4  }
0x248: {  	v6 =	vmax.f32 v6, v7  }
0x249: {  	[tilespmem:s30+$0x40] =	vst v6;
	v6 =	vld [tilespmem:s30+$0x50]  }
0x24a: {  	v7 =	vld [tilespmem:s29+$0x10];
	_ =	sdelay $0x4  }
0x24b: {  	v6 =	vmax.f32 v6, v7  }
0x24c: {  	[tilespmem:s30+$0x50] =	vst v6;
	v6 =	vld [tilespmem:s30+$0x60]  }
0x24d: {  	v7 =	vld [tilespmem:s29+$0x20];
	_ =	sdelay $0x4  }
0x24e: {  	v6 =	vmax.f32 v6, v7  }
0x24f: {  	[tilespmem:s30+$0x60] =	vst v6;
	v6 =	vld [tilespmem:s30+$0x70]  }
0x250: {  	v7 =	vld [tilespmem:s29+$0x30]  }
.Ltmp22:
0x251: {  	(pc) =	sbr.rel @p1 .LBB2_22-.Ltmp22, $2  }
0x252: {  	_ =	sdelay $0x2  }
0x253: {  	v6 =	vmax.f32 v6, v7  }
.Ltmp23:
0x254: {  	_ = 	snop;
	(pc) =	sbr.rel .LBB2_23-.Ltmp23, $1  }
0x255: {  	_ =	sdelay $0x3  }
.LBB2_25:
.Ltmp24:
0x256: {  	(pc) =	sbr.rel @p0 .LBB2_46-.Ltmp24, $1  }
0x257: {  	_ =	sdelay $0x3  }
0x258: {  	s0 =	sadd.s32 $0xF, s22  }
0x259: {  	s1 =	sand.u32 $0xF, s0  }
0x25a: {  	s8 =	sshra.s32 s0, $0x1F;
	p0 =	slt.s32 s0, $0x1;
	p1 =	sne.s32 s1, $0x0  }
0x25b: {  	s31 =	sshrl.u32 s8, $0x1C;
	p0 =	por !p0, !p1  }
0x25c: {  	s1 =	simm.s32 $0x1;
	s0 =	sadd.s32 s31, s0;
	p0 =	por !p0, !p0  }
0x25d: {  	s0 =	sshra.s32 s0, $0x4;
	s1 =	simm.s32 @!p0 $0x0  }
0x25e: {  	s21 =	ssub.s32 s0, s1  }
0x25f: {  	p0 =	slt.s32 s21, $0x1  }
.Ltmp25:
0x260: {  	_ = 	snop;
	(pc) =	sbr.rel @p0 .LBB2_29-.Ltmp25, $1  }
0x261: {  	_ =	sdelay $0x3  }
0x262: {  	s0 =	smin.u32 s21, $0x10  }
0x263: {  	p0 =	sne.s32 s0, $0x1  }
.Ltmp26:
0x264: {  	_ = 	snop;
	(pc) =	sbr.rel @!p0 .LBB2_29-.Ltmp26, $4  }
0x265: {  	_ = 	snop  }
0x266: {  	s1 =	simm.s32 $0x12280;
	s22 =	simm.s32 $0x13C00  }
0x267: {  	[tilespmem:s22], [sflag:$0x1] =	stream.indirect.gather [hbm4b:s2+s14], $0x80, s1, s14, $0xb8;
	[tilespmem:$0x1BC00] =	vst v63  }
0x268: {  	s0 =	sadd.s32 $0xFFFFFFFF, s0  }
.LBB2_28:
0x269: {  	p0 =	sne.s32 s0, $0x1  }
.Ltmp27:
0x26a: {  	_ = 	snop;
	(pc) =	sbr.rel @p0 .LBB2_28-.Ltmp27, $4  }
0x26b: {  	_ = 	snop  }
0x26c: {  	s1 =	sadd.s32 $0x10, s1;
	s22 =	sadd.s32 $0x800, s22  }
0x26d: {  	s0 =	sadd.s32 $0xFFFFFFFF, s0  }
0x26e: {  	[tilespmem:s22], [sflag:$0x1] =	stream.indirect.gather [hbm4b:s2+s14], $0x80, s1, s14, $0xb8;
	[tilespmem:$0x1BC00] =	vst v63  }
.LBB2_29:
0x26f: {  	s0 =	smul.u32 $0x3200, s20;
	_ =	sdelay $0x1  }
0x270: {  	_ =	swait.ge [sflag:s10], $0x1900;
	s0 =	sshrl.u32 s0, $0x3  }
0x271: {  	s8 =	simm.s32 $0x0;
	[sflag:s10] =	ssyncset.done $0x0;
	s0 =	sadd.s32 s4, s0  }
0x272: {  	s1 =	simm.s32 $0x0;
	[sflag:s10] =	ssyncadd.s32 $0xFFFFE700;
	s0 =	sadd.s32 $0x960, s0  }
0x273: {  	[tilespmem:s9], [sflag:$0x3] =	stream.linear.gather [hbm4b:s0+s8], $0x1900, $0x38;
	[tilespmem:$0x1BC00] =	vst v63  }
0x274: {  	v6 =	vld [tilespmem:s1+$0xA400];
	_ =	sdelay $0x4  }
0x275: {  	v7 =	vshrl.u32 v6, $0xE  }
0x276: {  	vm0 =	vge.u32 v7, v0;
	vm1 =	vlt.u32 v7, v1  }
0x277: {  	v7 =	vsub.s32 v7, v0;
	vm0 =	vmand vm0, vm1  }
0x278: {  	v6 =	vand.u32 $0x3FFF, v6;
	[tilespmem:s8+$0xD600] =	vst.msk vm0, v7;
	v7 =	vmpcnt.ones.xlane vm0  }
0x279: {  	[tilespmem:s8+$0x10900] =	vst.msk vm0, v6  }
0x27a: {  	v6 =	vld [tilespmem:s1+$0xA410];
	(v2sf) =	vpush v7, $0x0;
	_ =	sdelay $0x4  }
0x27b: {  	v7 =	vshrl.u32 v6, $0xE  }
0x27c: {  	vm0 =	vge.u32 v7, v0;
	vm1 =	vlt.u32 v7, v1  }
0x27d: {  	vm0 =	vmand vm0, vm1  }
0x27e: {  	v8 =	vmpcnt.ones.xlane vm0;
	_ =	sdelay $0x1  }
0x27f: {  	(v2sf) =	vpush v8, $0x0;
	_ =	sdelay $0x4  }
0x280: {  	s24 =	spop (v2sf)  }
0x281: {  	v7 =	vsub.s32 v7, v0;
	s0 =	sadd.s32 $0x0, s24  }
0x282: {  	v6 =	vand.u32 $0x3FFF, v6;
	[tilespmem:s0+$0xD600] =	vst.msk vm0, v7  }
0x283: {  	[tilespmem:s0+$0x10900] =	vst.msk vm0, v6  }
0x284: {  	v6 =	vld [tilespmem:s1+$0xA420];
	_ =	sdelay $0x4  }
0x285: {  	v7 =	vshrl.u32 v6, $0xE  }
0x286: {  	vm0 =	vge.u32 v7, v0;
	vm1 =	vlt.u32 v7, v1;
	s25 =	spop (v2sf)  }
0x287: {  	v7 =	vsub.s32 v7, v0;
	s0 =	sadd.s32 s0, s25;
	vm0 =	vmand vm0, vm1  }
0x288: {  	v6 =	vand.u32 $0x3FFF, v6;
	[tilespmem:s0+$0xD600] =	vst.msk vm0, v7;
	v7 =	vmpcnt.ones.xlane vm0  }
0x289: {  	[tilespmem:s0+$0x10900] =	vst.msk vm0, v6  }
0x28a: {  	v6 =	vld [tilespmem:s1+$0xA430];
	(v2sf) =	vpush v7, $0x0;
	_ =	sdelay $0x4  }
0x28b: {  	v7 =	vshrl.u32 v6, $0xE  }
0x28c: {  	vm0 =	vge.u32 v7, v0;
	vm1 =	vlt.u32 v7, v1  }
0x28d: {  	vm0 =	vmand vm0, vm1  }
0x28e: {  	v8 =	vmpcnt.ones.xlane vm0;
	_ =	sdelay $0x1  }
0x28f: {  	(v2sf) =	vpush v8, $0x0;
	_ =	sdelay $0x4  }
0x290: {  	s26 =	spop (v2sf)  }
0x291: {  	v7 =	vsub.s32 v7, v0;
	s0 =	sadd.s32 s0, s26  }
0x292: {  	v6 =	vand.u32 $0x3FFF, v6;
	[tilespmem:s0+$0xD600] =	vst.msk vm0, v7  }
0x293: {  	[tilespmem:s0+$0x10900] =	vst.msk vm0, v6  }
0x294: {  	v6 =	vld [tilespmem:s1+$0xA440];
	_ =	sdelay $0x4  }
0x295: {  	v7 =	vshrl.u32 v6, $0xE  }
0x296: {  	vm0 =	vge.u32 v7, v0;
	vm1 =	vlt.u32 v7, v1;
	s28 =	spop (v2sf)  }
0x297: {  	v7 =	vsub.s32 v7, v0;
	s0 =	sadd.s32 s0, s28;
	vm0 =	vmand vm0, vm1  }
0x298: {  	v6 =	vand.u32 $0x3FFF, v6;
	[tilespmem:s0+$0xD600] =	vst.msk vm0, v7;
	v7 =	vmpcnt.ones.xlane vm0  }
0x299: {  	[tilespmem:s0+$0x10900] =	vst.msk vm0, v6  }
0x29a: {  	v6 =	vld [tilespmem:s1+$0xA450];
	(v2sf) =	vpush v7, $0x0;
	_ =	sdelay $0x4  }
0x29b: {  	v7 =	vshrl.u32 v6, $0xE  }
0x29c: {  	vm0 =	vge.u32 v7, v0;
	vm1 =	vlt.u32 v7, v1  }
0x29d: {  	vm0 =	vmand vm0, vm1  }
0x29e: {  	v8 =	vmpcnt.ones.xlane vm0;
	_ =	sdelay $0x1  }
0x29f: {  	(v2sf) =	vpush v8, $0x0;
	_ =	sdelay $0x4  }
0x2a0: {  	s29 =	spop (v2sf)  }
0x2a1: {  	v7 =	vsub.s32 v7, v0;
	s0 =	sadd.s32 s0, s29  }
0x2a2: {  	v6 =	vand.u32 $0x3FFF, v6;
	[tilespmem:s0+$0xD600] =	vst.msk vm0, v7  }
0x2a3: {  	[tilespmem:s0+$0x10900] =	vst.msk vm0, v6  }
0x2a4: {  	v6 =	vld [tilespmem:s1+$0xA460];
	_ =	sdelay $0x4  }
0x2a5: {  	v7 =	vshrl.u32 v6, $0xE  }
0x2a6: {  	vm0 =	vge.u32 v7, v0;
	vm1 =	vlt.u32 v7, v1;
	s30 =	spop (v2sf)  }
0x2a7: {  	v7 =	vsub.s32 v7, v0;
	s0 =	sadd.s32 s0, s30;
	vm0 =	vmand vm0, vm1  }
0x2a8: {  	v6 =	vand.u32 $0x3FFF, v6;
	[tilespmem:s0+$0xD600] =	vst.msk vm0, v7;
	v7 =	vmpcnt.ones.xlane vm0  }
0x2a9: {  	[tilespmem:s0+$0x10900] =	vst.msk vm0, v6  }
0x2aa: {  	v6 =	vld [tilespmem:s1+$0xA470];
	(v2sf) =	vpush v7, $0x0;
	_ =	sdelay $0x4  }
0x2ab: {  	v7 =	vshrl.u32 v6, $0xE  }
0x2ac: {  	vm0 =	vge.u32 v7, v0;
	vm1 =	vlt.u32 v7, v1  }
0x2ad: {  	vm0 =	vmand vm0, vm1  }
0x2ae: {  	v8 =	vmpcnt.ones.xlane vm0;
	_ =	sdelay $0x1  }
0x2af: {  	(v2sf) =	vpush v8, $0x0;
	_ =	sdelay $0x4  }
0x2b0: {  	s31 =	spop (v2sf)  }
0x2b1: {  	v7 =	vsub.s32 v7, v0;
	s1 =	sadd.s32 s0, s31  }
0x2b2: {  	v6 =	vand.u32 $0x3FFF, v6;
	[tilespmem:s1+$0xD600] =	vst.msk vm0, v7  }
0x2b3: {  	s22 =	simm.s32 $0x80;
	[tilespmem:s1+$0x10900] =	vst.msk vm0, v6  }
0x2b4: {  	v6 =	vld [tilespmem:s22+$0xA400];
	_ =	sdelay $0x4  }
0x2b5: {  	v7 =	vshrl.u32 v6, $0xE  }
0x2b6: {  	s23 =	simm.s32 $0x400;
	vm0 =	vge.u32 v7, v0;
	vm1 =	vlt.u32 v7, v1;
	v7 =	vsub.s32 v7, v0;
	s0 =	spop (v2sf)  }
.LBB2_30:
0x2b7: {  	p0 =	sne.s32 s23, $0x6200  }
0x2b8: {  	vm0 =	vmand vm0, vm1;
	s0 =	sadd.s32 s1, s0;
	s24 =	smov.u32 s23;
	s23 =	sadd.s32 $0x200, s23  }
0x2b9: {  	v6 =	vand.u32 $0x3FFF, v6;
	[tilespmem:s0+$0xD600] =	vst.msk vm0, v7;
	v7 =	vmpcnt.ones.xlane vm0  }
0x2ba: {  	[tilespmem:s0+$0x10900] =	vst.msk vm0, v6  }
0x2bb: {  	v6 =	vld [tilespmem:s22+$0xA410];
	(v2sf) =	vpush v7, $0x0;
	_ =	sdelay $0x4  }
0x2bc: {  	v7 =	vshrl.u32 v6, $0xE  }
0x2bd: {  	vm0 =	vge.u32 v7, v0;
	vm1 =	vlt.u32 v7, v1  }
0x2be: {  	vm0 =	vmand vm0, vm1  }
0x2bf: {  	v8 =	vmpcnt.ones.xlane vm0;
	_ =	sdelay $0x1  }
0x2c0: {  	(v2sf) =	vpush v8, $0x0;
	_ =	sdelay $0x4  }
0x2c1: {  	s1 =	spop (v2sf)  }
0x2c2: {  	v7 =	vsub.s32 v7, v0;
	s0 =	sadd.s32 s0, s1  }
0x2c3: {  	v6 =	vand.u32 $0x3FFF, v6;
	[tilespmem:s0+$0xD600] =	vst.msk vm0, v7  }
0x2c4: {  	[tilespmem:s0+$0x10900] =	vst.msk vm0, v6  }
0x2c5: {  	v6 =	vld [tilespmem:s22+$0xA420];
	_ =	sdelay $0x4  }
0x2c6: {  	v7 =	vshrl.u32 v6, $0xE  }
0x2c7: {  	vm0 =	vge.u32 v7, v0;
	vm1 =	vlt.u32 v7, v1;
	s1 =	spop (v2sf)  }
0x2c8: {  	v7 =	vsub.s32 v7, v0;
	s0 =	sadd.s32 s0, s1;
	vm0 =	vmand vm0, vm1  }
0x2c9: {  	v6 =	vand.u32 $0x3FFF, v6;
	[tilespmem:s0+$0xD600] =	vst.msk vm0, v7;
	v7 =	vmpcnt.ones.xlane vm0  }
0x2ca: {  	[tilespmem:s0+$0x10900] =	vst.msk vm0, v6  }
0x2cb: {  	v6 =	vld [tilespmem:s22+$0xA430];
	(v2sf) =	vpush v7, $0x0;
	_ =	sdelay $0x4  }
0x2cc: {  	v7 =	vshrl.u32 v6, $0xE  }
0x2cd: {  	vm0 =	vge.u32 v7, v0;
	vm1 =	vlt.u32 v7, v1  }
0x2ce: {  	vm0 =	vmand vm0, vm1  }
0x2cf: {  	v8 =	vmpcnt.ones.xlane vm0;
	_ =	sdelay $0x1  }
0x2d0: {  	(v2sf) =	vpush v8, $0x0;
	_ =	sdelay $0x4  }
0x2d1: {  	s1 =	spop (v2sf)  }
0x2d2: {  	v7 =	vsub.s32 v7, v0;
	s0 =	sadd.s32 s0, s1  }
0x2d3: {  	v6 =	vand.u32 $0x3FFF, v6;
	[tilespmem:s0+$0xD600] =	vst.msk vm0, v7  }
0x2d4: {  	[tilespmem:s0+$0x10900] =	vst.msk vm0, v6  }
0x2d5: {  	v6 =	vld [tilespmem:s22+$0xA440];
	_ =	sdelay $0x4  }
0x2d6: {  	v7 =	vshrl.u32 v6, $0xE  }
0x2d7: {  	vm0 =	vge.u32 v7, v0;
	vm1 =	vlt.u32 v7, v1;
	s1 =	spop (v2sf)  }
0x2d8: {  	v7 =	vsub.s32 v7, v0;
	s0 =	sadd.s32 s0, s1;
	vm0 =	vmand vm0, vm1  }
0x2d9: {  	v6 =	vand.u32 $0x3FFF, v6;
	[tilespmem:s0+$0xD600] =	vst.msk vm0, v7;
	v7 =	vmpcnt.ones.xlane vm0  }
0x2da: {  	[tilespmem:s0+$0x10900] =	vst.msk vm0, v6  }
0x2db: {  	v6 =	vld [tilespmem:s22+$0xA450];
	(v2sf) =	vpush v7, $0x0;
	_ =	sdelay $0x4  }
0x2dc: {  	v7 =	vshrl.u32 v6, $0xE  }
0x2dd: {  	vm0 =	vge.u32 v7, v0;
	vm1 =	vlt.u32 v7, v1  }
0x2de: {  	vm0 =	vmand vm0, vm1  }
0x2df: {  	v8 =	vmpcnt.ones.xlane vm0;
	_ =	sdelay $0x1  }
0x2e0: {  	(v2sf) =	vpush v8, $0x0;
	_ =	sdelay $0x4  }
0x2e1: {  	s1 =	spop (v2sf)  }
0x2e2: {  	v7 =	vsub.s32 v7, v0;
	s0 =	sadd.s32 s0, s1  }
0x2e3: {  	v6 =	vand.u32 $0x3FFF, v6;
	[tilespmem:s0+$0xD600] =	vst.msk vm0, v7  }
0x2e4: {  	[tilespmem:s0+$0x10900] =	vst.msk vm0, v6  }
0x2e5: {  	v6 =	vld [tilespmem:s22+$0xA460];
	_ =	sdelay $0x4  }
0x2e6: {  	v7 =	vshrl.u32 v6, $0xE  }
0x2e7: {  	vm0 =	vge.u32 v7, v0;
	vm1 =	vlt.u32 v7, v1;
	s1 =	spop (v2sf)  }
0x2e8: {  	v7 =	vsub.s32 v7, v0;
	s0 =	sadd.s32 s0, s1;
	vm0 =	vmand vm0, vm1  }
0x2e9: {  	v6 =	vand.u32 $0x3FFF, v6;
	[tilespmem:s0+$0xD600] =	vst.msk vm0, v7;
	v7 =	vmpcnt.ones.xlane vm0  }
0x2ea: {  	[tilespmem:s0+$0x10900] =	vst.msk vm0, v6  }
0x2eb: {  	v6 =	vld [tilespmem:s22+$0xA470];
	(v2sf) =	vpush v7, $0x0;
	_ =	sdelay $0x4  }
0x2ec: {  	v7 =	vshrl.u32 v6, $0xE  }
0x2ed: {  	vm0 =	vge.u32 v7, v0;
	vm1 =	vlt.u32 v7, v1  }
0x2ee: {  	vm0 =	vmand vm0, vm1  }
0x2ef: {  	v8 =	vmpcnt.ones.xlane vm0;
	_ =	sdelay $0x1  }
0x2f0: {  	(v2sf) =	vpush v8, $0x0;
	_ =	sdelay $0x4  }
0x2f1: {  	s1 =	spop (v2sf)  }
0x2f2: {  	v7 =	vsub.s32 v7, v0;
	s1 =	sadd.s32 s0, s1  }
0x2f3: {  	v6 =	vand.u32 $0x3FFF, v6;
	[tilespmem:s1+$0xD600] =	vst.msk vm0, v7  }
0x2f4: {  	s22 =	sshra.s32 s24, $0x2;
	[tilespmem:s1+$0x10900] =	vst.msk vm0, v6  }
0x2f5: {  	v6 =	vld [tilespmem:s22+$0xA400];
	_ =	sdelay $0x1  }
.Ltmp28:
0x2f6: {  	(pc) =	sbr.rel @p0 .LBB2_30-.Ltmp28, $3  }
0x2f7: {  	_ =	sdelay $0x1  }
0x2f8: {  	v7 =	vshrl.u32 v6, $0xE  }
0x2f9: {  	vm0 =	vge.u32 v7, v0;
	vm1 =	vlt.u32 v7, v1;
	v7 =	vsub.s32 v7, v0;
	s0 =	spop (v2sf)  }
0x2fa: {  	vm0 =	vmand vm0, vm1;
	s0 =	sadd.s32 s1, s0  }
0x2fb: {  	v6 =	vand.u32 $0x3FFF, v6;
	[tilespmem:s0+$0xD600] =	vst.msk vm0, v7;
	v7 =	vmpcnt.ones.xlane vm0  }
0x2fc: {  	[tilespmem:s0+$0x10900] =	vst.msk vm0, v6  }
0x2fd: {  	v6 =	vld [tilespmem:s22+$0xA410];
	(v2sf) =	vpush v7, $0x0;
	_ =	sdelay $0x4  }
0x2fe: {  	v7 =	vshrl.u32 v6, $0xE  }
0x2ff: {  	vm14 =	vge.u32 v7, v0;
	vm15 =	vlt.u32 v7, v1  }
0x300: {  	vm0 =	vmand vm14, vm15  }
0x301: {  	v8 =	vmpcnt.ones.xlane vm0;
	_ =	sdelay $0x1  }
0x302: {  	(v2sf) =	vpush v8, $0x0;
	_ =	sdelay $0x4  }
0x303: {  	s31 =	spop (v2sf)  }
0x304: {  	v7 =	vsub.s32 v7, v0;
	s0 =	sadd.s32 s0, s31  }
0x305: {  	v6 =	vand.u32 $0x3FFF, v6;
	[tilespmem:s0+$0xD600] =	vst.msk vm0, v7  }
0x306: {  	[tilespmem:s0+$0x10900] =	vst.msk vm0, v6  }
0x307: {  	v6 =	vld [tilespmem:s22+$0xA420];
	_ =	sdelay $0x4  }
0x308: {  	v7 =	vshrl.u32 v6, $0xE  }
0x309: {  	vm4 =	vge.u32 v7, v0;
	vm5 =	vlt.u32 v7, v1;
	s8 =	spop (v2sf)  }
0x30a: {  	v7 =	vsub.s32 v7, v0;
	s0 =	sadd.s32 s0, s8;
	vm0 =	vmand vm4, vm5  }
0x30b: {  	v6 =	vand.u32 $0x3FFF, v6;
	[tilespmem:s0+$0xD600] =	vst.msk vm0, v7;
	v7 =	vmpcnt.ones.xlane vm0  }
0x30c: {  	[tilespmem:s0+$0x10900] =	vst.msk vm0, v6  }
0x30d: {  	v6 =	vld [tilespmem:s22+$0xA430];
	(v2sf) =	vpush v7, $0x0;
	_ =	sdelay $0x4  }
0x30e: {  	v7 =	vshrl.u32 v6, $0xE  }
0x30f: {  	vm6 =	vge.u32 v7, v0;
	vm7 =	vlt.u32 v7, v1  }
0x310: {  	vm0 =	vmand vm6, vm7  }
0x311: {  	v60 =	vmpcnt.ones.xlane vm0;
	_ =	sdelay $0x1  }
0x312: {  	(v2sf) =	vpush v60, $0x0;
	_ =	sdelay $0x4  }
0x313: {  	s23 =	spop (v2sf)  }
0x314: {  	v7 =	vsub.s32 v7, v0;
	s0 =	sadd.s32 s0, s23  }
0x315: {  	v6 =	vand.u32 $0x3FFF, v6;
	[tilespmem:s0+$0xD600] =	vst.msk vm0, v7  }
0x316: {  	[tilespmem:s0+$0x10900] =	vst.msk vm0, v6  }
0x317: {  	v6 =	vld [tilespmem:s22+$0xA440];
	_ =	sdelay $0x4  }
0x318: {  	v7 =	vshrl.u32 v6, $0xE  }
0x319: {  	vm8 =	vge.u32 v7, v0;
	vm9 =	vlt.u32 v7, v1;
	s24 =	spop (v2sf)  }
0x31a: {  	v7 =	vsub.s32 v7, v0;
	s0 =	sadd.s32 s0, s24;
	vm0 =	vmand vm8, vm9  }
0x31b: {  	v6 =	vand.u32 $0x3FFF, v6;
	[tilespmem:s0+$0xD600] =	vst.msk vm0, v7;
	v7 =	vmpcnt.ones.xlane vm0  }
0x31c: {  	[tilespmem:s0+$0x10900] =	vst.msk vm0, v6  }
0x31d: {  	v6 =	vld [tilespmem:s22+$0xA450];
	(v2sf) =	vpush v7, $0x0;
	_ =	sdelay $0x4  }
0x31e: {  	v7 =	vshrl.u32 v6, $0xE  }
0x31f: {  	vm10 =	vge.u32 v7, v0;
	vm11 =	vlt.u32 v7, v1  }
0x320: {  	vm0 =	vmand vm10, vm11  }
0x321: {  	v61 =	vmpcnt.ones.xlane vm0;
	_ =	sdelay $0x1  }
0x322: {  	(v2sf) =	vpush v61, $0x0;
	_ =	sdelay $0x4  }
0x323: {  	s25 =	spop (v2sf)  }
0x324: {  	v7 =	vsub.s32 v7, v0;
	s0 =	sadd.s32 s0, s25  }
0x325: {  	v6 =	vand.u32 $0x3FFF, v6;
	[tilespmem:s0+$0xD600] =	vst.msk vm0, v7  }
0x326: {  	[tilespmem:s0+$0x10900] =	vst.msk vm0, v6  }
0x327: {  	v6 =	vld [tilespmem:s22+$0xA460];
	_ =	sdelay $0x4  }
0x328: {  	v7 =	vshrl.u32 v6, $0xE  }
0x329: {  	vm12 =	vge.u32 v7, v0;
	vm13 =	vlt.u32 v7, v1;
	s26 =	spop (v2sf)  }
0x32a: {  	v7 =	vsub.s32 v7, v0;
	s0 =	sadd.s32 s0, s26;
	vm0 =	vmand vm12, vm13  }
0x32b: {  	v6 =	vand.u32 $0x3FFF, v6;
	[tilespmem:s0+$0xD600] =	vst.msk vm0, v7  }
0x32c: {  	[tilespmem:s0+$0x10900] =	vst.msk vm0, v6  }
0x32d: {  	v6 =	vld [tilespmem:s22+$0xA470];
	_ =	sdelay $0x4  }
0x32e: {  	v7 =	vshrl.u32 v6, $0xE  }
0x32f: {  	vm14 =	vge.u32 v7, v0;
	vm2 =	vlt.u32 v7, v1  }
0x330: {  	v62 =	vmpcnt.ones.xlane vm0;
	vm15 =	vmand vm14, vm2  }
0x331: {  	v9 =	vmpcnt.ones.xlane vm15  }
0x332: {  	(v2sf) =	vpush v62, $0x0  }
0x333: {  	(v2sf) =	vpush v9, $0x0;
	_ =	sdelay $0x9  }
0x334: {  	s8 =	sadd.s32 $0xF, s21  }
0x335: {  	s30 =	sand.u32 $0xF, s8  }
0x336: {  	p1 =	slt.s32 s21, $0xFFFFFFF2;
	s31 =	sshra.s32 s8, $0x1F;
	p0 =	sne.s32 s30, $0x0  }
0x337: {  	s1 =	sshrl.u32 s31, $0x1C;
	p0 =	por !p1, !p0  }
0x338: {  	s1 =	sadd.s32 s1, s8;
	s8 =	simm.s32 $0x1;
	s28 =	spop (v2sf)  }
0x339: {  	p0 =	por !p0, !p0;
	s0 =	sadd.s32 s0, s28;
	s29 =	spop (v2sf)  }
0x33a: {  	s1 =	sshra.s32 s1, $0x4;
	s8 =	simm.s32 @!p0 $0x0;
	s22 =	sadd.s32 s0, s29  }
0x33b: {  	s23 =	ssub.s32 s1, s8;
	v63 =	vadd.s32 s22, v3  }
0x33c: {  	p0 =	slt.s32 s23, $0x1  }
.Ltmp29:
0x33d: {  	v7 =	vsub.s32 v7, v0;
	(pc) =	sbr.rel @p0 .LBB2_45-.Ltmp29, $4  }
0x33e: {  	v6 =	vand.u32 $0x3FFF, v6;
	[tilespmem:s0+$0xD600] =	vst.msk vm15, v7  }
0x33f: {  	[tilespmem:s0+$0x10900] =	vst.msk vm15, v6  }
0x340: {  	[tilespmem:v63+s11+$0x0] =	vst.idx.msk $0xffff, v4  }
0x341: {  	[tilespmem:v63+s12+$0x0] =	vst.idx.msk $0xffff, v5  }
.Ltmp30:
0x342: {  	(pc) =	sbr.rel .LBB2_33-.Ltmp30, $3  }
0x343: {  	_ =	sdelay $0x1  }
0x344: {  	s24 =	simm.s32 $0x0  }
0x345: {  	s25 =	simm.s32 $0x12280;
	s26 =	simm.s32 $0xEF80;
	s28 =	smov.u32 s21  }
.LBB2_43:
0x346: {  	[tilespmem:s30+$0x70] =	vst v6  }
.LBB2_44:
0x347: {  	s24 =	sadd.s32 $0x1, s24  }
0x348: {  	p0 =	sne.s32 s24, s23  }
.Ltmp31:
0x349: {  	_ = 	snop;
	(pc) =	sbr.rel @!p0 .LBB2_45-.Ltmp31, $2  }
0x34a: {  	_ =	sdelay $0x2  }
0x34b: {  	s28 =	sadd.s32 $0xFFFFFFF0, s28;
	s25 =	sadd.s32 $0x100, s25;
	s26 =	sadd.s32 $0x100, s26  }
.LBB2_33:
0x34c: {  	s0 =	sshll.u32 s24, $0x4;
	p0 =	slt.s32 s28, $0x10  }
0x34d: {  	s1 =	smov.u32 s28;
	p1 =	seq.s32 s24, $0x0;
	s29 =	ssub.s32 s21, s0  }
0x34e: {  	s1 =	simm.s32 @!p0 $0x10;
	p0 =	slt.s32 @!p1 s29, $0x1  }
0x34f: {  	p0 =	por p1, p0  }
.Ltmp32:
0x350: {  	_ = 	snop;
	(pc) =	sbr.rel @p0 .LBB2_36-.Ltmp32, $3  }
0x351: {  	_ =	sdelay $0x1  }
0x352: {  	p2 =	sgt.s32 s1, $0x1;
	s30 =	smov.u32 s1  }
0x353: {  	s30 =	simm.s32 @!p2 $0x1  }
0x354: {  	s0 =	sshll.u32 s30, $0xD  }
0x355: {  	p0 =	seq.s32 s0, $0x2000  }
.Ltmp33:
0x356: {  	_ = 	snop;
	(pc) =	sbr.rel @p0 .LBB2_37-.Ltmp33, $4  }
0x357: {  	_ = 	snop  }
0x358: {  	s31 =	simm.s32 $0x13C00  }
0x359: {  	[tilespmem:s31], [sflag:$0x1] =	stream.indirect.gather [hbm4b:s2+s14], $0x80, s25, s14, $0xb8;
	[tilespmem:$0x1BC00] =	vst v63  }
0x35a: {  	s8 =	smov.u32 s25;
	s0 =	sadd.s32 $0xFFFFE000, s0  }
.LBB2_35:
0x35b: {  	p0 =	seq.s32 s0, $0x2000  }
.Ltmp34:
0x35c: {  	_ = 	snop;
	(pc) =	sbr.rel @!p0 .LBB2_35-.Ltmp34, $4  }
0x35d: {  	_ = 	snop  }
0x35e: {  	s31 =	sadd.s32 $0x800, s31;
	s8 =	sadd.s32 $0x10, s8  }
0x35f: {  	s0 =	sadd.s32 $0xFFFFE000, s0  }
0x360: {  	[tilespmem:s31], [sflag:$0x1] =	stream.indirect.gather [hbm4b:s2+s14], $0x80, s8, s14, $0xb8;
	[tilespmem:$0x1BC00] =	vst v63  }
.Ltmp35:
0x361: {  	_ = 	snop;
	(pc) =	sbr.rel .LBB2_37-.Ltmp35, $1  }
0x362: {  	_ =	sdelay $0x3  }
.LBB2_36:
0x363: {  	p0 =	slt.s32 s29, $0x1  }
.Ltmp36:
0x364: {  	_ = 	snop;
	(pc) =	sbr.rel @p0 .LBB2_40-.Ltmp36, $1  }
0x365: {  	_ =	sdelay $0x3  }
.LBB2_37:
0x366: {  	s0 =	ssub.s32 $0x0, s30  }
0x367: {  	s30 =	sadd.s32 $0x1, s0  }
0x368: {  	p0 =	seq.s32 s30, $0x0  }
.Ltmp37:
0x369: {  	_ = 	snop;
	(pc) =	sbr.rel @p0 .LBB2_39-.Ltmp37, $3  }
0x36a: {  	_ =	sdelay $0x1  }
0x36b: {  	_ =	swait.ge [sflag:s13], $0x800  }
0x36c: {  	[sflag:s13] =	ssyncset.done $0x0  }
.LBB2_38:
0x36d: {  	s30 =	sadd.s32 $0x1, s30  }
0x36e: {  	[sflag:s13] =	ssyncadd.s32 $0xFFFFF800;
	p0 =	seq.s32 s30, $0x0  }
.Ltmp38:
0x36f: {  	(pc) =	sbr.rel @!p0 .LBB2_38-.Ltmp38, $3  }
0x370: {  	_ =	sdelay $0x1  }
0x371: {  	_ =	swait.ge [sflag:s13], $0x800  }
0x372: {  	[sflag:s13] =	ssyncset.done $0x0  }
.LBB2_39:
0x373: {  	[sflag:s13] =	ssyncadd.s32 $0xFFFFF800  }
.LBB2_40:
0x374: {  	p0 =	slt.s32 s29, $0x10  }
0x375: {  	s29 =	simm.s32 @!p0 $0x10  }
0x376: {  	s0 =	sshll.u32 s29, $0x4  }
0x377: {  	p0 =	slt.s32 s0, $0x1  }
.Ltmp39:
0x378: {  	_ = 	snop;
	(pc) =	sbr.rel @p0 .LBB2_44-.Ltmp39, $1  }
0x379: {  	_ =	sdelay $0x3  }
0x37a: {  	v6 =	vld [tilespmem:s26+$0x0];
	_ =	sdelay $0x4  }
0x37b: {  	(v2sf) =	vpush v6, $0x0;
	_ =	sdelay $0xe  }
0x37c: {  	s0 =	spop (v2sf)  }
0x37d: {  	s29 =	simm.s32 $0x13C40;
	s0 =	sshll.u32 s0, $0x9  }
0x37e: {  	v6 =	vld [tilespmem:s29+$0xFFFFFFC0];
	s30 =	sshra.s32 s0, $0x2  }
0x37f: {  	v7 =	vld [tilespmem:s30+$0x0];
	_ =	sdelay $0x4  }
0x380: {  	v6 =	vmax.f32 v7, v6  }
0x381: {  	[tilespmem:s30+$0x0] =	vst v6;
	v6 =	vld [tilespmem:s30+$0x10]  }
0x382: {  	v7 =	vld [tilespmem:s29+$0xFFFFFFD0];
	_ =	sdelay $0x4  }
0x383: {  	v6 =	vmax.f32 v6, v7  }
0x384: {  	[tilespmem:s30+$0x10] =	vst v6;
	v6 =	vld [tilespmem:s30+$0x20]  }
0x385: {  	v7 =	vld [tilespmem:s29+$0xFFFFFFE0];
	_ =	sdelay $0x4  }
0x386: {  	v6 =	vmax.f32 v6, v7  }
0x387: {  	[tilespmem:s30+$0x20] =	vst v6;
	v6 =	vld [tilespmem:s30+$0x30]  }
0x388: {  	v7 =	vld [tilespmem:s29+$0xFFFFFFF0];
	_ =	sdelay $0x4  }
0x389: {  	v6 =	vmax.f32 v6, v7  }
0x38a: {  	[tilespmem:s30+$0x30] =	vst v6;
	v6 =	vld [tilespmem:s30+$0x40]  }
0x38b: {  	v7 =	vld [tilespmem:s29+$0x0];
	_ =	sdelay $0x4  }
0x38c: {  	v6 =	vmax.f32 v6, v7  }
0x38d: {  	[tilespmem:s30+$0x40] =	vst v6;
	v6 =	vld [tilespmem:s30+$0x50]  }
0x38e: {  	v7 =	vld [tilespmem:s29+$0x10];
	_ =	sdelay $0x4  }
0x38f: {  	v6 =	vmax.f32 v6, v7  }
0x390: {  	[tilespmem:s30+$0x50] =	vst v6;
	v6 =	vld [tilespmem:s30+$0x60]  }
0x391: {  	v7 =	vld [tilespmem:s29+$0x20];
	_ =	sdelay $0x4  }
0x392: {  	v6 =	vmax.f32 v6, v7  }
0x393: {  	s8 =	sshll.u32 s1, $0x4;
	[tilespmem:s30+$0x60] =	vst v6;
	v6 =	vld [tilespmem:s30+$0x70]  }
0x394: {  	p0 =	sne.s32 s8, $0x1;
	v7 =	vld [tilespmem:s29+$0x30]  }
.Ltmp40:
0x395: {  	_ = 	snop;
	(pc) =	sbr.rel @!p0 .LBB2_43-.Ltmp40, $2  }
0x396: {  	_ =	sdelay $0x2  }
0x397: {  	s1 =	smov.u32 s26;
	s31 =	sadd.s32 $0xFFFFFFFF, s8;
	v6 =	vmax.f32 v6, v7  }
.LBB2_42:
0x398: {  	p0 =	sne.s32 s31, $0x1;
	[tilespmem:s30+$0x70] =	vst v6;
	s1 =	sadd.s32 $0x1, s1;
	s29 =	sadd.s32 $0x80, s29  }
0x399: {  	s31 =	sadd.s32 $0xFFFFFFFF, s31;
	v6 =	vld [tilespmem:s1+$0x0];
	_ =	sdelay $0x4  }
0x39a: {  	(v2sf) =	vpush v6, $0x0;
	_ =	sdelay $0xe  }
0x39b: {  	s0 =	spop (v2sf)  }
0x39c: {  	s0 =	sshll.u32 s0, $0x9  }
0x39d: {  	s30 =	sshra.s32 s0, $0x2;
	v6 =	vld [tilespmem:s29+$0xFFFFFFC0]  }
0x39e: {  	v7 =	vld [tilespmem:s30+$0x0];
	_ =	sdelay $0x4  }
0x39f: {  	v6 =	vmax.f32 v7, v6  }
0x3a0: {  	[tilespmem:s30+$0x0] =	vst v6;
	v6 =	vld [tilespmem:s30+$0x10]  }
0x3a1: {  	v7 =	vld [tilespmem:s29+$0xFFFFFFD0];
	_ =	sdelay $0x4  }
0x3a2: {  	v6 =	vmax.f32 v6, v7  }
0x3a3: {  	[tilespmem:s30+$0x10] =	vst v6;
	v6 =	vld [tilespmem:s30+$0x20]  }
0x3a4: {  	v7 =	vld [tilespmem:s29+$0xFFFFFFE0];
	_ =	sdelay $0x4  }
0x3a5: {  	v6 =	vmax.f32 v6, v7  }
0x3a6: {  	[tilespmem:s30+$0x20] =	vst v6;
	v6 =	vld [tilespmem:s30+$0x30]  }
0x3a7: {  	v7 =	vld [tilespmem:s29+$0xFFFFFFF0];
	_ =	sdelay $0x4  }
0x3a8: {  	v6 =	vmax.f32 v6, v7  }
0x3a9: {  	[tilespmem:s30+$0x30] =	vst v6;
	v6 =	vld [tilespmem:s30+$0x40]  }
0x3aa: {  	v7 =	vld [tilespmem:s29+$0x0];
	_ =	sdelay $0x4  }
0x3ab: {  	v6 =	vmax.f32 v6, v7  }
0x3ac: {  	[tilespmem:s30+$0x40] =	vst v6;
	v6 =	vld [tilespmem:s30+$0x50]  }
0x3ad: {  	v7 =	vld [tilespmem:s29+$0x10];
	_ =	sdelay $0x4  }
0x3ae: {  	v6 =	vmax.f32 v6, v7  }
0x3af: {  	[tilespmem:s30+$0x50] =	vst v6;
	v6 =	vld [tilespmem:s30+$0x60]  }
0x3b0: {  	v7 =	vld [tilespmem:s29+$0x20];
	_ =	sdelay $0x4  }
0x3b1: {  	v6 =	vmax.f32 v6, v7  }
0x3b2: {  	[tilespmem:s30+$0x60] =	vst v6;
	v6 =	vld [tilespmem:s30+$0x70]  }
0x3b3: {  	v7 =	vld [tilespmem:s29+$0x30]  }
.Ltmp41:
0x3b4: {  	(pc) =	sbr.rel @p0 .LBB2_42-.Ltmp41, $2  }
0x3b5: {  	_ =	sdelay $0x2  }
0x3b6: {  	v6 =	vmax.f32 v6, v7  }
.Ltmp42:
0x3b7: {  	_ = 	snop;
	(pc) =	sbr.rel .LBB2_43-.Ltmp42, $1  }
0x3b8: {  	_ =	sdelay $0x3  }
.LBB2_46:
0x3b9: {  	s0 =	sadd.s32 $0xF, s22  }
0x3ba: {  	s1 =	sand.u32 $0xF, s0  }
0x3bb: {  	s8 =	sshra.s32 s0, $0x1F;
	p0 =	slt.s32 s0, $0x1;
	p1 =	sne.s32 s1, $0x0  }
0x3bc: {  	s29 =	sshrl.u32 s8, $0x1C;
	p0 =	por !p0, !p1  }
0x3bd: {  	s1 =	simm.s32 $0x1;
	s0 =	sadd.s32 s29, s0;
	p0 =	por !p0, !p0  }
0x3be: {  	s0 =	sshra.s32 s0, $0x4;
	s1 =	simm.s32 @!p0 $0x0  }
0x3bf: {  	s20 =	ssub.s32 s0, s1  }
0x3c0: {  	s0 =	sadd.s32 $0xF, s20  }
0x3c1: {  	s30 =	sand.u32 $0xF, s0  }
0x3c2: {  	p6 =	slt.s32 s20, $0xFFFFFFF2;
	s31 =	sshra.s32 s0, $0x1F;
	p5 =	sne.s32 s30, $0x0  }
0x3c3: {  	s1 =	sshrl.u32 s31, $0x1C;
	p0 =	por !p6, !p5  }
0x3c4: {  	s0 =	sadd.s32 s1, s0;
	s1 =	simm.s32 $0x1;
	p0 =	por !p0, !p0  }
0x3c5: {  	s0 =	sshra.s32 s0, $0x4;
	s1 =	simm.s32 @!p0 $0x0  }
0x3c6: {  	s21 =	ssub.s32 s0, s1  }
0x3c7: {  	p0 =	slt.s32 s21, $0x1  }
.Ltmp43:
0x3c8: {  	_ = 	snop;
	(pc) =	sbr.rel @p0 .LBB2_59-.Ltmp43, $1  }
0x3c9: {  	_ =	sdelay $0x3  }
.Ltmp44:
0x3ca: {  	(pc) =	sbr.rel .LBB2_48-.Ltmp44, $3  }
0x3cb: {  	_ =	sdelay $0x1  }
0x3cc: {  	s22 =	simm.s32 $0x0  }
0x3cd: {  	s23 =	simm.s32 $0x12280;
	s24 =	simm.s32 $0xEF80;
	s25 =	smov.u32 s20  }
.LBB2_57:
0x3ce: {  	[tilespmem:s28+$0x70] =	vst v6  }
.LBB2_58:
0x3cf: {  	s22 =	sadd.s32 $0x1, s22  }
0x3d0: {  	p0 =	sne.s32 s22, s21  }
.Ltmp45:
0x3d1: {  	_ = 	snop;
	(pc) =	sbr.rel @!p0 .LBB2_59-.Ltmp45, $2  }
0x3d2: {  	_ =	sdelay $0x2  }
0x3d3: {  	s25 =	sadd.s32 $0xFFFFFFF0, s25;
	s23 =	sadd.s32 $0x100, s23;
	s24 =	sadd.s32 $0x100, s24  }
.LBB2_48:
0x3d4: {  	s0 =	sshll.u32 s22, $0x4  }
0x3d5: {  	s26 =	ssub.s32 s20, s0  }
0x3d6: {  	p1 =	slt.s32 s26, $0x1  }
.Ltmp46:
0x3d7: {  	_ = 	snop;
	(pc) =	sbr.rel @p1 .LBB2_54-.Ltmp46, $3  }
0x3d8: {  	_ =	sdelay $0x1  }
0x3d9: {  	p0 =	slt.s32 s25, $0x10;
	s1 =	smov.u32 s25  }
0x3da: {  	s1 =	simm.s32 @!p0 $0x10  }
0x3db: {  	p0 =	sgt.s32 s1, $0x1;
	s0 =	smov.u32 s1  }
0x3dc: {  	s0 =	simm.s32 @!p0 $0x1  }
0x3dd: {  	s8 =	sshll.u32 s0, $0xD  }
0x3de: {  	p0 =	sne.s32 s8, $0x2000  }
.Ltmp47:
0x3df: {  	_ = 	snop;
	(pc) =	sbr.rel @!p0 .LBB2_51-.Ltmp47, $4  }
0x3e0: {  	_ = 	snop  }
0x3e1: {  	s28 =	simm.s32 $0x13C00  }
0x3e2: {  	[tilespmem:s28], [sflag:$0x1] =	stream.indirect.gather [hbm4b:s2+s14], $0x80, s23, s14, $0xb8;
	[tilespmem:$0x1BC00] =	vst v63  }
0x3e3: {  	s29 =	ssub.s32 $0x0, s0;
	s0 =	sadd.s32 $0xFFFFE000, s8;
	s8 =	smov.u32 s23  }
.LBB2_50:
0x3e4: {  	p0 =	sne.s32 s0, $0x2000  }
.Ltmp48:
0x3e5: {  	_ = 	snop;
	(pc) =	sbr.rel @p0 .LBB2_50-.Ltmp48, $4  }
0x3e6: {  	_ = 	snop  }
0x3e7: {  	s28 =	sadd.s32 $0x800, s28;
	s8 =	sadd.s32 $0x10, s8  }
0x3e8: {  	s0 =	sadd.s32 $0xFFFFE000, s0  }
0x3e9: {  	[tilespmem:s28], [sflag:$0x1] =	stream.indirect.gather [hbm4b:s2+s14], $0x80, s8, s14, $0xb8;
	[tilespmem:$0x1BC00] =	vst v63  }
.LBB2_51:
0x3ea: {  	s28 =	sadd.s32 $0x1, s29  }
0x3eb: {  	p0 =	seq.s32 s28, $0x0  }
.Ltmp49:
0x3ec: {  	_ = 	snop;
	(pc) =	sbr.rel @p0 .LBB2_53-.Ltmp49, $3  }
0x3ed: {  	_ =	sdelay $0x1  }
0x3ee: {  	_ =	swait.ge [sflag:s13], $0x800  }
0x3ef: {  	[sflag:s13] =	ssyncset.done $0x0  }
.LBB2_52:
0x3f0: {  	s28 =	sadd.s32 $0x1, s28  }
0x3f1: {  	[sflag:s13] =	ssyncadd.s32 $0xFFFFF800;
	p0 =	seq.s32 s28, $0x0  }
.Ltmp50:
0x3f2: {  	(pc) =	sbr.rel @!p0 .LBB2_52-.Ltmp50, $3  }
0x3f3: {  	_ =	sdelay $0x1  }
0x3f4: {  	_ =	swait.ge [sflag:s13], $0x800  }
0x3f5: {  	[sflag:s13] =	ssyncset.done $0x0  }
.LBB2_53:
0x3f6: {  	[sflag:s13] =	ssyncadd.s32 $0xFFFFF800  }
.LBB2_54:
0x3f7: {  	p0 =	slt.s32 s26, $0x10  }
0x3f8: {  	s26 =	simm.s32 @!p0 $0x10  }
0x3f9: {  	s0 =	sshll.u32 s26, $0x4  }
0x3fa: {  	p0 =	slt.s32 s0, $0x1  }
.Ltmp51:
0x3fb: {  	_ = 	snop;
	(pc) =	sbr.rel @p0 .LBB2_58-.Ltmp51, $1  }
0x3fc: {  	_ =	sdelay $0x3  }
0x3fd: {  	v6 =	vld [tilespmem:s24+$0x0];
	_ =	sdelay $0x4  }
0x3fe: {  	(v2sf) =	vpush v6, $0x0;
	_ =	sdelay $0xe  }
0x3ff: {  	s0 =	spop (v2sf)  }
0x400: {  	s26 =	simm.s32 $0x13C40;
	s0 =	sshll.u32 s0, $0x9  }
0x401: {  	v6 =	vld [tilespmem:s26+$0xFFFFFFC0];
	s28 =	sshra.s32 s0, $0x2  }
0x402: {  	v7 =	vld [tilespmem:s28+$0x0];
	_ =	sdelay $0x4  }
0x403: {  	v6 =	vmax.f32 v7, v6  }
0x404: {  	[tilespmem:s28+$0x0] =	vst v6;
	v6 =	vld [tilespmem:s28+$0x10]  }
0x405: {  	v7 =	vld [tilespmem:s26+$0xFFFFFFD0];
	_ =	sdelay $0x4  }
0x406: {  	v6 =	vmax.f32 v6, v7  }
0x407: {  	[tilespmem:s28+$0x10] =	vst v6;
	v6 =	vld [tilespmem:s28+$0x20]  }
0x408: {  	v7 =	vld [tilespmem:s26+$0xFFFFFFE0];
	_ =	sdelay $0x4  }
0x409: {  	v6 =	vmax.f32 v6, v7  }
0x40a: {  	[tilespmem:s28+$0x20] =	vst v6;
	v6 =	vld [tilespmem:s28+$0x30]  }
0x40b: {  	v7 =	vld [tilespmem:s26+$0xFFFFFFF0];
	_ =	sdelay $0x4  }
0x40c: {  	v6 =	vmax.f32 v6, v7  }
0x40d: {  	[tilespmem:s28+$0x30] =	vst v6;
	v6 =	vld [tilespmem:s28+$0x40]  }
0x40e: {  	v7 =	vld [tilespmem:s26+$0x0];
	_ =	sdelay $0x4  }
0x40f: {  	v6 =	vmax.f32 v6, v7  }
0x410: {  	[tilespmem:s28+$0x40] =	vst v6;
	v6 =	vld [tilespmem:s28+$0x50]  }
0x411: {  	v7 =	vld [tilespmem:s26+$0x10];
	_ =	sdelay $0x4  }
0x412: {  	v6 =	vmax.f32 v6, v7  }
0x413: {  	[tilespmem:s28+$0x50] =	vst v6;
	v6 =	vld [tilespmem:s28+$0x60]  }
0x414: {  	v7 =	vld [tilespmem:s26+$0x20];
	_ =	sdelay $0x4  }
0x415: {  	v6 =	vmax.f32 v6, v7  }
0x416: {  	s31 =	sshll.u32 s1, $0x4;
	[tilespmem:s28+$0x60] =	vst v6;
	v6 =	vld [tilespmem:s28+$0x70]  }
0x417: {  	p0 =	sne.s32 s31, $0x1;
	v7 =	vld [tilespmem:s26+$0x30]  }
.Ltmp52:
0x418: {  	_ = 	snop;
	(pc) =	sbr.rel @!p0 .LBB2_57-.Ltmp52, $2  }
0x419: {  	_ =	sdelay $0x2  }
0x41a: {  	s1 =	smov.u32 s24;
	s29 =	sadd.s32 $0xFFFFFFFF, s31;
	v6 =	vmax.f32 v6, v7  }
.LBB2_56:
0x41b: {  	p0 =	sne.s32 s29, $0x1;
	[tilespmem:s28+$0x70] =	vst v6;
	s1 =	sadd.s32 $0x1, s1;
	s26 =	sadd.s32 $0x80, s26  }
0x41c: {  	s29 =	sadd.s32 $0xFFFFFFFF, s29;
	v6 =	vld [tilespmem:s1+$0x0];
	_ =	sdelay $0x4  }
0x41d: {  	(v2sf) =	vpush v6, $0x0;
	_ =	sdelay $0xe  }
0x41e: {  	s0 =	spop (v2sf)  }
0x41f: {  	s0 =	sshll.u32 s0, $0x9  }
0x420: {  	s28 =	sshra.s32 s0, $0x2;
	v6 =	vld [tilespmem:s26+$0xFFFFFFC0]  }
0x421: {  	v7 =	vld [tilespmem:s28+$0x0];
	_ =	sdelay $0x4  }
0x422: {  	v6 =	vmax.f32 v7, v6  }
0x423: {  	[tilespmem:s28+$0x0] =	vst v6;
	v6 =	vld [tilespmem:s28+$0x10]  }
0x424: {  	v7 =	vld [tilespmem:s26+$0xFFFFFFD0];
	_ =	sdelay $0x4  }
0x425: {  	v6 =	vmax.f32 v6, v7  }
0x426: {  	[tilespmem:s28+$0x10] =	vst v6;
	v6 =	vld [tilespmem:s28+$0x20]  }
0x427: {  	v7 =	vld [tilespmem:s26+$0xFFFFFFE0];
	_ =	sdelay $0x4  }
0x428: {  	v6 =	vmax.f32 v6, v7  }
0x429: {  	[tilespmem:s28+$0x20] =	vst v6;
	v6 =	vld [tilespmem:s28+$0x30]  }
0x42a: {  	v7 =	vld [tilespmem:s26+$0xFFFFFFF0];
	_ =	sdelay $0x4  }
0x42b: {  	v6 =	vmax.f32 v6, v7  }
0x42c: {  	[tilespmem:s28+$0x30] =	vst v6;
	v6 =	vld [tilespmem:s28+$0x40]  }
0x42d: {  	v7 =	vld [tilespmem:s26+$0x0];
	_ =	sdelay $0x4  }
0x42e: {  	v6 =	vmax.f32 v6, v7  }
0x42f: {  	[tilespmem:s28+$0x40] =	vst v6;
	v6 =	vld [tilespmem:s28+$0x50]  }
0x430: {  	v7 =	vld [tilespmem:s26+$0x10];
	_ =	sdelay $0x4  }
0x431: {  	v6 =	vmax.f32 v6, v7  }
0x432: {  	[tilespmem:s28+$0x50] =	vst v6;
	v6 =	vld [tilespmem:s28+$0x60]  }
0x433: {  	v7 =	vld [tilespmem:s26+$0x20];
	_ =	sdelay $0x4  }
0x434: {  	v6 =	vmax.f32 v6, v7  }
0x435: {  	[tilespmem:s28+$0x60] =	vst v6;
	v6 =	vld [tilespmem:s28+$0x70]  }
0x436: {  	v7 =	vld [tilespmem:s26+$0x30]  }
.Ltmp53:
0x437: {  	(pc) =	sbr.rel @p0 .LBB2_56-.Ltmp53, $2  }
0x438: {  	_ =	sdelay $0x2  }
0x439: {  	v6 =	vmax.f32 v6, v7  }
.Ltmp54:
0x43a: {  	_ = 	snop;
	(pc) =	sbr.rel .LBB2_57-.Ltmp54, $1  }
0x43b: {  	_ =	sdelay $0x3  }
.LBB2_60:
0x43c: {  	_ =	sfence.sel $0x180000  }
0x43d: {  	[bflag:$0x0] =	sbarrier.arrive $0xFFFF  }
0x43e: {  	_ =	strace $0x90000047  }
0x43f: {  	s0 =	stileid.u32;
	[bflag:$0x2] =	sbarrier.arrive $0xFFFF  }
0x440: {  	p0 =	sne.s32 s0, $0x0;
	s0 =	rddreg [dreg:$0x2]  }
0x441: {  	s0 =	sadd.s32 @!p0 $0x100000, s0  }
0x442: {  	[sflag:s0] =	ssyncadd.tile.s32 @!p0 $0x1;
	_ =	shalt  }
.Lfunc_end2:
_tile_overlayer_lowered:
.L_overlay_start_2:
0x443: {  	(tag) =	ssettag $0x2  }
0x444: {  	s0 =	rddreg [dreg:$0x0];
	s2 =	stileid.u32  }
0x445: {  	s1 =	rddreg [dreg:$0x1];
	p0 =	sne.s32 s2, $0x0  }
0x446: {  	s3 =	rddreg [dreg:$0x2];
	[bflag:$0x3] =	sbarrier.arrive $0xFFFF;
	s2 =	simm.s32 @!p0 $0x1C04  }
0x447: {  	[timem:s3], [sflag:s2] =	dma.local @!p0 [hbm:s0], s1  }
0x448: {  	s0 =	simm.s32 @!p0 $0x4  }
0x449: {  	_ =	swait.ge @!p0 [sflag:s0], s1  }
0x44a: {  	s1 =	ssub.s32 @!p0 $0x0, s1;
	[sflag:s0] =	ssyncset.done @!p0 $0x0  }
0x44b: {  	[sflag:s0] =	ssyncadd.s32 @!p0 s1  }
0x44c: {  	[bflag:$0x3] =	sbarrier.arrive $0xFFFF  }
0x44d: {  	_ =	shalt  }

</sc_bundles>
